<compile_context>
chip_gen: v7x
topology: tpu7x:2x2x1
jax: 0.10.2.dev20260603
libtpu: 0.0.44.dev20260713+nightly
codegen_flags: <defaults>
</compile_context>

<pallas_src>
import functools
import math

import jax
import jax.numpy as jnp
from jax import lax
from jax.experimental import pallas as pl
from jax.experimental.pallas import tpu as pltpu
from jax.experimental.pallas import tpu_sc as plsc

VOCAB = 1000000
DIM = 64
BATCH = 16384
HIST = 50
SCALE = math.sqrt(DIM)

_info = plsc.get_sparse_core_info()
NC = _info.num_cores
NS = _info.num_subcores
NW = NC * NS
B_PER_W = BATCH // NW
JCOLS = BATCH // 128
J_PER_W = JCOLS // NW
N_UNITS = HIST * J_PER_W
NBUF = 4

TCOLS = 7813
PAIR_ROWS = TCOLS * 64
PSTRIDE = 129
K1_ITERS = 246

_mesh = plsc.VectorSubcoreMesh(core_axis_name="c", subcore_axis_name="s")


@functools.partial(
    pl.kernel,
    mesh=_mesh,
    out_type=jax.ShapeDtypeStruct((PAIR_ROWS, 128), jnp.float32),
    scratch_types=[
        pltpu.VMEM((DIM, 128), jnp.float32),
        pltpu.VMEM((DIM, 128), jnp.float32),
        pltpu.VMEM((128 * PSTRIDE, ), jnp.float32),
        pltpu.VMEM((128 * PSTRIDE, ), jnp.float32),
        pltpu.VMEM((64, 128), jnp.float32),
        pltpu.VMEM((64, 128), jnp.float32),
        pltpu.SemaphoreType.DMA,
        pltpu.SemaphoreType.DMA,
        pltpu.SemaphoreType.DMA,
        pltpu.SemaphoreType.DMA,
    ],
    compiler_params=pltpu.CompilerParams(
        use_tc_tiling_on_sc=True, needs_layout_passes=False
    ),
)
def _table_sc(tabt_hbm, out_hbm, in0, in1, p0, p1, c0, c1, g0, g1, s0, s1):
    wid = lax.axis_index("s") * NC + lax.axis_index("c")
    inb = (in0, in1)
    pb = (p0, p1)
    cb = (c0, c1)
    gsems = (g0, g1)
    osems = (s0, s1)

    lane = lax.iota(jnp.int32, 16)
    lane129 = lane * PSTRIDE

    def jcol(i):
        return i * NW + wid

    def col0(i):
        return pl.multiple_of(jcol(i) * 128, 128)

    def start_in(i, b):
        pltpu.async_copy(
            tabt_hbm.at[:, pl.ds(col0(i), 128)], inb[b], gsems[b]
        )

    def wait_in(b):
        pltpu.make_async_copy(
            tabt_hbm.at[:, pl.ds(0, 128)], inb[b], gsems[b]
        ).wait()

    def transpose_unit(b):
        src = inb[b]
        pbuf = pb[b]
        cbuf = cb[b]

        @plsc.parallel_loop(0, DIM, step=1, unroll=4)
        def _(c):
            for g in range(8):
                v = src[c, pl.ds(16 * g, 16)]
                plsc.store_scatter(
                    pbuf, [lane129 + (16 * PSTRIDE * g + c)], v
                )

        @plsc.parallel_loop(0, 128, step=1, unroll=4)
        def _(j):
            p = j >> 1
            zoff = (j & 1) * 64
            for m in range(4):
                cbuf[p, pl.ds(zoff + 16 * m, 16)] = (
                    pbuf[pl.ds(j * PSTRIDE + 16 * m, 16)]
                )

    def start_out(i, b):
        pltpu.async_copy(
            cb[b], out_hbm.at[pl.ds(pl.multiple_of(col0(i) // 2, 64), 64)],
            osems[b]
        )

    def wait_out(b):
        pltpu.make_async_copy(
            cb[b], out_hbm.at[pl.ds(0, 64)], osems[b]
        ).wait()

    start_in(0, 0)

    def pair_body(t, carry):
        for b in range(2):
            i = t * 2 + b

            @pl.when(jcol(i + 1) < TCOLS)
            def _():
                start_in(i + 1, 1 - b)

            @pl.when(jcol(i) < TCOLS)
            def _():
                wait_in(b)

                @pl.when(i >= 2)
                def _():
                    wait_out(b)

                transpose_unit(b)
                start_out(i, b)
        return carry

    lax.fori_loop(0, K1_ITERS // 2, pair_body, 0)
    wait_out(0)
    wait_out(1)


@functools.partial(
    pl.kernel,
    mesh=_mesh,
    out_type=jax.ShapeDtypeStruct((HIST, DIM // 8, JCOLS, 8, 128),
                                  jnp.float32),
    scratch_types=[
        pltpu.VMEM((HIST, B_PER_W), jnp.int32),
        pltpu.VMEM((NBUF, 128, DIM), jnp.float32),
        pltpu.VMEM((2, DIM // 8, 8, 129), jnp.float32),
        pltpu.SemaphoreType.DMA,
        pltpu.SemaphoreType.DMA,
        pltpu.SemaphoreType.DMA,
        pltpu.SemaphoreType.DMA,
        pltpu.SemaphoreType.DMA,
        pltpu.SemaphoreType.DMA,
    ],
    compiler_params=pltpu.CompilerParams(
        use_tc_tiling_on_sc=False, needs_layout_passes=False
    ),
)
def _embed_sc(idx_hbm, table_hbm, out_hbm, idx_v, rows_v, patch_v,
              g0, g1, g2, g3, s0, s1):
    wid = lax.axis_index("s") * NC + lax.axis_index("c")
    base_b = wid * B_PER_W
    jg_base = wid * J_PER_W
    gsems = (g0, g1, g2, g3)
    osems = (s0, s1)

    pltpu.sync_copy(idx_hbm.at[:, pl.ds(base_b, B_PER_W)], idx_v)

    lane = lax.iota(jnp.int32, 16)
    i_sub = lane >> 3
    i_row = lane & 7

    def unit_hj(u):
        return u // J_PER_W, u % J_PER_W

    def start_gather(u, b):
        h, jl = unit_hj(u)
        pltpu.async_copy(
            table_hbm.at[idx_v.at[h, pl.ds(jl * 128, 128)]],
            rows_v.at[b], gsems[b],
        )

    def wait_gather(b):
        pltpu.make_async_copy(
            table_hbm.at[idx_v.at[0, pl.ds(0, 128)]], rows_v.at[b], gsems[b]
        ).wait()

    def scatter_scale(b, pbi):
        rbuf = rows_v.at[b]
        pbuf = patch_v.at[pbi]

        @plsc.parallel_loop(0, 128, step=1, unroll=8)
        def _(r):
            rvec = jnp.full((16,), r, dtype=jnp.int32)
            for k in range(DIM // 16):
                v = rbuf[r, pl.ds(16 * k, 16)] * SCALE
                plsc.store_scatter(pbuf, [i_sub + 2 * k, i_row, rvec], v)

    def out_slice(u):
        h, jl = unit_hj(u)
        return out_hbm.at[h, :, jg_base + jl]

    for u0 in range(NBUF - 1):
        start_gather(u0, u0)

    def quad_body(t, carry):
        for b in range(NBUF):
            u = t * NBUF + b
            pbi = b % 2

            @pl.when(u + NBUF - 1 < N_UNITS)
            def _():
                start_gather(u + NBUF - 1, (b + NBUF - 1) % NBUF)

            wait_gather(b)

            @pl.when(u >= 2)
            def _():
                pltpu.make_async_copy(
                    patch_v.at[pbi, :, :, pl.ds(0, 128)], out_slice(u),
                    osems[pbi],
                ).wait()

            scatter_scale(b, pbi)
            pltpu.async_copy(
                patch_v.at[pbi, :, :, pl.ds(0, 128)], out_slice(u), osems[pbi]
            )
        return carry

    lax.fori_loop(0, N_UNITS // NBUF, quad_body, 0)

    pltpu.make_async_copy(
        patch_v.at[0, :, :, pl.ds(0, 128)], out_slice(0), osems[0]
    ).wait()
    pltpu.make_async_copy(
        patch_v.at[1, :, :, pl.ds(0, 128)], out_slice(1), osems[1]
    ).wait()


def kernel(input, table):
    t128 = _table_sc(table.T)
    tlin = t128.reshape(PAIR_ROWS * 2, DIM)
    out5 = _embed_sc(input.T, tlin)
    o6 = out5.transpose(2, 4, 0, 1, 3)
    return o6.reshape(BATCH, HIST, DIM)

# --- scband reference (transcript-rebuilt; emitter-appended) ---
"""Pipeline reference for scband-embedding-56702158242134 (READ-ONLY COPY).

The authoritative reference and input builder live on the scoring server;
editing this copy changes nothing except your own understanding.
"""

import jax, jax.numpy as jnp
import numpy as np
import math

VOCAB = 1000000
DIM = 64
BATCH = 16384
HIST = 50

def setup_inputs(seed: int = 0) -> dict:
    key = jax.random.key(seed)
    k_idx, k_tab = jax.random.split(key)
    indices = jax.random.randint(k_idx, (BATCH, HIST), 0, VOCAB, dtype=jnp.int64 if jax.config.jax_enable_x64 else jnp.int32)
    table = jax.random.normal(k_tab, (VOCAB, DIM), dtype=jnp.float32)
    return {"input": indices, "table": table}

def reference(input, table):
    # Embedding lookup scaled by sqrt(output_dim), faithful to the torch module
    out = jnp.take(table, input, axis=0) * math.sqrt(DIM)
    return out

if __name__ == "__main__":
    import jax
    _d = setup_inputs()
    print(jax.jit(kernel)(*tuple(_d.values())))

</pallas_src>

<mosaic_0001>
#map = affine_map<(d0, d1) -> (0, 0)>
module attributes {stable_mosaic.version = 14 : i64} {
  func.func @_table_sc(%arg0: i32, %arg1: i32, %arg2: memref<64x1000000xf32, #tpu.memory_space<hbm>>, %arg3: memref<500032x128xf32, #tpu.memory_space<hbm>>, %arg4: memref<64x128xf32, #tpu.memory_space<vmem>>, %arg5: memref<64x128xf32, #tpu.memory_space<vmem>>, %arg6: memref<16512xf32, #tpu.memory_space<vmem>>, %arg7: memref<16512xf32, #tpu.memory_space<vmem>>, %arg8: memref<64x128xf32, #tpu.memory_space<vmem>>, %arg9: memref<64x128xf32, #tpu.memory_space<vmem>>, %arg10: memref<!tpu.dma_semaphore, #tpu.memory_space<semaphore_mem>>, %arg11: memref<!tpu.dma_semaphore, #tpu.memory_space<semaphore_mem>>, %arg12: memref<!tpu.dma_semaphore, #tpu.memory_space<semaphore_mem>>, %arg13: memref<!tpu.dma_semaphore, #tpu.memory_space<semaphore_mem>>) attributes {dimension_semantics = [#tpu.dimension_semantics<core_parallel>, #tpu.dimension_semantics<subcore_parallel>], iteration_bounds = array<i64: 2, 16>, scalar_prefetch = 0 : i64, scratch_operands = 10 : i64, tpu.core_type = #tpu.core_type<sc_vector_subcore>, window_params = [{transform_indices = #map}, {transform_indices = #map}]} {
    %mul3A = arith.constant 2 : i32
    %mul3A_0 = arith.muli %arg1, %mul3A : i32
    %add3A = arith.addi %mul3A_0, %arg0 : i32
    %iota3A = tpu.iota {dimensions = array<i32: 0>} : vector<16xi32>
    %mul3A_1 = arith.constant 129 : i32
    %mul3A_2 = vector.broadcast %mul3A_1 : i32 to vector<16xi32>
    %mul3A_3 = arith.muli %iota3A, %mul3A_2 : vector<16xi32>
    %add3A_4 = arith.constant 0 : i32
    %add3A_5 = arith.addi %add3A_4, %add3A : i32
    %mul3A_6 = arith.constant 128 : i32
    %mul3A_7 = arith.muli %add3A_5, %mul3A_6 : i32
    %multiple_of3A = tpu.assume_multiple %mul3A_7, 128 : i32
    %dma_start3A = arith.constant 0 : i32
    %dma_start3A_8 = tpu.memref_slice %arg2[%dma_start3A, %multiple_of3A] : memref<64x1000000xf32, #tpu.memory_space<hbm>> -> memref<64x128xf32, #tpu.memory_space<hbm>>
    %dma_start3A_9 = arith.constant 0 : i32
    %dma_start3A_10 = tpu.memref_slice %arg2[%dma_start3A_9, %multiple_of3A] : memref<64x1000000xf32, #tpu.memory_space<hbm>> -> memref<64x128xf32, #tpu.memory_space<hbm>>
    tpu.enqueue_dma source(%dma_start3A_10 : memref<64x128xf32, #tpu.memory_space<hbm>>) target(%arg4 : memref<64x128xf32, #tpu.memory_space<vmem>>) target_semaphore(%arg10 : memref<!tpu.dma_semaphore, #tpu.memory_space<semaphore_mem>>)
    %scan3A = arith.constant 0 : i32
    %scan3A_11 = arith.constant 0 : i32
    %scan3A_12 = arith.constant 123 : i32
    %scan3A_13 = arith.addi %scan3A_11, %scan3A_12 : i32
    %scan3A_14 = arith.constant 1 : i32
    scf.for %scan3A_27 = %scan3A_11 to %scan3A_13 step %scan3A_14  : i32 {
      %mul3A_28 = arith.constant 2 : i32
      %mul3A_29 = arith.muli %scan3A_27, %mul3A_28 : i32
      %add3A_30 = arith.constant 0 : i32
      %add3A_31 = arith.addi %mul3A_29, %add3A_30 : i32
      %add3A_32 = arith.constant 1 : i32
      %add3A_33 = arith.addi %add3A_31, %add3A_32 : i32
      %mul3A_34 = arith.constant 32 : i32
      %mul3A_35 = arith.muli %add3A_33, %mul3A_34 : i32
      %add3A_36 = arith.addi %mul3A_35, %add3A : i32
      %lt3A = arith.constant 7813 : i32
      %lt3A_37 = arith.cmpi slt, %add3A_36, %lt3A : i32
      %convert_element_type3A = arith.extui %lt3A_37 : i1 to i32
      %cond3A = arith.constant 0 : i32
      %cond3A_38 = arith.cmpi ne, %convert_element_type3A, %cond3A : i32
      scf.if %cond3A_38 {
        %add3A_69 = arith.constant 1 : i32
        %add3A_70 = arith.addi %add3A_31, %add3A_69 : i32
        %mul3A_71 = arith.constant 32 : i32
        %mul3A_72 = arith.muli %add3A_70, %mul3A_71 : i32
        %add3A_73 = arith.addi %mul3A_72, %add3A : i32
        %mul3A_74 = arith.constant 128 : i32
        %mul3A_75 = arith.muli %add3A_73, %mul3A_74 : i32
        %multiple_of3A_76 = tpu.assume_multiple %mul3A_75, 128 : i32
        %dma_start3A_77 = arith.constant 0 : i32
        %dma_start3A_78 = tpu.memref_slice %arg2[%dma_start3A_77, %multiple_of3A_76] : memref<64x1000000xf32, #tpu.memory_space<hbm>> -> memref<64x128xf32, #tpu.memory_space<hbm>>
        %dma_start3A_79 = arith.constant 0 : i32
        %dma_start3A_80 = tpu.memref_slice %arg2[%dma_start3A_79, %multiple_of3A_76] : memref<64x1000000xf32, #tpu.memory_space<hbm>> -> memref<64x128xf32, #tpu.memory_space<hbm>>
        tpu.enqueue_dma source(%dma_start3A_80 : memref<64x128xf32, #tpu.memory_space<hbm>>) target(%arg5 : memref<64x128xf32, #tpu.memory_space<vmem>>) target_semaphore(%arg11 : memref<!tpu.dma_semaphore, #tpu.memory_space<semaphore_mem>>)
      } else {
      }
      %mul3A_39 = arith.constant 32 : i32
      %mul3A_40 = arith.muli %add3A_31, %mul3A_39 : i32
      %add3A_41 = arith.addi %mul3A_40, %add3A : i32
      %lt3A_42 = arith.constant 7813 : i32
      %lt3A_43 = arith.cmpi slt, %add3A_41, %lt3A_42 : i32
      %convert_element_type3A_44 = arith.extui %lt3A_43 : i1 to i32
      %cond3A_45 = arith.constant 0 : i32
      %cond3A_46 = arith.cmpi ne, %convert_element_type3A_44, %cond3A_45 : i32
      scf.if %cond3A_46 {
        %dma_wait3A_69 = arith.constant 0 : i32
        %dma_wait3A_70 = arith.constant 0 : i32
        %dma_wait3A_71 = tpu.memref_slice %arg2[%dma_wait3A_69, %dma_wait3A_70] : memref<64x1000000xf32, #tpu.memory_space<hbm>> -> memref<64x128xf32, #tpu.memory_space<hbm>>
        %dma_wait3A_72 = arith.constant 0 : i32
        %dma_wait3A_73 = arith.constant 0 : i32
        %dma_wait3A_74 = tpu.memref_slice %arg2[%dma_wait3A_72, %dma_wait3A_73] : memref<64x1000000xf32, #tpu.memory_space<hbm>> -> memref<64x128xf32, #tpu.memory_space<hbm>>
        tpu.wait_dma2 semaphore(%arg10 : memref<!tpu.dma_semaphore, #tpu.memory_space<semaphore_mem>>) src(%dma_wait3A_74 : memref<64x128xf32, #tpu.memory_space<hbm>>) dst(%arg4 : memref<64x128xf32, #tpu.memory_space<vmem>>)
        %ge3A = arith.constant 2 : i32
        %ge3A_75 = arith.cmpi sge, %add3A_31, %ge3A : i32
        %convert_element_type3A_76 = arith.extui %ge3A_75 : i1 to i32
        %cond3A_77 = arith.constant 0 : i32
        %cond3A_78 = arith.cmpi ne, %convert_element_type3A_76, %cond3A_77 : i32
        scf.if %cond3A_78 {
          %dma_wait3A_111 = arith.constant 0 : i32
          %dma_wait3A_112 = arith.constant 0 : i32
          %dma_wait3A_113 = tpu.memref_slice %arg3[%dma_wait3A_111, %dma_wait3A_112] : memref<500032x128xf32, #tpu.memory_space<hbm>> -> memref<64x128xf32, #tpu.memory_space<hbm>>
          %dma_wait3A_114 = arith.constant 0 : i32
          %dma_wait3A_115 = arith.constant 0 : i32
          %dma_wait3A_116 = tpu.memref_slice %arg3[%dma_wait3A_114, %dma_wait3A_115] : memref<500032x128xf32, #tpu.memory_space<hbm>> -> memref<64x128xf32, #tpu.memory_space<hbm>>
          tpu.wait_dma2 semaphore(%arg12 : memref<!tpu.dma_semaphore, #tpu.memory_space<semaphore_mem>>) src(%arg8 : memref<64x128xf32, #tpu.memory_space<vmem>>) dst(%dma_wait3A_116 : memref<64x128xf32, #tpu.memory_space<hbm>>)
        } else {
        }
        %parallel_loop3A = arith.constant 0 : i32
        %parallel_loop3A_79 = arith.constant 64 : i32
        %parallel_loop3A_80 = arith.constant 1 : i32
        scf.for %parallel_loop3A_111 = %parallel_loop3A to %parallel_loop3A_79 step %parallel_loop3A_80  : i32 {
          %parallel_loop3A_112 = arith.index_cast %parallel_loop3A_111 : i32 to index
          %parallel_loop3A_113 = arith.constant 0 : index
          %parallel_loop3A_114 = tpu.vector_load %arg4[%parallel_loop3A_112, %parallel_loop3A_113] {strides = array<i32>} : memref<64x128xf32, #tpu.memory_space<vmem>>, vector<16xf32>,
          %parallel_loop3A_115 = arith.constant 0 : i32
          %parallel_loop3A_116 = arith.addi %parallel_loop3A_115, %parallel_loop3A_111 : i32
          %parallel_loop3A_117 = vector.broadcast %parallel_loop3A_116 : i32 to vector<16xi32>
          %parallel_loop3A_118 = arith.addi %mul3A_3, %parallel_loop3A_117 : vector<16xi32>
          tpu.vector_store_idx %arg6[%parallel_loop3A_118], %parallel_loop3A_114 : memref<16512xf32, #tpu.memory_space<vmem>>[vector<16xi32>], vector<16xf32>,
          %parallel_loop3A_119 = arith.index_cast %parallel_loop3A_111 : i32 to index
          %parallel_loop3A_120 = arith.constant 16 : index
          %parallel_loop3A_121 = tpu.vector_load %arg4[%parallel_loop3A_119, %parallel_loop3A_120] {strides = array<i32>} : memref<64x128xf32, #tpu.memory_space<vmem>>, vector<16xf32>,
          %parallel_loop3A_122 = arith.constant 2064 : i32
          %parallel_loop3A_123 = arith.addi %parallel_loop3A_122, %parallel_loop3A_111 : i32
          %parallel_loop3A_124 = vector.broadcast %parallel_loop3A_123 : i32 to vector<16xi32>
          %parallel_loop3A_125 = arith.addi %mul3A_3, %parallel_loop3A_124 : vector<16xi32>
          tpu.vector_store_idx %arg6[%parallel_loop3A_125], %parallel_loop3A_121 : memref<16512xf32, #tpu.memory_space<vmem>>[vector<16xi32>], vector<16xf32>,
          %parallel_loop3A_126 = arith.index_cast %parallel_loop3A_111 : i32 to index
          %parallel_loop3A_127 = arith.constant 32 : index
          %parallel_loop3A_128 = tpu.vector_load %arg4[%parallel_loop3A_126, %parallel_loop3A_127] {strides = array<i32>} : memref<64x128xf32, #tpu.memory_space<vmem>>, vector<16xf32>,
          %parallel_loop3A_129 = arith.constant 4128 : i32
          %parallel_loop3A_130 = arith.addi %parallel_loop3A_129, %parallel_loop3A_111 : i32
          %parallel_loop3A_131 = vector.broadcast %parallel_loop3A_130 : i32 to vector<16xi32>
          %parallel_loop3A_132 = arith.addi %mul3A_3, %parallel_loop3A_131 : vector<16xi32>
          tpu.vector_store_idx %arg6[%parallel_loop3A_132], %parallel_loop3A_128 : memref<16512xf32, #tpu.memory_space<vmem>>[vector<16xi32>], vector<16xf32>,
          %parallel_loop3A_133 = arith.index_cast %parallel_loop3A_111 : i32 to index
          %parallel_loop3A_134 = arith.constant 48 : index
          %parallel_loop3A_135 = tpu.vector_load %arg4[%parallel_loop3A_133, %parallel_loop3A_134] {strides = array<i32>} : memref<64x128xf32, #tpu.memory_space<vmem>>, vector<16xf32>,
          %parallel_loop3A_136 = arith.constant 6192 : i32
          %parallel_loop3A_137 = arith.addi %parallel_loop3A_136, %parallel_loop3A_111 : i32
          %parallel_loop3A_138 = vector.broadcast %parallel_loop3A_137 : i32 to vector<16xi32>
          %parallel_loop3A_139 = arith.addi %mul3A_3, %parallel_loop3A_138 : vector<16xi32>
          tpu.vector_store_idx %arg6[%parallel_loop3A_139], %parallel_loop3A_135 : memref<16512xf32, #tpu.memory_space<vmem>>[vector<16xi32>], vector<16xf32>,
          %parallel_loop3A_140 = arith.index_cast %parallel_loop3A_111 : i32 to index
          %parallel_loop3A_141 = arith.constant 64 : index
          %parallel_loop3A_142 = tpu.vector_load %arg4[%parallel_loop3A_140, %parallel_loop3A_141] {strides = array<i32>} : memref<64x128xf32, #tpu.memory_space<vmem>>, vector<16xf32>,
          %parallel_loop3A_143 = arith.constant 8256 : i32
          %parallel_loop3A_144 = arith.addi %parallel_loop3A_143, %parallel_loop3A_111 : i32
          %parallel_loop3A_145 = vector.broadcast %parallel_loop3A_144 : i32 to vector<16xi32>
          %parallel_loop3A_146 = arith.addi %mul3A_3, %parallel_loop3A_145 : vector<16xi32>
          tpu.vector_store_idx %arg6[%parallel_loop3A_146], %parallel_loop3A_142 : memref<16512xf32, #tpu.memory_space<vmem>>[vector<16xi32>], vector<16xf32>,
          %parallel_loop3A_147 = arith.index_cast %parallel_loop3A_111 : i32 to index
          %parallel_loop3A_148 = arith.constant 80 : index
          %parallel_loop3A_149 = tpu.vector_load %arg4[%parallel_loop3A_147, %parallel_loop3A_148] {strides = array<i32>} : memref<64x128xf32, #tpu.memory_space<vmem>>, vector<16xf32>,
          %parallel_loop3A_150 = arith.constant 10320 : i32
          %parallel_loop3A_151 = arith.addi %parallel_loop3A_150, %parallel_loop3A_111 : i32
          %parallel_loop3A_152 = vector.broadcast %parallel_loop3A_151 : i32 to vector<16xi32>
          %parallel_loop3A_153 = arith.addi %mul3A_3, %parallel_loop3A_152 : vector<16xi32>
          tpu.vector_store_idx %arg6[%parallel_loop3A_153], %parallel_loop3A_149 : memref<16512xf32, #tpu.memory_space<vmem>>[vector<16xi32>], vector<16xf32>,
          %parallel_loop3A_154 = arith.index_cast %parallel_loop3A_111 : i32 to index
          %parallel_loop3A_155 = arith.constant 96 : index
          %parallel_loop3A_156 = tpu.vector_load %arg4[%parallel_loop3A_154, %parallel_loop3A_155] {strides = array<i32>} : memref<64x128xf32, #tpu.memory_space<vmem>>, vector<16xf32>,
          %parallel_loop3A_157 = arith.constant 12384 : i32
          %parallel_loop3A_158 = arith.addi %parallel_loop3A_157, %parallel_loop3A_111 : i32
          %parallel_loop3A_159 = vector.broadcast %parallel_loop3A_158 : i32 to vector<16xi32>
          %parallel_loop3A_160 = arith.addi %mul3A_3, %parallel_loop3A_159 : vector<16xi32>
          tpu.vector_store_idx %arg6[%parallel_loop3A_160], %parallel_loop3A_156 : memref<16512xf32, #tpu.memory_space<vmem>>[vector<16xi32>], vector<16xf32>,
          %parallel_loop3A_161 = arith.index_cast %parallel_loop3A_111 : i32 to index
          %parallel_loop3A_162 = arith.constant 112 : index
          %parallel_loop3A_163 = tpu.vector_load %arg4[%parallel_loop3A_161, %parallel_loop3A_162] {strides = array<i32>} : memref<64x128xf32, #tpu.memory_space<vmem>>, vector<16xf32>,
          %parallel_loop3A_164 = arith.constant 14448 : i32
          %parallel_loop3A_165 = arith.addi %parallel_loop3A_164, %parallel_loop3A_111 : i32
          %parallel_loop3A_166 = vector.broadcast %parallel_loop3A_165 : i32 to vector<16xi32>
          %parallel_loop3A_167 = arith.addi %mul3A_3, %parallel_loop3A_166 : vector<16xi32>
          tpu.vector_store_idx %arg6[%parallel_loop3A_167], %parallel_loop3A_163 : memref<16512xf32, #tpu.memory_space<vmem>>[vector<16xi32>], vector<16xf32>,
        } {sc.loop_unroll_factor = 4 : i64, sc.parallel_access}
        %parallel_loop3A_81 = arith.constant 0 : i32
        %parallel_loop3A_82 = arith.constant 128 : i32
        %parallel_loop3A_83 = arith.constant 1 : i32
        scf.for %parallel_loop3A_111 = %parallel_loop3A_81 to %parallel_loop3A_82 step %parallel_loop3A_83  : i32 {
          %parallel_loop3A_112 = arith.constant 1 : i32
          %parallel_loop3A_113 = arith.shrsi %parallel_loop3A_111, %parallel_loop3A_112 : i32
          %parallel_loop3A_114 = arith.constant 1 : i32
          %parallel_loop3A_115 = arith.andi %parallel_loop3A_111, %parallel_loop3A_114 : i32
          %parallel_loop3A_116 = arith.constant 64 : i32
          %parallel_loop3A_117 = arith.muli %parallel_loop3A_115, %parallel_loop3A_116 : i32
          %parallel_loop3A_118 = arith.constant 129 : i32
          %parallel_loop3A_119 = arith.muli %parallel_loop3A_111, %parallel_loop3A_118 : i32
          %parallel_loop3A_120 = arith.constant 0 : i32
          %parallel_loop3A_121 = arith.addi %parallel_loop3A_119, %parallel_loop3A_120 : i32
          %parallel_loop3A_122 = arith.index_cast %parallel_loop3A_121 : i32 to index
          %parallel_loop3A_123 = tpu.vector_load %arg6[%parallel_loop3A_122] {strides = array<i32>} : memref<16512xf32, #tpu.memory_space<vmem>>, vector<16xf32>,
          %parallel_loop3A_124 = arith.constant 0 : i32
          %parallel_loop3A_125 = arith.addi %parallel_loop3A_117, %parallel_loop3A_124 : i32
          %parallel_loop3A_126 = arith.index_cast %parallel_loop3A_113 : i32 to index
          %parallel_loop3A_127 = arith.index_cast %parallel_loop3A_125 : i32 to index
          %parallel_loop3A_128 = tpu.vector_load %arg8[%parallel_loop3A_126, %parallel_loop3A_127] {strides = array<i32>} : memref<64x128xf32, #tpu.memory_space<vmem>>, vector<16xf32>,
          tpu.vector_store %arg8[%parallel_loop3A_126, %parallel_loop3A_127], %parallel_loop3A_123 {strides = array<i32>} : memref<64x128xf32, #tpu.memory_space<vmem>>, vector<16xf32>,
          %parallel_loop3A_129 = arith.constant 129 : i32
          %parallel_loop3A_130 = arith.muli %parallel_loop3A_111, %parallel_loop3A_129 : i32
          %parallel_loop3A_131 = arith.constant 16 : i32
          %parallel_loop3A_132 = arith.addi %parallel_loop3A_130, %parallel_loop3A_131 : i32
          %parallel_loop3A_133 = arith.index_cast %parallel_loop3A_132 : i32 to index
          %parallel_loop3A_134 = tpu.vector_load %arg6[%parallel_loop3A_133] {strides = array<i32>} : memref<16512xf32, #tpu.memory_space<vmem>>, vector<16xf32>,
          %parallel_loop3A_135 = arith.constant 16 : i32
          %parallel_loop3A_136 = arith.addi %parallel_loop3A_117, %parallel_loop3A_135 : i32
          %parallel_loop3A_137 = arith.index_cast %parallel_loop3A_113 : i32 to index
          %parallel_loop3A_138 = arith.index_cast %parallel_loop3A_136 : i32 to index
          %parallel_loop3A_139 = tpu.vector_load %arg8[%parallel_loop3A_137, %parallel_loop3A_138] {strides = array<i32>} : memref<64x128xf32, #tpu.memory_space<vmem>>, vector<16xf32>,
          tpu.vector_store %arg8[%parallel_loop3A_137, %parallel_loop3A_138], %parallel_loop3A_134 {strides = array<i32>} : memref<64x128xf32, #tpu.memory_space<vmem>>, vector<16xf32>,
          %parallel_loop3A_140 = arith.constant 129 : i32
          %parallel_loop3A_141 = arith.muli %parallel_loop3A_111, %parallel_loop3A_140 : i32
          %parallel_loop3A_142 = arith.constant 32 : i32
          %parallel_loop3A_143 = arith.addi %parallel_loop3A_141, %parallel_loop3A_142 : i32
          %parallel_loop3A_144 = arith.index_cast %parallel_loop3A_143 : i32 to index
          %parallel_loop3A_145 = tpu.vector_load %arg6[%parallel_loop3A_144] {strides = array<i32>} : memref<16512xf32, #tpu.memory_space<vmem>>, vector<16xf32>,
          %parallel_loop3A_146 = arith.constant 32 : i32
          %parallel_loop3A_147 = arith.addi %parallel_loop3A_117, %parallel_loop3A_146 : i32
          %parallel_loop3A_148 = arith.index_cast %parallel_loop3A_113 : i32 to index
          %parallel_loop3A_149 = arith.index_cast %parallel_loop3A_147 : i32 to index
          %parallel_loop3A_150 = tpu.vector_load %arg8[%parallel_loop3A_148, %parallel_loop3A_149] {strides = array<i32>} : memref<64x128xf32, #tpu.memory_space<vmem>>, vector<16xf32>,
          tpu.vector_store %arg8[%parallel_loop3A_148, %parallel_loop3A_149], %parallel_loop3A_145 {strides = array<i32>} : memref<64x128xf32, #tpu.memory_space<vmem>>, vector<16xf32>,
          %parallel_loop3A_151 = arith.constant 129 : i32
          %parallel_loop3A_152 = arith.muli %parallel_loop3A_111, %parallel_loop3A_151 : i32
          %parallel_loop3A_153 = arith.constant 48 : i32
          %parallel_loop3A_154 = arith.addi %parallel_loop3A_152, %parallel_loop3A_153 : i32
          %parallel_loop3A_155 = arith.index_cast %parallel_loop3A_154 : i32 to index
          %parallel_loop3A_156 = tpu.vector_load %arg6[%parallel_loop3A_155] {strides = array<i32>} : memref<16512xf32, #tpu.memory_space<vmem>>, vector<16xf32>,
          %parallel_loop3A_157 = arith.constant 48 : i32
          %parallel_loop3A_158 = arith.addi %parallel_loop3A_117, %parallel_loop3A_157 : i32
          %parallel_loop3A_159 = arith.index_cast %parallel_loop3A_113 : i32 to index
          %parallel_loop3A_160 = arith.index_cast %parallel_loop3A_158 : i32 to index
          %parallel_loop3A_161 = tpu.vector_load %arg8[%parallel_loop3A_159, %parallel_loop3A_160] {strides = array<i32>} : memref<64x128xf32, #tpu.memory_space<vmem>>, vector<16xf32>,
          tpu.vector_store %arg8[%parallel_loop3A_159, %parallel_loop3A_160], %parallel_loop3A_156 {strides = array<i32>} : memref<64x128xf32, #tpu.memory_space<vmem>>, vector<16xf32>,
        } {sc.loop_unroll_factor = 4 : i64, sc.parallel_access}
        %mul3A_84 = arith.constant 32 : i32
        %mul3A_85 = arith.muli %add3A_31, %mul3A_84 : i32
        %add3A_86 = arith.addi %mul3A_85, %add3A : i32
        %mul3A_87 = arith.constant 128 : i32
        %mul3A_88 = arith.muli %add3A_86, %mul3A_87 : i32
        %multiple_of3A_89 = tpu.assume_multiple %mul3A_88, 128 : i32
        %jit3A = arith.constant 2 : i32
        %div3A = arith.divsi %multiple_of3A_89, %jit3A : i32
        %sign3A = arith.constant 0 : i32
        %sign3A_90 = arith.cmpi sgt, %multiple_of3A_89, %sign3A : i32
        %sign3A_91 = arith.extui %sign3A_90 : i1 to i32
        %sign3A_92 = arith.constant 0 : i32
        %sign3A_93 = arith.cmpi slt, %multiple_of3A_89, %sign3A_92 : i32
        %sign3A_94 = arith.extui %sign3A_93 : i1 to i32
        %sign3A_95 = arith.subi %sign3A_91, %sign3A_94 : i32
        %sign3A_96 = arith.constant 0 : i32
        %sign3A_97 = arith.cmpi sgt, %jit3A, %sign3A_96 : i32
        %sign3A_98 = arith.extui %sign3A_97 : i1 to i32
        %sign3A_99 = arith.constant 0 : i32
        %sign3A_100 = arith.cmpi slt, %jit3A, %sign3A_99 : i32
        %sign3A_101 = arith.extui %sign3A_100 : i1 to i32
        %sign3A_102 = arith.subi %sign3A_98, %sign3A_101 : i32
        %ne3A = arith.cmpi ne, %sign3A_95, %sign3A_102 : i32
        %rem3A = arith.remsi %multiple_of3A_89, %jit3A : i32
        %ne3A_103 = arith.constant 0 : i32
        %ne3A_104 = arith.cmpi ne, %rem3A, %ne3A_103 : i32
        %and3A = arith.andi %ne3A, %ne3A_104 : i1
        %sub3A = arith.constant 1 : i32
        %sub3A_105 = arith.subi %div3A, %sub3A : i32
        %select_n3A = arith.select %and3A, %sub3A_105, %div3A : i32
        %multiple_of3A_106 = tpu.assume_multiple %select_n3A, 64 : i32
        %dma_start3A_107 = arith.constant 0 : i32
        %dma_start3A_108 = tpu.memref_slice %arg3[%multiple_of3A_106, %dma_start3A_107] : memref<500032x128xf32, #tpu.memory_space<hbm>> -> memref<64x128xf32, #tpu.memory_space<hbm>>
        %dma_start3A_109 = arith.constant 0 : i32
        %dma_start3A_110 = tpu.memref_slice %arg3[%multiple_of3A_106, %dma_start3A_109] : memref<500032x128xf32, #tpu.memory_space<hbm>> -> memref<64x128xf32, #tpu.memory_space<hbm>>
        tpu.enqueue_dma source(%arg8 : memref<64x128xf32, #tpu.memory_space<vmem>>) target(%dma_start3A_110 : memref<64x128xf32, #tpu.memory_space<hbm>>) target_semaphore(%arg12 : memref<!tpu.dma_semaphore, #tpu.memory_space<semaphore_mem>>)
      } else {
      }
      %mul3A_47 = arith.constant 2 : i32
      %mul3A_48 = arith.muli %scan3A_27, %mul3A_47 : i32
      %add3A_49 = arith.constant 1 : i32
      %add3A_50 = arith.addi %mul3A_48, %add3A_49 : i32
      %add3A_51 = arith.constant 1 : i32
      %add3A_52 = arith.addi %add3A_50, %add3A_51 : i32
      %mul3A_53 = arith.constant 32 : i32
      %mul3A_54 = arith.muli %add3A_52, %mul3A_53 : i32
      %add3A_55 = arith.addi %mul3A_54, %add3A : i32
      %lt3A_56 = arith.constant 7813 : i32
      %lt3A_57 = arith.cmpi slt, %add3A_55, %lt3A_56 : i32
      %convert_element_type3A_58 = arith.extui %lt3A_57 : i1 to i32
      %cond3A_59 = arith.constant 0 : i32
      %cond3A_60 = arith.cmpi ne, %convert_element_type3A_58, %cond3A_59 : i32
      scf.if %cond3A_60 {
        %add3A_69 = arith.constant 1 : i32
        %add3A_70 = arith.addi %add3A_50, %add3A_69 : i32
        %mul3A_71 = arith.constant 32 : i32
        %mul3A_72 = arith.muli %add3A_70, %mul3A_71 : i32
        %add3A_73 = arith.addi %mul3A_72, %add3A : i32
        %mul3A_74 = arith.constant 128 : i32
        %mul3A_75 = arith.muli %add3A_73, %mul3A_74 : i32
        %multiple_of3A_76 = tpu.assume_multiple %mul3A_75, 128 : i32
        %dma_start3A_77 = arith.constant 0 : i32
        %dma_start3A_78 = tpu.memref_slice %arg2[%dma_start3A_77, %multiple_of3A_76] : memref<64x1000000xf32, #tpu.memory_space<hbm>> -> memref<64x128xf32, #tpu.memory_space<hbm>>
        %dma_start3A_79 = arith.constant 0 : i32
        %dma_start3A_80 = tpu.memref_slice %arg2[%dma_start3A_79, %multiple_of3A_76] : memref<64x1000000xf32, #tpu.memory_space<hbm>> -> memref<64x128xf32, #tpu.memory_space<hbm>>
        tpu.enqueue_dma source(%dma_start3A_80 : memref<64x128xf32, #tpu.memory_space<hbm>>) target(%arg4 : memref<64x128xf32, #tpu.memory_space<vmem>>) target_semaphore(%arg10 : memref<!tpu.dma_semaphore, #tpu.memory_space<semaphore_mem>>)
      } else {
      }
      %mul3A_61 = arith.constant 32 : i32
      %mul3A_62 = arith.muli %add3A_50, %mul3A_61 : i32
      %add3A_63 = arith.addi %mul3A_62, %add3A : i32
      %lt3A_64 = arith.constant 7813 : i32
      %lt3A_65 = arith.cmpi slt, %add3A_63, %lt3A_64 : i32
      %convert_element_type3A_66 = arith.extui %lt3A_65 : i1 to i32
      %cond3A_67 = arith.constant 0 : i32
      %cond3A_68 = arith.cmpi ne, %convert_element_type3A_66, %cond3A_67 : i32
      scf.if %cond3A_68 {
        %dma_wait3A_69 = arith.constant 0 : i32
        %dma_wait3A_70 = arith.constant 0 : i32
        %dma_wait3A_71 = tpu.memref_slice %arg2[%dma_wait3A_69, %dma_wait3A_70] : memref<64x1000000xf32, #tpu.memory_space<hbm>> -> memref<64x128xf32, #tpu.memory_space<hbm>>
        %dma_wait3A_72 = arith.constant 0 : i32
        %dma_wait3A_73 = arith.constant 0 : i32
        %dma_wait3A_74 = tpu.memref_slice %arg2[%dma_wait3A_72, %dma_wait3A_73] : memref<64x1000000xf32, #tpu.memory_space<hbm>> -> memref<64x128xf32, #tpu.memory_space<hbm>>
        tpu.wait_dma2 semaphore(%arg11 : memref<!tpu.dma_semaphore, #tpu.memory_space<semaphore_mem>>) src(%dma_wait3A_74 : memref<64x128xf32, #tpu.memory_space<hbm>>) dst(%arg5 : memref<64x128xf32, #tpu.memory_space<vmem>>)
        %ge3A = arith.constant 2 : i32
        %ge3A_75 = arith.cmpi sge, %add3A_50, %ge3A : i32
        %convert_element_type3A_76 = arith.extui %ge3A_75 : i1 to i32
        %cond3A_77 = arith.constant 0 : i32
        %cond3A_78 = arith.cmpi ne, %convert_element_type3A_76, %cond3A_77 : i32
        scf.if %cond3A_78 {
          %dma_wait3A_111 = arith.constant 0 : i32
          %dma_wait3A_112 = arith.constant 0 : i32
          %dma_wait3A_113 = tpu.memref_slice %arg3[%dma_wait3A_111, %dma_wait3A_112] : memref<500032x128xf32, #tpu.memory_space<hbm>> -> memref<64x128xf32, #tpu.memory_space<hbm>>
          %dma_wait3A_114 = arith.constant 0 : i32
          %dma_wait3A_115 = arith.constant 0 : i32
          %dma_wait3A_116 = tpu.memref_slice %arg3[%dma_wait3A_114, %dma_wait3A_115] : memref<500032x128xf32, #tpu.memory_space<hbm>> -> memref<64x128xf32, #tpu.memory_space<hbm>>
          tpu.wait_dma2 semaphore(%arg13 : memref<!tpu.dma_semaphore, #tpu.memory_space<semaphore_mem>>) src(%arg9 : memref<64x128xf32, #tpu.memory_space<vmem>>) dst(%dma_wait3A_116 : memref<64x128xf32, #tpu.memory_space<hbm>>)
        } else {
        }
        %parallel_loop3A = arith.constant 0 : i32
        %parallel_loop3A_79 = arith.constant 64 : i32
        %parallel_loop3A_80 = arith.constant 1 : i32
        scf.for %parallel_loop3A_111 = %parallel_loop3A to %parallel_loop3A_79 step %parallel_loop3A_80  : i32 {
          %parallel_loop3A_112 = arith.index_cast %parallel_loop3A_111 : i32 to index
          %parallel_loop3A_113 = arith.constant 0 : index
          %parallel_loop3A_114 = tpu.vector_load %arg5[%parallel_loop3A_112, %parallel_loop3A_113] {strides = array<i32>} : memref<64x128xf32, #tpu.memory_space<vmem>>, vector<16xf32>,
          %parallel_loop3A_115 = arith.constant 0 : i32
          %parallel_loop3A_116 = arith.addi %parallel_loop3A_115, %parallel_loop3A_111 : i32
          %parallel_loop3A_117 = vector.broadcast %parallel_loop3A_116 : i32 to vector<16xi32>
          %parallel_loop3A_118 = arith.addi %mul3A_3, %parallel_loop3A_117 : vector<16xi32>
          tpu.vector_store_idx %arg7[%parallel_loop3A_118], %parallel_loop3A_114 : memref<16512xf32, #tpu.memory_space<vmem>>[vector<16xi32>], vector<16xf32>,
          %parallel_loop3A_119 = arith.index_cast %parallel_loop3A_111 : i32 to index
          %parallel_loop3A_120 = arith.constant 16 : index
          %parallel_loop3A_121 = tpu.vector_load %arg5[%parallel_loop3A_119, %parallel_loop3A_120] {strides = array<i32>} : memref<64x128xf32, #tpu.memory_space<vmem>>, vector<16xf32>,
          %parallel_loop3A_122 = arith.constant 2064 : i32
          %parallel_loop3A_123 = arith.addi %parallel_loop3A_122, %parallel_loop3A_111 : i32
          %parallel_loop3A_124 = vector.broadcast %parallel_loop3A_123 : i32 to vector<16xi32>
          %parallel_loop3A_125 = arith.addi %mul3A_3, %parallel_loop3A_124 : vector<16xi32>
          tpu.vector_store_idx %arg7[%parallel_loop3A_125], %parallel_loop3A_121 : memref<16512xf32, #tpu.memory_space<vmem>>[vector<16xi32>], vector<16xf32>,
          %parallel_loop3A_126 = arith.index_cast %parallel_loop3A_111 : i32 to index
          %parallel_loop3A_127 = arith.constant 32 : index
          %parallel_loop3A_128 = tpu.vector_load %arg5[%parallel_loop3A_126, %parallel_loop3A_127] {strides = array<i32>} : memref<64x128xf32, #tpu.memory_space<vmem>>, vector<16xf32>,
          %parallel_loop3A_129 = arith.constant 4128 : i32
          %parallel_loop3A_130 = arith.addi %parallel_loop3A_129, %parallel_loop3A_111 : i32
          %parallel_loop3A_131 = vector.broadcast %parallel_loop3A_130 : i32 to vector<16xi32>
          %parallel_loop3A_132 = arith.addi %mul3A_3, %parallel_loop3A_131 : vector<16xi32>
          tpu.vector_store_idx %arg7[%parallel_loop3A_132], %parallel_loop3A_128 : memref<16512xf32, #tpu.memory_space<vmem>>[vector<16xi32>], vector<16xf32>,
          %parallel_loop3A_133 = arith.index_cast %parallel_loop3A_111 : i32 to index
          %parallel_loop3A_134 = arith.constant 48 : index
          %parallel_loop3A_135 = tpu.vector_load %arg5[%parallel_loop3A_133, %parallel_loop3A_134] {strides = array<i32>} : memref<64x128xf32, #tpu.memory_space<vmem>>, vector<16xf32>,
          %parallel_loop3A_136 = arith.constant 6192 : i32
          %parallel_loop3A_137 = arith.addi %parallel_loop3A_136, %parallel_loop3A_111 : i32
          %parallel_loop3A_138 = vector.broadcast %parallel_loop3A_137 : i32 to vector<16xi32>
          %parallel_loop3A_139 = arith.addi %mul3A_3, %parallel_loop3A_138 : vector<16xi32>
          tpu.vector_store_idx %arg7[%parallel_loop3A_139], %parallel_loop3A_135 : memref<16512xf32, #tpu.memory_space<vmem>>[vector<16xi32>], vector<16xf32>,
          %parallel_loop3A_140 = arith.index_cast %parallel_loop3A_111 : i32 to index
          %parallel_loop3A_141 = arith.constant 64 : index
          %parallel_loop3A_142 = tpu.vector_load %arg5[%parallel_loop3A_140, %parallel_loop3A_141] {strides = array<i32>} : memref<64x128xf32, #tpu.memory_space<vmem>>, vector<16xf32>,
          %parallel_loop3A_143 = arith.constant 8256 : i32
          %parallel_loop3A_144 = arith.addi %parallel_loop3A_143, %parallel_loop3A_111 : i32
          %parallel_loop3A_145 = vector.broadcast %parallel_loop3A_144 : i32 to vector<16xi32>
          %parallel_loop3A_146 = arith.addi %mul3A_3, %parallel_loop3A_145 : vector<16xi32>
          tpu.vector_store_idx %arg7[%parallel_loop3A_146], %parallel_loop3A_142 : memref<16512xf32, #tpu.memory_space<vmem>>[vector<16xi32>], vector<16xf32>,
          %parallel_loop3A_147 = arith.index_cast %parallel_loop3A_111 : i32 to index
          %parallel_loop3A_148 = arith.constant 80 : index
          %parallel_loop3A_149 = tpu.vector_load %arg5[%parallel_loop3A_147, %parallel_loop3A_148] {strides = array<i32>} : memref<64x128xf32, #tpu.memory_space<vmem>>, vector<16xf32>,
          %parallel_loop3A_150 = arith.constant 10320 : i32
          %parallel_loop3A_151 = arith.addi %parallel_loop3A_150, %parallel_loop3A_111 : i32
          %parallel_loop3A_152 = vector.broadcast %parallel_loop3A_151 : i32 to vector<16xi32>
          %parallel_loop3A_153 = arith.addi %mul3A_3, %parallel_loop3A_152 : vector<16xi32>
          tpu.vector_store_idx %arg7[%parallel_loop3A_153], %parallel_loop3A_149 : memref<16512xf32, #tpu.memory_space<vmem>>[vector<16xi32>], vector<16xf32>,
          %parallel_loop3A_154 = arith.index_cast %parallel_loop3A_111 : i32 to index
          %parallel_loop3A_155 = arith.constant 96 : index
          %parallel_loop3A_156 = tpu.vector_load %arg5[%parallel_loop3A_154, %parallel_loop3A_155] {strides = array<i32>} : memref<64x128xf32, #tpu.memory_space<vmem>>, vector<16xf32>,
          %parallel_loop3A_157 = arith.constant 12384 : i32
          %parallel_loop3A_158 = arith.addi %parallel_loop3A_157, %parallel_loop3A_111 : i32
          %parallel_loop3A_159 = vector.broadcast %parallel_loop3A_158 : i32 to vector<16xi32>
          %parallel_loop3A_160 = arith.addi %mul3A_3, %parallel_loop3A_159 : vector<16xi32>
          tpu.vector_store_idx %arg7[%parallel_loop3A_160], %parallel_loop3A_156 : memref<16512xf32, #tpu.memory_space<vmem>>[vector<16xi32>], vector<16xf32>,
          %parallel_loop3A_161 = arith.index_cast %parallel_loop3A_111 : i32 to index
          %parallel_loop3A_162 = arith.constant 112 : index
          %parallel_loop3A_163 = tpu.vector_load %arg5[%parallel_loop3A_161, %parallel_loop3A_162] {strides = array<i32>} : memref<64x128xf32, #tpu.memory_space<vmem>>, vector<16xf32>,
          %parallel_loop3A_164 = arith.constant 14448 : i32
          %parallel_loop3A_165 = arith.addi %parallel_loop3A_164, %parallel_loop3A_111 : i32
          %parallel_loop3A_166 = vector.broadcast %parallel_loop3A_165 : i32 to vector<16xi32>
          %parallel_loop3A_167 = arith.addi %mul3A_3, %parallel_loop3A_166 : vector<16xi32>
          tpu.vector_store_idx %arg7[%parallel_loop3A_167], %parallel_loop3A_163 : memref<16512xf32, #tpu.memory_space<vmem>>[vector<16xi32>], vector<16xf32>,
        } {sc.loop_unroll_factor = 4 : i64, sc.parallel_access}
        %parallel_loop3A_81 = arith.constant 0 : i32
        %parallel_loop3A_82 = arith.constant 128 : i32
        %parallel_loop3A_83 = arith.constant 1 : i32
        scf.for %parallel_loop3A_111 = %parallel_loop3A_81 to %parallel_loop3A_82 step %parallel_loop3A_83  : i32 {
          %parallel_loop3A_112 = arith.constant 1 : i32
          %parallel_loop3A_113 = arith.shrsi %parallel_loop3A_111, %parallel_loop3A_112 : i32
          %parallel_loop3A_114 = arith.constant 1 : i32
          %parallel_loop3A_115 = arith.andi %parallel_loop3A_111, %parallel_loop3A_114 : i32
          %parallel_loop3A_116 = arith.constant 64 : i32
          %parallel_loop3A_117 = arith.muli %parallel_loop3A_115, %parallel_loop3A_116 : i32
          %parallel_loop3A_118 = arith.constant 129 : i32
          %parallel_loop3A_119 = arith.muli %parallel_loop3A_111, %parallel_loop3A_118 : i32
          %parallel_loop3A_120 = arith.constant 0 : i32
          %parallel_loop3A_121 = arith.addi %parallel_loop3A_119, %parallel_loop3A_120 : i32
          %parallel_loop3A_122 = arith.index_cast %parallel_loop3A_121 : i32 to index
          %parallel_loop3A_123 = tpu.vector_load %arg7[%parallel_loop3A_122] {strides = array<i32>} : memref<16512xf32, #tpu.memory_space<vmem>>, vector<16xf32>,
          %parallel_loop3A_124 = arith.constant 0 : i32
          %parallel_loop3A_125 = arith.addi %parallel_loop3A_117, %parallel_loop3A_124 : i32
          %parallel_loop3A_126 = arith.index_cast %parallel_loop3A_113 : i32 to index
          %parallel_loop3A_127 = arith.index_cast %parallel_loop3A_125 : i32 to index
          %parallel_loop3A_128 = tpu.vector_load %arg9[%parallel_loop3A_126, %parallel_loop3A_127] {strides = array<i32>} : memref<64x128xf32, #tpu.memory_space<vmem>>, vector<16xf32>,
          tpu.vector_store %arg9[%parallel_loop3A_126, %parallel_loop3A_127], %parallel_loop3A_123 {strides = array<i32>} : memref<64x128xf32, #tpu.memory_space<vmem>>, vector<16xf32>,
          %parallel_loop3A_129 = arith.constant 129 : i32
          %parallel_loop3A_130 = arith.muli %parallel_loop3A_111, %parallel_loop3A_129 : i32
          %parallel_loop3A_131 = arith.constant 16 : i32
          %parallel_loop3A_132 = arith.addi %parallel_loop3A_130, %parallel_loop3A_131 : i32
          %parallel_loop3A_133 = arith.index_cast %parallel_loop3A_132 : i32 to index
          %parallel_loop3A_134 = tpu.vector_load %arg7[%parallel_loop3A_133] {strides = array<i32>} : memref<16512xf32, #tpu.memory_space<vmem>>, vector<16xf32>,
          %parallel_loop3A_135 = arith.constant 16 : i32
          %parallel_loop3A_136 = arith.addi %parallel_loop3A_117, %parallel_loop3A_135 : i32
          %parallel_loop3A_137 = arith.index_cast %parallel_loop3A_113 : i32 to index
          %parallel_loop3A_138 = arith.index_cast %parallel_loop3A_136 : i32 to index
          %parallel_loop3A_139 = tpu.vector_load %arg9[%parallel_loop3A_137, %parallel_loop3A_138] {strides = array<i32>} : memref<64x128xf32, #tpu.memory_space<vmem>>, vector<16xf32>,
          tpu.vector_store %arg9[%parallel_loop3A_137, %parallel_loop3A_138], %parallel_loop3A_134 {strides = array<i32>} : memref<64x128xf32, #tpu.memory_space<vmem>>, vector<16xf32>,
          %parallel_loop3A_140 = arith.constant 129 : i32
          %parallel_loop3A_141 = arith.muli %parallel_loop3A_111, %parallel_loop3A_140 : i32
          %parallel_loop3A_142 = arith.constant 32 : i32
          %parallel_loop3A_143 = arith.addi %parallel_loop3A_141, %parallel_loop3A_142 : i32
          %parallel_loop3A_144 = arith.index_cast %parallel_loop3A_143 : i32 to index
          %parallel_loop3A_145 = tpu.vector_load %arg7[%parallel_loop3A_144] {strides = array<i32>} : memref<16512xf32, #tpu.memory_space<vmem>>, vector<16xf32>,
          %parallel_loop3A_146 = arith.constant 32 : i32
          %parallel_loop3A_147 = arith.addi %parallel_loop3A_117, %parallel_loop3A_146 : i32
          %parallel_loop3A_148 = arith.index_cast %parallel_loop3A_113 : i32 to index
          %parallel_loop3A_149 = arith.index_cast %parallel_loop3A_147 : i32 to index
          %parallel_loop3A_150 = tpu.vector_load %arg9[%parallel_loop3A_148, %parallel_loop3A_149] {strides = array<i32>} : memref<64x128xf32, #tpu.memory_space<vmem>>, vector<16xf32>,
          tpu.vector_store %arg9[%parallel_loop3A_148, %parallel_loop3A_149], %parallel_loop3A_145 {strides = array<i32>} : memref<64x128xf32, #tpu.memory_space<vmem>>, vector<16xf32>,
          %parallel_loop3A_151 = arith.constant 129 : i32
          %parallel_loop3A_152 = arith.muli %parallel_loop3A_111, %parallel_loop3A_151 : i32
          %parallel_loop3A_153 = arith.constant 48 : i32
          %parallel_loop3A_154 = arith.addi %parallel_loop3A_152, %parallel_loop3A_153 : i32
          %parallel_loop3A_155 = arith.index_cast %parallel_loop3A_154 : i32 to index
          %parallel_loop3A_156 = tpu.vector_load %arg7[%parallel_loop3A_155] {strides = array<i32>} : memref<16512xf32, #tpu.memory_space<vmem>>, vector<16xf32>,
          %parallel_loop3A_157 = arith.constant 48 : i32
          %parallel_loop3A_158 = arith.addi %parallel_loop3A_117, %parallel_loop3A_157 : i32
          %parallel_loop3A_159 = arith.index_cast %parallel_loop3A_113 : i32 to index
          %parallel_loop3A_160 = arith.index_cast %parallel_loop3A_158 : i32 to index
          %parallel_loop3A_161 = tpu.vector_load %arg9[%parallel_loop3A_159, %parallel_loop3A_160] {strides = array<i32>} : memref<64x128xf32, #tpu.memory_space<vmem>>, vector<16xf32>,
          tpu.vector_store %arg9[%parallel_loop3A_159, %parallel_loop3A_160], %parallel_loop3A_156 {strides = array<i32>} : memref<64x128xf32, #tpu.memory_space<vmem>>, vector<16xf32>,
        } {sc.loop_unroll_factor = 4 : i64, sc.parallel_access}
        %mul3A_84 = arith.constant 32 : i32
        %mul3A_85 = arith.muli %add3A_50, %mul3A_84 : i32
        %add3A_86 = arith.addi %mul3A_85, %add3A : i32
        %mul3A_87 = arith.constant 128 : i32
        %mul3A_88 = arith.muli %add3A_86, %mul3A_87 : i32
        %multiple_of3A_89 = tpu.assume_multiple %mul3A_88, 128 : i32
        %jit3A = arith.constant 2 : i32
        %div3A = arith.divsi %multiple_of3A_89, %jit3A : i32
        %sign3A = arith.constant 0 : i32
        %sign3A_90 = arith.cmpi sgt, %multiple_of3A_89, %sign3A : i32
        %sign3A_91 = arith.extui %sign3A_90 : i1 to i32
        %sign3A_92 = arith.constant 0 : i32
        %sign3A_93 = arith.cmpi slt, %multiple_of3A_89, %sign3A_92 : i32
        %sign3A_94 = arith.extui %sign3A_93 : i1 to i32
        %sign3A_95 = arith.subi %sign3A_91, %sign3A_94 : i32
        %sign3A_96 = arith.constant 0 : i32
        %sign3A_97 = arith.cmpi sgt, %jit3A, %sign3A_96 : i32
        %sign3A_98 = arith.extui %sign3A_97 : i1 to i32
        %sign3A_99 = arith.constant 0 : i32
        %sign3A_100 = arith.cmpi slt, %jit3A, %sign3A_99 : i32
        %sign3A_101 = arith.extui %sign3A_100 : i1 to i32
        %sign3A_102 = arith.subi %sign3A_98, %sign3A_101 : i32
        %ne3A = arith.cmpi ne, %sign3A_95, %sign3A_102 : i32
        %rem3A = arith.remsi %multiple_of3A_89, %jit3A : i32
        %ne3A_103 = arith.constant 0 : i32
        %ne3A_104 = arith.cmpi ne, %rem3A, %ne3A_103 : i32
        %and3A = arith.andi %ne3A, %ne3A_104 : i1
        %sub3A = arith.constant 1 : i32
        %sub3A_105 = arith.subi %div3A, %sub3A : i32
        %select_n3A = arith.select %and3A, %sub3A_105, %div3A : i32
        %multiple_of3A_106 = tpu.assume_multiple %select_n3A, 64 : i32
        %dma_start3A_107 = arith.constant 0 : i32
        %dma_start3A_108 = tpu.memref_slice %arg3[%multiple_of3A_106, %dma_start3A_107] : memref<500032x128xf32, #tpu.memory_space<hbm>> -> memref<64x128xf32, #tpu.memory_space<hbm>>
        %dma_start3A_109 = arith.constant 0 : i32
        %dma_start3A_110 = tpu.memref_slice %arg3[%multiple_of3A_106, %dma_start3A_109] : memref<500032x128xf32, #tpu.memory_space<hbm>> -> memref<64x128xf32, #tpu.memory_space<hbm>>
        tpu.enqueue_dma source(%arg9 : memref<64x128xf32, #tpu.memory_space<vmem>>) target(%dma_start3A_110 : memref<64x128xf32, #tpu.memory_space<hbm>>) target_semaphore(%arg13 : memref<!tpu.dma_semaphore, #tpu.memory_space<semaphore_mem>>)
      } else {
      }
    }
    %scan3A_15 = arith.constant 123 : i32
    %dma_wait3A = arith.constant 0 : i32
    %dma_wait3A_16 = arith.constant 0 : i32
    %dma_wait3A_17 = tpu.memref_slice %arg3[%dma_wait3A, %dma_wait3A_16] : memref<500032x128xf32, #tpu.memory_space<hbm>> -> memref<64x128xf32, #tpu.memory_space<hbm>>
    %dma_wait3A_18 = arith.constant 0 : i32
    %dma_wait3A_19 = arith.constant 0 : i32
    %dma_wait3A_20 = tpu.memref_slice %arg3[%dma_wait3A_18, %dma_wait3A_19] : memref<500032x128xf32, #tpu.memory_space<hbm>> -> memref<64x128xf32, #tpu.memory_space<hbm>>
    tpu.wait_dma2 semaphore(%arg12 : memref<!tpu.dma_semaphore, #tpu.memory_space<semaphore_mem>>) src(%arg8 : memref<64x128xf32, #tpu.memory_space<vmem>>) dst(%dma_wait3A_20 : memref<64x128xf32, #tpu.memory_space<hbm>>)
    %dma_wait3A_21 = arith.constant 0 : i32
    %dma_wait3A_22 = arith.constant 0 : i32
    %dma_wait3A_23 = tpu.memref_slice %arg3[%dma_wait3A_21, %dma_wait3A_22] : memref<500032x128xf32, #tpu.memory_space<hbm>> -> memref<64x128xf32, #tpu.memory_space<hbm>>
    %dma_wait3A_24 = arith.constant 0 : i32
    %dma_wait3A_25 = arith.constant 0 : i32
    %dma_wait3A_26 = tpu.memref_slice %arg3[%dma_wait3A_24, %dma_wait3A_25] : memref<500032x128xf32, #tpu.memory_space<hbm>> -> memref<64x128xf32, #tpu.memory_space<hbm>>
    tpu.wait_dma2 semaphore(%arg13 : memref<!tpu.dma_semaphore, #tpu.memory_space<semaphore_mem>>) src(%arg9 : memref<64x128xf32, #tpu.memory_space<vmem>>) dst(%dma_wait3A_26 : memref<64x128xf32, #tpu.memory_space<hbm>>)
    return
  }
}

#map = affine_map<(d0, d1) -> (0, 0)>
#map1 = affine_map<(d0, d1) -> (0, 0, 0, 0, 0)>
module attributes {stable_mosaic.version = 14 : i64} {
  func.func @_embed_sc(%arg0: i32, %arg1: i32, %arg2: memref<50x16384xi32, #tpu.memory_space<hbm>>, %arg3: memref<1000064x64xf32, #tpu.memory_space<hbm>>, %arg4: memref<50x8x128x8x128xf32, #tpu.memory_space<hbm>>, %arg5: memref<50x512xi32, #tpu.memory_space<vmem>>, %arg6: memref<4x128x64xf32, #tpu.memory_space<vmem>>, %arg7: memref<2x8x8x129xf32, #tpu.memory_space<vmem>>, %arg8: memref<!tpu.dma_semaphore, #tpu.memory_space<semaphore_mem>>, %arg9: memref<!tpu.dma_semaphore, #tpu.memory_space<semaphore_mem>>, %arg10: memref<!tpu.dma_semaphore, #tpu.memory_space<semaphore_mem>>, %arg11: memref<!tpu.dma_semaphore, #tpu.memory_space<semaphore_mem>>, %arg12: memref<!tpu.dma_semaphore, #tpu.memory_space<semaphore_mem>>, %arg13: memref<!tpu.dma_semaphore, #tpu.memory_space<semaphore_mem>>) attributes {dimension_semantics = [#tpu.dimension_semantics<core_parallel>, #tpu.dimension_semantics<subcore_parallel>], iteration_bounds = array<i64: 2, 16>, scalar_prefetch = 0 : i64, scratch_operands = 9 : i64, tpu.core_type = #tpu.core_type<sc_vector_subcore>, window_params = [{transform_indices = #map}, {transform_indices = #map}, {transform_indices = #map1}]} {
    %mul3A = arith.constant 2 : i32
    %mul3A_0 = arith.muli %arg1, %mul3A : i32
    %add3A = arith.addi %mul3A_0, %arg0 : i32
    %mul3A_1 = arith.constant 512 : i32
    %mul3A_2 = arith.muli %add3A, %mul3A_1 : i32
    %mul3A_3 = arith.constant 4 : i32
    %mul3A_4 = arith.muli %add3A, %mul3A_3 : i32
    "tpu.region"() ({
      %run_scoped3A = tpu.sem_alloc : memref<!tpu.dma_semaphore, #tpu.memory_space<semaphore_mem>>
      %dma_start3A_96 = arith.constant 0 : i32
      %dma_start3A_97 = tpu.memref_slice %arg2[%dma_start3A_96, %mul3A_2] : memref<50x16384xi32, #tpu.memory_space<hbm>> -> memref<50x512xi32, #tpu.memory_space<hbm>>
      %dma_start3A_98 = arith.constant 0 : i32
      %dma_start3A_99 = tpu.memref_slice %arg2[%dma_start3A_98, %mul3A_2] : memref<50x16384xi32, #tpu.memory_space<hbm>> -> memref<50x512xi32, #tpu.memory_space<hbm>>
      tpu.enqueue_dma source(%dma_start3A_99 : memref<50x512xi32, #tpu.memory_space<hbm>>) target(%arg5 : memref<50x512xi32, #tpu.memory_space<vmem>>) target_semaphore(%run_scoped3A : memref<!tpu.dma_semaphore, #tpu.memory_space<semaphore_mem>>)
      %dma_wait3A_100 = arith.constant 0 : i32
      %dma_wait3A_101 = tpu.memref_slice %arg2[%dma_wait3A_100, %mul3A_2] : memref<50x16384xi32, #tpu.memory_space<hbm>> -> memref<50x512xi32, #tpu.memory_space<hbm>>
      %dma_wait3A_102 = arith.constant 0 : i32
      %dma_wait3A_103 = tpu.memref_slice %arg2[%dma_wait3A_102, %mul3A_2] : memref<50x16384xi32, #tpu.memory_space<hbm>> -> memref<50x512xi32, #tpu.memory_space<hbm>>
      tpu.wait_dma2 semaphore(%run_scoped3A : memref<!tpu.dma_semaphore, #tpu.memory_space<semaphore_mem>>) src(%dma_wait3A_103 : memref<50x512xi32, #tpu.memory_space<hbm>>) dst(%arg5 : memref<50x512xi32, #tpu.memory_space<vmem>>)
      tpu.yield
    }) : () -> ()
    %iota3A = tpu.iota {dimensions = array<i32: 0>} : vector<16xi32>
    %shift_right_arithmetic3A = arith.constant 3 : i32
    %shift_right_arithmetic3A_5 = vector.broadcast %shift_right_arithmetic3A : i32 to vector<16xi32>
    %shift_right_arithmetic3A_6 = arith.shrsi %iota3A, %shift_right_arithmetic3A_5 : vector<16xi32>
    %and3A = arith.constant 7 : i32
    %and3A_7 = vector.broadcast %and3A : i32 to vector<16xi32>
    %and3A_8 = arith.andi %iota3A, %and3A_7 : vector<16xi32>
    %dma_start3A = arith.constant 0 : i32
    %dma_start3A_9 = arith.constant 0 : i32
    %dma_start3A_10 = arith.constant 0 : i32
    %dma_start3A_11 = arith.constant 0 : i32
    %dma_start3A_12 = tpu.memref_slice %arg6[%dma_start3A_9, %dma_start3A_10, %dma_start3A_11] : memref<4x128x64xf32, #tpu.memory_space<vmem>> -> memref<1x128x64xf32, #tpu.memory_space<vmem>>
    %dma_start3A_13 = tpu.memref_squeeze %dma_start3A_12 : memref<1x128x64xf32, #tpu.memory_space<vmem>> -> memref<128x64xf32, #tpu.memory_space<vmem>>
    %dma_start3A_14 = arith.constant 0 : i32
    %dma_start3A_15 = tpu.memref_slice %arg5[%dma_start3A, %dma_start3A_14] : memref<50x512xi32, #tpu.memory_space<vmem>> -> memref<1x128xi32, #tpu.memory_space<vmem>>
    %dma_start3A_16 = tpu.memref_squeeze %dma_start3A_15 : memref<1x128xi32, #tpu.memory_space<vmem>> -> memref<128xi32, #tpu.memory_space<vmem>>
    %dma_start3A_17 = arith.constant 0 : i32
    %dma_start3A_18 = arith.constant 0 : i32
    %dma_start3A_19 = tpu.memref_slice %arg3[%dma_start3A_17, %dma_start3A_18] : memref<1000064x64xf32, #tpu.memory_space<hbm>> -> memref<1000064x64xf32, #tpu.memory_space<hbm>>
    tpu.enqueue_indirect_dma source(%dma_start3A_19 : memref<1000064x64xf32, #tpu.memory_space<hbm>>) target(%dma_start3A_13 : memref<128x64xf32, #tpu.memory_space<vmem>>) offsets(%dma_start3A_16 : memref<128xi32, #tpu.memory_space<vmem>>) semaphore(%arg8 : memref<!tpu.dma_semaphore, #tpu.memory_space<semaphore_mem>>)
    %dma_start3A_20 = arith.constant 0 : i32
    %dma_start3A_21 = arith.constant 1 : i32
    %dma_start3A_22 = arith.constant 0 : i32
    %dma_start3A_23 = arith.constant 0 : i32
    %dma_start3A_24 = tpu.memref_slice %arg6[%dma_start3A_21, %dma_start3A_22, %dma_start3A_23] : memref<4x128x64xf32, #tpu.memory_space<vmem>> -> memref<1x128x64xf32, #tpu.memory_space<vmem>>
    %dma_start3A_25 = tpu.memref_squeeze %dma_start3A_24 : memref<1x128x64xf32, #tpu.memory_space<vmem>> -> memref<128x64xf32, #tpu.memory_space<vmem>>
    %dma_start3A_26 = arith.constant 128 : i32
    %dma_start3A_27 = tpu.memref_slice %arg5[%dma_start3A_20, %dma_start3A_26] : memref<50x512xi32, #tpu.memory_space<vmem>> -> memref<1x128xi32, #tpu.memory_space<vmem>>
    %dma_start3A_28 = tpu.memref_squeeze %dma_start3A_27 : memref<1x128xi32, #tpu.memory_space<vmem>> -> memref<128xi32, #tpu.memory_space<vmem>>
    %dma_start3A_29 = arith.constant 0 : i32
    %dma_start3A_30 = arith.constant 0 : i32
    %dma_start3A_31 = tpu.memref_slice %arg3[%dma_start3A_29, %dma_start3A_30] : memref<1000064x64xf32, #tpu.memory_space<hbm>> -> memref<1000064x64xf32, #tpu.memory_space<hbm>>
    tpu.enqueue_indirect_dma source(%dma_start3A_31 : memref<1000064x64xf32, #tpu.memory_space<hbm>>) target(%dma_start3A_25 : memref<128x64xf32, #tpu.memory_space<vmem>>) offsets(%dma_start3A_28 : memref<128xi32, #tpu.memory_space<vmem>>) semaphore(%arg9 : memref<!tpu.dma_semaphore, #tpu.memory_space<semaphore_mem>>)
    %dma_start3A_32 = arith.constant 0 : i32
    %dma_start3A_33 = arith.constant 2 : i32
    %dma_start3A_34 = arith.constant 0 : i32
    %dma_start3A_35 = arith.constant 0 : i32
    %dma_start3A_36 = tpu.memref_slice %arg6[%dma_start3A_33, %dma_start3A_34, %dma_start3A_35] : memref<4x128x64xf32, #tpu.memory_space<vmem>> -> memref<1x128x64xf32, #tpu.memory_space<vmem>>
    %dma_start3A_37 = tpu.memref_squeeze %dma_start3A_36 : memref<1x128x64xf32, #tpu.memory_space<vmem>> -> memref<128x64xf32, #tpu.memory_space<vmem>>
    %dma_start3A_38 = arith.constant 256 : i32
    %dma_start3A_39 = tpu.memref_slice %arg5[%dma_start3A_32, %dma_start3A_38] : memref<50x512xi32, #tpu.memory_space<vmem>> -> memref<1x128xi32, #tpu.memory_space<vmem>>
    %dma_start3A_40 = tpu.memref_squeeze %dma_start3A_39 : memref<1x128xi32, #tpu.memory_space<vmem>> -> memref<128xi32, #tpu.memory_space<vmem>>
    %dma_start3A_41 = arith.constant 0 : i32
    %dma_start3A_42 = arith.constant 0 : i32
    %dma_start3A_43 = tpu.memref_slice %arg3[%dma_start3A_41, %dma_start3A_42] : memref<1000064x64xf32, #tpu.memory_space<hbm>> -> memref<1000064x64xf32, #tpu.memory_space<hbm>>
    tpu.enqueue_indirect_dma source(%dma_start3A_43 : memref<1000064x64xf32, #tpu.memory_space<hbm>>) target(%dma_start3A_37 : memref<128x64xf32, #tpu.memory_space<vmem>>) offsets(%dma_start3A_40 : memref<128xi32, #tpu.memory_space<vmem>>) semaphore(%arg10 : memref<!tpu.dma_semaphore, #tpu.memory_space<semaphore_mem>>)
    %scan3A = arith.constant 0 : i32
    %scan3A_44 = arith.constant 0 : i32
    %scan3A_45 = arith.constant 50 : i32
    %scan3A_46 = arith.addi %scan3A_44, %scan3A_45 : i32
    %scan3A_47 = arith.constant 1 : i32
    scf.for %scan3A_96 = %scan3A_44 to %scan3A_46 step %scan3A_47  : i32 {
      %mul3A_97 = arith.constant 4 : i32
      %mul3A_98 = arith.muli %scan3A_96, %mul3A_97 : i32
      %add3A_99 = arith.constant 0 : i32
      %add3A_100 = arith.addi %mul3A_98, %add3A_99 : i32
      %add3A_101 = arith.constant 4 : i32
      %add3A_102 = arith.addi %add3A_100, %add3A_101 : i32
      %sub3A = arith.constant 1 : i32
      %sub3A_103 = arith.subi %add3A_102, %sub3A : i32
      %lt3A = arith.constant 200 : i32
      %lt3A_104 = arith.cmpi slt, %sub3A_103, %lt3A : i32
      %convert_element_type3A = arith.extui %lt3A_104 : i1 to i32
      %cond3A = arith.constant 0 : i32
      %cond3A_105 = arith.cmpi ne, %convert_element_type3A, %cond3A : i32
      scf.if %cond3A_105 {
        %add3A_472 = arith.constant 4 : i32
        %add3A_473 = arith.addi %add3A_100, %add3A_472 : i32
        %sub3A_474 = arith.constant 1 : i32
        %sub3A_475 = arith.subi %add3A_473, %sub3A_474 : i32
        %jit3A_476 = arith.constant 4 : i32
        %div3A_477 = arith.divsi %sub3A_475, %jit3A_476 : i32
        %sign3A_478 = arith.constant 0 : i32
        %sign3A_479 = arith.cmpi sgt, %sub3A_475, %sign3A_478 : i32
        %sign3A_480 = arith.extui %sign3A_479 : i1 to i32
        %sign3A_481 = arith.constant 0 : i32
        %sign3A_482 = arith.cmpi slt, %sub3A_475, %sign3A_481 : i32
        %sign3A_483 = arith.extui %sign3A_482 : i1 to i32
        %sign3A_484 = arith.subi %sign3A_480, %sign3A_483 : i32
        %sign3A_485 = arith.constant 0 : i32
        %sign3A_486 = arith.cmpi sgt, %jit3A_476, %sign3A_485 : i32
        %sign3A_487 = arith.extui %sign3A_486 : i1 to i32
        %sign3A_488 = arith.constant 0 : i32
        %sign3A_489 = arith.cmpi slt, %jit3A_476, %sign3A_488 : i32
        %sign3A_490 = arith.extui %sign3A_489 : i1 to i32
        %sign3A_491 = arith.subi %sign3A_487, %sign3A_490 : i32
        %ne3A_492 = arith.cmpi ne, %sign3A_484, %sign3A_491 : i32
        %rem3A_493 = arith.remsi %sub3A_475, %jit3A_476 : i32
        %ne3A_494 = arith.constant 0 : i32
        %ne3A_495 = arith.cmpi ne, %rem3A_493, %ne3A_494 : i32
        %and3A_496 = arith.andi %ne3A_492, %ne3A_495 : i1
        %sub3A_497 = arith.constant 1 : i32
        %sub3A_498 = arith.subi %div3A_477, %sub3A_497 : i32
        %select_n3A_499 = arith.select %and3A_496, %sub3A_498, %div3A_477 : i32
        %jit3A_500 = arith.constant 4 : i32
        %eq3A_501 = arith.constant 0 : i32
        %eq3A_502 = arith.cmpi eq, %jit3A_500, %eq3A_501 : i32
        %jit3A_503 = arith.constant 1 : i32
        %select_n3A_504 = arith.select %eq3A_502, %jit3A_503, %jit3A_500 : i32
        %rem3A_505 = arith.remsi %sub3A_475, %select_n3A_504 : i32
        %ne3A_506 = arith.constant 0 : i32
        %ne3A_507 = arith.cmpi ne, %rem3A_505, %ne3A_506 : i32
        %lt3A_508 = arith.constant 0 : i32
        %lt3A_509 = arith.cmpi slt, %rem3A_505, %lt3A_508 : i32
        %lt3A_510 = arith.constant 0 : i32
        %lt3A_511 = arith.cmpi slt, %select_n3A_504, %lt3A_510 : i32
        %ne3A_512 = arith.xori %lt3A_509, %lt3A_511 : i1
        %and3A_513 = arith.andi %ne3A_512, %ne3A_507 : i1
        %add3A_514 = arith.addi %rem3A_505, %select_n3A_504 : i32
        %select_n3A_515 = arith.select %and3A_513, %add3A_514, %rem3A_505 : i32
        %mul3A_516 = arith.constant 128 : i32
        %mul3A_517 = arith.muli %select_n3A_515, %mul3A_516 : i32
        %dma_start3A_518 = arith.constant 3 : i32
        %dma_start3A_519 = arith.constant 0 : i32
        %dma_start3A_520 = arith.constant 0 : i32
        %dma_start3A_521 = tpu.memref_slice %arg6[%dma_start3A_518, %dma_start3A_519, %dma_start3A_520] : memref<4x128x64xf32, #tpu.memory_space<vmem>> -> memref<1x128x64xf32, #tpu.memory_space<vmem>>
        %dma_start3A_522 = tpu.memref_squeeze %dma_start3A_521 : memref<1x128x64xf32, #tpu.memory_space<vmem>> -> memref<128x64xf32, #tpu.memory_space<vmem>>
        %dma_start3A_523 = tpu.memref_slice %arg5[%select_n3A_499, %mul3A_517] : memref<50x512xi32, #tpu.memory_space<vmem>> -> memref<1x128xi32, #tpu.memory_space<vmem>>
        %dma_start3A_524 = tpu.memref_squeeze %dma_start3A_523 : memref<1x128xi32, #tpu.memory_space<vmem>> -> memref<128xi32, #tpu.memory_space<vmem>>
        %dma_start3A_525 = arith.constant 0 : i32
        %dma_start3A_526 = arith.constant 0 : i32
        %dma_start3A_527 = tpu.memref_slice %arg3[%dma_start3A_525, %dma_start3A_526] : memref<1000064x64xf32, #tpu.memory_space<hbm>> -> memref<1000064x64xf32, #tpu.memory_space<hbm>>
        tpu.enqueue_indirect_dma source(%dma_start3A_527 : memref<1000064x64xf32, #tpu.memory_space<hbm>>) target(%dma_start3A_522 : memref<128x64xf32, #tpu.memory_space<vmem>>) offsets(%dma_start3A_524 : memref<128xi32, #tpu.memory_space<vmem>>) semaphore(%arg11 : memref<!tpu.dma_semaphore, #tpu.memory_space<semaphore_mem>>)
      } else {
      }
      %dma_wait3A_106 = arith.constant 0 : i32
      %dma_wait3A_107 = arith.constant 0 : i32
      %dma_wait3A_108 = arith.constant 0 : i32
      %dma_wait3A_109 = arith.constant 0 : i32
      %dma_wait3A_110 = tpu.memref_slice %arg6[%dma_wait3A_107, %dma_wait3A_108, %dma_wait3A_109] : memref<4x128x64xf32, #tpu.memory_space<vmem>> -> memref<1x128x64xf32, #tpu.memory_space<vmem>>
      %dma_wait3A_111 = tpu.memref_squeeze %dma_wait3A_110 : memref<1x128x64xf32, #tpu.memory_space<vmem>> -> memref<128x64xf32, #tpu.memory_space<vmem>>
      %dma_wait3A_112 = arith.constant 0 : i32
      %dma_wait3A_113 = tpu.memref_slice %arg5[%dma_wait3A_106, %dma_wait3A_112] : memref<50x512xi32, #tpu.memory_space<vmem>> -> memref<1x128xi32, #tpu.memory_space<vmem>>
      %dma_wait3A_114 = tpu.memref_squeeze %dma_wait3A_113 : memref<1x128xi32, #tpu.memory_space<vmem>> -> memref<128xi32, #tpu.memory_space<vmem>>
      %dma_wait3A_115 = arith.constant 0 : i32
      %dma_wait3A_116 = arith.constant 0 : i32
      %dma_wait3A_117 = tpu.memref_slice %arg3[%dma_wait3A_115, %dma_wait3A_116] : memref<1000064x64xf32, #tpu.memory_space<hbm>> -> memref<1000064x64xf32, #tpu.memory_space<hbm>>
      tpu.wait_indirect_dma semaphore(%arg8 : memref<!tpu.dma_semaphore, #tpu.memory_space<semaphore_mem>>) src(%dma_wait3A_117 : memref<1000064x64xf32, #tpu.memory_space<hbm>>) dst(%dma_wait3A_111 : memref<128x64xf32, #tpu.memory_space<vmem>>)
      %ge3A = arith.constant 2 : i32
      %ge3A_118 = arith.cmpi sge, %add3A_100, %ge3A : i32
      %convert_element_type3A_119 = arith.extui %ge3A_118 : i1 to i32
      %cond3A_120 = arith.constant 0 : i32
      %cond3A_121 = arith.cmpi ne, %convert_element_type3A_119, %cond3A_120 : i32
      scf.if %cond3A_121 {
        %jit3A_472 = arith.constant 4 : i32
        %div3A_473 = arith.divsi %add3A_100, %jit3A_472 : i32
        %sign3A_474 = arith.constant 0 : i32
        %sign3A_475 = arith.cmpi sgt, %add3A_100, %sign3A_474 : i32
        %sign3A_476 = arith.extui %sign3A_475 : i1 to i32
        %sign3A_477 = arith.constant 0 : i32
        %sign3A_478 = arith.cmpi slt, %add3A_100, %sign3A_477 : i32
        %sign3A_479 = arith.extui %sign3A_478 : i1 to i32
        %sign3A_480 = arith.subi %sign3A_476, %sign3A_479 : i32
        %sign3A_481 = arith.constant 0 : i32
        %sign3A_482 = arith.cmpi sgt, %jit3A_472, %sign3A_481 : i32
        %sign3A_483 = arith.extui %sign3A_482 : i1 to i32
        %sign3A_484 = arith.constant 0 : i32
        %sign3A_485 = arith.cmpi slt, %jit3A_472, %sign3A_484 : i32
        %sign3A_486 = arith.extui %sign3A_485 : i1 to i32
        %sign3A_487 = arith.subi %sign3A_483, %sign3A_486 : i32
        %ne3A_488 = arith.cmpi ne, %sign3A_480, %sign3A_487 : i32
        %rem3A_489 = arith.remsi %add3A_100, %jit3A_472 : i32
        %ne3A_490 = arith.constant 0 : i32
        %ne3A_491 = arith.cmpi ne, %rem3A_489, %ne3A_490 : i32
        %and3A_492 = arith.andi %ne3A_488, %ne3A_491 : i1
        %sub3A_493 = arith.constant 1 : i32
        %sub3A_494 = arith.subi %div3A_473, %sub3A_493 : i32
        %select_n3A_495 = arith.select %and3A_492, %sub3A_494, %div3A_473 : i32
        %jit3A_496 = arith.constant 4 : i32
        %eq3A_497 = arith.constant 0 : i32
        %eq3A_498 = arith.cmpi eq, %jit3A_496, %eq3A_497 : i32
        %jit3A_499 = arith.constant 1 : i32
        %select_n3A_500 = arith.select %eq3A_498, %jit3A_499, %jit3A_496 : i32
        %rem3A_501 = arith.remsi %add3A_100, %select_n3A_500 : i32
        %ne3A_502 = arith.constant 0 : i32
        %ne3A_503 = arith.cmpi ne, %rem3A_501, %ne3A_502 : i32
        %lt3A_504 = arith.constant 0 : i32
        %lt3A_505 = arith.cmpi slt, %rem3A_501, %lt3A_504 : i32
        %lt3A_506 = arith.constant 0 : i32
        %lt3A_507 = arith.cmpi slt, %select_n3A_500, %lt3A_506 : i32
        %ne3A_508 = arith.xori %lt3A_505, %lt3A_507 : i1
        %and3A_509 = arith.andi %ne3A_508, %ne3A_503 : i1
        %add3A_510 = arith.addi %rem3A_501, %select_n3A_500 : i32
        %select_n3A_511 = arith.select %and3A_509, %add3A_510, %rem3A_501 : i32
        %add3A_512 = arith.addi %mul3A_4, %select_n3A_511 : i32
        %dma_wait3A_513 = arith.constant 0 : i32
        %dma_wait3A_514 = arith.constant 0 : i32
        %dma_wait3A_515 = arith.constant 0 : i32
        %dma_wait3A_516 = arith.constant 0 : i32
        %dma_wait3A_517 = tpu.memref_slice %arg7[%dma_wait3A_513, %dma_wait3A_514, %dma_wait3A_515, %dma_wait3A_516] : memref<2x8x8x129xf32, #tpu.memory_space<vmem>> -> memref<1x8x8x128xf32, #tpu.memory_space<vmem>>
        %dma_wait3A_518 = tpu.memref_squeeze %dma_wait3A_517 : memref<1x8x8x128xf32, #tpu.memory_space<vmem>> -> memref<8x8x128xf32, #tpu.memory_space<vmem>>
        %dma_wait3A_519 = arith.constant 0 : i32
        %dma_wait3A_520 = arith.constant 0 : i32
        %dma_wait3A_521 = arith.constant 0 : i32
        %dma_wait3A_522 = tpu.memref_slice %arg4[%select_n3A_495, %dma_wait3A_519, %add3A_512, %dma_wait3A_520, %dma_wait3A_521] : memref<50x8x128x8x128xf32, #tpu.memory_space<hbm>> -> memref<1x8x1x8x128xf32, #tpu.memory_space<hbm>>
        %dma_wait3A_523 = tpu.memref_squeeze %dma_wait3A_522 : memref<1x8x1x8x128xf32, #tpu.memory_space<hbm>> -> memref<8x8x128xf32, #tpu.memory_space<hbm>>
        %dma_wait3A_524 = arith.constant 0 : i32
        %dma_wait3A_525 = arith.constant 0 : i32
        %dma_wait3A_526 = arith.constant 0 : i32
        %dma_wait3A_527 = tpu.memref_slice %arg4[%select_n3A_495, %dma_wait3A_524, %add3A_512, %dma_wait3A_525, %dma_wait3A_526] : memref<50x8x128x8x128xf32, #tpu.memory_space<hbm>> -> memref<1x8x1x8x128xf32, #tpu.memory_space<hbm>>
        %dma_wait3A_528 = tpu.memref_squeeze %dma_wait3A_527 : memref<1x8x1x8x128xf32, #tpu.memory_space<hbm>> -> memref<8x8x128xf32, #tpu.memory_space<hbm>>
        %dma_wait3A_529 = arith.constant 0 : i32
        %dma_wait3A_530 = arith.constant 0 : i32
        %dma_wait3A_531 = arith.constant 0 : i32
        %dma_wait3A_532 = tpu.memref_slice %arg7[%dma_wait3A_513, %dma_wait3A_529, %dma_wait3A_530, %dma_wait3A_531] : memref<2x8x8x129xf32, #tpu.memory_space<vmem>> -> memref<1x8x8x128xf32, #tpu.memory_space<vmem>>
        %dma_wait3A_533 = tpu.memref_squeeze %dma_wait3A_532 : memref<1x8x8x128xf32, #tpu.memory_space<vmem>> -> memref<8x8x128xf32, #tpu.memory_space<vmem>>
        tpu.wait_dma2 semaphore(%arg12 : memref<!tpu.dma_semaphore, #tpu.memory_space<semaphore_mem>>) src(%dma_wait3A_533 : memref<8x8x128xf32, #tpu.memory_space<vmem>>) dst(%dma_wait3A_528 : memref<8x8x128xf32, #tpu.memory_space<hbm>>)
      } else {
      }
      %parallel_loop3A = arith.constant 0 : i32
      %parallel_loop3A_122 = arith.constant 128 : i32
      %parallel_loop3A_123 = arith.constant 1 : i32
      %parallel_loop3A_124 = arith.constant 0 : i32
      %parallel_loop3A_125 = arith.constant 0 : i32
      scf.for %parallel_loop3A_472 = %parallel_loop3A to %parallel_loop3A_122 step %parallel_loop3A_123  : i32 {
        %parallel_loop3A_473 = vector.broadcast %parallel_loop3A_472 : i32 to vector<16xi32>
        %parallel_loop3A_474 = arith.constant 0 : i32
        %parallel_loop3A_475 = arith.constant 0 : i32
        %parallel_loop3A_476 = tpu.memref_slice %arg6[%parallel_loop3A_124, %parallel_loop3A_474, %parallel_loop3A_475] : memref<4x128x64xf32, #tpu.memory_space<vmem>> -> memref<1x128x64xf32, #tpu.memory_space<vmem>>
        %parallel_loop3A_477 = tpu.memref_squeeze %parallel_loop3A_476 : memref<1x128x64xf32, #tpu.memory_space<vmem>> -> memref<128x64xf32, #tpu.memory_space<vmem>>
        %parallel_loop3A_478 = arith.index_cast %parallel_loop3A_472 : i32 to index
        %parallel_loop3A_479 = arith.constant 0 : index
        %parallel_loop3A_480 = tpu.vector_load %parallel_loop3A_477[%parallel_loop3A_478, %parallel_loop3A_479] {strides = array<i32>} : memref<128x64xf32, #tpu.memory_space<vmem>>, vector<16xf32>,
        %parallel_loop3A_481 = arith.constant 8.000000e+00 : f32
        %parallel_loop3A_482 = vector.broadcast %parallel_loop3A_481 : f32 to vector<16xf32>
        %parallel_loop3A_483 = arith.mulf %parallel_loop3A_480, %parallel_loop3A_482 : vector<16xf32>
        %parallel_loop3A_484 = arith.constant 0 : i32
        %parallel_loop3A_485 = vector.broadcast %parallel_loop3A_484 : i32 to vector<16xi32>
        %parallel_loop3A_486 = arith.addi %shift_right_arithmetic3A_6, %parallel_loop3A_485 : vector<16xi32>
        %parallel_loop3A_487 = arith.constant 0 : i32
        %parallel_loop3A_488 = arith.constant 0 : i32
        %parallel_loop3A_489 = arith.constant 0 : i32
        %parallel_loop3A_490 = tpu.memref_slice %arg7[%parallel_loop3A_125, %parallel_loop3A_487, %parallel_loop3A_488, %parallel_loop3A_489] : memref<2x8x8x129xf32, #tpu.memory_space<vmem>> -> memref<1x8x8x129xf32, #tpu.memory_space<vmem>>
        %parallel_loop3A_491 = tpu.memref_squeeze %parallel_loop3A_490 : memref<1x8x8x129xf32, #tpu.memory_space<vmem>> -> memref<8x8x129xf32, #tpu.memory_space<vmem>>
        tpu.vector_store_idx %parallel_loop3A_491[%parallel_loop3A_486, %and3A_8, %parallel_loop3A_473], %parallel_loop3A_483 : memref<8x8x129xf32, #tpu.memory_space<vmem>>[vector<16xi32>, vector<16xi32>, vector<16xi32>], vector<16xf32>,
        %parallel_loop3A_492 = arith.constant 0 : i32
        %parallel_loop3A_493 = arith.constant 0 : i32
        %parallel_loop3A_494 = tpu.memref_slice %arg6[%parallel_loop3A_124, %parallel_loop3A_492, %parallel_loop3A_493] : memref<4x128x64xf32, #tpu.memory_space<vmem>> -> memref<1x128x64xf32, #tpu.memory_space<vmem>>
        %parallel_loop3A_495 = tpu.memref_squeeze %parallel_loop3A_494 : memref<1x128x64xf32, #tpu.memory_space<vmem>> -> memref<128x64xf32, #tpu.memory_space<vmem>>
        %parallel_loop3A_496 = arith.index_cast %parallel_loop3A_472 : i32 to index
        %parallel_loop3A_497 = arith.constant 16 : index
        %parallel_loop3A_498 = tpu.vector_load %parallel_loop3A_495[%parallel_loop3A_496, %parallel_loop3A_497] {strides = array<i32>} : memref<128x64xf32, #tpu.memory_space<vmem>>, vector<16xf32>,
        %parallel_loop3A_499 = arith.constant 8.000000e+00 : f32
        %parallel_loop3A_500 = vector.broadcast %parallel_loop3A_499 : f32 to vector<16xf32>
        %parallel_loop3A_501 = arith.mulf %parallel_loop3A_498, %parallel_loop3A_500 : vector<16xf32>
        %parallel_loop3A_502 = arith.constant 2 : i32
        %parallel_loop3A_503 = vector.broadcast %parallel_loop3A_502 : i32 to vector<16xi32>
        %parallel_loop3A_504 = arith.addi %shift_right_arithmetic3A_6, %parallel_loop3A_503 : vector<16xi32>
        %parallel_loop3A_505 = arith.constant 0 : i32
        %parallel_loop3A_506 = arith.constant 0 : i32
        %parallel_loop3A_507 = arith.constant 0 : i32
        %parallel_loop3A_508 = tpu.memref_slice %arg7[%parallel_loop3A_125, %parallel_loop3A_505, %parallel_loop3A_506, %parallel_loop3A_507] : memref<2x8x8x129xf32, #tpu.memory_space<vmem>> -> memref<1x8x8x129xf32, #tpu.memory_space<vmem>>
        %parallel_loop3A_509 = tpu.memref_squeeze %parallel_loop3A_508 : memref<1x8x8x129xf32, #tpu.memory_space<vmem>> -> memref<8x8x129xf32, #tpu.memory_space<vmem>>
        tpu.vector_store_idx %parallel_loop3A_509[%parallel_loop3A_504, %and3A_8, %parallel_loop3A_473], %parallel_loop3A_501 : memref<8x8x129xf32, #tpu.memory_space<vmem>>[vector<16xi32>, vector<16xi32>, vector<16xi32>], vector<16xf32>,
        %parallel_loop3A_510 = arith.constant 0 : i32
        %parallel_loop3A_511 = arith.constant 0 : i32
        %parallel_loop3A_512 = tpu.memref_slice %arg6[%parallel_loop3A_124, %parallel_loop3A_510, %parallel_loop3A_511] : memref<4x128x64xf32, #tpu.memory_space<vmem>> -> memref<1x128x64xf32, #tpu.memory_space<vmem>>
        %parallel_loop3A_513 = tpu.memref_squeeze %parallel_loop3A_512 : memref<1x128x64xf32, #tpu.memory_space<vmem>> -> memref<128x64xf32, #tpu.memory_space<vmem>>
        %parallel_loop3A_514 = arith.index_cast %parallel_loop3A_472 : i32 to index
        %parallel_loop3A_515 = arith.constant 32 : index
        %parallel_loop3A_516 = tpu.vector_load %parallel_loop3A_513[%parallel_loop3A_514, %parallel_loop3A_515] {strides = array<i32>} : memref<128x64xf32, #tpu.memory_space<vmem>>, vector<16xf32>,
        %parallel_loop3A_517 = arith.constant 8.000000e+00 : f32
        %parallel_loop3A_518 = vector.broadcast %parallel_loop3A_517 : f32 to vector<16xf32>
        %parallel_loop3A_519 = arith.mulf %parallel_loop3A_516, %parallel_loop3A_518 : vector<16xf32>
        %parallel_loop3A_520 = arith.constant 4 : i32
        %parallel_loop3A_521 = vector.broadcast %parallel_loop3A_520 : i32 to vector<16xi32>
        %parallel_loop3A_522 = arith.addi %shift_right_arithmetic3A_6, %parallel_loop3A_521 : vector<16xi32>
        %parallel_loop3A_523 = arith.constant 0 : i32
        %parallel_loop3A_524 = arith.constant 0 : i32
        %parallel_loop3A_525 = arith.constant 0 : i32
        %parallel_loop3A_526 = tpu.memref_slice %arg7[%parallel_loop3A_125, %parallel_loop3A_523, %parallel_loop3A_524, %parallel_loop3A_525] : memref<2x8x8x129xf32, #tpu.memory_space<vmem>> -> memref<1x8x8x129xf32, #tpu.memory_space<vmem>>
        %parallel_loop3A_527 = tpu.memref_squeeze %parallel_loop3A_526 : memref<1x8x8x129xf32, #tpu.memory_space<vmem>> -> memref<8x8x129xf32, #tpu.memory_space<vmem>>
        tpu.vector_store_idx %parallel_loop3A_527[%parallel_loop3A_522, %and3A_8, %parallel_loop3A_473], %parallel_loop3A_519 : memref<8x8x129xf32, #tpu.memory_space<vmem>>[vector<16xi32>, vector<16xi32>, vector<16xi32>], vector<16xf32>,
        %parallel_loop3A_528 = arith.constant 0 : i32
        %parallel_loop3A_529 = arith.constant 0 : i32
        %parallel_loop3A_530 = tpu.memref_slice %arg6[%parallel_loop3A_124, %parallel_loop3A_528, %parallel_loop3A_529] : memref<4x128x64xf32, #tpu.memory_space<vmem>> -> memref<1x128x64xf32, #tpu.memory_space<vmem>>
        %parallel_loop3A_531 = tpu.memref_squeeze %parallel_loop3A_530 : memref<1x128x64xf32, #tpu.memory_space<vmem>> -> memref<128x64xf32, #tpu.memory_space<vmem>>
        %parallel_loop3A_532 = arith.index_cast %parallel_loop3A_472 : i32 to index
        %parallel_loop3A_533 = arith.constant 48 : index
        %parallel_loop3A_534 = tpu.vector_load %parallel_loop3A_531[%parallel_loop3A_532, %parallel_loop3A_533] {strides = array<i32>} : memref<128x64xf32, #tpu.memory_space<vmem>>, vector<16xf32>,
        %parallel_loop3A_535 = arith.constant 8.000000e+00 : f32
        %parallel_loop3A_536 = vector.broadcast %parallel_loop3A_535 : f32 to vector<16xf32>
        %parallel_loop3A_537 = arith.mulf %parallel_loop3A_534, %parallel_loop3A_536 : vector<16xf32>
        %parallel_loop3A_538 = arith.constant 6 : i32
        %parallel_loop3A_539 = vector.broadcast %parallel_loop3A_538 : i32 to vector<16xi32>
        %parallel_loop3A_540 = arith.addi %shift_right_arithmetic3A_6, %parallel_loop3A_539 : vector<16xi32>
        %parallel_loop3A_541 = arith.constant 0 : i32
        %parallel_loop3A_542 = arith.constant 0 : i32
        %parallel_loop3A_543 = arith.constant 0 : i32
        %parallel_loop3A_544 = tpu.memref_slice %arg7[%parallel_loop3A_125, %parallel_loop3A_541, %parallel_loop3A_542, %parallel_loop3A_543] : memref<2x8x8x129xf32, #tpu.memory_space<vmem>> -> memref<1x8x8x129xf32, #tpu.memory_space<vmem>>
        %parallel_loop3A_545 = tpu.memref_squeeze %parallel_loop3A_544 : memref<1x8x8x129xf32, #tpu.memory_space<vmem>> -> memref<8x8x129xf32, #tpu.memory_space<vmem>>
        tpu.vector_store_idx %parallel_loop3A_545[%parallel_loop3A_540, %and3A_8, %parallel_loop3A_473], %parallel_loop3A_537 : memref<8x8x129xf32, #tpu.memory_space<vmem>>[vector<16xi32>, vector<16xi32>, vector<16xi32>], vector<16xf32>,
      } {sc.loop_unroll_factor = 8 : i64, sc.parallel_access}
      %jit3A = arith.constant 4 : i32
      %div3A = arith.divsi %add3A_100, %jit3A : i32
      %sign3A = arith.constant 0 : i32
      %sign3A_126 = arith.cmpi sgt, %add3A_100, %sign3A : i32
      %sign3A_127 = arith.extui %sign3A_126 : i1 to i32
      %sign3A_128 = arith.constant 0 : i32
      %sign3A_129 = arith.cmpi slt, %add3A_100, %sign3A_128 : i32
      %sign3A_130 = arith.extui %sign3A_129 : i1 to i32
      %sign3A_131 = arith.subi %sign3A_127, %sign3A_130 : i32
      %sign3A_132 = arith.constant 0 : i32
      %sign3A_133 = arith.cmpi sgt, %jit3A, %sign3A_132 : i32
      %sign3A_134 = arith.extui %sign3A_133 : i1 to i32
      %sign3A_135 = arith.constant 0 : i32
      %sign3A_136 = arith.cmpi slt, %jit3A, %sign3A_135 : i32
      %sign3A_137 = arith.extui %sign3A_136 : i1 to i32
      %sign3A_138 = arith.subi %sign3A_134, %sign3A_137 : i32
      %ne3A = arith.cmpi ne, %sign3A_131, %sign3A_138 : i32
      %rem3A = arith.remsi %add3A_100, %jit3A : i32
      %ne3A_139 = arith.constant 0 : i32
      %ne3A_140 = arith.cmpi ne, %rem3A, %ne3A_139 : i32
      %and3A_141 = arith.andi %ne3A, %ne3A_140 : i1
      %sub3A_142 = arith.constant 1 : i32
      %sub3A_143 = arith.subi %div3A, %sub3A_142 : i32
      %select_n3A = arith.select %and3A_141, %sub3A_143, %div3A : i32
      %jit3A_144 = arith.constant 4 : i32
      %eq3A = arith.constant 0 : i32
      %eq3A_145 = arith.cmpi eq, %jit3A_144, %eq3A : i32
      %jit3A_146 = arith.constant 1 : i32
      %select_n3A_147 = arith.select %eq3A_145, %jit3A_146, %jit3A_144 : i32
      %rem3A_148 = arith.remsi %add3A_100, %select_n3A_147 : i32
      %ne3A_149 = arith.constant 0 : i32
      %ne3A_150 = arith.cmpi ne, %rem3A_148, %ne3A_149 : i32
      %lt3A_151 = arith.constant 0 : i32
      %lt3A_152 = arith.cmpi slt, %rem3A_148, %lt3A_151 : i32
      %lt3A_153 = arith.constant 0 : i32
      %lt3A_154 = arith.cmpi slt, %select_n3A_147, %lt3A_153 : i32
      %ne3A_155 = arith.xori %lt3A_152, %lt3A_154 : i1
      %and3A_156 = arith.andi %ne3A_155, %ne3A_150 : i1
      %add3A_157 = arith.addi %rem3A_148, %select_n3A_147 : i32
      %select_n3A_158 = arith.select %and3A_156, %add3A_157, %rem3A_148 : i32
      %add3A_159 = arith.addi %mul3A_4, %select_n3A_158 : i32
      %dma_start3A_160 = arith.constant 0 : i32
      %dma_start3A_161 = arith.constant 0 : i32
      %dma_start3A_162 = arith.constant 0 : i32
      %dma_start3A_163 = arith.constant 0 : i32
      %dma_start3A_164 = tpu.memref_slice %arg7[%dma_start3A_160, %dma_start3A_161, %dma_start3A_162, %dma_start3A_163] : memref<2x8x8x129xf32, #tpu.memory_space<vmem>> -> memref<1x8x8x128xf32, #tpu.memory_space<vmem>>
      %dma_start3A_165 = tpu.memref_squeeze %dma_start3A_164 : memref<1x8x8x128xf32, #tpu.memory_space<vmem>> -> memref<8x8x128xf32, #tpu.memory_space<vmem>>
      %dma_start3A_166 = arith.constant 0 : i32
      %dma_start3A_167 = arith.constant 0 : i32
      %dma_start3A_168 = arith.constant 0 : i32
      %dma_start3A_169 = tpu.memref_slice %arg4[%select_n3A, %dma_start3A_166, %add3A_159, %dma_start3A_167, %dma_start3A_168] : memref<50x8x128x8x128xf32, #tpu.memory_space<hbm>> -> memref<1x8x1x8x128xf32, #tpu.memory_space<hbm>>
      %dma_start3A_170 = tpu.memref_squeeze %dma_start3A_169 : memref<1x8x1x8x128xf32, #tpu.memory_space<hbm>> -> memref<8x8x128xf32, #tpu.memory_space<hbm>>
      %dma_start3A_171 = arith.constant 0 : i32
      %dma_start3A_172 = arith.constant 0 : i32
      %dma_start3A_173 = arith.constant 0 : i32
      %dma_start3A_174 = tpu.memref_slice %arg4[%select_n3A, %dma_start3A_171, %add3A_159, %dma_start3A_172, %dma_start3A_173] : memref<50x8x128x8x128xf32, #tpu.memory_space<hbm>> -> memref<1x8x1x8x128xf32, #tpu.memory_space<hbm>>
      %dma_start3A_175 = tpu.memref_squeeze %dma_start3A_174 : memref<1x8x1x8x128xf32, #tpu.memory_space<hbm>> -> memref<8x8x128xf32, #tpu.memory_space<hbm>>
      %dma_start3A_176 = arith.constant 0 : i32
      %dma_start3A_177 = arith.constant 0 : i32
      %dma_start3A_178 = arith.constant 0 : i32
      %dma_start3A_179 = tpu.memref_slice %arg7[%dma_start3A_160, %dma_start3A_176, %dma_start3A_177, %dma_start3A_178] : memref<2x8x8x129xf32, #tpu.memory_space<vmem>> -> memref<1x8x8x128xf32, #tpu.memory_space<vmem>>
      %dma_start3A_180 = tpu.memref_squeeze %dma_start3A_179 : memref<1x8x8x128xf32, #tpu.memory_space<vmem>> -> memref<8x8x128xf32, #tpu.memory_space<vmem>>
      tpu.enqueue_dma source(%dma_start3A_180 : memref<8x8x128xf32, #tpu.memory_space<vmem>>) target(%dma_start3A_175 : memref<8x8x128xf32, #tpu.memory_space<hbm>>) target_semaphore(%arg12 : memref<!tpu.dma_semaphore, #tpu.memory_space<semaphore_mem>>)
      %mul3A_181 = arith.constant 4 : i32
      %mul3A_182 = arith.muli %scan3A_96, %mul3A_181 : i32
      %add3A_183 = arith.constant 1 : i32
      %add3A_184 = arith.addi %mul3A_182, %add3A_183 : i32
      %add3A_185 = arith.constant 4 : i32
      %add3A_186 = arith.addi %add3A_184, %add3A_185 : i32
      %sub3A_187 = arith.constant 1 : i32
      %sub3A_188 = arith.subi %add3A_186, %sub3A_187 : i32
      %lt3A_189 = arith.constant 200 : i32
      %lt3A_190 = arith.cmpi slt, %sub3A_188, %lt3A_189 : i32
      %convert_element_type3A_191 = arith.extui %lt3A_190 : i1 to i32
      %cond3A_192 = arith.constant 0 : i32
      %cond3A_193 = arith.cmpi ne, %convert_element_type3A_191, %cond3A_192 : i32
      scf.if %cond3A_193 {
        %add3A_472 = arith.constant 4 : i32
        %add3A_473 = arith.addi %add3A_184, %add3A_472 : i32
        %sub3A_474 = arith.constant 1 : i32
        %sub3A_475 = arith.subi %add3A_473, %sub3A_474 : i32
        %jit3A_476 = arith.constant 4 : i32
        %div3A_477 = arith.divsi %sub3A_475, %jit3A_476 : i32
        %sign3A_478 = arith.constant 0 : i32
        %sign3A_479 = arith.cmpi sgt, %sub3A_475, %sign3A_478 : i32
        %sign3A_480 = arith.extui %sign3A_479 : i1 to i32
        %sign3A_481 = arith.constant 0 : i32
        %sign3A_482 = arith.cmpi slt, %sub3A_475, %sign3A_481 : i32
        %sign3A_483 = arith.extui %sign3A_482 : i1 to i32
        %sign3A_484 = arith.subi %sign3A_480, %sign3A_483 : i32
        %sign3A_485 = arith.constant 0 : i32
        %sign3A_486 = arith.cmpi sgt, %jit3A_476, %sign3A_485 : i32
        %sign3A_487 = arith.extui %sign3A_486 : i1 to i32
        %sign3A_488 = arith.constant 0 : i32
        %sign3A_489 = arith.cmpi slt, %jit3A_476, %sign3A_488 : i32
        %sign3A_490 = arith.extui %sign3A_489 : i1 to i32
        %sign3A_491 = arith.subi %sign3A_487, %sign3A_490 : i32
        %ne3A_492 = arith.cmpi ne, %sign3A_484, %sign3A_491 : i32
        %rem3A_493 = arith.remsi %sub3A_475, %jit3A_476 : i32
        %ne3A_494 = arith.constant 0 : i32
        %ne3A_495 = arith.cmpi ne, %rem3A_493, %ne3A_494 : i32
        %and3A_496 = arith.andi %ne3A_492, %ne3A_495 : i1
        %sub3A_497 = arith.constant 1 : i32
        %sub3A_498 = arith.subi %div3A_477, %sub3A_497 : i32
        %select_n3A_499 = arith.select %and3A_496, %sub3A_498, %div3A_477 : i32
        %jit3A_500 = arith.constant 4 : i32
        %eq3A_501 = arith.constant 0 : i32
        %eq3A_502 = arith.cmpi eq, %jit3A_500, %eq3A_501 : i32
        %jit3A_503 = arith.constant 1 : i32
        %select_n3A_504 = arith.select %eq3A_502, %jit3A_503, %jit3A_500 : i32
        %rem3A_505 = arith.remsi %sub3A_475, %select_n3A_504 : i32
        %ne3A_506 = arith.constant 0 : i32
        %ne3A_507 = arith.cmpi ne, %rem3A_505, %ne3A_506 : i32
        %lt3A_508 = arith.constant 0 : i32
        %lt3A_509 = arith.cmpi slt, %rem3A_505, %lt3A_508 : i32
        %lt3A_510 = arith.constant 0 : i32
        %lt3A_511 = arith.cmpi slt, %select_n3A_504, %lt3A_510 : i32
        %ne3A_512 = arith.xori %lt3A_509, %lt3A_511 : i1
        %and3A_513 = arith.andi %ne3A_512, %ne3A_507 : i1
        %add3A_514 = arith.addi %rem3A_505, %select_n3A_504 : i32
        %select_n3A_515 = arith.select %and3A_513, %add3A_514, %rem3A_505 : i32
        %mul3A_516 = arith.constant 128 : i32
        %mul3A_517 = arith.muli %select_n3A_515, %mul3A_516 : i32
        %dma_start3A_518 = arith.constant 0 : i32
        %dma_start3A_519 = arith.constant 0 : i32
        %dma_start3A_520 = arith.constant 0 : i32
        %dma_start3A_521 = tpu.memref_slice %arg6[%dma_start3A_518, %dma_start3A_519, %dma_start3A_520] : memref<4x128x64xf32, #tpu.memory_space<vmem>> -> memref<1x128x64xf32, #tpu.memory_space<vmem>>
        %dma_start3A_522 = tpu.memref_squeeze %dma_start3A_521 : memref<1x128x64xf32, #tpu.memory_space<vmem>> -> memref<128x64xf32, #tpu.memory_space<vmem>>
        %dma_start3A_523 = tpu.memref_slice %arg5[%select_n3A_499, %mul3A_517] : memref<50x512xi32, #tpu.memory_space<vmem>> -> memref<1x128xi32, #tpu.memory_space<vmem>>
        %dma_start3A_524 = tpu.memref_squeeze %dma_start3A_523 : memref<1x128xi32, #tpu.memory_space<vmem>> -> memref<128xi32, #tpu.memory_space<vmem>>
        %dma_start3A_525 = arith.constant 0 : i32
        %dma_start3A_526 = arith.constant 0 : i32
        %dma_start3A_527 = tpu.memref_slice %arg3[%dma_start3A_525, %dma_start3A_526] : memref<1000064x64xf32, #tpu.memory_space<hbm>> -> memref<1000064x64xf32, #tpu.memory_space<hbm>>
        tpu.enqueue_indirect_dma source(%dma_start3A_527 : memref<1000064x64xf32, #tpu.memory_space<hbm>>) target(%dma_start3A_522 : memref<128x64xf32, #tpu.memory_space<vmem>>) offsets(%dma_start3A_524 : memref<128xi32, #tpu.memory_space<vmem>>) semaphore(%arg8 : memref<!tpu.dma_semaphore, #tpu.memory_space<semaphore_mem>>)
      } else {
      }
      %dma_wait3A_194 = arith.constant 0 : i32
      %dma_wait3A_195 = arith.constant 1 : i32
      %dma_wait3A_196 = arith.constant 0 : i32
      %dma_wait3A_197 = arith.constant 0 : i32
      %dma_wait3A_198 = tpu.memref_slice %arg6[%dma_wait3A_195, %dma_wait3A_196, %dma_wait3A_197] : memref<4x128x64xf32, #tpu.memory_space<vmem>> -> memref<1x128x64xf32, #tpu.memory_space<vmem>>
      %dma_wait3A_199 = tpu.memref_squeeze %dma_wait3A_198 : memref<1x128x64xf32, #tpu.memory_space<vmem>> -> memref<128x64xf32, #tpu.memory_space<vmem>>
      %dma_wait3A_200 = arith.constant 0 : i32
      %dma_wait3A_201 = tpu.memref_slice %arg5[%dma_wait3A_194, %dma_wait3A_200] : memref<50x512xi32, #tpu.memory_space<vmem>> -> memref<1x128xi32, #tpu.memory_space<vmem>>
      %dma_wait3A_202 = tpu.memref_squeeze %dma_wait3A_201 : memref<1x128xi32, #tpu.memory_space<vmem>> -> memref<128xi32, #tpu.memory_space<vmem>>
      %dma_wait3A_203 = arith.constant 0 : i32
      %dma_wait3A_204 = arith.constant 0 : i32
      %dma_wait3A_205 = tpu.memref_slice %arg3[%dma_wait3A_203, %dma_wait3A_204] : memref<1000064x64xf32, #tpu.memory_space<hbm>> -> memref<1000064x64xf32, #tpu.memory_space<hbm>>
      tpu.wait_indirect_dma semaphore(%arg9 : memref<!tpu.dma_semaphore, #tpu.memory_space<semaphore_mem>>) src(%dma_wait3A_205 : memref<1000064x64xf32, #tpu.memory_space<hbm>>) dst(%dma_wait3A_199 : memref<128x64xf32, #tpu.memory_space<vmem>>)
      %ge3A_206 = arith.constant 2 : i32
      %ge3A_207 = arith.cmpi sge, %add3A_184, %ge3A_206 : i32
      %convert_element_type3A_208 = arith.extui %ge3A_207 : i1 to i32
      %cond3A_209 = arith.constant 0 : i32
      %cond3A_210 = arith.cmpi ne, %convert_element_type3A_208, %cond3A_209 : i32
      scf.if %cond3A_210 {
        %jit3A_472 = arith.constant 4 : i32
        %div3A_473 = arith.divsi %add3A_184, %jit3A_472 : i32
        %sign3A_474 = arith.constant 0 : i32
        %sign3A_475 = arith.cmpi sgt, %add3A_184, %sign3A_474 : i32
        %sign3A_476 = arith.extui %sign3A_475 : i1 to i32
        %sign3A_477 = arith.constant 0 : i32
        %sign3A_478 = arith.cmpi slt, %add3A_184, %sign3A_477 : i32
        %sign3A_479 = arith.extui %sign3A_478 : i1 to i32
        %sign3A_480 = arith.subi %sign3A_476, %sign3A_479 : i32
        %sign3A_481 = arith.constant 0 : i32
        %sign3A_482 = arith.cmpi sgt, %jit3A_472, %sign3A_481 : i32
        %sign3A_483 = arith.extui %sign3A_482 : i1 to i32
        %sign3A_484 = arith.constant 0 : i32
        %sign3A_485 = arith.cmpi slt, %jit3A_472, %sign3A_484 : i32
        %sign3A_486 = arith.extui %sign3A_485 : i1 to i32
        %sign3A_487 = arith.subi %sign3A_483, %sign3A_486 : i32
        %ne3A_488 = arith.cmpi ne, %sign3A_480, %sign3A_487 : i32
        %rem3A_489 = arith.remsi %add3A_184, %jit3A_472 : i32
        %ne3A_490 = arith.constant 0 : i32
        %ne3A_491 = arith.cmpi ne, %rem3A_489, %ne3A_490 : i32
        %and3A_492 = arith.andi %ne3A_488, %ne3A_491 : i1
        %sub3A_493 = arith.constant 1 : i32
        %sub3A_494 = arith.subi %div3A_473, %sub3A_493 : i32
        %select_n3A_495 = arith.select %and3A_492, %sub3A_494, %div3A_473 : i32
        %jit3A_496 = arith.constant 4 : i32
        %eq3A_497 = arith.constant 0 : i32
        %eq3A_498 = arith.cmpi eq, %jit3A_496, %eq3A_497 : i32
        %jit3A_499 = arith.constant 1 : i32
        %select_n3A_500 = arith.select %eq3A_498, %jit3A_499, %jit3A_496 : i32
        %rem3A_501 = arith.remsi %add3A_184, %select_n3A_500 : i32
        %ne3A_502 = arith.constant 0 : i32
        %ne3A_503 = arith.cmpi ne, %rem3A_501, %ne3A_502 : i32
        %lt3A_504 = arith.constant 0 : i32
        %lt3A_505 = arith.cmpi slt, %rem3A_501, %lt3A_504 : i32
        %lt3A_506 = arith.constant 0 : i32
        %lt3A_507 = arith.cmpi slt, %select_n3A_500, %lt3A_506 : i32
        %ne3A_508 = arith.xori %lt3A_505, %lt3A_507 : i1
        %and3A_509 = arith.andi %ne3A_508, %ne3A_503 : i1
        %add3A_510 = arith.addi %rem3A_501, %select_n3A_500 : i32
        %select_n3A_511 = arith.select %and3A_509, %add3A_510, %rem3A_501 : i32
        %add3A_512 = arith.addi %mul3A_4, %select_n3A_511 : i32
        %dma_wait3A_513 = arith.constant 1 : i32
        %dma_wait3A_514 = arith.constant 0 : i32
        %dma_wait3A_515 = arith.constant 0 : i32
        %dma_wait3A_516 = arith.constant 0 : i32
        %dma_wait3A_517 = tpu.memref_slice %arg7[%dma_wait3A_513, %dma_wait3A_514, %dma_wait3A_515, %dma_wait3A_516] : memref<2x8x8x129xf32, #tpu.memory_space<vmem>> -> memref<1x8x8x128xf32, #tpu.memory_space<vmem>>
        %dma_wait3A_518 = tpu.memref_squeeze %dma_wait3A_517 : memref<1x8x8x128xf32, #tpu.memory_space<vmem>> -> memref<8x8x128xf32, #tpu.memory_space<vmem>>
        %dma_wait3A_519 = arith.constant 0 : i32
        %dma_wait3A_520 = arith.constant 0 : i32
        %dma_wait3A_521 = arith.constant 0 : i32
        %dma_wait3A_522 = tpu.memref_slice %arg4[%select_n3A_495, %dma_wait3A_519, %add3A_512, %dma_wait3A_520, %dma_wait3A_521] : memref<50x8x128x8x128xf32, #tpu.memory_space<hbm>> -> memref<1x8x1x8x128xf32, #tpu.memory_space<hbm>>
        %dma_wait3A_523 = tpu.memref_squeeze %dma_wait3A_522 : memref<1x8x1x8x128xf32, #tpu.memory_space<hbm>> -> memref<8x8x128xf32, #tpu.memory_space<hbm>>
        %dma_wait3A_524 = arith.constant 0 : i32
        %dma_wait3A_525 = arith.constant 0 : i32
        %dma_wait3A_526 = arith.constant 0 : i32
        %dma_wait3A_527 = tpu.memref_slice %arg4[%select_n3A_495, %dma_wait3A_524, %add3A_512, %dma_wait3A_525, %dma_wait3A_526] : memref<50x8x128x8x128xf32, #tpu.memory_space<hbm>> -> memref<1x8x1x8x128xf32, #tpu.memory_space<hbm>>
        %dma_wait3A_528 = tpu.memref_squeeze %dma_wait3A_527 : memref<1x8x1x8x128xf32, #tpu.memory_space<hbm>> -> memref<8x8x128xf32, #tpu.memory_space<hbm>>
        %dma_wait3A_529 = arith.constant 0 : i32
        %dma_wait3A_530 = arith.constant 0 : i32
        %dma_wait3A_531 = arith.constant 0 : i32
        %dma_wait3A_532 = tpu.memref_slice %arg7[%dma_wait3A_513, %dma_wait3A_529, %dma_wait3A_530, %dma_wait3A_531] : memref<2x8x8x129xf32, #tpu.memory_space<vmem>> -> memref<1x8x8x128xf32, #tpu.memory_space<vmem>>
        %dma_wait3A_533 = tpu.memref_squeeze %dma_wait3A_532 : memref<1x8x8x128xf32, #tpu.memory_space<vmem>> -> memref<8x8x128xf32, #tpu.memory_space<vmem>>
        tpu.wait_dma2 semaphore(%arg13 : memref<!tpu.dma_semaphore, #tpu.memory_space<semaphore_mem>>) src(%dma_wait3A_533 : memref<8x8x128xf32, #tpu.memory_space<vmem>>) dst(%dma_wait3A_528 : memref<8x8x128xf32, #tpu.memory_space<hbm>>)
      } else {
      }
      %parallel_loop3A_211 = arith.constant 0 : i32
      %parallel_loop3A_212 = arith.constant 128 : i32
      %parallel_loop3A_213 = arith.constant 1 : i32
      %parallel_loop3A_214 = arith.constant 1 : i32
      %parallel_loop3A_215 = arith.constant 1 : i32
      scf.for %parallel_loop3A_472 = %parallel_loop3A_211 to %parallel_loop3A_212 step %parallel_loop3A_213  : i32 {
        %parallel_loop3A_473 = vector.broadcast %parallel_loop3A_472 : i32 to vector<16xi32>
        %parallel_loop3A_474 = arith.constant 0 : i32
        %parallel_loop3A_475 = arith.constant 0 : i32
        %parallel_loop3A_476 = tpu.memref_slice %arg6[%parallel_loop3A_214, %parallel_loop3A_474, %parallel_loop3A_475] : memref<4x128x64xf32, #tpu.memory_space<vmem>> -> memref<1x128x64xf32, #tpu.memory_space<vmem>>
        %parallel_loop3A_477 = tpu.memref_squeeze %parallel_loop3A_476 : memref<1x128x64xf32, #tpu.memory_space<vmem>> -> memref<128x64xf32, #tpu.memory_space<vmem>>
        %parallel_loop3A_478 = arith.index_cast %parallel_loop3A_472 : i32 to index
        %parallel_loop3A_479 = arith.constant 0 : index
        %parallel_loop3A_480 = tpu.vector_load %parallel_loop3A_477[%parallel_loop3A_478, %parallel_loop3A_479] {strides = array<i32>} : memref<128x64xf32, #tpu.memory_space<vmem>>, vector<16xf32>,
        %parallel_loop3A_481 = arith.constant 8.000000e+00 : f32
        %parallel_loop3A_482 = vector.broadcast %parallel_loop3A_481 : f32 to vector<16xf32>
        %parallel_loop3A_483 = arith.mulf %parallel_loop3A_480, %parallel_loop3A_482 : vector<16xf32>
        %parallel_loop3A_484 = arith.constant 0 : i32
        %parallel_loop3A_485 = vector.broadcast %parallel_loop3A_484 : i32 to vector<16xi32>
        %parallel_loop3A_486 = arith.addi %shift_right_arithmetic3A_6, %parallel_loop3A_485 : vector<16xi32>
        %parallel_loop3A_487 = arith.constant 0 : i32
        %parallel_loop3A_488 = arith.constant 0 : i32
        %parallel_loop3A_489 = arith.constant 0 : i32
        %parallel_loop3A_490 = tpu.memref_slice %arg7[%parallel_loop3A_215, %parallel_loop3A_487, %parallel_loop3A_488, %parallel_loop3A_489] : memref<2x8x8x129xf32, #tpu.memory_space<vmem>> -> memref<1x8x8x129xf32, #tpu.memory_space<vmem>>
        %parallel_loop3A_491 = tpu.memref_squeeze %parallel_loop3A_490 : memref<1x8x8x129xf32, #tpu.memory_space<vmem>> -> memref<8x8x129xf32, #tpu.memory_space<vmem>>
        tpu.vector_store_idx %parallel_loop3A_491[%parallel_loop3A_486, %and3A_8, %parallel_loop3A_473], %parallel_loop3A_483 : memref<8x8x129xf32, #tpu.memory_space<vmem>>[vector<16xi32>, vector<16xi32>, vector<16xi32>], vector<16xf32>,
        %parallel_loop3A_492 = arith.constant 0 : i32
        %parallel_loop3A_493 = arith.constant 0 : i32
        %parallel_loop3A_494 = tpu.memref_slice %arg6[%parallel_loop3A_214, %parallel_loop3A_492, %parallel_loop3A_493] : memref<4x128x64xf32, #tpu.memory_space<vmem>> -> memref<1x128x64xf32, #tpu.memory_space<vmem>>
        %parallel_loop3A_495 = tpu.memref_squeeze %parallel_loop3A_494 : memref<1x128x64xf32, #tpu.memory_space<vmem>> -> memref<128x64xf32, #tpu.memory_space<vmem>>
        %parallel_loop3A_496 = arith.index_cast %parallel_loop3A_472 : i32 to index
        %parallel_loop3A_497 = arith.constant 16 : index
        %parallel_loop3A_498 = tpu.vector_load %parallel_loop3A_495[%parallel_loop3A_496, %parallel_loop3A_497] {strides = array<i32>} : memref<128x64xf32, #tpu.memory_space<vmem>>, vector<16xf32>,
        %parallel_loop3A_499 = arith.constant 8.000000e+00 : f32
        %parallel_loop3A_500 = vector.broadcast %parallel_loop3A_499 : f32 to vector<16xf32>
        %parallel_loop3A_501 = arith.mulf %parallel_loop3A_498, %parallel_loop3A_500 : vector<16xf32>
        %parallel_loop3A_502 = arith.constant 2 : i32
        %parallel_loop3A_503 = vector.broadcast %parallel_loop3A_502 : i32 to vector<16xi32>
        %parallel_loop3A_504 = arith.addi %shift_right_arithmetic3A_6, %parallel_loop3A_503 : vector<16xi32>
        %parallel_loop3A_505 = arith.constant 0 : i32
        %parallel_loop3A_506 = arith.constant 0 : i32
        %parallel_loop3A_507 = arith.constant 0 : i32
        %parallel_loop3A_508 = tpu.memref_slice %arg7[%parallel_loop3A_215, %parallel_loop3A_505, %parallel_loop3A_506, %parallel_loop3A_507] : memref<2x8x8x129xf32, #tpu.memory_space<vmem>> -> memref<1x8x8x129xf32, #tpu.memory_space<vmem>>
        %parallel_loop3A_509 = tpu.memref_squeeze %parallel_loop3A_508 : memref<1x8x8x129xf32, #tpu.memory_space<vmem>> -> memref<8x8x129xf32, #tpu.memory_space<vmem>>
        tpu.vector_store_idx %parallel_loop3A_509[%parallel_loop3A_504, %and3A_8, %parallel_loop3A_473], %parallel_loop3A_501 : memref<8x8x129xf32, #tpu.memory_space<vmem>>[vector<16xi32>, vector<16xi32>, vector<16xi32>], vector<16xf32>,
        %parallel_loop3A_510 = arith.constant 0 : i32
        %parallel_loop3A_511 = arith.constant 0 : i32
        %parallel_loop3A_512 = tpu.memref_slice %arg6[%parallel_loop3A_214, %parallel_loop3A_510, %parallel_loop3A_511] : memref<4x128x64xf32, #tpu.memory_space<vmem>> -> memref<1x128x64xf32, #tpu.memory_space<vmem>>
        %parallel_loop3A_513 = tpu.memref_squeeze %parallel_loop3A_512 : memref<1x128x64xf32, #tpu.memory_space<vmem>> -> memref<128x64xf32, #tpu.memory_space<vmem>>
        %parallel_loop3A_514 = arith.index_cast %parallel_loop3A_472 : i32 to index
        %parallel_loop3A_515 = arith.constant 32 : index
        %parallel_loop3A_516 = tpu.vector_load %parallel_loop3A_513[%parallel_loop3A_514, %parallel_loop3A_515] {strides = array<i32>} : memref<128x64xf32, #tpu.memory_space<vmem>>, vector<16xf32>,
        %parallel_loop3A_517 = arith.constant 8.000000e+00 : f32
        %parallel_loop3A_518 = vector.broadcast %parallel_loop3A_517 : f32 to vector<16xf32>
        %parallel_loop3A_519 = arith.mulf %parallel_loop3A_516, %parallel_loop3A_518 : vector<16xf32>
        %parallel_loop3A_520 = arith.constant 4 : i32
        %parallel_loop3A_521 = vector.broadcast %parallel_loop3A_520 : i32 to vector<16xi32>
        %parallel_loop3A_522 = arith.addi %shift_right_arithmetic3A_6, %parallel_loop3A_521 : vector<16xi32>
        %parallel_loop3A_523 = arith.constant 0 : i32
        %parallel_loop3A_524 = arith.constant 0 : i32
        %parallel_loop3A_525 = arith.constant 0 : i32
        %parallel_loop3A_526 = tpu.memref_slice %arg7[%parallel_loop3A_215, %parallel_loop3A_523, %parallel_loop3A_524, %parallel_loop3A_525] : memref<2x8x8x129xf32, #tpu.memory_space<vmem>> -> memref<1x8x8x129xf32, #tpu.memory_space<vmem>>
        %parallel_loop3A_527 = tpu.memref_squeeze %parallel_loop3A_526 : memref<1x8x8x129xf32, #tpu.memory_space<vmem>> -> memref<8x8x129xf32, #tpu.memory_space<vmem>>
        tpu.vector_store_idx %parallel_loop3A_527[%parallel_loop3A_522, %and3A_8, %parallel_loop3A_473], %parallel_loop3A_519 : memref<8x8x129xf32, #tpu.memory_space<vmem>>[vector<16xi32>, vector<16xi32>, vector<16xi32>], vector<16xf32>,
        %parallel_loop3A_528 = arith.constant 0 : i32
        %parallel_loop3A_529 = arith.constant 0 : i32
        %parallel_loop3A_530 = tpu.memref_slice %arg6[%parallel_loop3A_214, %parallel_loop3A_528, %parallel_loop3A_529] : memref<4x128x64xf32, #tpu.memory_space<vmem>> -> memref<1x128x64xf32, #tpu.memory_space<vmem>>
        %parallel_loop3A_531 = tpu.memref_squeeze %parallel_loop3A_530 : memref<1x128x64xf32, #tpu.memory_space<vmem>> -> memref<128x64xf32, #tpu.memory_space<vmem>>
        %parallel_loop3A_532 = arith.index_cast %parallel_loop3A_472 : i32 to index
        %parallel_loop3A_533 = arith.constant 48 : index
        %parallel_loop3A_534 = tpu.vector_load %parallel_loop3A_531[%parallel_loop3A_532, %parallel_loop3A_533] {strides = array<i32>} : memref<128x64xf32, #tpu.memory_space<vmem>>, vector<16xf32>,
        %parallel_loop3A_535 = arith.constant 8.000000e+00 : f32
        %parallel_loop3A_536 = vector.broadcast %parallel_loop3A_535 : f32 to vector<16xf32>
        %parallel_loop3A_537 = arith.mulf %parallel_loop3A_534, %parallel_loop3A_536 : vector<16xf32>
        %parallel_loop3A_538 = arith.constant 6 : i32
        %parallel_loop3A_539 = vector.broadcast %parallel_loop3A_538 : i32 to vector<16xi32>
        %parallel_loop3A_540 = arith.addi %shift_right_arithmetic3A_6, %parallel_loop3A_539 : vector<16xi32>
        %parallel_loop3A_541 = arith.constant 0 : i32
        %parallel_loop3A_542 = arith.constant 0 : i32
        %parallel_loop3A_543 = arith.constant 0 : i32
        %parallel_loop3A_544 = tpu.memref_slice %arg7[%parallel_loop3A_215, %parallel_loop3A_541, %parallel_loop3A_542, %parallel_loop3A_543] : memref<2x8x8x129xf32, #tpu.memory_space<vmem>> -> memref<1x8x8x129xf32, #tpu.memory_space<vmem>>
        %parallel_loop3A_545 = tpu.memref_squeeze %parallel_loop3A_544 : memref<1x8x8x129xf32, #tpu.memory_space<vmem>> -> memref<8x8x129xf32, #tpu.memory_space<vmem>>
        tpu.vector_store_idx %parallel_loop3A_545[%parallel_loop3A_540, %and3A_8, %parallel_loop3A_473], %parallel_loop3A_537 : memref<8x8x129xf32, #tpu.memory_space<vmem>>[vector<16xi32>, vector<16xi32>, vector<16xi32>], vector<16xf32>,
      } {sc.loop_unroll_factor = 8 : i64, sc.parallel_access}
      %jit3A_216 = arith.constant 4 : i32
      %div3A_217 = arith.divsi %add3A_184, %jit3A_216 : i32
      %sign3A_218 = arith.constant 0 : i32
      %sign3A_219 = arith.cmpi sgt, %add3A_184, %sign3A_218 : i32
      %sign3A_220 = arith.extui %sign3A_219 : i1 to i32
      %sign3A_221 = arith.constant 0 : i32
      %sign3A_222 = arith.cmpi slt, %add3A_184, %sign3A_221 : i32
      %sign3A_223 = arith.extui %sign3A_222 : i1 to i32
      %sign3A_224 = arith.subi %sign3A_220, %sign3A_223 : i32
      %sign3A_225 = arith.constant 0 : i32
      %sign3A_226 = arith.cmpi sgt, %jit3A_216, %sign3A_225 : i32
      %sign3A_227 = arith.extui %sign3A_226 : i1 to i32
      %sign3A_228 = arith.constant 0 : i32
      %sign3A_229 = arith.cmpi slt, %jit3A_216, %sign3A_228 : i32
      %sign3A_230 = arith.extui %sign3A_229 : i1 to i32
      %sign3A_231 = arith.subi %sign3A_227, %sign3A_230 : i32
      %ne3A_232 = arith.cmpi ne, %sign3A_224, %sign3A_231 : i32
      %rem3A_233 = arith.remsi %add3A_184, %jit3A_216 : i32
      %ne3A_234 = arith.constant 0 : i32
      %ne3A_235 = arith.cmpi ne, %rem3A_233, %ne3A_234 : i32
      %and3A_236 = arith.andi %ne3A_232, %ne3A_235 : i1
      %sub3A_237 = arith.constant 1 : i32
      %sub3A_238 = arith.subi %div3A_217, %sub3A_237 : i32
      %select_n3A_239 = arith.select %and3A_236, %sub3A_238, %div3A_217 : i32
      %jit3A_240 = arith.constant 4 : i32
      %eq3A_241 = arith.constant 0 : i32
      %eq3A_242 = arith.cmpi eq, %jit3A_240, %eq3A_241 : i32
      %jit3A_243 = arith.constant 1 : i32
      %select_n3A_244 = arith.select %eq3A_242, %jit3A_243, %jit3A_240 : i32
      %rem3A_245 = arith.remsi %add3A_184, %select_n3A_244 : i32
      %ne3A_246 = arith.constant 0 : i32
      %ne3A_247 = arith.cmpi ne, %rem3A_245, %ne3A_246 : i32
      %lt3A_248 = arith.constant 0 : i32
      %lt3A_249 = arith.cmpi slt, %rem3A_245, %lt3A_248 : i32
      %lt3A_250 = arith.constant 0 : i32
      %lt3A_251 = arith.cmpi slt, %select_n3A_244, %lt3A_250 : i32
      %ne3A_252 = arith.xori %lt3A_249, %lt3A_251 : i1
      %and3A_253 = arith.andi %ne3A_252, %ne3A_247 : i1
      %add3A_254 = arith.addi %rem3A_245, %select_n3A_244 : i32
      %select_n3A_255 = arith.select %and3A_253, %add3A_254, %rem3A_245 : i32
      %add3A_256 = arith.addi %mul3A_4, %select_n3A_255 : i32
      %dma_start3A_257 = arith.constant 1 : i32
      %dma_start3A_258 = arith.constant 0 : i32
      %dma_start3A_259 = arith.constant 0 : i32
      %dma_start3A_260 = arith.constant 0 : i32
      %dma_start3A_261 = tpu.memref_slice %arg7[%dma_start3A_257, %dma_start3A_258, %dma_start3A_259, %dma_start3A_260] : memref<2x8x8x129xf32, #tpu.memory_space<vmem>> -> memref<1x8x8x128xf32, #tpu.memory_space<vmem>>
      %dma_start3A_262 = tpu.memref_squeeze %dma_start3A_261 : memref<1x8x8x128xf32, #tpu.memory_space<vmem>> -> memref<8x8x128xf32, #tpu.memory_space<vmem>>
      %dma_start3A_263 = arith.constant 0 : i32
      %dma_start3A_264 = arith.constant 0 : i32
      %dma_start3A_265 = arith.constant 0 : i32
      %dma_start3A_266 = tpu.memref_slice %arg4[%select_n3A_239, %dma_start3A_263, %add3A_256, %dma_start3A_264, %dma_start3A_265] : memref<50x8x128x8x128xf32, #tpu.memory_space<hbm>> -> memref<1x8x1x8x128xf32, #tpu.memory_space<hbm>>
      %dma_start3A_267 = tpu.memref_squeeze %dma_start3A_266 : memref<1x8x1x8x128xf32, #tpu.memory_space<hbm>> -> memref<8x8x128xf32, #tpu.memory_space<hbm>>
      %dma_start3A_268 = arith.constant 0 : i32
      %dma_start3A_269 = arith.constant 0 : i32
      %dma_start3A_270 = arith.constant 0 : i32
      %dma_start3A_271 = tpu.memref_slice %arg4[%select_n3A_239, %dma_start3A_268, %add3A_256, %dma_start3A_269, %dma_start3A_270] : memref<50x8x128x8x128xf32, #tpu.memory_space<hbm>> -> memref<1x8x1x8x128xf32, #tpu.memory_space<hbm>>
      %dma_start3A_272 = tpu.memref_squeeze %dma_start3A_271 : memref<1x8x1x8x128xf32, #tpu.memory_space<hbm>> -> memref<8x8x128xf32, #tpu.memory_space<hbm>>
      %dma_start3A_273 = arith.constant 0 : i32
      %dma_start3A_274 = arith.constant 0 : i32
      %dma_start3A_275 = arith.constant 0 : i32
      %dma_start3A_276 = tpu.memref_slice %arg7[%dma_start3A_257, %dma_start3A_273, %dma_start3A_274, %dma_start3A_275] : memref<2x8x8x129xf32, #tpu.memory_space<vmem>> -> memref<1x8x8x128xf32, #tpu.memory_space<vmem>>
      %dma_start3A_277 = tpu.memref_squeeze %dma_start3A_276 : memref<1x8x8x128xf32, #tpu.memory_space<vmem>> -> memref<8x8x128xf32, #tpu.memory_space<vmem>>
      tpu.enqueue_dma source(%dma_start3A_277 : memref<8x8x128xf32, #tpu.memory_space<vmem>>) target(%dma_start3A_272 : memref<8x8x128xf32, #tpu.memory_space<hbm>>) target_semaphore(%arg13 : memref<!tpu.dma_semaphore, #tpu.memory_space<semaphore_mem>>)
      %mul3A_278 = arith.constant 4 : i32
      %mul3A_279 = arith.muli %scan3A_96, %mul3A_278 : i32
      %add3A_280 = arith.constant 2 : i32
      %add3A_281 = arith.addi %mul3A_279, %add3A_280 : i32
      %add3A_282 = arith.constant 4 : i32
      %add3A_283 = arith.addi %add3A_281, %add3A_282 : i32
      %sub3A_284 = arith.constant 1 : i32
      %sub3A_285 = arith.subi %add3A_283, %sub3A_284 : i32
      %lt3A_286 = arith.constant 200 : i32
      %lt3A_287 = arith.cmpi slt, %sub3A_285, %lt3A_286 : i32
      %convert_element_type3A_288 = arith.extui %lt3A_287 : i1 to i32
      %cond3A_289 = arith.constant 0 : i32
      %cond3A_290 = arith.cmpi ne, %convert_element_type3A_288, %cond3A_289 : i32
      scf.if %cond3A_290 {
        %add3A_472 = arith.constant 4 : i32
        %add3A_473 = arith.addi %add3A_281, %add3A_472 : i32
        %sub3A_474 = arith.constant 1 : i32
        %sub3A_475 = arith.subi %add3A_473, %sub3A_474 : i32
        %jit3A_476 = arith.constant 4 : i32
        %div3A_477 = arith.divsi %sub3A_475, %jit3A_476 : i32
        %sign3A_478 = arith.constant 0 : i32
        %sign3A_479 = arith.cmpi sgt, %sub3A_475, %sign3A_478 : i32
        %sign3A_480 = arith.extui %sign3A_479 : i1 to i32
        %sign3A_481 = arith.constant 0 : i32
        %sign3A_482 = arith.cmpi slt, %sub3A_475, %sign3A_481 : i32
        %sign3A_483 = arith.extui %sign3A_482 : i1 to i32
        %sign3A_484 = arith.subi %sign3A_480, %sign3A_483 : i32
        %sign3A_485 = arith.constant 0 : i32
        %sign3A_486 = arith.cmpi sgt, %jit3A_476, %sign3A_485 : i32
        %sign3A_487 = arith.extui %sign3A_486 : i1 to i32
        %sign3A_488 = arith.constant 0 : i32
        %sign3A_489 = arith.cmpi slt, %jit3A_476, %sign3A_488 : i32
        %sign3A_490 = arith.extui %sign3A_489 : i1 to i32
        %sign3A_491 = arith.subi %sign3A_487, %sign3A_490 : i32
        %ne3A_492 = arith.cmpi ne, %sign3A_484, %sign3A_491 : i32
        %rem3A_493 = arith.remsi %sub3A_475, %jit3A_476 : i32
        %ne3A_494 = arith.constant 0 : i32
        %ne3A_495 = arith.cmpi ne, %rem3A_493, %ne3A_494 : i32
        %and3A_496 = arith.andi %ne3A_492, %ne3A_495 : i1
        %sub3A_497 = arith.constant 1 : i32
        %sub3A_498 = arith.subi %div3A_477, %sub3A_497 : i32
        %select_n3A_499 = arith.select %and3A_496, %sub3A_498, %div3A_477 : i32
        %jit3A_500 = arith.constant 4 : i32
        %eq3A_501 = arith.constant 0 : i32
        %eq3A_502 = arith.cmpi eq, %jit3A_500, %eq3A_501 : i32
        %jit3A_503 = arith.constant 1 : i32
        %select_n3A_504 = arith.select %eq3A_502, %jit3A_503, %jit3A_500 : i32
        %rem3A_505 = arith.remsi %sub3A_475, %select_n3A_504 : i32
        %ne3A_506 = arith.constant 0 : i32
        %ne3A_507 = arith.cmpi ne, %rem3A_505, %ne3A_506 : i32
        %lt3A_508 = arith.constant 0 : i32
        %lt3A_509 = arith.cmpi slt, %rem3A_505, %lt3A_508 : i32
        %lt3A_510 = arith.constant 0 : i32
        %lt3A_511 = arith.cmpi slt, %select_n3A_504, %lt3A_510 : i32
        %ne3A_512 = arith.xori %lt3A_509, %lt3A_511 : i1
        %and3A_513 = arith.andi %ne3A_512, %ne3A_507 : i1
        %add3A_514 = arith.addi %rem3A_505, %select_n3A_504 : i32
        %select_n3A_515 = arith.select %and3A_513, %add3A_514, %rem3A_505 : i32
        %mul3A_516 = arith.constant 128 : i32
        %mul3A_517 = arith.muli %select_n3A_515, %mul3A_516 : i32
        %dma_start3A_518 = arith.constant 1 : i32
        %dma_start3A_519 = arith.constant 0 : i32
        %dma_start3A_520 = arith.constant 0 : i32
        %dma_start3A_521 = tpu.memref_slice %arg6[%dma_start3A_518, %dma_start3A_519, %dma_start3A_520] : memref<4x128x64xf32, #tpu.memory_space<vmem>> -> memref<1x128x64xf32, #tpu.memory_space<vmem>>
        %dma_start3A_522 = tpu.memref_squeeze %dma_start3A_521 : memref<1x128x64xf32, #tpu.memory_space<vmem>> -> memref<128x64xf32, #tpu.memory_space<vmem>>
        %dma_start3A_523 = tpu.memref_slice %arg5[%select_n3A_499, %mul3A_517] : memref<50x512xi32, #tpu.memory_space<vmem>> -> memref<1x128xi32, #tpu.memory_space<vmem>>
        %dma_start3A_524 = tpu.memref_squeeze %dma_start3A_523 : memref<1x128xi32, #tpu.memory_space<vmem>> -> memref<128xi32, #tpu.memory_space<vmem>>
        %dma_start3A_525 = arith.constant 0 : i32
        %dma_start3A_526 = arith.constant 0 : i32
        %dma_start3A_527 = tpu.memref_slice %arg3[%dma_start3A_525, %dma_start3A_526] : memref<1000064x64xf32, #tpu.memory_space<hbm>> -> memref<1000064x64xf32, #tpu.memory_space<hbm>>
        tpu.enqueue_indirect_dma source(%dma_start3A_527 : memref<1000064x64xf32, #tpu.memory_space<hbm>>) target(%dma_start3A_522 : memref<128x64xf32, #tpu.memory_space<vmem>>) offsets(%dma_start3A_524 : memref<128xi32, #tpu.memory_space<vmem>>) semaphore(%arg9 : memref<!tpu.dma_semaphore, #tpu.memory_space<semaphore_mem>>)
      } else {
      }
      %dma_wait3A_291 = arith.constant 0 : i32
      %dma_wait3A_292 = arith.constant 2 : i32
      %dma_wait3A_293 = arith.constant 0 : i32
      %dma_wait3A_294 = arith.constant 0 : i32
      %dma_wait3A_295 = tpu.memref_slice %arg6[%dma_wait3A_292, %dma_wait3A_293, %dma_wait3A_294] : memref<4x128x64xf32, #tpu.memory_space<vmem>> -> memref<1x128x64xf32, #tpu.memory_space<vmem>>
      %dma_wait3A_296 = tpu.memref_squeeze %dma_wait3A_295 : memref<1x128x64xf32, #tpu.memory_space<vmem>> -> memref<128x64xf32, #tpu.memory_space<vmem>>
      %dma_wait3A_297 = arith.constant 0 : i32
      %dma_wait3A_298 = tpu.memref_slice %arg5[%dma_wait3A_291, %dma_wait3A_297] : memref<50x512xi32, #tpu.memory_space<vmem>> -> memref<1x128xi32, #tpu.memory_space<vmem>>
      %dma_wait3A_299 = tpu.memref_squeeze %dma_wait3A_298 : memref<1x128xi32, #tpu.memory_space<vmem>> -> memref<128xi32, #tpu.memory_space<vmem>>
      %dma_wait3A_300 = arith.constant 0 : i32
      %dma_wait3A_301 = arith.constant 0 : i32
      %dma_wait3A_302 = tpu.memref_slice %arg3[%dma_wait3A_300, %dma_wait3A_301] : memref<1000064x64xf32, #tpu.memory_space<hbm>> -> memref<1000064x64xf32, #tpu.memory_space<hbm>>
      tpu.wait_indirect_dma semaphore(%arg10 : memref<!tpu.dma_semaphore, #tpu.memory_space<semaphore_mem>>) src(%dma_wait3A_302 : memref<1000064x64xf32, #tpu.memory_space<hbm>>) dst(%dma_wait3A_296 : memref<128x64xf32, #tpu.memory_space<vmem>>)
      %ge3A_303 = arith.constant 2 : i32
      %ge3A_304 = arith.cmpi sge, %add3A_281, %ge3A_303 : i32
      %convert_element_type3A_305 = arith.extui %ge3A_304 : i1 to i32
      %cond3A_306 = arith.constant 0 : i32
      %cond3A_307 = arith.cmpi ne, %convert_element_type3A_305, %cond3A_306 : i32
      scf.if %cond3A_307 {
        %jit3A_472 = arith.constant 4 : i32
        %div3A_473 = arith.divsi %add3A_281, %jit3A_472 : i32
        %sign3A_474 = arith.constant 0 : i32
        %sign3A_475 = arith.cmpi sgt, %add3A_281, %sign3A_474 : i32
        %sign3A_476 = arith.extui %sign3A_475 : i1 to i32
        %sign3A_477 = arith.constant 0 : i32
        %sign3A_478 = arith.cmpi slt, %add3A_281, %sign3A_477 : i32
        %sign3A_479 = arith.extui %sign3A_478 : i1 to i32
        %sign3A_480 = arith.subi %sign3A_476, %sign3A_479 : i32
        %sign3A_481 = arith.constant 0 : i32
        %sign3A_482 = arith.cmpi sgt, %jit3A_472, %sign3A_481 : i32
        %sign3A_483 = arith.extui %sign3A_482 : i1 to i32
        %sign3A_484 = arith.constant 0 : i32
        %sign3A_485 = arith.cmpi slt, %jit3A_472, %sign3A_484 : i32
        %sign3A_486 = arith.extui %sign3A_485 : i1 to i32
        %sign3A_487 = arith.subi %sign3A_483, %sign3A_486 : i32
        %ne3A_488 = arith.cmpi ne, %sign3A_480, %sign3A_487 : i32
        %rem3A_489 = arith.remsi %add3A_281, %jit3A_472 : i32
        %ne3A_490 = arith.constant 0 : i32
        %ne3A_491 = arith.cmpi ne, %rem3A_489, %ne3A_490 : i32
        %and3A_492 = arith.andi %ne3A_488, %ne3A_491 : i1
        %sub3A_493 = arith.constant 1 : i32
        %sub3A_494 = arith.subi %div3A_473, %sub3A_493 : i32
        %select_n3A_495 = arith.select %and3A_492, %sub3A_494, %div3A_473 : i32
        %jit3A_496 = arith.constant 4 : i32
        %eq3A_497 = arith.constant 0 : i32
        %eq3A_498 = arith.cmpi eq, %jit3A_496, %eq3A_497 : i32
        %jit3A_499 = arith.constant 1 : i32
        %select_n3A_500 = arith.select %eq3A_498, %jit3A_499, %jit3A_496 : i32
        %rem3A_501 = arith.remsi %add3A_281, %select_n3A_500 : i32
        %ne3A_502 = arith.constant 0 : i32
        %ne3A_503 = arith.cmpi ne, %rem3A_501, %ne3A_502 : i32
        %lt3A_504 = arith.constant 0 : i32
        %lt3A_505 = arith.cmpi slt, %rem3A_501, %lt3A_504 : i32
        %lt3A_506 = arith.constant 0 : i32
        %lt3A_507 = arith.cmpi slt, %select_n3A_500, %lt3A_506 : i32
        %ne3A_508 = arith.xori %lt3A_505, %lt3A_507 : i1
        %and3A_509 = arith.andi %ne3A_508, %ne3A_503 : i1
        %add3A_510 = arith.addi %rem3A_501, %select_n3A_500 : i32
        %select_n3A_511 = arith.select %and3A_509, %add3A_510, %rem3A_501 : i32
        %add3A_512 = arith.addi %mul3A_4, %select_n3A_511 : i32
        %dma_wait3A_513 = arith.constant 0 : i32
        %dma_wait3A_514 = arith.constant 0 : i32
        %dma_wait3A_515 = arith.constant 0 : i32
        %dma_wait3A_516 = arith.constant 0 : i32
        %dma_wait3A_517 = tpu.memref_slice %arg7[%dma_wait3A_513, %dma_wait3A_514, %dma_wait3A_515, %dma_wait3A_516] : memref<2x8x8x129xf32, #tpu.memory_space<vmem>> -> memref<1x8x8x128xf32, #tpu.memory_space<vmem>>
        %dma_wait3A_518 = tpu.memref_squeeze %dma_wait3A_517 : memref<1x8x8x128xf32, #tpu.memory_space<vmem>> -> memref<8x8x128xf32, #tpu.memory_space<vmem>>
        %dma_wait3A_519 = arith.constant 0 : i32
        %dma_wait3A_520 = arith.constant 0 : i32
        %dma_wait3A_521 = arith.constant 0 : i32
        %dma_wait3A_522 = tpu.memref_slice %arg4[%select_n3A_495, %dma_wait3A_519, %add3A_512, %dma_wait3A_520, %dma_wait3A_521] : memref<50x8x128x8x128xf32, #tpu.memory_space<hbm>> -> memref<1x8x1x8x128xf32, #tpu.memory_space<hbm>>
        %dma_wait3A_523 = tpu.memref_squeeze %dma_wait3A_522 : memref<1x8x1x8x128xf32, #tpu.memory_space<hbm>> -> memref<8x8x128xf32, #tpu.memory_space<hbm>>
        %dma_wait3A_524 = arith.constant 0 : i32
        %dma_wait3A_525 = arith.constant 0 : i32
        %dma_wait3A_526 = arith.constant 0 : i32
        %dma_wait3A_527 = tpu.memref_slice %arg4[%select_n3A_495, %dma_wait3A_524, %add3A_512, %dma_wait3A_525, %dma_wait3A_526] : memref<50x8x128x8x128xf32, #tpu.memory_space<hbm>> -> memref<1x8x1x8x128xf32, #tpu.memory_space<hbm>>
        %dma_wait3A_528 = tpu.memref_squeeze %dma_wait3A_527 : memref<1x8x1x8x128xf32, #tpu.memory_space<hbm>> -> memref<8x8x128xf32, #tpu.memory_space<hbm>>
        %dma_wait3A_529 = arith.constant 0 : i32
        %dma_wait3A_530 = arith.constant 0 : i32
        %dma_wait3A_531 = arith.constant 0 : i32
        %dma_wait3A_532 = tpu.memref_slice %arg7[%dma_wait3A_513, %dma_wait3A_529, %dma_wait3A_530, %dma_wait3A_531] : memref<2x8x8x129xf32, #tpu.memory_space<vmem>> -> memref<1x8x8x128xf32, #tpu.memory_space<vmem>>
        %dma_wait3A_533 = tpu.memref_squeeze %dma_wait3A_532 : memref<1x8x8x128xf32, #tpu.memory_space<vmem>> -> memref<8x8x128xf32, #tpu.memory_space<vmem>>
        tpu.wait_dma2 semaphore(%arg12 : memref<!tpu.dma_semaphore, #tpu.memory_space<semaphore_mem>>) src(%dma_wait3A_533 : memref<8x8x128xf32, #tpu.memory_space<vmem>>) dst(%dma_wait3A_528 : memref<8x8x128xf32, #tpu.memory_space<hbm>>)
      } else {
      }
      %parallel_loop3A_308 = arith.constant 0 : i32
      %parallel_loop3A_309 = arith.constant 128 : i32
      %parallel_loop3A_310 = arith.constant 1 : i32
      %parallel_loop3A_311 = arith.constant 2 : i32
      %parallel_loop3A_312 = arith.constant 0 : i32
      scf.for %parallel_loop3A_472 = %parallel_loop3A_308 to %parallel_loop3A_309 step %parallel_loop3A_310  : i32 {
        %parallel_loop3A_473 = vector.broadcast %parallel_loop3A_472 : i32 to vector<16xi32>
        %parallel_loop3A_474 = arith.constant 0 : i32
        %parallel_loop3A_475 = arith.constant 0 : i32
        %parallel_loop3A_476 = tpu.memref_slice %arg6[%parallel_loop3A_311, %parallel_loop3A_474, %parallel_loop3A_475] : memref<4x128x64xf32, #tpu.memory_space<vmem>> -> memref<1x128x64xf32, #tpu.memory_space<vmem>>
        %parallel_loop3A_477 = tpu.memref_squeeze %parallel_loop3A_476 : memref<1x128x64xf32, #tpu.memory_space<vmem>> -> memref<128x64xf32, #tpu.memory_space<vmem>>
        %parallel_loop3A_478 = arith.index_cast %parallel_loop3A_472 : i32 to index
        %parallel_loop3A_479 = arith.constant 0 : index
        %parallel_loop3A_480 = tpu.vector_load %parallel_loop3A_477[%parallel_loop3A_478, %parallel_loop3A_479] {strides = array<i32>} : memref<128x64xf32, #tpu.memory_space<vmem>>, vector<16xf32>,
        %parallel_loop3A_481 = arith.constant 8.000000e+00 : f32
        %parallel_loop3A_482 = vector.broadcast %parallel_loop3A_481 : f32 to vector<16xf32>
        %parallel_loop3A_483 = arith.mulf %parallel_loop3A_480, %parallel_loop3A_482 : vector<16xf32>
        %parallel_loop3A_484 = arith.constant 0 : i32
        %parallel_loop3A_485 = vector.broadcast %parallel_loop3A_484 : i32 to vector<16xi32>
        %parallel_loop3A_486 = arith.addi %shift_right_arithmetic3A_6, %parallel_loop3A_485 : vector<16xi32>
        %parallel_loop3A_487 = arith.constant 0 : i32
        %parallel_loop3A_488 = arith.constant 0 : i32
        %parallel_loop3A_489 = arith.constant 0 : i32
        %parallel_loop3A_490 = tpu.memref_slice %arg7[%parallel_loop3A_312, %parallel_loop3A_487, %parallel_loop3A_488, %parallel_loop3A_489] : memref<2x8x8x129xf32, #tpu.memory_space<vmem>> -> memref<1x8x8x129xf32, #tpu.memory_space<vmem>>
        %parallel_loop3A_491 = tpu.memref_squeeze %parallel_loop3A_490 : memref<1x8x8x129xf32, #tpu.memory_space<vmem>> -> memref<8x8x129xf32, #tpu.memory_space<vmem>>
        tpu.vector_store_idx %parallel_loop3A_491[%parallel_loop3A_486, %and3A_8, %parallel_loop3A_473], %parallel_loop3A_483 : memref<8x8x129xf32, #tpu.memory_space<vmem>>[vector<16xi32>, vector<16xi32>, vector<16xi32>], vector<16xf32>,
        %parallel_loop3A_492 = arith.constant 0 : i32
        %parallel_loop3A_493 = arith.constant 0 : i32
        %parallel_loop3A_494 = tpu.memref_slice %arg6[%parallel_loop3A_311, %parallel_loop3A_492, %parallel_loop3A_493] : memref<4x128x64xf32, #tpu.memory_space<vmem>> -> memref<1x128x64xf32, #tpu.memory_space<vmem>>
        %parallel_loop3A_495 = tpu.memref_squeeze %parallel_loop3A_494 : memref<1x128x64xf32, #tpu.memory_space<vmem>> -> memref<128x64xf32, #tpu.memory_space<vmem>>
        %parallel_loop3A_496 = arith.index_cast %parallel_loop3A_472 : i32 to index
        %parallel_loop3A_497 = arith.constant 16 : index
        %parallel_loop3A_498 = tpu.vector_load %parallel_loop3A_495[%parallel_loop3A_496, %parallel_loop3A_497] {strides = array<i32>} : memref<128x64xf32, #tpu.memory_space<vmem>>, vector<16xf32>,
        %parallel_loop3A_499 = arith.constant 8.000000e+00 : f32
        %parallel_loop3A_500 = vector.broadcast %parallel_loop3A_499 : f32 to vector<16xf32>
        %parallel_loop3A_501 = arith.mulf %parallel_loop3A_498, %parallel_loop3A_500 : vector<16xf32>
        %parallel_loop3A_502 = arith.constant 2 : i32
        %parallel_loop3A_503 = vector.broadcast %parallel_loop3A_502 : i32 to vector<16xi32>
        %parallel_loop3A_504 = arith.addi %shift_right_arithmetic3A_6, %parallel_loop3A_503 : vector<16xi32>
        %parallel_loop3A_505 = arith.constant 0 : i32
        %parallel_loop3A_506 = arith.constant 0 : i32
        %parallel_loop3A_507 = arith.constant 0 : i32
        %parallel_loop3A_508 = tpu.memref_slice %arg7[%parallel_loop3A_312, %parallel_loop3A_505, %parallel_loop3A_506, %parallel_loop3A_507] : memref<2x8x8x129xf32, #tpu.memory_space<vmem>> -> memref<1x8x8x129xf32, #tpu.memory_space<vmem>>
        %parallel_loop3A_509 = tpu.memref_squeeze %parallel_loop3A_508 : memref<1x8x8x129xf32, #tpu.memory_space<vmem>> -> memref<8x8x129xf32, #tpu.memory_space<vmem>>
        tpu.vector_store_idx %parallel_loop3A_509[%parallel_loop3A_504, %and3A_8, %parallel_loop3A_473], %parallel_loop3A_501 : memref<8x8x129xf32, #tpu.memory_space<vmem>>[vector<16xi32>, vector<16xi32>, vector<16xi32>], vector<16xf32>,
        %parallel_loop3A_510 = arith.constant 0 : i32
        %parallel_loop3A_511 = arith.constant 0 : i32
        %parallel_loop3A_512 = tpu.memref_slice %arg6[%parallel_loop3A_311, %parallel_loop3A_510, %parallel_loop3A_511] : memref<4x128x64xf32, #tpu.memory_space<vmem>> -> memref<1x128x64xf32, #tpu.memory_space<vmem>>
        %parallel_loop3A_513 = tpu.memref_squeeze %parallel_loop3A_512 : memref<1x128x64xf32, #tpu.memory_space<vmem>> -> memref<128x64xf32, #tpu.memory_space<vmem>>
        %parallel_loop3A_514 = arith.index_cast %parallel_loop3A_472 : i32 to index
        %parallel_loop3A_515 = arith.constant 32 : index
        %parallel_loop3A_516 = tpu.vector_load %parallel_loop3A_513[%parallel_loop3A_514, %parallel_loop3A_515] {strides = array<i32>} : memref<128x64xf32, #tpu.memory_space<vmem>>, vector<16xf32>,
        %parallel_loop3A_517 = arith.constant 8.000000e+00 : f32
        %parallel_loop3A_518 = vector.broadcast %parallel_loop3A_517 : f32 to vector<16xf32>
        %parallel_loop3A_519 = arith.mulf %parallel_loop3A_516, %parallel_loop3A_518 : vector<16xf32>
        %parallel_loop3A_520 = arith.constant 4 : i32
        %parallel_loop3A_521 = vector.broadcast %parallel_loop3A_520 : i32 to vector<16xi32>
        %parallel_loop3A_522 = arith.addi %shift_right_arithmetic3A_6, %parallel_loop3A_521 : vector<16xi32>
        %parallel_loop3A_523 = arith.constant 0 : i32
        %parallel_loop3A_524 = arith.constant 0 : i32
        %parallel_loop3A_525 = arith.constant 0 : i32
        %parallel_loop3A_526 = tpu.memref_slice %arg7[%parallel_loop3A_312, %parallel_loop3A_523, %parallel_loop3A_524, %parallel_loop3A_525] : memref<2x8x8x129xf32, #tpu.memory_space<vmem>> -> memref<1x8x8x129xf32, #tpu.memory_space<vmem>>
        %parallel_loop3A_527 = tpu.memref_squeeze %parallel_loop3A_526 : memref<1x8x8x129xf32, #tpu.memory_space<vmem>> -> memref<8x8x129xf32, #tpu.memory_space<vmem>>
        tpu.vector_store_idx %parallel_loop3A_527[%parallel_loop3A_522, %and3A_8, %parallel_loop3A_473], %parallel_loop3A_519 : memref<8x8x129xf32, #tpu.memory_space<vmem>>[vector<16xi32>, vector<16xi32>, vector<16xi32>], vector<16xf32>,
        %parallel_loop3A_528 = arith.constant 0 : i32
        %parallel_loop3A_529 = arith.constant 0 : i32
        %parallel_loop3A_530 = tpu.memref_slice %arg6[%parallel_loop3A_311, %parallel_loop3A_528, %parallel_loop3A_529] : memref<4x128x64xf32, #tpu.memory_space<vmem>> -> memref<1x128x64xf32, #tpu.memory_space<vmem>>
        %parallel_loop3A_531 = tpu.memref_squeeze %parallel_loop3A_530 : memref<1x128x64xf32, #tpu.memory_space<vmem>> -> memref<128x64xf32, #tpu.memory_space<vmem>>
        %parallel_loop3A_532 = arith.index_cast %parallel_loop3A_472 : i32 to index
        %parallel_loop3A_533 = arith.constant 48 : index
        %parallel_loop3A_534 = tpu.vector_load %parallel_loop3A_531[%parallel_loop3A_532, %parallel_loop3A_533] {strides = array<i32>} : memref<128x64xf32, #tpu.memory_space<vmem>>, vector<16xf32>,
        %parallel_loop3A_535 = arith.constant 8.000000e+00 : f32
        %parallel_loop3A_536 = vector.broadcast %parallel_loop3A_535 : f32 to vector<16xf32>
        %parallel_loop3A_537 = arith.mulf %parallel_loop3A_534, %parallel_loop3A_536 : vector<16xf32>
        %parallel_loop3A_538 = arith.constant 6 : i32
        %parallel_loop3A_539 = vector.broadcast %parallel_loop3A_538 : i32 to vector<16xi32>
        %parallel_loop3A_540 = arith.addi %shift_right_arithmetic3A_6, %parallel_loop3A_539 : vector<16xi32>
        %parallel_loop3A_541 = arith.constant 0 : i32
        %parallel_loop3A_542 = arith.constant 0 : i32
        %parallel_loop3A_543 = arith.constant 0 : i32
        %parallel_loop3A_544 = tpu.memref_slice %arg7[%parallel_loop3A_312, %parallel_loop3A_541, %parallel_loop3A_542, %parallel_loop3A_543] : memref<2x8x8x129xf32, #tpu.memory_space<vmem>> -> memref<1x8x8x129xf32, #tpu.memory_space<vmem>>
        %parallel_loop3A_545 = tpu.memref_squeeze %parallel_loop3A_544 : memref<1x8x8x129xf32, #tpu.memory_space<vmem>> -> memref<8x8x129xf32, #tpu.memory_space<vmem>>
        tpu.vector_store_idx %parallel_loop3A_545[%parallel_loop3A_540, %and3A_8, %parallel_loop3A_473], %parallel_loop3A_537 : memref<8x8x129xf32, #tpu.memory_space<vmem>>[vector<16xi32>, vector<16xi32>, vector<16xi32>], vector<16xf32>,
      } {sc.loop_unroll_factor = 8 : i64, sc.parallel_access}
      %jit3A_313 = arith.constant 4 : i32
      %div3A_314 = arith.divsi %add3A_281, %jit3A_313 : i32
      %sign3A_315 = arith.constant 0 : i32
      %sign3A_316 = arith.cmpi sgt, %add3A_281, %sign3A_315 : i32
      %sign3A_317 = arith.extui %sign3A_316 : i1 to i32
      %sign3A_318 = arith.constant 0 : i32
      %sign3A_319 = arith.cmpi slt, %add3A_281, %sign3A_318 : i32
      %sign3A_320 = arith.extui %sign3A_319 : i1 to i32
      %sign3A_321 = arith.subi %sign3A_317, %sign3A_320 : i32
      %sign3A_322 = arith.constant 0 : i32
      %sign3A_323 = arith.cmpi sgt, %jit3A_313, %sign3A_322 : i32
      %sign3A_324 = arith.extui %sign3A_323 : i1 to i32
      %sign3A_325 = arith.constant 0 : i32
      %sign3A_326 = arith.cmpi slt, %jit3A_313, %sign3A_325 : i32
      %sign3A_327 = arith.extui %sign3A_326 : i1 to i32
      %sign3A_328 = arith.subi %sign3A_324, %sign3A_327 : i32
      %ne3A_329 = arith.cmpi ne, %sign3A_321, %sign3A_328 : i32
      %rem3A_330 = arith.remsi %add3A_281, %jit3A_313 : i32
      %ne3A_331 = arith.constant 0 : i32
      %ne3A_332 = arith.cmpi ne, %rem3A_330, %ne3A_331 : i32
      %and3A_333 = arith.andi %ne3A_329, %ne3A_332 : i1
      %sub3A_334 = arith.constant 1 : i32
      %sub3A_335 = arith.subi %div3A_314, %sub3A_334 : i32
      %select_n3A_336 = arith.select %and3A_333, %sub3A_335, %div3A_314 : i32
      %jit3A_337 = arith.constant 4 : i32
      %eq3A_338 = arith.constant 0 : i32
      %eq3A_339 = arith.cmpi eq, %jit3A_337, %eq3A_338 : i32
      %jit3A_340 = arith.constant 1 : i32
      %select_n3A_341 = arith.select %eq3A_339, %jit3A_340, %jit3A_337 : i32
      %rem3A_342 = arith.remsi %add3A_281, %select_n3A_341 : i32
      %ne3A_343 = arith.constant 0 : i32
      %ne3A_344 = arith.cmpi ne, %rem3A_342, %ne3A_343 : i32
      %lt3A_345 = arith.constant 0 : i32
      %lt3A_346 = arith.cmpi slt, %rem3A_342, %lt3A_345 : i32
      %lt3A_347 = arith.constant 0 : i32
      %lt3A_348 = arith.cmpi slt, %select_n3A_341, %lt3A_347 : i32
      %ne3A_349 = arith.xori %lt3A_346, %lt3A_348 : i1
      %and3A_350 = arith.andi %ne3A_349, %ne3A_344 : i1
      %add3A_351 = arith.addi %rem3A_342, %select_n3A_341 : i32
      %select_n3A_352 = arith.select %and3A_350, %add3A_351, %rem3A_342 : i32
      %add3A_353 = arith.addi %mul3A_4, %select_n3A_352 : i32
      %dma_start3A_354 = arith.constant 0 : i32
      %dma_start3A_355 = arith.constant 0 : i32
      %dma_start3A_356 = arith.constant 0 : i32
      %dma_start3A_357 = arith.constant 0 : i32
      %dma_start3A_358 = tpu.memref_slice %arg7[%dma_start3A_354, %dma_start3A_355, %dma_start3A_356, %dma_start3A_357] : memref<2x8x8x129xf32, #tpu.memory_space<vmem>> -> memref<1x8x8x128xf32, #tpu.memory_space<vmem>>
      %dma_start3A_359 = tpu.memref_squeeze %dma_start3A_358 : memref<1x8x8x128xf32, #tpu.memory_space<vmem>> -> memref<8x8x128xf32, #tpu.memory_space<vmem>>
      %dma_start3A_360 = arith.constant 0 : i32
      %dma_start3A_361 = arith.constant 0 : i32
      %dma_start3A_362 = arith.constant 0 : i32
      %dma_start3A_363 = tpu.memref_slice %arg4[%select_n3A_336, %dma_start3A_360, %add3A_353, %dma_start3A_361, %dma_start3A_362] : memref<50x8x128x8x128xf32, #tpu.memory_space<hbm>> -> memref<1x8x1x8x128xf32, #tpu.memory_space<hbm>>
      %dma_start3A_364 = tpu.memref_squeeze %dma_start3A_363 : memref<1x8x1x8x128xf32, #tpu.memory_space<hbm>> -> memref<8x8x128xf32, #tpu.memory_space<hbm>>
      %dma_start3A_365 = arith.constant 0 : i32
      %dma_start3A_366 = arith.constant 0 : i32
      %dma_start3A_367 = arith.constant 0 : i32
      %dma_start3A_368 = tpu.memref_slice %arg4[%select_n3A_336, %dma_start3A_365, %add3A_353, %dma_start3A_366, %dma_start3A_367] : memref<50x8x128x8x128xf32, #tpu.memory_space<hbm>> -> memref<1x8x1x8x128xf32, #tpu.memory_space<hbm>>
      %dma_start3A_369 = tpu.memref_squeeze %dma_start3A_368 : memref<1x8x1x8x128xf32, #tpu.memory_space<hbm>> -> memref<8x8x128xf32, #tpu.memory_space<hbm>>
      %dma_start3A_370 = arith.constant 0 : i32
      %dma_start3A_371 = arith.constant 0 : i32
      %dma_start3A_372 = arith.constant 0 : i32
      %dma_start3A_373 = tpu.memref_slice %arg7[%dma_start3A_354, %dma_start3A_370, %dma_start3A_371, %dma_start3A_372] : memref<2x8x8x129xf32, #tpu.memory_space<vmem>> -> memref<1x8x8x128xf32, #tpu.memory_space<vmem>>
      %dma_start3A_374 = tpu.memref_squeeze %dma_start3A_373 : memref<1x8x8x128xf32, #tpu.memory_space<vmem>> -> memref<8x8x128xf32, #tpu.memory_space<vmem>>
      tpu.enqueue_dma source(%dma_start3A_374 : memref<8x8x128xf32, #tpu.memory_space<vmem>>) target(%dma_start3A_369 : memref<8x8x128xf32, #tpu.memory_space<hbm>>) target_semaphore(%arg12 : memref<!tpu.dma_semaphore, #tpu.memory_space<semaphore_mem>>)
      %mul3A_375 = arith.constant 4 : i32
      %mul3A_376 = arith.muli %scan3A_96, %mul3A_375 : i32
      %add3A_377 = arith.constant 3 : i32
      %add3A_378 = arith.addi %mul3A_376, %add3A_377 : i32
      %add3A_379 = arith.constant 4 : i32
      %add3A_380 = arith.addi %add3A_378, %add3A_379 : i32
      %sub3A_381 = arith.constant 1 : i32
      %sub3A_382 = arith.subi %add3A_380, %sub3A_381 : i32
      %lt3A_383 = arith.constant 200 : i32
      %lt3A_384 = arith.cmpi slt, %sub3A_382, %lt3A_383 : i32
      %convert_element_type3A_385 = arith.extui %lt3A_384 : i1 to i32
      %cond3A_386 = arith.constant 0 : i32
      %cond3A_387 = arith.cmpi ne, %convert_element_type3A_385, %cond3A_386 : i32
      scf.if %cond3A_387 {
        %add3A_472 = arith.constant 4 : i32
        %add3A_473 = arith.addi %add3A_378, %add3A_472 : i32
        %sub3A_474 = arith.constant 1 : i32
        %sub3A_475 = arith.subi %add3A_473, %sub3A_474 : i32
        %jit3A_476 = arith.constant 4 : i32
        %div3A_477 = arith.divsi %sub3A_475, %jit3A_476 : i32
        %sign3A_478 = arith.constant 0 : i32
        %sign3A_479 = arith.cmpi sgt, %sub3A_475, %sign3A_478 : i32
        %sign3A_480 = arith.extui %sign3A_479 : i1 to i32
        %sign3A_481 = arith.constant 0 : i32
        %sign3A_482 = arith.cmpi slt, %sub3A_475, %sign3A_481 : i32
        %sign3A_483 = arith.extui %sign3A_482 : i1 to i32
        %sign3A_484 = arith.subi %sign3A_480, %sign3A_483 : i32
        %sign3A_485 = arith.constant 0 : i32
        %sign3A_486 = arith.cmpi sgt, %jit3A_476, %sign3A_485 : i32
        %sign3A_487 = arith.extui %sign3A_486 : i1 to i32
        %sign3A_488 = arith.constant 0 : i32
        %sign3A_489 = arith.cmpi slt, %jit3A_476, %sign3A_488 : i32
        %sign3A_490 = arith.extui %sign3A_489 : i1 to i32
        %sign3A_491 = arith.subi %sign3A_487, %sign3A_490 : i32
        %ne3A_492 = arith.cmpi ne, %sign3A_484, %sign3A_491 : i32
        %rem3A_493 = arith.remsi %sub3A_475, %jit3A_476 : i32
        %ne3A_494 = arith.constant 0 : i32
        %ne3A_495 = arith.cmpi ne, %rem3A_493, %ne3A_494 : i32
        %and3A_496 = arith.andi %ne3A_492, %ne3A_495 : i1
        %sub3A_497 = arith.constant 1 : i32
        %sub3A_498 = arith.subi %div3A_477, %sub3A_497 : i32
        %select_n3A_499 = arith.select %and3A_496, %sub3A_498, %div3A_477 : i32
        %jit3A_500 = arith.constant 4 : i32
        %eq3A_501 = arith.constant 0 : i32
        %eq3A_502 = arith.cmpi eq, %jit3A_500, %eq3A_501 : i32
        %jit3A_503 = arith.constant 1 : i32
        %select_n3A_504 = arith.select %eq3A_502, %jit3A_503, %jit3A_500 : i32
        %rem3A_505 = arith.remsi %sub3A_475, %select_n3A_504 : i32
        %ne3A_506 = arith.constant 0 : i32
        %ne3A_507 = arith.cmpi ne, %rem3A_505, %ne3A_506 : i32
        %lt3A_508 = arith.constant 0 : i32
        %lt3A_509 = arith.cmpi slt, %rem3A_505, %lt3A_508 : i32
        %lt3A_510 = arith.constant 0 : i32
        %lt3A_511 = arith.cmpi slt, %select_n3A_504, %lt3A_510 : i32
        %ne3A_512 = arith.xori %lt3A_509, %lt3A_511 : i1
        %and3A_513 = arith.andi %ne3A_512, %ne3A_507 : i1
        %add3A_514 = arith.addi %rem3A_505, %select_n3A_504 : i32
        %select_n3A_515 = arith.select %and3A_513, %add3A_514, %rem3A_505 : i32
        %mul3A_516 = arith.constant 128 : i32
        %mul3A_517 = arith.muli %select_n3A_515, %mul3A_516 : i32
        %dma_start3A_518 = arith.constant 2 : i32
        %dma_start3A_519 = arith.constant 0 : i32
        %dma_start3A_520 = arith.constant 0 : i32
        %dma_start3A_521 = tpu.memref_slice %arg6[%dma_start3A_518, %dma_start3A_519, %dma_start3A_520] : memref<4x128x64xf32, #tpu.memory_space<vmem>> -> memref<1x128x64xf32, #tpu.memory_space<vmem>>
        %dma_start3A_522 = tpu.memref_squeeze %dma_start3A_521 : memref<1x128x64xf32, #tpu.memory_space<vmem>> -> memref<128x64xf32, #tpu.memory_space<vmem>>
        %dma_start3A_523 = tpu.memref_slice %arg5[%select_n3A_499, %mul3A_517] : memref<50x512xi32, #tpu.memory_space<vmem>> -> memref<1x128xi32, #tpu.memory_space<vmem>>
        %dma_start3A_524 = tpu.memref_squeeze %dma_start3A_523 : memref<1x128xi32, #tpu.memory_space<vmem>> -> memref<128xi32, #tpu.memory_space<vmem>>
        %dma_start3A_525 = arith.constant 0 : i32
        %dma_start3A_526 = arith.constant 0 : i32
        %dma_start3A_527 = tpu.memref_slice %arg3[%dma_start3A_525, %dma_start3A_526] : memref<1000064x64xf32, #tpu.memory_space<hbm>> -> memref<1000064x64xf32, #tpu.memory_space<hbm>>
        tpu.enqueue_indirect_dma source(%dma_start3A_527 : memref<1000064x64xf32, #tpu.memory_space<hbm>>) target(%dma_start3A_522 : memref<128x64xf32, #tpu.memory_space<vmem>>) offsets(%dma_start3A_524 : memref<128xi32, #tpu.memory_space<vmem>>) semaphore(%arg10 : memref<!tpu.dma_semaphore, #tpu.memory_space<semaphore_mem>>)
      } else {
      }
      %dma_wait3A_388 = arith.constant 0 : i32
      %dma_wait3A_389 = arith.constant 3 : i32
      %dma_wait3A_390 = arith.constant 0 : i32
      %dma_wait3A_391 = arith.constant 0 : i32
      %dma_wait3A_392 = tpu.memref_slice %arg6[%dma_wait3A_389, %dma_wait3A_390, %dma_wait3A_391] : memref<4x128x64xf32, #tpu.memory_space<vmem>> -> memref<1x128x64xf32, #tpu.memory_space<vmem>>
      %dma_wait3A_393 = tpu.memref_squeeze %dma_wait3A_392 : memref<1x128x64xf32, #tpu.memory_space<vmem>> -> memref<128x64xf32, #tpu.memory_space<vmem>>
      %dma_wait3A_394 = arith.constant 0 : i32
      %dma_wait3A_395 = tpu.memref_slice %arg5[%dma_wait3A_388, %dma_wait3A_394] : memref<50x512xi32, #tpu.memory_space<vmem>> -> memref<1x128xi32, #tpu.memory_space<vmem>>
      %dma_wait3A_396 = tpu.memref_squeeze %dma_wait3A_395 : memref<1x128xi32, #tpu.memory_space<vmem>> -> memref<128xi32, #tpu.memory_space<vmem>>
      %dma_wait3A_397 = arith.constant 0 : i32
      %dma_wait3A_398 = arith.constant 0 : i32
      %dma_wait3A_399 = tpu.memref_slice %arg3[%dma_wait3A_397, %dma_wait3A_398] : memref<1000064x64xf32, #tpu.memory_space<hbm>> -> memref<1000064x64xf32, #tpu.memory_space<hbm>>
      tpu.wait_indirect_dma semaphore(%arg11 : memref<!tpu.dma_semaphore, #tpu.memory_space<semaphore_mem>>) src(%dma_wait3A_399 : memref<1000064x64xf32, #tpu.memory_space<hbm>>) dst(%dma_wait3A_393 : memref<128x64xf32, #tpu.memory_space<vmem>>)
      %ge3A_400 = arith.constant 2 : i32
      %ge3A_401 = arith.cmpi sge, %add3A_378, %ge3A_400 : i32
      %convert_element_type3A_402 = arith.extui %ge3A_401 : i1 to i32
      %cond3A_403 = arith.constant 0 : i32
      %cond3A_404 = arith.cmpi ne, %convert_element_type3A_402, %cond3A_403 : i32
      scf.if %cond3A_404 {
        %jit3A_472 = arith.constant 4 : i32
        %div3A_473 = arith.divsi %add3A_378, %jit3A_472 : i32
        %sign3A_474 = arith.constant 0 : i32
        %sign3A_475 = arith.cmpi sgt, %add3A_378, %sign3A_474 : i32
        %sign3A_476 = arith.extui %sign3A_475 : i1 to i32
        %sign3A_477 = arith.constant 0 : i32
        %sign3A_478 = arith.cmpi slt, %add3A_378, %sign3A_477 : i32
        %sign3A_479 = arith.extui %sign3A_478 : i1 to i32
        %sign3A_480 = arith.subi %sign3A_476, %sign3A_479 : i32
        %sign3A_481 = arith.constant 0 : i32
        %sign3A_482 = arith.cmpi sgt, %jit3A_472, %sign3A_481 : i32
        %sign3A_483 = arith.extui %sign3A_482 : i1 to i32
        %sign3A_484 = arith.constant 0 : i32
        %sign3A_485 = arith.cmpi slt, %jit3A_472, %sign3A_484 : i32
        %sign3A_486 = arith.extui %sign3A_485 : i1 to i32
        %sign3A_487 = arith.subi %sign3A_483, %sign3A_486 : i32
        %ne3A_488 = arith.cmpi ne, %sign3A_480, %sign3A_487 : i32
        %rem3A_489 = arith.remsi %add3A_378, %jit3A_472 : i32
        %ne3A_490 = arith.constant 0 : i32
        %ne3A_491 = arith.cmpi ne, %rem3A_489, %ne3A_490 : i32
        %and3A_492 = arith.andi %ne3A_488, %ne3A_491 : i1
        %sub3A_493 = arith.constant 1 : i32
        %sub3A_494 = arith.subi %div3A_473, %sub3A_493 : i32
        %select_n3A_495 = arith.select %and3A_492, %sub3A_494, %div3A_473 : i32
        %jit3A_496 = arith.constant 4 : i32
        %eq3A_497 = arith.constant 0 : i32
        %eq3A_498 = arith.cmpi eq, %jit3A_496, %eq3A_497 : i32
        %jit3A_499 = arith.constant 1 : i32
        %select_n3A_500 = arith.select %eq3A_498, %jit3A_499, %jit3A_496 : i32
        %rem3A_501 = arith.remsi %add3A_378, %select_n3A_500 : i32
        %ne3A_502 = arith.constant 0 : i32
        %ne3A_503 = arith.cmpi ne, %rem3A_501, %ne3A_502 : i32
        %lt3A_504 = arith.constant 0 : i32
        %lt3A_505 = arith.cmpi slt, %rem3A_501, %lt3A_504 : i32
        %lt3A_506 = arith.constant 0 : i32
        %lt3A_507 = arith.cmpi slt, %select_n3A_500, %lt3A_506 : i32
        %ne3A_508 = arith.xori %lt3A_505, %lt3A_507 : i1
        %and3A_509 = arith.andi %ne3A_508, %ne3A_503 : i1
        %add3A_510 = arith.addi %rem3A_501, %select_n3A_500 : i32
        %select_n3A_511 = arith.select %and3A_509, %add3A_510, %rem3A_501 : i32
        %add3A_512 = arith.addi %mul3A_4, %select_n3A_511 : i32
        %dma_wait3A_513 = arith.constant 1 : i32
        %dma_wait3A_514 = arith.constant 0 : i32
        %dma_wait3A_515 = arith.constant 0 : i32
        %dma_wait3A_516 = arith.constant 0 : i32
        %dma_wait3A_517 = tpu.memref_slice %arg7[%dma_wait3A_513, %dma_wait3A_514, %dma_wait3A_515, %dma_wait3A_516] : memref<2x8x8x129xf32, #tpu.memory_space<vmem>> -> memref<1x8x8x128xf32, #tpu.memory_space<vmem>>
        %dma_wait3A_518 = tpu.memref_squeeze %dma_wait3A_517 : memref<1x8x8x128xf32, #tpu.memory_space<vmem>> -> memref<8x8x128xf32, #tpu.memory_space<vmem>>
        %dma_wait3A_519 = arith.constant 0 : i32
        %dma_wait3A_520 = arith.constant 0 : i32
        %dma_wait3A_521 = arith.constant 0 : i32
        %dma_wait3A_522 = tpu.memref_slice %arg4[%select_n3A_495, %dma_wait3A_519, %add3A_512, %dma_wait3A_520, %dma_wait3A_521] : memref<50x8x128x8x128xf32, #tpu.memory_space<hbm>> -> memref<1x8x1x8x128xf32, #tpu.memory_space<hbm>>
        %dma_wait3A_523 = tpu.memref_squeeze %dma_wait3A_522 : memref<1x8x1x8x128xf32, #tpu.memory_space<hbm>> -> memref<8x8x128xf32, #tpu.memory_space<hbm>>
        %dma_wait3A_524 = arith.constant 0 : i32
        %dma_wait3A_525 = arith.constant 0 : i32
        %dma_wait3A_526 = arith.constant 0 : i32
        %dma_wait3A_527 = tpu.memref_slice %arg4[%select_n3A_495, %dma_wait3A_524, %add3A_512, %dma_wait3A_525, %dma_wait3A_526] : memref<50x8x128x8x128xf32, #tpu.memory_space<hbm>> -> memref<1x8x1x8x128xf32, #tpu.memory_space<hbm>>
        %dma_wait3A_528 = tpu.memref_squeeze %dma_wait3A_527 : memref<1x8x1x8x128xf32, #tpu.memory_space<hbm>> -> memref<8x8x128xf32, #tpu.memory_space<hbm>>
        %dma_wait3A_529 = arith.constant 0 : i32
        %dma_wait3A_530 = arith.constant 0 : i32
        %dma_wait3A_531 = arith.constant 0 : i32
        %dma_wait3A_532 = tpu.memref_slice %arg7[%dma_wait3A_513, %dma_wait3A_529, %dma_wait3A_530, %dma_wait3A_531] : memref<2x8x8x129xf32, #tpu.memory_space<vmem>> -> memref<1x8x8x128xf32, #tpu.memory_space<vmem>>
        %dma_wait3A_533 = tpu.memref_squeeze %dma_wait3A_532 : memref<1x8x8x128xf32, #tpu.memory_space<vmem>> -> memref<8x8x128xf32, #tpu.memory_space<vmem>>
        tpu.wait_dma2 semaphore(%arg13 : memref<!tpu.dma_semaphore, #tpu.memory_space<semaphore_mem>>) src(%dma_wait3A_533 : memref<8x8x128xf32, #tpu.memory_space<vmem>>) dst(%dma_wait3A_528 : memref<8x8x128xf32, #tpu.memory_space<hbm>>)
      } else {
      }
      %parallel_loop3A_405 = arith.constant 0 : i32
      %parallel_loop3A_406 = arith.constant 128 : i32
      %parallel_loop3A_407 = arith.constant 1 : i32
      %parallel_loop3A_408 = arith.constant 3 : i32
      %parallel_loop3A_409 = arith.constant 1 : i32
      scf.for %parallel_loop3A_472 = %parallel_loop3A_405 to %parallel_loop3A_406 step %parallel_loop3A_407  : i32 {
        %parallel_loop3A_473 = vector.broadcast %parallel_loop3A_472 : i32 to vector<16xi32>
        %parallel_loop3A_474 = arith.constant 0 : i32
        %parallel_loop3A_475 = arith.constant 0 : i32
        %parallel_loop3A_476 = tpu.memref_slice %arg6[%parallel_loop3A_408, %parallel_loop3A_474, %parallel_loop3A_475] : memref<4x128x64xf32, #tpu.memory_space<vmem>> -> memref<1x128x64xf32, #tpu.memory_space<vmem>>
        %parallel_loop3A_477 = tpu.memref_squeeze %parallel_loop3A_476 : memref<1x128x64xf32, #tpu.memory_space<vmem>> -> memref<128x64xf32, #tpu.memory_space<vmem>>
        %parallel_loop3A_478 = arith.index_cast %parallel_loop3A_472 : i32 to index
        %parallel_loop3A_479 = arith.constant 0 : index
        %parallel_loop3A_480 = tpu.vector_load %parallel_loop3A_477[%parallel_loop3A_478, %parallel_loop3A_479] {strides = array<i32>} : memref<128x64xf32, #tpu.memory_space<vmem>>, vector<16xf32>,
        %parallel_loop3A_481 = arith.constant 8.000000e+00 : f32
        %parallel_loop3A_482 = vector.broadcast %parallel_loop3A_481 : f32 to vector<16xf32>
        %parallel_loop3A_483 = arith.mulf %parallel_loop3A_480, %parallel_loop3A_482 : vector<16xf32>
        %parallel_loop3A_484 = arith.constant 0 : i32
        %parallel_loop3A_485 = vector.broadcast %parallel_loop3A_484 : i32 to vector<16xi32>
        %parallel_loop3A_486 = arith.addi %shift_right_arithmetic3A_6, %parallel_loop3A_485 : vector<16xi32>
        %parallel_loop3A_487 = arith.constant 0 : i32
        %parallel_loop3A_488 = arith.constant 0 : i32
        %parallel_loop3A_489 = arith.constant 0 : i32
        %parallel_loop3A_490 = tpu.memref_slice %arg7[%parallel_loop3A_409, %parallel_loop3A_487, %parallel_loop3A_488, %parallel_loop3A_489] : memref<2x8x8x129xf32, #tpu.memory_space<vmem>> -> memref<1x8x8x129xf32, #tpu.memory_space<vmem>>
        %parallel_loop3A_491 = tpu.memref_squeeze %parallel_loop3A_490 : memref<1x8x8x129xf32, #tpu.memory_space<vmem>> -> memref<8x8x129xf32, #tpu.memory_space<vmem>>
        tpu.vector_store_idx %parallel_loop3A_491[%parallel_loop3A_486, %and3A_8, %parallel_loop3A_473], %parallel_loop3A_483 : memref<8x8x129xf32, #tpu.memory_space<vmem>>[vector<16xi32>, vector<16xi32>, vector<16xi32>], vector<16xf32>,
        %parallel_loop3A_492 = arith.constant 0 : i32
        %parallel_loop3A_493 = arith.constant 0 : i32
        %parallel_loop3A_494 = tpu.memref_slice %arg6[%parallel_loop3A_408, %parallel_loop3A_492, %parallel_loop3A_493] : memref<4x128x64xf32, #tpu.memory_space<vmem>> -> memref<1x128x64xf32, #tpu.memory_space<vmem>>
        %parallel_loop3A_495 = tpu.memref_squeeze %parallel_loop3A_494 : memref<1x128x64xf32, #tpu.memory_space<vmem>> -> memref<128x64xf32, #tpu.memory_space<vmem>>
        %parallel_loop3A_496 = arith.index_cast %parallel_loop3A_472 : i32 to index
        %parallel_loop3A_497 = arith.constant 16 : index
        %parallel_loop3A_498 = tpu.vector_load %parallel_loop3A_495[%parallel_loop3A_496, %parallel_loop3A_497] {strides = array<i32>} : memref<128x64xf32, #tpu.memory_space<vmem>>, vector<16xf32>,
        %parallel_loop3A_499 = arith.constant 8.000000e+00 : f32
        %parallel_loop3A_500 = vector.broadcast %parallel_loop3A_499 : f32 to vector<16xf32>
        %parallel_loop3A_501 = arith.mulf %parallel_loop3A_498, %parallel_loop3A_500 : vector<16xf32>
        %parallel_loop3A_502 = arith.constant 2 : i32
        %parallel_loop3A_503 = vector.broadcast %parallel_loop3A_502 : i32 to vector<16xi32>
        %parallel_loop3A_504 = arith.addi %shift_right_arithmetic3A_6, %parallel_loop3A_503 : vector<16xi32>
        %parallel_loop3A_505 = arith.constant 0 : i32
        %parallel_loop3A_506 = arith.constant 0 : i32
        %parallel_loop3A_507 = arith.constant 0 : i32
        %parallel_loop3A_508 = tpu.memref_slice %arg7[%parallel_loop3A_409, %parallel_loop3A_505, %parallel_loop3A_506, %parallel_loop3A_507] : memref<2x8x8x129xf32, #tpu.memory_space<vmem>> -> memref<1x8x8x129xf32, #tpu.memory_space<vmem>>
        %parallel_loop3A_509 = tpu.memref_squeeze %parallel_loop3A_508 : memref<1x8x8x129xf32, #tpu.memory_space<vmem>> -> memref<8x8x129xf32, #tpu.memory_space<vmem>>
        tpu.vector_store_idx %parallel_loop3A_509[%parallel_loop3A_504, %and3A_8, %parallel_loop3A_473], %parallel_loop3A_501 : memref<8x8x129xf32, #tpu.memory_space<vmem>>[vector<16xi32>, vector<16xi32>, vector<16xi32>], vector<16xf32>,
        %parallel_loop3A_510 = arith.constant 0 : i32
        %parallel_loop3A_511 = arith.constant 0 : i32
        %parallel_loop3A_512 = tpu.memref_slice %arg6[%parallel_loop3A_408, %parallel_loop3A_510, %parallel_loop3A_511] : memref<4x128x64xf32, #tpu.memory_space<vmem>> -> memref<1x128x64xf32, #tpu.memory_space<vmem>>
        %parallel_loop3A_513 = tpu.memref_squeeze %parallel_loop3A_512 : memref<1x128x64xf32, #tpu.memory_space<vmem>> -> memref<128x64xf32, #tpu.memory_space<vmem>>
        %parallel_loop3A_514 = arith.index_cast %parallel_loop3A_472 : i32 to index
        %parallel_loop3A_515 = arith.constant 32 : index
        %parallel_loop3A_516 = tpu.vector_load %parallel_loop3A_513[%parallel_loop3A_514, %parallel_loop3A_515] {strides = array<i32>} : memref<128x64xf32, #tpu.memory_space<vmem>>, vector<16xf32>,
        %parallel_loop3A_517 = arith.constant 8.000000e+00 : f32
        %parallel_loop3A_518 = vector.broadcast %parallel_loop3A_517 : f32 to vector<16xf32>
        %parallel_loop3A_519 = arith.mulf %parallel_loop3A_516, %parallel_loop3A_518 : vector<16xf32>
        %parallel_loop3A_520 = arith.constant 4 : i32
        %parallel_loop3A_521 = vector.broadcast %parallel_loop3A_520 : i32 to vector<16xi32>
        %parallel_loop3A_522 = arith.addi %shift_right_arithmetic3A_6, %parallel_loop3A_521 : vector<16xi32>
        %parallel_loop3A_523 = arith.constant 0 : i32
        %parallel_loop3A_524 = arith.constant 0 : i32
        %parallel_loop3A_525 = arith.constant 0 : i32
        %parallel_loop3A_526 = tpu.memref_slice %arg7[%parallel_loop3A_409, %parallel_loop3A_523, %parallel_loop3A_524, %parallel_loop3A_525] : memref<2x8x8x129xf32, #tpu.memory_space<vmem>> -> memref<1x8x8x129xf32, #tpu.memory_space<vmem>>
        %parallel_loop3A_527 = tpu.memref_squeeze %parallel_loop3A_526 : memref<1x8x8x129xf32, #tpu.memory_space<vmem>> -> memref<8x8x129xf32, #tpu.memory_space<vmem>>
        tpu.vector_store_idx %parallel_loop3A_527[%parallel_loop3A_522, %and3A_8, %parallel_loop3A_473], %parallel_loop3A_519 : memref<8x8x129xf32, #tpu.memory_space<vmem>>[vector<16xi32>, vector<16xi32>, vector<16xi32>], vector<16xf32>,
        %parallel_loop3A_528 = arith.constant 0 : i32
        %parallel_loop3A_529 = arith.constant 0 : i32
        %parallel_loop3A_530 = tpu.memref_slice %arg6[%parallel_loop3A_408, %parallel_loop3A_528, %parallel_loop3A_529] : memref<4x128x64xf32, #tpu.memory_space<vmem>> -> memref<1x128x64xf32, #tpu.memory_space<vmem>>
        %parallel_loop3A_531 = tpu.memref_squeeze %parallel_loop3A_530 : memref<1x128x64xf32, #tpu.memory_space<vmem>> -> memref<128x64xf32, #tpu.memory_space<vmem>>
        %parallel_loop3A_532 = arith.index_cast %parallel_loop3A_472 : i32 to index
        %parallel_loop3A_533 = arith.constant 48 : index
        %parallel_loop3A_534 = tpu.vector_load %parallel_loop3A_531[%parallel_loop3A_532, %parallel_loop3A_533] {strides = array<i32>} : memref<128x64xf32, #tpu.memory_space<vmem>>, vector<16xf32>,
        %parallel_loop3A_535 = arith.constant 8.000000e+00 : f32
        %parallel_loop3A_536 = vector.broadcast %parallel_loop3A_535 : f32 to vector<16xf32>
        %parallel_loop3A_537 = arith.mulf %parallel_loop3A_534, %parallel_loop3A_536 : vector<16xf32>
        %parallel_loop3A_538 = arith.constant 6 : i32
        %parallel_loop3A_539 = vector.broadcast %parallel_loop3A_538 : i32 to vector<16xi32>
        %parallel_loop3A_540 = arith.addi %shift_right_arithmetic3A_6, %parallel_loop3A_539 : vector<16xi32>
        %parallel_loop3A_541 = arith.constant 0 : i32
        %parallel_loop3A_542 = arith.constant 0 : i32
        %parallel_loop3A_543 = arith.constant 0 : i32
        %parallel_loop3A_544 = tpu.memref_slice %arg7[%parallel_loop3A_409, %parallel_loop3A_541, %parallel_loop3A_542, %parallel_loop3A_543] : memref<2x8x8x129xf32, #tpu.memory_space<vmem>> -> memref<1x8x8x129xf32, #tpu.memory_space<vmem>>
        %parallel_loop3A_545 = tpu.memref_squeeze %parallel_loop3A_544 : memref<1x8x8x129xf32, #tpu.memory_space<vmem>> -> memref<8x8x129xf32, #tpu.memory_space<vmem>>
        tpu.vector_store_idx %parallel_loop3A_545[%parallel_loop3A_540, %and3A_8, %parallel_loop3A_473], %parallel_loop3A_537 : memref<8x8x129xf32, #tpu.memory_space<vmem>>[vector<16xi32>, vector<16xi32>, vector<16xi32>], vector<16xf32>,
      } {sc.loop_unroll_factor = 8 : i64, sc.parallel_access}
      %jit3A_410 = arith.constant 4 : i32
      %div3A_411 = arith.divsi %add3A_378, %jit3A_410 : i32
      %sign3A_412 = arith.constant 0 : i32
      %sign3A_413 = arith.cmpi sgt, %add3A_378, %sign3A_412 : i32
      %sign3A_414 = arith.extui %sign3A_413 : i1 to i32
      %sign3A_415 = arith.constant 0 : i32
      %sign3A_416 = arith.cmpi slt, %add3A_378, %sign3A_415 : i32
      %sign3A_417 = arith.extui %sign3A_416 : i1 to i32
      %sign3A_418 = arith.subi %sign3A_414, %sign3A_417 : i32
      %sign3A_419 = arith.constant 0 : i32
      %sign3A_420 = arith.cmpi sgt, %jit3A_410, %sign3A_419 : i32
      %sign3A_421 = arith.extui %sign3A_420 : i1 to i32
      %sign3A_422 = arith.constant 0 : i32
      %sign3A_423 = arith.cmpi slt, %jit3A_410, %sign3A_422 : i32
      %sign3A_424 = arith.extui %sign3A_423 : i1 to i32
      %sign3A_425 = arith.subi %sign3A_421, %sign3A_424 : i32
      %ne3A_426 = arith.cmpi ne, %sign3A_418, %sign3A_425 : i32
      %rem3A_427 = arith.remsi %add3A_378, %jit3A_410 : i32
      %ne3A_428 = arith.constant 0 : i32
      %ne3A_429 = arith.cmpi ne, %rem3A_427, %ne3A_428 : i32
      %and3A_430 = arith.andi %ne3A_426, %ne3A_429 : i1
      %sub3A_431 = arith.constant 1 : i32
      %sub3A_432 = arith.subi %div3A_411, %sub3A_431 : i32
      %select_n3A_433 = arith.select %and3A_430, %sub3A_432, %div3A_411 : i32
      %jit3A_434 = arith.constant 4 : i32
      %eq3A_435 = arith.constant 0 : i32
      %eq3A_436 = arith.cmpi eq, %jit3A_434, %eq3A_435 : i32
      %jit3A_437 = arith.constant 1 : i32
      %select_n3A_438 = arith.select %eq3A_436, %jit3A_437, %jit3A_434 : i32
      %rem3A_439 = arith.remsi %add3A_378, %select_n3A_438 : i32
      %ne3A_440 = arith.constant 0 : i32
      %ne3A_441 = arith.cmpi ne, %rem3A_439, %ne3A_440 : i32
      %lt3A_442 = arith.constant 0 : i32
      %lt3A_443 = arith.cmpi slt, %rem3A_439, %lt3A_442 : i32
      %lt3A_444 = arith.constant 0 : i32
      %lt3A_445 = arith.cmpi slt, %select_n3A_438, %lt3A_444 : i32
      %ne3A_446 = arith.xori %lt3A_443, %lt3A_445 : i1
      %and3A_447 = arith.andi %ne3A_446, %ne3A_441 : i1
      %add3A_448 = arith.addi %rem3A_439, %select_n3A_438 : i32
      %select_n3A_449 = arith.select %and3A_447, %add3A_448, %rem3A_439 : i32
      %add3A_450 = arith.addi %mul3A_4, %select_n3A_449 : i32
      %dma_start3A_451 = arith.constant 1 : i32
      %dma_start3A_452 = arith.constant 0 : i32
      %dma_start3A_453 = arith.constant 0 : i32
      %dma_start3A_454 = arith.constant 0 : i32
      %dma_start3A_455 = tpu.memref_slice %arg7[%dma_start3A_451, %dma_start3A_452, %dma_start3A_453, %dma_start3A_454] : memref<2x8x8x129xf32, #tpu.memory_space<vmem>> -> memref<1x8x8x128xf32, #tpu.memory_space<vmem>>
      %dma_start3A_456 = tpu.memref_squeeze %dma_start3A_455 : memref<1x8x8x128xf32, #tpu.memory_space<vmem>> -> memref<8x8x128xf32, #tpu.memory_space<vmem>>
      %dma_start3A_457 = arith.constant 0 : i32
      %dma_start3A_458 = arith.constant 0 : i32
      %dma_start3A_459 = arith.constant 0 : i32
      %dma_start3A_460 = tpu.memref_slice %arg4[%select_n3A_433, %dma_start3A_457, %add3A_450, %dma_start3A_458, %dma_start3A_459] : memref<50x8x128x8x128xf32, #tpu.memory_space<hbm>> -> memref<1x8x1x8x128xf32, #tpu.memory_space<hbm>>
      %dma_start3A_461 = tpu.memref_squeeze %dma_start3A_460 : memref<1x8x1x8x128xf32, #tpu.memory_space<hbm>> -> memref<8x8x128xf32, #tpu.memory_space<hbm>>
      %dma_start3A_462 = arith.constant 0 : i32
      %dma_start3A_463 = arith.constant 0 : i32
      %dma_start3A_464 = arith.constant 0 : i32
      %dma_start3A_465 = tpu.memref_slice %arg4[%select_n3A_433, %dma_start3A_462, %add3A_450, %dma_start3A_463, %dma_start3A_464] : memref<50x8x128x8x128xf32, #tpu.memory_space<hbm>> -> memref<1x8x1x8x128xf32, #tpu.memory_space<hbm>>
      %dma_start3A_466 = tpu.memref_squeeze %dma_start3A_465 : memref<1x8x1x8x128xf32, #tpu.memory_space<hbm>> -> memref<8x8x128xf32, #tpu.memory_space<hbm>>
      %dma_start3A_467 = arith.constant 0 : i32
      %dma_start3A_468 = arith.constant 0 : i32
      %dma_start3A_469 = arith.constant 0 : i32
      %dma_start3A_470 = tpu.memref_slice %arg7[%dma_start3A_451, %dma_start3A_467, %dma_start3A_468, %dma_start3A_469] : memref<2x8x8x129xf32, #tpu.memory_space<vmem>> -> memref<1x8x8x128xf32, #tpu.memory_space<vmem>>
      %dma_start3A_471 = tpu.memref_squeeze %dma_start3A_470 : memref<1x8x8x128xf32, #tpu.memory_space<vmem>> -> memref<8x8x128xf32, #tpu.memory_space<vmem>>
      tpu.enqueue_dma source(%dma_start3A_471 : memref<8x8x128xf32, #tpu.memory_space<vmem>>) target(%dma_start3A_466 : memref<8x8x128xf32, #tpu.memory_space<hbm>>) target_semaphore(%arg13 : memref<!tpu.dma_semaphore, #tpu.memory_space<semaphore_mem>>)
    }
    %scan3A_48 = arith.constant 50 : i32
    %add3A_49 = arith.constant 0 : i32
    %add3A_50 = arith.addi %mul3A_4, %add3A_49 : i32
    %dma_wait3A = arith.constant 0 : i32
    %dma_wait3A_51 = arith.constant 0 : i32
    %dma_wait3A_52 = arith.constant 0 : i32
    %dma_wait3A_53 = arith.constant 0 : i32
    %dma_wait3A_54 = arith.constant 0 : i32
    %dma_wait3A_55 = tpu.memref_slice %arg7[%dma_wait3A, %dma_wait3A_52, %dma_wait3A_53, %dma_wait3A_54] : memref<2x8x8x129xf32, #tpu.memory_space<vmem>> -> memref<1x8x8x128xf32, #tpu.memory_space<vmem>>
    %dma_wait3A_56 = tpu.memref_squeeze %dma_wait3A_55 : memref<1x8x8x128xf32, #tpu.memory_space<vmem>> -> memref<8x8x128xf32, #tpu.memory_space<vmem>>
    %dma_wait3A_57 = arith.constant 0 : i32
    %dma_wait3A_58 = arith.constant 0 : i32
    %dma_wait3A_59 = arith.constant 0 : i32
    %dma_wait3A_60 = tpu.memref_slice %arg4[%dma_wait3A_51, %dma_wait3A_57, %add3A_50, %dma_wait3A_58, %dma_wait3A_59] : memref<50x8x128x8x128xf32, #tpu.memory_space<hbm>> -> memref<1x8x1x8x128xf32, #tpu.memory_space<hbm>>
    %dma_wait3A_61 = tpu.memref_squeeze %dma_wait3A_60 : memref<1x8x1x8x128xf32, #tpu.memory_space<hbm>> -> memref<8x8x128xf32, #tpu.memory_space<hbm>>
    %dma_wait3A_62 = arith.constant 0 : i32
    %dma_wait3A_63 = arith.constant 0 : i32
    %dma_wait3A_64 = arith.constant 0 : i32
    %dma_wait3A_65 = tpu.memref_slice %arg4[%dma_wait3A_51, %dma_wait3A_62, %add3A_50, %dma_wait3A_63, %dma_wait3A_64] : memref<50x8x128x8x128xf32, #tpu.memory_space<hbm>> -> memref<1x8x1x8x128xf32, #tpu.memory_space<hbm>>
    %dma_wait3A_66 = tpu.memref_squeeze %dma_wait3A_65 : memref<1x8x1x8x128xf32, #tpu.memory_space<hbm>> -> memref<8x8x128xf32, #tpu.memory_space<hbm>>
    %dma_wait3A_67 = arith.constant 0 : i32
    %dma_wait3A_68 = arith.constant 0 : i32
    %dma_wait3A_69 = arith.constant 0 : i32
    %dma_wait3A_70 = tpu.memref_slice %arg7[%dma_wait3A, %dma_wait3A_67, %dma_wait3A_68, %dma_wait3A_69] : memref<2x8x8x129xf32, #tpu.memory_space<vmem>> -> memref<1x8x8x128xf32, #tpu.memory_space<vmem>>
    %dma_wait3A_71 = tpu.memref_squeeze %dma_wait3A_70 : memref<1x8x8x128xf32, #tpu.memory_space<vmem>> -> memref<8x8x128xf32, #tpu.memory_space<vmem>>
    tpu.wait_dma2 semaphore(%arg12 : memref<!tpu.dma_semaphore, #tpu.memory_space<semaphore_mem>>) src(%dma_wait3A_71 : memref<8x8x128xf32, #tpu.memory_space<vmem>>) dst(%dma_wait3A_66 : memref<8x8x128xf32, #tpu.memory_space<hbm>>)
    %add3A_72 = arith.constant 1 : i32
    %add3A_73 = arith.addi %mul3A_4, %add3A_72 : i32
    %dma_wait3A_74 = arith.constant 1 : i32
    %dma_wait3A_75 = arith.constant 0 : i32
    %dma_wait3A_76 = arith.constant 0 : i32
    %dma_wait3A_77 = arith.constant 0 : i32
    %dma_wait3A_78 = arith.constant 0 : i32
    %dma_wait3A_79 = tpu.memref_slice %arg7[%dma_wait3A_74, %dma_wait3A_76, %dma_wait3A_77, %dma_wait3A_78] : memref<2x8x8x129xf32, #tpu.memory_space<vmem>> -> memref<1x8x8x128xf32, #tpu.memory_space<vmem>>
    %dma_wait3A_80 = tpu.memref_squeeze %dma_wait3A_79 : memref<1x8x8x128xf32, #tpu.memory_space<vmem>> -> memref<8x8x128xf32, #tpu.memory_space<vmem>>
    %dma_wait3A_81 = arith.constant 0 : i32
    %dma_wait3A_82 = arith.constant 0 : i32
    %dma_wait3A_83 = arith.constant 0 : i32
    %dma_wait3A_84 = tpu.memref_slice %arg4[%dma_wait3A_75, %dma_wait3A_81, %add3A_73, %dma_wait3A_82, %dma_wait3A_83] : memref<50x8x128x8x128xf32, #tpu.memory_space<hbm>> -> memref<1x8x1x8x128xf32, #tpu.memory_space<hbm>>
    %dma_wait3A_85 = tpu.memref_squeeze %dma_wait3A_84 : memref<1x8x1x8x128xf32, #tpu.memory_space<hbm>> -> memref<8x8x128xf32, #tpu.memory_space<hbm>>
    %dma_wait3A_86 = arith.constant 0 : i32
    %dma_wait3A_87 = arith.constant 0 : i32
    %dma_wait3A_88 = arith.constant 0 : i32
    %dma_wait3A_89 = tpu.memref_slice %arg4[%dma_wait3A_75, %dma_wait3A_86, %add3A_73, %dma_wait3A_87, %dma_wait3A_88] : memref<50x8x128x8x128xf32, #tpu.memory_space<hbm>> -> memref<1x8x1x8x128xf32, #tpu.memory_space<hbm>>
    %dma_wait3A_90 = tpu.memref_squeeze %dma_wait3A_89 : memref<1x8x1x8x128xf32, #tpu.memory_space<hbm>> -> memref<8x8x128xf32, #tpu.memory_space<hbm>>
    %dma_wait3A_91 = arith.constant 0 : i32
    %dma_wait3A_92 = arith.constant 0 : i32
    %dma_wait3A_93 = arith.constant 0 : i32
    %dma_wait3A_94 = tpu.memref_slice %arg7[%dma_wait3A_74, %dma_wait3A_91, %dma_wait3A_92, %dma_wait3A_93] : memref<2x8x8x129xf32, #tpu.memory_space<vmem>> -> memref<1x8x8x128xf32, #tpu.memory_space<vmem>>
    %dma_wait3A_95 = tpu.memref_squeeze %dma_wait3A_94 : memref<1x8x8x128xf32, #tpu.memory_space<vmem>> -> memref<8x8x128xf32, #tpu.memory_space<vmem>>
    tpu.wait_dma2 semaphore(%arg13 : memref<!tpu.dma_semaphore, #tpu.memory_space<semaphore_mem>>) src(%dma_wait3A_95 : memref<8x8x128xf32, #tpu.memory_space<vmem>>) dst(%dma_wait3A_90 : memref<8x8x128xf32, #tpu.memory_space<hbm>>)
    return
  }
}

</mosaic_0001>

<sc_bundles>
// kernel: kernel.4.cloned.1.call-start
scs
__scs_entry_jumppad:
0x0: {  	(pc) =	sbr.rel $0x88, $3  }
0x1: {  	(tag) =	ssettag $0x0;
	lr =	simm.s32 $0x1  }
0x2: {  	[smem:$0x3F9F] =	sst lr;
	_ =	strace $0xD0000000  }
0x3: {  	_ = 	snop  }
0x4: {  	_ = 	snop  }
0x5: {  	_ = 	snop  }
0x6: {  	_ = 	snop  }
0x7: {  	_ = 	snop  }
__scs_overlays_trampoline_lowered:
0x8: {  	[smem:$0x3FAE] =	sst s0  }
0x9: {  	[smem:$0x3FAF] =	sst s1  }
0xa: {  	[smem:$0x3FB0] =	sst s2  }
0xb: {  	[smem:$0x3FB1] =	sst s3  }
0xc: {  	[smem:$0x3FB2] =	sst s4  }
0xd: {  	[smem:$0x3FB3] =	sst s5  }
0xe: {  	[smem:$0x3FB4] =	sst s6  }
0xf: {  	[smem:$0x3FB5] =	sst s7  }
0x10: {  	[smem:$0x3FB6] =	sst s8  }
0x11: {  	[smem:$0x3FB7] =	sst s9;
	s0 =	simm.s32 @!p0 $0x0  }
0x12: {  	s1 =	sld [smem:$0x3F9D];
	s0 =	simm.s32 @p0 $0x1  }
0x13: {  	[smem:$0x3FB8] =	sst s0;
	s0 =	simm.s32 @!p1 $0x0  }
0x14: {  	s2 =	sld [smem:$0x3F9C];
	s0 =	simm.s32 @p1 $0x1  }
0x15: {  	[smem:$0x3FB9] =	sst s0;
	s0 =	simm.s32 @!p2 $0x0  }
0x16: {  	s3 =	sld [smem:$0x3FDB];
	s0 =	simm.s32 @p2 $0x1  }
0x17: {  	s4 =	simm.s32 $0x1BF5;
	[smem:$0x3FBB] =	sst s0  }
0x18: {  	s0 =	sld [smem:$0x3F9E];
	_ =	swait.ge [sflag:s4], $0x0  }
0x19: {  	s7 =	sld [smem:$0x3F9F]  }
0x1a: {  	s8 =	sadd.s32 $0xFFFFE003, lr  }
0x1b: {  	s9 =	sadd.s32 $0xFFFFFEF7, lr;
	s5 =	simm.s32 $0xFFFFFFFF;
	p2 =	slt.u32 s8, $0xFFFFF086  }
0x1c: {  	p1 =	slt.u32 s9, $0xF7A;
	s5 =	simm.s32 @!p2 $0x0  }
0x1d: {  	s5 =	simm.s32 @p1 $0x1;
	p0 =	seq.s32 s7, s2  }
0x1e: {  	s7 =	smul.u32 @!p0 $0xF7A, s2;
	p2 =	seq.s32 @!p0 s5, $0x0  }
0x1f: {  	s9 =	smul.u32 $0xF7A, s1;
	s8 =	simm.s32 @!p0 $0x1BF5;
	p2 =	por !p2, p0  }
0x20: {  	[sflag:s8] =	ssyncset.s32 @!p0 $0xFFFFF086;
	s6 =	sadd.s32 @!p0 s3, s7;
	s7 =	simm.s32 @!p0 $0x108  }
0x21: {  	s3 =	sadd.s32 s3, s9;
	s6 =	sadd.s32 @!p0 $0x88, s6;
	s7 =	simm.s32 @p2 $0x1082  }
0x22: {  	[simem:s7], [sflag:s8] =	dma.local @!p0 [hbm:s6], $0xF7A  }
0x23: {  	s9 =	sor.u32 $0xD0000000, s2;
	s6 =	simm.s32 $0x108;
	_ =	swait.ge @!p0 [sflag:s8], $0x0  }
0x24: {  	s3 =	sadd.s32 $0x88, s3;
	s6 =	simm.s32 @!p1 $0x1082;
	[sflag:s4] =	ssyncset.s32 $0xFFFFF086  }
0x25: {  	[simem:s6], [sflag:s4] =	dma.local [hbm:s3], $0xF7A  }
0x26: {  	[smem:$0x3F9F] =	sst s1;
	(tag) =	ssettag s2;
	_ =	strace s9  }
0x27: {  	s1 =	sld [smem:$0x3FAF]  }
0x28: {  	s2 =	sld [smem:$0x3FB0]  }
0x29: {  	s4 =	sld [smem:$0x3FB2]  }
0x2a: {  	p0 =	seq.s32 s5, $0x0;
	s5 =	sld [smem:$0x3FB3]  }
0x2b: {  	s6 =	sld [smem:$0x3FB4]  }
0x2c: {  	s7 =	sld [smem:$0x3FB5]  }
0x2d: {  	s3 =	simm.s32 $0x108;
	s8 =	sld [smem:$0x3FB6]  }
0x2e: {  	s3 =	simm.s32 @!p0 $0x1082;
	s9 =	sld [smem:$0x3FB7]  }
0x2f: {  	lr =	sadd.s32 s0, s3;
	s0 =	sld [smem:$0x3FAE]  }
0x30: {  	s3 =	sld [smem:$0x3FB1]  }
0x31: {  	[smem:$0x3FBA] =	sst s10  }
0x32: {  	s10 =	sld [smem:$0x3FB8];
	_ =	sdelay $0x3  }
0x33: {  	p0 =	seq.s32 s10, $0x1;
	s10 =	sld [smem:$0x3FBA];
	_ =	sdelay $0x3  }
0x34: {  	[smem:$0x3FBA] =	sst s10  }
0x35: {  	s10 =	sld [smem:$0x3FB9];
	_ =	sdelay $0x3  }
0x36: {  	p1 =	seq.s32 s10, $0x1;
	s10 =	sld [smem:$0x3FBA];
	_ =	sdelay $0x3  }
0x37: {  	[smem:$0x3FBA] =	sst s10  }
0x38: {  	s10 =	sld [smem:$0x3FBB]  }
0x39: {  	_ = 	snop;
	(pc) =	sbr.ind lr, $3  }
0x3a: {  	_ = 	snop  }
0x3b: {  	_ = 	snop  }
0x3c: {  	p2 =	seq.s32 s10, $0x1;
	s10 =	sld [smem:$0x3FBA]  }
0x3d: {  	_ =	shalt  }
0x3e: {  	_ =	shalt  }
0x3f: {  	_ =	shalt  }
0x40: {  	_ =	shalt  }
0x41: {  	_ =	shalt  }
0x42: {  	_ =	shalt  }
0x43: {  	_ =	shalt  }
0x44: {  	_ =	shalt  }
0x45: {  	_ =	shalt  }
0x46: {  	_ =	shalt  }
0x47: {  	_ =	shalt  }
0x48: {  	_ =	shalt  }
0x49: {  	_ =	shalt  }
0x4a: {  	_ =	shalt  }
0x4b: {  	_ =	shalt  }
0x4c: {  	_ =	shalt  }
0x4d: {  	_ =	shalt  }
0x4e: {  	_ =	shalt  }
0x4f: {  	_ =	shalt  }
0x50: {  	_ =	shalt  }
0x51: {  	_ =	shalt  }
0x52: {  	_ =	shalt  }
0x53: {  	_ =	shalt  }
0x54: {  	_ =	shalt  }
0x55: {  	_ =	shalt  }
0x56: {  	_ =	shalt  }
0x57: {  	_ =	shalt  }
0x58: {  	_ =	shalt  }
0x59: {  	_ =	shalt  }
0x5a: {  	_ =	shalt  }
0x5b: {  	_ =	shalt  }
0x5c: {  	_ =	shalt  }
0x5d: {  	_ =	shalt  }
0x5e: {  	_ =	shalt  }
0x5f: {  	_ =	shalt  }
0x60: {  	_ =	shalt  }
0x61: {  	_ =	shalt  }
0x62: {  	_ =	shalt  }
0x63: {  	_ =	shalt  }
0x64: {  	_ =	shalt  }
0x65: {  	_ =	shalt  }
0x66: {  	_ =	shalt  }
0x67: {  	_ =	shalt  }
0x68: {  	_ =	shalt  }
0x69: {  	_ =	shalt  }
0x6a: {  	_ =	shalt  }
0x6b: {  	_ =	shalt  }
0x6c: {  	_ =	shalt  }
0x6d: {  	_ =	shalt  }
0x6e: {  	_ =	shalt  }
0x6f: {  	_ =	shalt  }
0x70: {  	_ =	shalt  }
0x71: {  	_ =	shalt  }
0x72: {  	_ =	shalt  }
0x73: {  	_ =	shalt  }
0x74: {  	_ =	shalt  }
0x75: {  	_ =	shalt  }
0x76: {  	_ =	shalt  }
0x77: {  	_ =	shalt  }
0x78: {  	_ =	shalt  }
0x79: {  	_ =	shalt  }
0x7a: {  	_ =	shalt  }
0x7b: {  	_ =	shalt  }
0x7c: {  	_ =	shalt  }
0x7d: {  	_ =	shalt  }
0x7e: {  	_ =	shalt  }
0x7f: {  	_ =	shalt  }
0x80: {  	_ =	shalt  }
0x81: {  	_ =	shalt  }
0x82: {  	_ =	shalt  }
0x83: {  	_ =	shalt  }
0x84: {  	_ =	shalt  }
0x85: {  	_ =	shalt  }
0x86: {  	_ =	shalt  }
0x87: {  	_ =	shalt  }
.Lfunc_end0:
.L_simem_size_0:
called_computation_lowered:
.L_overlay_start_0:
0x88: {  	s2 =	sld [smem:$0x3FD9]  }
0x89: {  	s3 =	sld [smem:$0x3FFE];
	_ =	sdelay $0x1  }
0x8a: {  	s1 =	srdreg.scid  }
0x8b: {  	s0 =	sand.u32 $0x1, s1  }
0x8c: {  	s17 =	sshll.u32 s0, $0xA;
	s2 =	sadd.s32 s3, s2  }
0x8d: {  	s2 =	sadd.s32 s2, s17  }
0x8e: {  	[smem:$0x3FC6] =	sst s2  }
0x8f: {  	_ = 	snop  }
0x90: {  	s2 =	sld [smem:$0x3FC8];
	(tm) =	ssettm $0x1  }
0x91: {  	s18 =	sld [smem:$0x3FFB];
	_ =	sdelay $0x3  }
0x92: {  	_ =	strace s18  }
0x93: {  	s3 =	sld [smem:$0x3FFC];
	_ =	sdelay $0x3  }
0x94: {  	_ =	strace s3  }
0x95: {  	s3 =	sld [smem:$0x3FFD];
	_ =	sdelay $0x3  }
0x96: {  	_ =	strace s3  }
0x97: {  	_ =	strace $0x8FFFFFFF  }
0x98: {  	s19 =	sld [smem:$0x3FDB];
	_ =	sdelay $0x1  }
0x99: {  	s4 =	simm.s32 $_scs_section_size  }
0x9a: {  	s5 =	simm.s32 $_size__tile_overlayer_lowered;
	s6 =	simm.s32 $_tile_overlayer_lowered  }
0x9b: {  	s22 =	simm.s32 $0x1BFF;
	s21 =	sshll.u32 s6, $0x1;
	s3 =	sadd.s32 s4, s19  }
0x9c: {  	s7 =	simm.s32 $0x0;
	s20 =	sshll.u32 s5, $0x1;
	s5 =	sadd.s32 s21, s3  }
0x9d: {  	[timem:s7], [sflag:s22] =	dma.local [hbm:s5], s20  }
0x9e: {  	_ =	swait.ge [sflag:s22], s20  }
0x9f: {  	s4 =	ssub.s32 $0x0, s20;
	[sflag:s22] =	ssyncset.done $0x0  }
0xa0: {  	[sflag:s22] =	ssyncadd.s32 s4;
	_ =	sdelay $0x1  }
0xa1: {  	s23 =	simm.s32 $0x1B8B  }
0xa2: {  	_ =	swait.ge [sflag:s23], $0x1  }
0xa3: {  	[sflag:s23] =	ssyncset.done $0x0  }
0xa4: {  	s25 =	simm.s32 $0x1B8E;
	s24 =	sld [smem:$0x3FFE];
	[sflag:s23] =	ssyncadd.s32 $0xFFFFFFFF  }
0xa5: {  	s26 =	simm.s32 $execute0_lowered;
	[smem:$0x3FD2] =	sst s25  }
0xa6: {  	s5 =	sshll.u32 s26, $0x1;
	_ =	strace $0x80000046;
	[dreg:$0x1] =	wrdreg $0xFFFFFFFF  }
0xa7: {  	s28 =	simm.s32 $_size_execute0_lowered;
	s3 =	sadd.s32 s3, s5;
	[dreg:$0x0] =	wrdreg $0x0  }
0xa8: {  	s5 =	sshll.u32 s28, $0x1;
	[dreg:$0x2] =	wrdreg s3  }
0xa9: {  	[dreg:$0x3] =	wrdreg s5  }
0xaa: {  	[dreg:$0x4] =	wrdreg $0xC0  }
0xab: {  	_ =	task [dreg:s7], $0x5FFFF  }
0xac: {  	[dreg:$0x1] =	wrdreg $0xFFFFFFFF  }
0xad: {  	[dreg:$0x0] =	wrdreg $0x60  }
0xae: {  	[dreg:$0x2] =	wrdreg s2  }
0xaf: {  	[dreg:$0x3] =	wrdreg s24  }
0xb0: {  	[dreg:$0x4] =	wrdreg $0x9  }
0xb1: {  	_ =	task.clear_ibuf [dreg:s7], $0x5FFFF;
	_ =	strace $0x90000046  }
0xb2: {  	s29 =	simm.s32 $0x9;
	_ =	strace $0x80000048  }
0xb3: {  	_ =	swait.ge [sflag:s29], $0x1  }
0xb4: {  	[sflag:s29] =	ssyncadd.s32 $0xFFFFFFFF  }
0xb5: {  	_ =	strace $0x90000048  }
0xb6: {  	_ =	sfence  }
0xb7: {  	s30 =	sld [smem:$0x0];
	_ =	sdelay $0x2  }
0xb8: {  	s31 =	sshll.u32 s1, $0xD;
	s1 =	sshrl.u32 s1, $0x2  }
0xb9: {  	s3 =	sand.u32 $0x4000, s31;
	s1 =	sadd.s32 s1, s30  }
0xba: {  	s0 =	sor.u32 s3, s0;
	s1 =	sshll.u32 s1, $0x11  }
0xbb: {  	s0 =	sor.u32 s1, s0  }
0xbc: {  	s0 =	sadd.s32 $0x8F2B, s0  }
0xbd: {  	[sflag:s0] =	ssyncadd.remote.s32 $0x1  }
0xbe: {  	_ =	sfence.sel $0xFFFF  }
0xbf: {  	[dreg:$0x0] =	wrdreg $0xFFFFFFFF;
	(pc) =	sbr.abs _section_cstart, $3  }
0xc0: {  	[dreg:$0x1] =	wrdreg $0xFFFFFFFF  }
0xc1: {  	_ =	task.clear_ibuf [dreg:s7], $0x2FFFF;
	_ =	strace $0x9FFFFFFF  }
0xc2: {  	(tm) =	ssettm $0x7FFFFFFF  }
0xc3: {  	_ =	shalt  }
tec
execute0_lowered:
.L_overlay_start_1:
0x0: {  	(tag) =	ssettag $0x1  }
0x1: {  	s1 =	rddreg [dreg:$0x0]  }
0x2: {  	s5 =	rddreg [dreg:$0x1]  }
0x3: {  	s0 =	rddreg [dreg:$0x2];
	s3 =	simm.s32 $0x0  }
0x4: {  	s4 =	srdreg.scid;
	s2 =	stileid.u32;
	s10 =	simm.s32 $0x7A1400  }
0x5: {  	s11 =	simm.s32 $0x1;
	s12 =	simm.s32 $0x4000;
	s13 =	simm.s32 $0xC100  }
0x6: {  	s14 =	simm.s32 $0x2;
	s15 =	simm.s32 $0x8080;
	s16 =	simm.s32 $0xE100  }
0x7: {  	s17 =	simm.s32 $0x3;
	s18 =	simm.s32 $0x4;
	s19 =	simm.s32 $0x0  }
.Ltmp0:
0x8: {  	s4 =	sand.u32 $0x1, s4;
	s6 =	sshll.u32 s2, $0x1;
	(pc) =	sbr.rel .LBB2_1-.Ltmp0, $4  }
0x9: {  	[smem:$0x7FF] =	sst s3;
	s7 =	ssub.s32 $0x2, s4;
	s4 =	sor.u32 s4, s6  }
0xa: {  	v0 =	vlaneseq.u32;
	s5 =	sadd.s32 $0xA00, s5;
	s31 =	sshrl.u32 s7, $0x1;
	s8 =	sshll.u32 s4, $0x7  }
0xb: {  	v0 =	vmul.u32 $0x81, v0;
	_ =	strace $0x80000047;
	s9 =	ssub.s32 s7, s31;
	s6 =	sadd.s32 s1, s8  }
0xc: {  	s7 =	sor.u32 $0x40, s4;
	s8 =	smax.u32 s9, $0x1;
	s9 =	simm.s32 $0x400  }
.LBB2_23:
0xd: {  	s19 =	sadd.s32 $0x1, s19  }
0xe: {  	_ =	swait.ge [sflag:s17], $0x2000;
	p0 =	sne.s32 s19, s8  }
.Ltmp1:
0xf: {  	[sflag:s17] =	ssyncset.done $0x0;
	(pc) =	sbr.rel @!p0 .LBB2_24-.Ltmp1, $4  }
0x10: {  	[sflag:s17] =	ssyncadd.s32 $0xFFFFE000  }
0x11: {  	_ =	swait.ge [sflag:s18], $0x2000  }
0x12: {  	[sflag:s18] =	ssyncset.done $0x0  }
0x13: {  	[sflag:s18] =	ssyncadd.s32 $0xFFFFE000  }
.LBB2_1:
.Ltmp2:
0x14: {  	(pc) =	sbr.rel .LBB2_2-.Ltmp2, $3  }
0x15: {  	_ =	sdelay $0x1  }
0x16: {  	[tilespmem:s3], [sflag:$0x1] =	stream.strided.gather [hbm4b:s6+s9], $0x2000, s10, s9, $0x38;
	[tilespmem:$0x10100] =	vst v63  }
0x17: {  	s20 =	simm.s32 $0x0  }
.LBB2_16:
0x18: {  	_ = 	snop  }
.LBB2_21:
0x19: {  	v6 =	vld [tilespmem:s26+$0xFFFFFF1E]  }
0x1a: {  	s24 =	sor.u32 $0x60, s23  }
0x1b: {  	[tilespmem:s24+$0xE100] =	vst v1  }
0x1c: {  	[tilespmem:s22+$0x0] =	vst v2;
	v1 =	vld [tilespmem:s26+$0xB1]  }
0x1d: {  	v2 =	vld [tilespmem:s26+$0xFFFFFFAF];
	[tilespmem:s22+$0x40] =	vst v3  }
0x1e: {  	v63 =	vld [tilespmem:s26+$0x30];
	[tilespmem:s22+$0xFFFFFFC0] =	vst v6  }
0x1f: {  	[tilespmem:s28+$0xFFFFFFD0] =	vst @p0 v4;
	v3 =	vld [tilespmem:s26+$0xFFFFFF2E]  }
0x20: {  	s31 =	sor.u32 $0x70, s23;
	[tilespmem:s28+$0x50] =	vst @p0 v5  }
0x21: {  	[tilespmem:s31+$0xE100] =	vst v1  }
0x22: {  	[tilespmem:s22+$0x10] =	vst v2  }
0x23: {  	s21 =	sshll.u32 s21, $0xA;
	[tilespmem:s22+$0x50] =	vst v63  }
0x24: {  	s21 =	sadd.s32 s5, s21;
	[tilespmem:s22+$0xFFFFFFD0] =	vst v3  }
0x25: {  	[hbm4b:s21+s3] =	stream.linear.scatter [tilespmem:s16], [sflag:$0x4], $0x2000, $0x38;
	[tilespmem:$0x10100] =	vst v63  }
.LBB2_22:
0x26: {  	s20 =	sadd.s32 $0x1, s20  }
0x27: {  	p0 =	sne.s32 s20, $0x7B  }
.Ltmp3:
0x28: {  	_ = 	snop;
	(pc) =	sbr.rel @!p0 .LBB2_23-.Ltmp3, $1  }
0x29: {  	_ =	sdelay $0x3  }
.LBB2_2:
0x2a: {  	s22 =	sshll.u32 s20, $0x6  }
0x2b: {  	s23 =	sor.u32 s4, s22  }
0x2c: {  	p2 =	sgt.u32 s23, $0x1E84  }
.Ltmp4:
0x2d: {  	s21 =	sor.u32 $0x20, s23;
	(pc) =	sbr.rel @p2 .LBB2_12-.Ltmp4, $4  }
0x2e: {  	p1 =	sgt.u32 s21, $0x1E84  }
0x2f: {  	p0 =	seq.s32 s20, $0x0;
	s24 =	sshll.u32 @!p1 s21, $0x7;
	s25 =	simm.s32 @!p1 $0x400  }
0x30: {  	s26 =	simm.s32 @!p1 $0x7A1400;
	s28 =	simm.s32 @!p1 $0x2000;
	s24 =	sadd.s32 @!p1 s1, s24  }
0x31: {  	[tilespmem:s28], [sflag:$0x2] =	stream.strided.gather @!p1 [hbm4b:s24+s25], $0x2000, s26, s25, $0x38;
	[tilespmem:$0x10100] =	vst v63  }
0x32: {  	_ =	swait.ge [sflag:s11], $0x2000  }
0x33: {  	[sflag:s11] =	ssyncset.done $0x0  }
0x34: {  	s24 =	simm.s32 @!p0 $0x3;
	[sflag:s11] =	ssyncadd.s32 $0xFFFFE000  }
0x35: {  	_ =	swait.ge @!p0 [sflag:s24], $0x2000  }
0x36: {  	[sflag:s24] =	ssyncset.done @!p0 $0x0  }
0x37: {  	s26 =	simm.s32 $0x100;
	s31 =	simm.s32 $0x3;
	[sflag:s24] =	ssyncadd.s32 @!p0 $0xFFFFE000  }
0x38: {  	s25 =	simm.s32 $0x1;
	v2 =	vadd.s32 s31, v0;
	v1 =	vld [tilespmem:s26+$0x80]  }
0x39: {  	v4 =	vadd.s32 s25, v0;
	v3 =	vld [tilespmem:s26+$0xFFFFFF80];
	_ =	sdelay $0x1  }
0x3a: {  	s25 =	simm.s32 $0x2  }
0x3b: {  	s31 =	simm.s32 $0x0;
	v6 =	vadd.s32 s25, v0;
	v5 =	vld [tilespmem:s26+$0x0]  }
0x3c: {  	v8 =	vadd.s32 s31, v0;
	s25 =	simm.s32 $0x813;
	v7 =	vld [tilespmem:s26+$0xFFFFFF00];
	[tilespmem:v2+s12+$0x0] =	vst.idx.msk $0xffff, v1  }
0x3d: {  	s31 =	simm.s32 $0x811;
	[tilespmem:v4+s12+$0x0] =	vst.idx.msk $0xffff, v3;
	v2 =	vadd.s32 s25, v0;
	v1 =	vld [tilespmem:s26+$0x90]  }
0x3e: {  	v4 =	vadd.s32 s31, v0;
	v3 =	vld [tilespmem:s26+$0xFFFFFF90];
	_ =	sdelay $0x1  }
0x3f: {  	[tilespmem:v6+s12+$0x0] =	vst.idx.msk $0xffff, v5;
	s25 =	simm.s32 $0x812  }
0x40: {  	[tilespmem:v8+s12+$0x0] =	vst.idx.msk $0xffff, v7;
	s31 =	simm.s32 $0x810;
	v5 =	vld [tilespmem:s26+$0x10];
	v6 =	vadd.s32 s25, v0  }
0x41: {  	v7 =	vld [tilespmem:s26+$0xFFFFFF10];
	v8 =	vadd.s32 s31, v0;
	s25 =	simm.s32 $0x1023;
	[tilespmem:v2+s12+$0x0] =	vst.idx.msk $0xffff, v1  }
0x42: {  	s31 =	simm.s32 $0x1021;
	[tilespmem:v4+s12+$0x0] =	vst.idx.msk $0xffff, v3;
	v2 =	vadd.s32 s25, v0;
	v1 =	vld [tilespmem:s26+$0xA0]  }
0x43: {  	v4 =	vadd.s32 s31, v0;
	v3 =	vld [tilespmem:s26+$0xFFFFFFA0];
	_ =	sdelay $0x1  }
0x44: {  	[tilespmem:v6+s12+$0x0] =	vst.idx.msk $0xffff, v5;
	s25 =	simm.s32 $0x1022  }
0x45: {  	[tilespmem:v8+s12+$0x0] =	vst.idx.msk $0xffff, v7;
	s31 =	simm.s32 $0x1020;
	v5 =	vld [tilespmem:s26+$0x20];
	v6 =	vadd.s32 s25, v0  }
0x46: {  	v7 =	vld [tilespmem:s26+$0xFFFFFF20];
	v8 =	vadd.s32 s31, v0;
	s25 =	simm.s32 $0x1833;
	[tilespmem:v2+s12+$0x0] =	vst.idx.msk $0xffff, v1  }
0x47: {  	s31 =	simm.s32 $0x1831;
	[tilespmem:v4+s12+$0x0] =	vst.idx.msk $0xffff, v3;
	v2 =	vadd.s32 s25, v0;
	v1 =	vld [tilespmem:s26+$0xB0]  }
0x48: {  	v4 =	vadd.s32 s31, v0;
	v3 =	vld [tilespmem:s26+$0xFFFFFFB0];
	_ =	sdelay $0x1  }
0x49: {  	[tilespmem:v6+s12+$0x0] =	vst.idx.msk $0xffff, v5;
	s25 =	simm.s32 $0x1832  }
0x4a: {  	[tilespmem:v8+s12+$0x0] =	vst.idx.msk $0xffff, v7;
	s31 =	simm.s32 $0x1830;
	v5 =	vld [tilespmem:s26+$0x30];
	v6 =	vadd.s32 s25, v0  }
0x4b: {  	v7 =	vld [tilespmem:s26+$0xFFFFFF30];
	v8 =	vadd.s32 s31, v0;
	s25 =	simm.s32 $0x2043;
	[tilespmem:v2+s12+$0x0] =	vst.idx.msk $0xffff, v1  }
0x4c: {  	s31 =	simm.s32 $0x2041;
	[tilespmem:v4+s12+$0x0] =	vst.idx.msk $0xffff, v3;
	v2 =	vadd.s32 s25, v0;
	v1 =	vld [tilespmem:s26+$0xC0]  }
0x4d: {  	v4 =	vadd.s32 s31, v0;
	v3 =	vld [tilespmem:s26+$0xFFFFFFC0];
	_ =	sdelay $0x1  }
0x4e: {  	[tilespmem:v6+s12+$0x0] =	vst.idx.msk $0xffff, v5;
	s25 =	simm.s32 $0x2042  }
0x4f: {  	[tilespmem:v8+s12+$0x0] =	vst.idx.msk $0xffff, v7;
	s31 =	simm.s32 $0x2040;
	v5 =	vld [tilespmem:s26+$0x40];
	v6 =	vadd.s32 s25, v0  }
0x50: {  	v7 =	vld [tilespmem:s26+$0xFFFFFF40];
	v8 =	vadd.s32 s31, v0;
	s25 =	simm.s32 $0x2853;
	[tilespmem:v2+s12+$0x0] =	vst.idx.msk $0xffff, v1  }
0x51: {  	s31 =	simm.s32 $0x2851;
	[tilespmem:v4+s12+$0x0] =	vst.idx.msk $0xffff, v3;
	v2 =	vadd.s32 s25, v0;
	v1 =	vld [tilespmem:s26+$0xD0]  }
0x52: {  	s28 =	simm.s32 $0x7;
	s24 =	simm.s32 $0x300;
	v4 =	vadd.s32 s31, v0;
	v3 =	vld [tilespmem:s26+$0xFFFFFFD0]  }
0x53: {  	v10 =	vadd.s32 s28, v0;
	v9 =	vld [tilespmem:s24+$0x80];
	s31 =	simm.s32 $0x5  }
0x54: {  	s28 =	simm.s32 $0x6;
	[tilespmem:v6+s12+$0x0] =	vst.idx.msk $0xffff, v5;
	v5 =	vld [tilespmem:s24+$0xFFFFFF80];
	v6 =	vadd.s32 s31, v0  }
0x55: {  	s25 =	simm.s32 $0x4;
	[tilespmem:v8+s12+$0x0] =	vst.idx.msk $0xffff, v7;
	v7 =	vld [tilespmem:s24+$0x0];
	v8 =	vadd.s32 s28, v0  }
0x56: {  	s29 =	simm.s32 $0x2852;
	v11 =	vld [tilespmem:s24+$0xFFFFFF00];
	v12 =	vadd.s32 s25, v0;
	[tilespmem:v2+s12+$0x0] =	vst.idx.msk $0xffff, v1  }
0x57: {  	s28 =	simm.s32 $0x3063;
	[tilespmem:v4+s12+$0x0] =	vst.idx.msk $0xffff, v3;
	v3 =	vld [tilespmem:s26+$0x50];
	v4 =	vadd.s32 s29, v0  }
0x58: {  	[tilespmem:v10+s12+$0x0] =	vst.idx.msk $0xffff, v9;
	v2 =	vadd.s32 s28, v0;
	s28 =	simm.s32 $0x817;
	v1 =	vld [tilespmem:s26+$0xE0]  }
0x59: {  	[tilespmem:v6+s12+$0x0] =	vst.idx.msk $0xffff, v5;
	s29 =	simm.s32 $0x815;
	v5 =	vld [tilespmem:s24+$0x90];
	v6 =	vadd.s32 s28, v0  }
0x5a: {  	[tilespmem:v8+s12+$0x0] =	vst.idx.msk $0xffff, v7;
	v9 =	vld [tilespmem:s24+$0xFFFFFF90];
	v10 =	vadd.s32 s29, v0;
	s28 =	simm.s32 $0x816  }
0x5b: {  	[tilespmem:v12+s12+$0x0] =	vst.idx.msk $0xffff, v11;
	v7 =	vld [tilespmem:s24+$0x10];
	s29 =	simm.s32 $0x814;
	v8 =	vadd.s32 s28, v0  }
0x5c: {  	v11 =	vld [tilespmem:s24+$0xFFFFFF10];
	v60 =	vadd.s32 s29, v0;
	s29 =	simm.s32 $0x2850;
	[tilespmem:v4+s12+$0x0] =	vst.idx.msk $0xffff, v3  }
0x5d: {  	s28 =	simm.s32 $0x3873;
	v3 =	vld [tilespmem:s26+$0xFFFFFF50];
	v4 =	vadd.s32 s29, v0;
	[tilespmem:v2+s12+$0x0] =	vst.idx.msk $0xffff, v1  }
0x5e: {  	v2 =	vadd.s32 s28, v0;
	[tilespmem:v6+s12+$0x0] =	vst.idx.msk $0xffff, v5;
	s28 =	simm.s32 $0x1027;
	v1 =	vld [tilespmem:s26+$0xF0]  }
0x5f: {  	s29 =	simm.s32 $0x1025;
	[tilespmem:v10+s12+$0x0] =	vst.idx.msk $0xffff, v9;
	v5 =	vld [tilespmem:s24+$0xA0];
	v6 =	vadd.s32 s28, v0  }
0x60: {  	v10 =	vadd.s32 s29, v0;
	v9 =	vld [tilespmem:s24+$0xFFFFFFA0];
	[tilespmem:v8+s12+$0x0] =	vst.idx.msk $0xffff, v7;
	s28 =	simm.s32 $0x1026  }
0x61: {  	s29 =	simm.s32 $0x1024;
	[tilespmem:v60+s12+$0x0] =	vst.idx.msk $0xffff, v11;
	v7 =	vld [tilespmem:s24+$0x20];
	v8 =	vadd.s32 s28, v0  }
0x62: {  	v61 =	vadd.s32 s29, v0;
	v11 =	vld [tilespmem:s24+$0xFFFFFF20];
	s28 =	simm.s32 $0x3061;
	[tilespmem:v4+s12+$0x0] =	vst.idx.msk $0xffff, v3  }
0x63: {  	[tilespmem:v2+s12+$0x0] =	vst.idx.msk $0xffff, v1;
	v1 =	vld [tilespmem:s26+$0xFFFFFFE0];
	v2 =	vadd.s32 s28, v0;
	s28 =	simm.s32 $0x3062  }
0x64: {  	s29 =	simm.s32 $0x1837;
	v3 =	vld [tilespmem:s26+$0x60];
	[tilespmem:v6+s12+$0x0] =	vst.idx.msk $0xffff, v5;
	v4 =	vadd.s32 s28, v0  }
0x65: {  	[tilespmem:v10+s12+$0x0] =	vst.idx.msk $0xffff, v9;
	v6 =	vadd.s32 s29, v0;
	s28 =	simm.s32 $0x1835;
	v5 =	vld [tilespmem:s24+$0xB0]  }
0x66: {  	v9 =	vld [tilespmem:s24+$0xFFFFFFB0];
	[tilespmem:v8+s12+$0x0] =	vst.idx.msk $0xffff, v7;
	v10 =	vadd.s32 s28, v0;
	s28 =	simm.s32 $0x1836  }
0x67: {  	s29 =	simm.s32 $0x1834;
	[tilespmem:v61+s12+$0x0] =	vst.idx.msk $0xffff, v11;
	v7 =	vld [tilespmem:s24+$0x30];
	v8 =	vadd.s32 s28, v0  }
0x68: {  	v62 =	vadd.s32 s29, v0;
	v11 =	vld [tilespmem:s24+$0xFFFFFF30];
	s28 =	simm.s32 $0x3060;
	[tilespmem:v2+s12+$0x0] =	vst.idx.msk $0xffff, v1  }
0x69: {  	v1 =	vld [tilespmem:s26+$0xFFFFFF60];
	v2 =	vadd.s32 s28, v0;
	s28 =	simm.s32 $0x3871;
	[tilespmem:v4+s12+$0x0] =	vst.idx.msk $0xffff, v3  }
0x6a: {  	s29 =	simm.s32 $0x2047;
	[tilespmem:v6+s12+$0x0] =	vst.idx.msk $0xffff, v5;
	v3 =	vld [tilespmem:s26+$0xFFFFFFF0];
	v4 =	vadd.s32 s28, v0  }
0x6b: {  	s28 =	simm.s32 $0x2045;
	v6 =	vadd.s32 s29, v0;
	[tilespmem:v10+s12+$0x0] =	vst.idx.msk $0xffff, v9;
	v5 =	vld [tilespmem:s24+$0xC0]  }
0x6c: {  	v14 =	vadd.s32 s28, v0;
	s28 =	simm.s32 $0x2046;
	v13 =	vld [tilespmem:s24+$0xFFFFFFC0];
	[tilespmem:v8+s12+$0x0] =	vst.idx.msk $0xffff, v7  }
0x6d: {  	[tilespmem:v62+s12+$0x0] =	vst.idx.msk $0xffff, v11;
	v63 =	vadd.s32 s28, v0;
	s28 =	simm.s32 $0x2044;
	v11 =	vld [tilespmem:s24+$0x40]  }
0x6e: {  	v8 =	vld [tilespmem:s24+$0xFFFFFF40];
	v10 =	vadd.s32 s28, v0;
	s28 =	simm.s32 $0x3872;
	[tilespmem:v2+s12+$0x0] =	vst.idx.msk $0xffff, v1  }
0x6f: {  	s29 =	simm.s32 $0x3870;
	v2 =	vld [tilespmem:s26+$0x70];
	v7 =	vadd.s32 s28, v0;
	[tilespmem:v4+s12+$0x0] =	vst.idx.msk $0xffff, v3  }
0x70: {  	v9 =	vadd.s32 s29, v0;
	s28 =	simm.s32 $0x2857;
	[tilespmem:v6+s12+$0x0] =	vst.idx.msk $0xffff, v5;
	v6 =	vld [tilespmem:s26+$0xFFFFFF70]  }
0x71: {  	s30 =	simm.s32 $0xB;
	s31 =	simm.s32 $0x2855;
	v3 =	vadd.s32 s28, v0;
	[tilespmem:v14+s12+$0x0] =	vst.idx.msk $0xffff, v13;
	v1 =	vld [tilespmem:s24+$0xD0]  }
0x72: {  	s29 =	simm.s32 $0xC;
	s28 =	simm.s32 $0x500;
	s26 =	simm.s32 $0x8;
	v5 =	vadd.s32 s31, v0;
	v4 =	vld [tilespmem:s24+$0xFFFFFFD0];
	[tilespmem:v63+s12+$0x0] =	vst.idx.msk $0xffff, v11  }
.LBB2_4:
0x73: {  	p2 =	slt.u32 s29, $0x3C;
	s31 =	sadd.s32 $0x1, s26;
	v11 =	vld [tilespmem:s28+$0x80];
	v12 =	vadd.s32 s30, v0;
	[tilespmem:v10+s12+$0x0] =	vst.idx.msk $0xffff, v8  }
0x74: {  	s30 =	sadd.s32 $0x2, s26;
	v8 =	vld [tilespmem:s28+$0xFFFFFF80];
	v10 =	vadd.s32 s31, v0;
	[tilespmem:v7+s12+$0x0] =	vst.idx.msk $0xffff, v2  }
0x75: {  	v7 =	vadd.s32 s30, v0;
	v2 =	vld [tilespmem:s28+$0x0];
	[tilespmem:v9+s12+$0x0] =	vst.idx.msk $0xffff, v6  }
0x76: {  	s30 =	sadd.s32 $0x3063, s25;
	v9 =	vadd.s32 s26, v0;
	v6 =	vld [tilespmem:s28+$0xFFFFFF00];
	[tilespmem:v3+s12+$0x0] =	vst.idx.msk $0xffff, v1  }
0x77: {  	s31 =	sadd.s32 $0x2852, s25;
	v3 =	vadd.s32 s30, v0;
	[tilespmem:v5+s12+$0x0] =	vst.idx.msk $0xffff, v4;
	v1 =	vld [tilespmem:s24+$0xE0]  }
0x78: {  	s30 =	sadd.s32 $0x813, s26;
	v5 =	vadd.s32 s31, v0;
	[tilespmem:v12+s12+$0x0] =	vst.idx.msk $0xffff, v11;
	v4 =	vld [tilespmem:s24+$0x50]  }
0x79: {  	s31 =	sadd.s32 $0x811, s26;
	[tilespmem:v10+s12+$0x0] =	vst.idx.msk $0xffff, v8;
	v8 =	vld [tilespmem:s28+$0x90];
	v10 =	vadd.s32 s30, v0  }
0x7a: {  	v12 =	vadd.s32 s31, v0;
	s30 =	sadd.s32 $0x812, s26;
	v11 =	vld [tilespmem:s28+$0xFFFFFF90];
	[tilespmem:v7+s12+$0x0] =	vst.idx.msk $0xffff, v2  }
0x7b: {  	s31 =	sadd.s32 $0x810, s26;
	[tilespmem:v9+s12+$0x0] =	vst.idx.msk $0xffff, v6;
	v2 =	vld [tilespmem:s28+$0x10];
	v6 =	vadd.s32 s30, v0  }
0x7c: {  	v9 =	vadd.s32 s31, v0;
	s30 =	sadd.s32 $0x3873, s25;
	v7 =	vld [tilespmem:s28+$0xFFFFFF10];
	[tilespmem:v3+s12+$0x0] =	vst.idx.msk $0xffff, v1  }
0x7d: {  	s31 =	sadd.s32 $0x2850, s25;
	v3 =	vadd.s32 s30, v0;
	[tilespmem:v5+s12+$0x0] =	vst.idx.msk $0xffff, v4;
	v1 =	vld [tilespmem:s24+$0xF0]  }
0x7e: {  	s30 =	sadd.s32 $0x1023, s26;
	v5 =	vadd.s32 s31, v0;
	[tilespmem:v10+s12+$0x0] =	vst.idx.msk $0xffff, v8;
	v4 =	vld [tilespmem:s24+$0xFFFFFF50]  }
0x7f: {  	s31 =	sadd.s32 $0x1021, s26;
	v10 =	vadd.s32 s30, v0;
	[tilespmem:v12+s12+$0x0] =	vst.idx.msk $0xffff, v11;
	v8 =	vld [tilespmem:s28+$0xA0]  }
0x80: {  	s30 =	sadd.s32 $0x1022, s26;
	v12 =	vadd.s32 s31, v0;
	v11 =	vld [tilespmem:s28+$0xFFFFFFA0];
	[tilespmem:v6+s12+$0x0] =	vst.idx.msk $0xffff, v2  }
0x81: {  	s31 =	sadd.s32 $0x1020, s26;
	v6 =	vadd.s32 s30, v0;
	[tilespmem:v9+s12+$0x0] =	vst.idx.msk $0xffff, v7;
	v2 =	vld [tilespmem:s28+$0x20]  }
0x82: {  	s30 =	sadd.s32 $0x3061, s25;
	v9 =	vadd.s32 s31, v0;
	v7 =	vld [tilespmem:s28+$0xFFFFFF20];
	[tilespmem:v3+s12+$0x0] =	vst.idx.msk $0xffff, v1  }
0x83: {  	v3 =	vadd.s32 s30, v0;
	s30 =	sadd.s32 $0x3062, s25;
	[tilespmem:v5+s12+$0x0] =	vst.idx.msk $0xffff, v4;
	v1 =	vld [tilespmem:s24+$0xFFFFFFE0]  }
0x84: {  	s31 =	sadd.s32 $0x1833, s26;
	v5 =	vadd.s32 s30, v0;
	[tilespmem:v10+s12+$0x0] =	vst.idx.msk $0xffff, v8;
	v4 =	vld [tilespmem:s24+$0x60]  }
0x85: {  	s30 =	sadd.s32 $0x1831, s26;
	v10 =	vadd.s32 s31, v0;
	[tilespmem:v12+s12+$0x0] =	vst.idx.msk $0xffff, v11;
	v8 =	vld [tilespmem:s28+$0xB0]  }
0x86: {  	v12 =	vadd.s32 s30, v0;
	s30 =	sadd.s32 $0x1832, s26;
	v11 =	vld [tilespmem:s28+$0xFFFFFFB0];
	[tilespmem:v6+s12+$0x0] =	vst.idx.msk $0xffff, v2  }
0x87: {  	s31 =	sadd.s32 $0x1830, s26;
	v6 =	vadd.s32 s30, v0;
	[tilespmem:v9+s12+$0x0] =	vst.idx.msk $0xffff, v7;
	v2 =	vld [tilespmem:s28+$0x30]  }
0x88: {  	s30 =	sadd.s32 $0x3060, s25;
	v9 =	vadd.s32 s31, v0;
	v7 =	vld [tilespmem:s28+$0xFFFFFF30];
	[tilespmem:v3+s12+$0x0] =	vst.idx.msk $0xffff, v1  }
0x89: {  	v3 =	vadd.s32 s30, v0;
	s30 =	sadd.s32 $0x3871, s25;
	v1 =	vld [tilespmem:s24+$0xFFFFFF60];
	[tilespmem:v5+s12+$0x0] =	vst.idx.msk $0xffff, v4  }
0x8a: {  	s31 =	sadd.s32 $0x2043, s26;
	v5 =	vadd.s32 s30, v0;
	[tilespmem:v10+s12+$0x0] =	vst.idx.msk $0xffff, v8;
	v4 =	vld [tilespmem:s24+$0xFFFFFFF0]  }
0x8b: {  	s30 =	sadd.s32 $0x2041, s26;
	[tilespmem:v12+s12+$0x0] =	vst.idx.msk $0xffff, v11;
	v11 =	vld [tilespmem:s28+$0xC0];
	v12 =	vadd.s32 s31, v0  }
0x8c: {  	v14 =	vadd.s32 s30, v0;
	s30 =	sadd.s32 $0x2042, s26;
	v13 =	vld [tilespmem:s28+$0xFFFFFFC0];
	[tilespmem:v6+s12+$0x0] =	vst.idx.msk $0xffff, v2  }
0x8d: {  	s31 =	sadd.s32 $0x2040, s26;
	v16 =	vadd.s32 s30, v0;
	[tilespmem:v9+s12+$0x0] =	vst.idx.msk $0xffff, v7;
	v15 =	vld [tilespmem:s28+$0x40]  }
.Ltmp5:
0x8e: {  	s30 =	sadd.s32 $0x3872, s25;
	v10 =	vadd.s32 s31, v0;
	v8 =	vld [tilespmem:s28+$0xFFFFFF40];
	[tilespmem:v3+s12+$0x0] =	vst.idx.msk $0xffff, v1;
	(pc) =	sbr.rel @p2 .LBB2_4-.Ltmp5, $4  }
0x8f: {  	s31 =	sadd.s32 $0x3870, s25;
	s25 =	smov.u32 s26;
	s26 =	smov.u32 s29;
	v7 =	vadd.s32 s30, v0;
	[tilespmem:v5+s12+$0x0] =	vst.idx.msk $0xffff, v4;
	v2 =	vld [tilespmem:s24+$0x70]  }
0x90: {  	s30 =	sadd.s32 $0x2853, s25;
	v9 =	vadd.s32 s31, v0;
	[tilespmem:v12+s12+$0x0] =	vst.idx.msk $0xffff, v11;
	v6 =	vld [tilespmem:s24+$0xFFFFFF70];
	s24 =	smov.u32 s28  }
0x91: {  	s31 =	sadd.s32 $0x2851, s25;
	v3 =	vadd.s32 s30, v0;
	[tilespmem:v14+s12+$0x0] =	vst.idx.msk $0xffff, v13;
	v1 =	vld [tilespmem:s28+$0xD0]  }
0x92: {  	s29 =	sadd.s32 $0x4, s29;
	s30 =	sadd.s32 $0x3, s26;
	v5 =	vadd.s32 s31, v0;
	s28 =	sadd.s32 $0x200, s28;
	v4 =	vld [tilespmem:s24+$0xFFFFFFD0];
	[tilespmem:v16+s12+$0x0] =	vst.idx.msk $0xffff, v15  }
0x93: {  	s29 =	sadd.s32 $0x1, s26;
	v11 =	vld [tilespmem:s28+$0x80];
	v12 =	vadd.s32 s30, v0  }
0x94: {  	v13 =	vld [tilespmem:s28+$0xFFFFFF80];
	v14 =	vadd.s32 s29, v0;
	s29 =	sadd.s32 $0x2, s26  }
0x95: {  	v15 =	vld [tilespmem:s28+$0x0];
	v16 =	vadd.s32 s29, v0  }
0x96: {  	v17 =	vld [tilespmem:s28+$0xFFFFFF00];
	v18 =	vadd.s32 s26, v0  }
0x97: {  	[tilespmem:v10+s12+$0x0] =	vst.idx.msk $0xffff, v8  }
0x98: {  	s29 =	sadd.s32 $0x813, s26;
	[tilespmem:v12+s12+$0x0] =	vst.idx.msk $0xffff, v11  }
0x99: {  	s31 =	sadd.s32 $0x811, s26;
	v28 =	vadd.s32 s29, v0;
	[tilespmem:v14+s12+$0x0] =	vst.idx.msk $0xffff, v13;
	v27 =	vld [tilespmem:s28+$0x90]  }
0x9a: {  	v30 =	vadd.s32 s31, v0;
	s29 =	sadd.s32 $0x812, s26;
	[tilespmem:v16+s12+$0x0] =	vst.idx.msk $0xffff, v15;
	v29 =	vld [tilespmem:s28+$0xFFFFFF90]  }
0x9b: {  	s31 =	sadd.s32 $0x810, s26;
	v32 =	vadd.s32 s29, v0;
	[tilespmem:v18+s12+$0x0] =	vst.idx.msk $0xffff, v17;
	v31 =	vld [tilespmem:s28+$0x10]  }
0x9c: {  	[tilespmem:v7+s12+$0x0] =	vst.idx.msk $0xffff, v2;
	v33 =	vadd.s32 s31, v0;
	v2 =	vld [tilespmem:s28+$0xFFFFFF10]  }
0x9d: {  	[tilespmem:v9+s12+$0x0] =	vst.idx.msk $0xffff, v6  }
0x9e: {  	s29 =	sadd.s32 $0x1023, s26;
	[tilespmem:v28+s12+$0x0] =	vst.idx.msk $0xffff, v27  }
0x9f: {  	s31 =	sadd.s32 $0x1021, s26;
	v35 =	vadd.s32 s29, v0;
	[tilespmem:v30+s12+$0x0] =	vst.idx.msk $0xffff, v29;
	v34 =	vld [tilespmem:s28+$0xA0]  }
0xa0: {  	v37 =	vadd.s32 s31, v0;
	s29 =	sadd.s32 $0x1022, s26;
	v36 =	vld [tilespmem:s28+$0xFFFFFFA0];
	[tilespmem:v32+s12+$0x0] =	vst.idx.msk $0xffff, v31  }
0xa1: {  	s31 =	sadd.s32 $0x1020, s26;
	v38 =	vadd.s32 s29, v0;
	[tilespmem:v33+s12+$0x0] =	vst.idx.msk $0xffff, v2;
	v2 =	vld [tilespmem:s28+$0x20]  }
0xa2: {  	[tilespmem:v3+s12+$0x0] =	vst.idx.msk $0xffff, v1;
	v3 =	vadd.s32 s31, v0;
	s29 =	sadd.s32 $0x3063, s25;
	v1 =	vld [tilespmem:s28+$0xFFFFFF20]  }
0xa3: {  	[tilespmem:v5+s12+$0x0] =	vst.idx.msk $0xffff, v4;
	s31 =	sadd.s32 $0x2852, s25;
	v4 =	vld [tilespmem:s24+$0xE0];
	v5 =	vadd.s32 s29, v0  }
0xa4: {  	v39 =	vld [tilespmem:s24+$0x50];
	v40 =	vadd.s32 s31, v0;
	s29 =	sadd.s32 $0x1833, s26;
	[tilespmem:v35+s12+$0x0] =	vst.idx.msk $0xffff, v34  }
0xa5: {  	s31 =	sadd.s32 $0x1831, s26;
	v41 =	vadd.s32 s29, v0;
	[tilespmem:v37+s12+$0x0] =	vst.idx.msk $0xffff, v36;
	v6 =	vld [tilespmem:s28+$0xB0]  }
0xa6: {  	v42 =	vadd.s32 s31, v0;
	s29 =	sadd.s32 $0x1832, s26;
	v9 =	vld [tilespmem:s28+$0xFFFFFFB0];
	[tilespmem:v38+s12+$0x0] =	vst.idx.msk $0xffff, v2  }
0xa7: {  	s31 =	sadd.s32 $0x1830, s26;
	[tilespmem:v3+s12+$0x0] =	vst.idx.msk $0xffff, v1;
	v2 =	vadd.s32 s29, v0;
	v1 =	vld [tilespmem:s28+$0x30]  }
0xa8: {  	[tilespmem:v5+s12+$0x0] =	vst.idx.msk $0xffff, v4;
	v4 =	vadd.s32 s31, v0;
	s31 =	sadd.s32 $0x2850, s25;
	v3 =	vld [tilespmem:s28+$0xFFFFFF30]  }
0xa9: {  	v44 =	vld [tilespmem:s24+$0xFFFFFF50];
	[tilespmem:v40+s12+$0x0] =	vst.idx.msk $0xffff, v39;
	v45 =	vadd.s32 s31, v0;
	s29 =	sadd.s32 $0x3873, s25  }
0xaa: {  	v5 =	vld [tilespmem:s24+$0xF0];
	v43 =	vadd.s32 s29, v0;
	s29 =	sadd.s32 $0x2043, s26;
	[tilespmem:v41+s12+$0x0] =	vst.idx.msk $0xffff, v6  }
0xab: {  	s31 =	sadd.s32 $0x2041, s26;
	v46 =	vadd.s32 s29, v0;
	[tilespmem:v42+s12+$0x0] =	vst.idx.msk $0xffff, v9;
	v6 =	vld [tilespmem:s28+$0xC0]  }
0xac: {  	v47 =	vadd.s32 s31, v0;
	s29 =	sadd.s32 $0x2042, s26;
	v9 =	vld [tilespmem:s28+$0xFFFFFFC0];
	[tilespmem:v2+s12+$0x0] =	vst.idx.msk $0xffff, v1  }
0xad: {  	s31 =	sadd.s32 $0x2040, s26;
	[tilespmem:v4+s12+$0x0] =	vst.idx.msk $0xffff, v3;
	v2 =	vadd.s32 s29, v0;
	v1 =	vld [tilespmem:s28+$0x40]  }
0xae: {  	[tilespmem:v45+s12+$0x0] =	vst.idx.msk $0xffff, v44;
	v4 =	vadd.s32 s31, v0;
	v3 =	vld [tilespmem:s28+$0xFFFFFF40];
	s29 =	sadd.s32 $0x3061, s25  }
0xaf: {  	[tilespmem:v43+s12+$0x0] =	vst.idx.msk $0xffff, v5;
	v5 =	vld [tilespmem:s24+$0xFFFFFFE0];
	v48 =	vadd.s32 s29, v0;
	s29 =	sadd.s32 $0x3062, s25  }
0xb0: {  	v49 =	vld [tilespmem:s24+$0x60];
	v50 =	vadd.s32 s29, v0;
	s29 =	sadd.s32 $0x2853, s26;
	[tilespmem:v46+s12+$0x0] =	vst.idx.msk $0xffff, v6  }
0xb1: {  	s31 =	sadd.s32 $0x2851, s26;
	v51 =	vadd.s32 s29, v0;
	[tilespmem:v47+s12+$0x0] =	vst.idx.msk $0xffff, v9;
	v6 =	vld [tilespmem:s28+$0xD0]  }
0xb2: {  	v52 =	vadd.s32 s31, v0;
	s29 =	sadd.s32 $0x2852, s26;
	v9 =	vld [tilespmem:s28+$0xFFFFFFD0];
	[tilespmem:v2+s12+$0x0] =	vst.idx.msk $0xffff, v1  }
0xb3: {  	[tilespmem:v4+s12+$0x0] =	vst.idx.msk $0xffff, v3;
	v2 =	vadd.s32 s29, v0;
	s29 =	sadd.s32 $0x2850, s26;
	v1 =	vld [tilespmem:s28+$0x50]  }
0xb4: {  	s31 =	sadd.s32 $0x3060, s25;
	v3 =	vld [tilespmem:s28+$0xFFFFFF50];
	[tilespmem:v48+s12+$0x0] =	vst.idx.msk $0xffff, v5;
	v4 =	vadd.s32 s29, v0  }
0xb5: {  	v53 =	vadd.s32 s31, v0;
	v5 =	vld [tilespmem:s24+$0xFFFFFF60];
	s29 =	sadd.s32 $0x3871, s25;
	[tilespmem:v50+s12+$0x0] =	vst.idx.msk $0xffff, v49  }
0xb6: {  	v54 =	vld [tilespmem:s24+$0xFFFFFFF0];
	v55 =	vadd.s32 s29, v0;
	s29 =	sadd.s32 $0x3063, s26;
	[tilespmem:v51+s12+$0x0] =	vst.idx.msk $0xffff, v6  }
0xb7: {  	v56 =	vadd.s32 s29, v0;
	s29 =	sadd.s32 $0x3061, s26;
	[tilespmem:v52+s12+$0x0] =	vst.idx.msk $0xffff, v9;
	v6 =	vld [tilespmem:s28+$0xE0]  }
0xb8: {  	[tilespmem:v2+s12+$0x0] =	vst.idx.msk $0xffff, v1;
	v1 =	vld [tilespmem:s28+$0xFFFFFFE0];
	v2 =	vadd.s32 s29, v0;
	s29 =	sadd.s32 $0x3062, s26  }
0xb9: {  	[tilespmem:v4+s12+$0x0] =	vst.idx.msk $0xffff, v3;
	v3 =	vld [tilespmem:s28+$0x60];
	v4 =	vadd.s32 s29, v0;
	s29 =	sadd.s32 $0x3060, s26  }
0xba: {  	s30 =	sadd.s32 $0x3872, s25;
	[tilespmem:v53+s12+$0x0] =	vst.idx.msk $0xffff, v5;
	v5 =	vld [tilespmem:s28+$0xFFFFFF60];
	v57 =	vadd.s32 s29, v0  }
0xbb: {  	v59 =	vadd.s32 s30, v0;
	s31 =	sadd.s32 $0x3870, s25;
	v58 =	vld [tilespmem:s24+$0x70];
	[tilespmem:v55+s12+$0x0] =	vst.idx.msk $0xffff, v54  }
0xbc: {  	s30 =	sadd.s32 $0x3873, s26;
	v61 =	vadd.s32 s31, v0;
	v60 =	vld [tilespmem:s24+$0xFFFFFF70];
	[tilespmem:v56+s12+$0x0] =	vst.idx.msk $0xffff, v6  }
0xbd: {  	v62 =	vadd.s32 s30, v0;
	s31 =	sadd.s32 $0x3871, s26;
	v6 =	vld [tilespmem:s28+$0xF0];
	[tilespmem:v2+s12+$0x0] =	vst.idx.msk $0xffff, v1  }
0xbe: {  	s25 =	sadd.s32 $0x3872, s26;
	v2 =	vadd.s32 s31, v0;
	[tilespmem:v4+s12+$0x0] =	vst.idx.msk $0xffff, v3;
	v1 =	vld [tilespmem:s28+$0xFFFFFFF0]  }
0xbf: {  	s30 =	sadd.s32 $0x3870, s26;
	v4 =	vadd.s32 s25, v0;
	[tilespmem:v57+s12+$0x0] =	vst.idx.msk $0xffff, v5;
	v3 =	vld [tilespmem:s28+$0x70]  }
0xc0: {  	v63 =	vadd.s32 s30, v0;
	[tilespmem:v59+s12+$0x0] =	vst.idx.msk $0xffff, v58;
	v5 =	vld [tilespmem:s28+$0xFFFFFF70]  }
0xc1: {  	[tilespmem:v61+s12+$0x0] =	vst.idx.msk $0xffff, v60  }
0xc2: {  	[tilespmem:v62+s12+$0x0] =	vst.idx.msk $0xffff, v6  }
0xc3: {  	[tilespmem:v2+s12+$0x0] =	vst.idx.msk $0xffff, v1  }
0xc4: {  	[tilespmem:v4+s12+$0x0] =	vst.idx.msk $0xffff, v3  }
0xc5: {  	s29 =	simm.s32 $0x4102;
	[tilespmem:v63+s12+$0x0] =	vst.idx.msk $0xffff, v5  }
0xc6: {  	v1 =	vld [tilespmem:s29+$0x81]  }
0xc7: {  	v2 =	vld [tilespmem:s29+$0xFFFFFF7F]  }
0xc8: {  	v3 =	vld [tilespmem:s29+$0x0]  }
0xc9: {  	v4 =	vld [tilespmem:s29+$0xFFFFFEFE]  }
0xca: {  	s24 =	simm.s32 $0xC160  }
0xcb: {  	[tilespmem:s24+$0x60] =	vst v1  }
0xcc: {  	[tilespmem:s24+$0xFFFFFFE0] =	vst v2;
	v1 =	vld [tilespmem:s29+$0x91]  }
0xcd: {  	[tilespmem:s24+$0x20] =	vst v3;
	v2 =	vld [tilespmem:s29+$0xFFFFFF8F]  }
0xce: {  	[tilespmem:s24+$0xFFFFFFA0] =	vst v4;
	v3 =	vld [tilespmem:s29+$0x10]  }
0xcf: {  	p3 =	por $0x1, $0x1;
	s25 =	simm.s32 $0xC0;
	v4 =	vld [tilespmem:s29+$0xFFFFFF0E]  }
.Ltmp6:
0xd0: {  	s31 =	sor.u32 $0x50, s25;
	(pc) =	sbr.rel @!p3 .LBB2_6-.Ltmp6, $4  }
0xd1: {  	[tilespmem:s31+$0xC100] =	vst v1  }
0xd2: {  	[tilespmem:s24+$0xFFFFFFF0] =	vst v2;
	v1 =	vld [tilespmem:s29+$0xA1]  }
0xd3: {  	[tilespmem:s24+$0x30] =	vst v3;
	v2 =	vld [tilespmem:s29+$0xFFFFFF9F]  }
0xd4: {  	p2 =	por $0x0, $0x0;
	s26 =	simm.s32 $0x4306;
	[tilespmem:s24+$0xFFFFFFB0] =	vst v4;
	v3 =	vld [tilespmem:s29+$0x20]  }
0xd5: {  	v4 =	vld [tilespmem:s26+$0x81]  }
0xd6: {  	s28 =	sor.u32 $0x60, s25;
	v5 =	vld [tilespmem:s26+$0xFFFFFF7F]  }
0xd7: {  	v6 =	vld [tilespmem:s26+$0xFFFFFEFE];
	[tilespmem:s28+$0xC100] =	vst v1  }
0xd8: {  	[tilespmem:s24+$0x0] =	vst v2;
	v2 =	vld [tilespmem:s26+$0x0]  }
0xd9: {  	s28 =	simm.s32 $0xC260;
	v1 =	vld [tilespmem:s29+$0xB1];
	[tilespmem:s24+$0x40] =	vst v3  }
0xda: {  	v3 =	vld [tilespmem:s29+$0xFFFFFF1E];
	[tilespmem:s28+$0x60] =	vst v4  }
0xdb: {  	[tilespmem:s28+$0xFFFFFFE0] =	vst v5;
	v4 =	vld [tilespmem:s26+$0x91]  }
0xdc: {  	[tilespmem:s28+$0xFFFFFFA0] =	vst v6;
	v5 =	vld [tilespmem:s26+$0xFFFFFF8F]  }
0xdd: {  	s31 =	sor.u32 $0x70, s25;
	v7 =	vld [tilespmem:s29+$0xFFFFFFAF];
	[tilespmem:s28+$0x20] =	vst v2  }
0xde: {  	s25 =	simm.s32 $0x1C0;
	[tilespmem:s31+$0xC100] =	vst v1;
	v6 =	vld [tilespmem:s26+$0x10]  }
0xdf: {  	p3 =	por $0x1, $0x1;
	s30 =	sor.u32 $0x50, s25;
	v8 =	vld [tilespmem:s26+$0xFFFFFF0E];
	[tilespmem:s24+$0xFFFFFFC0] =	vst v3  }
.Ltmp7:
0xe0: {  	[tilespmem:s30+$0xC100] =	vst v4;
	v4 =	vld [tilespmem:s29+$0xFFFFFF2E];
	(pc) =	sbr.rel @!p3 .LBB2_8-.Ltmp7, $4  }
0xe1: {  	[tilespmem:s28+$0xFFFFFFF0] =	vst v5;
	v1 =	vld [tilespmem:s26+$0xA1]  }
0xe2: {  	[tilespmem:s24+$0x10] =	vst v7;
	v2 =	vld [tilespmem:s26+$0xFFFFFF9F]  }
0xe3: {  	v5 =	vld [tilespmem:s29+$0x30];
	[tilespmem:s28+$0x30] =	vst v6  }
0xe4: {  	p2 =	por $0x1, $0x1;
	s29 =	simm.s32 $0x4;
	[tilespmem:s28+$0xFFFFFFB0] =	vst v8;
	s30 =	simm.s32 $0x450A;
	v3 =	vld [tilespmem:s26+$0x20]  }
.LBB2_9:
0xe5: {  	v6 =	vld [tilespmem:s30+$0x81];
	s29 =	sadd.s32 $0x4, s29;
	s31 =	sor.u32 $0x60, s25;
	[tilespmem:s24+$0xFFFFFFD0] =	vst v4  }
0xe6: {  	v4 =	vld [tilespmem:s30+$0xFFFFFF7F];
	p3 =	slt.u32 s29, $0x7C;
	[tilespmem:s31+$0xC100] =	vst v1  }
0xe7: {  	[tilespmem:s28+$0x0] =	vst v2;
	v1 =	vld [tilespmem:s26+$0xB1]  }
0xe8: {  	v2 =	vld [tilespmem:s30+$0x0];
	[tilespmem:s24+$0x50] =	vst v5;
	s24 =	smov.u32 s28  }
0xe9: {  	s28 =	sadd.s32 $0x100, s28;
	v5 =	vld [tilespmem:s30+$0xFFFFFEFE];
	[tilespmem:s24+$0x40] =	vst v3  }
0xea: {  	[tilespmem:s28+$0x60] =	vst v6;
	v3 =	vld [tilespmem:s26+$0xFFFFFF1E]  }
0xeb: {  	s31 =	sor.u32 $0x70, s25;
	[tilespmem:s28+$0xFFFFFFE0] =	vst v4;
	v4 =	vld [tilespmem:s30+$0x91]  }
0xec: {  	v6 =	vld [tilespmem:s30+$0xFFFFFF8F];
	[tilespmem:s31+$0xC100] =	vst v1  }
0xed: {  	[tilespmem:s28+$0x20] =	vst v2;
	v7 =	vld [tilespmem:s26+$0xFFFFFFAF]  }
0xee: {  	s25 =	sadd.s32 $0x100, s25;
	[tilespmem:s28+$0xFFFFFFA0] =	vst v5;
	v5 =	vld [tilespmem:s30+$0x10]  }
0xef: {  	s31 =	sor.u32 $0x50, s25;
	v8 =	vld [tilespmem:s30+$0xFFFFFF0E];
	[tilespmem:s24+$0xFFFFFFC0] =	vst v3  }
.Ltmp8:
0xf0: {  	[tilespmem:s31+$0xC100] =	vst v4;
	v4 =	vld [tilespmem:s26+$0xFFFFFF2E];
	(pc) =	sbr.rel @p3 .LBB2_9-.Ltmp8, $4  }
0xf1: {  	[tilespmem:s28+$0xFFFFFFF0] =	vst v6;
	v1 =	vld [tilespmem:s30+$0xA1]  }
0xf2: {  	v2 =	vld [tilespmem:s30+$0xFFFFFF9F];
	[tilespmem:s24+$0x10] =	vst v7  }
0xf3: {  	[tilespmem:s28+$0x30] =	vst v5;
	v5 =	vld [tilespmem:s26+$0x30];
	s26 =	smov.u32 s30  }
0xf4: {  	s30 =	sadd.s32 $0x204, s30;
	[tilespmem:s28+$0xFFFFFFB0] =	vst v8;
	v3 =	vld [tilespmem:s26+$0x20]  }
0xf5: {  	s30 =	smov.u32 s24;
	s24 =	smov.u32 s28;
	s29 =	smov.u32 s26  }
.LBB2_11:
0xf6: {  	v6 =	vld [tilespmem:s29+$0xFFFFFF1E]  }
0xf7: {  	s26 =	sor.u32 $0x60, s25  }
0xf8: {  	[tilespmem:s26+$0xC100] =	vst v1  }
0xf9: {  	[tilespmem:s24+$0x0] =	vst v2;
	v1 =	vld [tilespmem:s29+$0xB1]  }
0xfa: {  	v2 =	vld [tilespmem:s29+$0xFFFFFFAF];
	[tilespmem:s24+$0x40] =	vst v3  }
0xfb: {  	v63 =	vld [tilespmem:s29+$0x30];
	[tilespmem:s24+$0xFFFFFFC0] =	vst v6  }
0xfc: {  	[tilespmem:s30+$0xFFFFFFD0] =	vst @p2 v4;
	v3 =	vld [tilespmem:s29+$0xFFFFFF2E]  }
0xfd: {  	s31 =	sor.u32 $0x70, s25;
	[tilespmem:s30+$0x50] =	vst @p2 v5  }
0xfe: {  	[tilespmem:s31+$0xC100] =	vst v1  }
0xff: {  	[tilespmem:s24+$0x10] =	vst v2  }
0x100: {  	s23 =	sshll.u32 s23, $0xA;
	[tilespmem:s24+$0x50] =	vst v63  }
0x101: {  	s23 =	sadd.s32 s5, s23;
	[tilespmem:s24+$0xFFFFFFD0] =	vst v3  }
0x102: {  	[hbm4b:s23+s3] =	stream.linear.scatter [tilespmem:s13], [sflag:$0x3], $0x2000, $0x38;
	[tilespmem:$0x10100] =	vst v63  }
.LBB2_12:
.Ltmp9:
0x103: {  	s22 =	sadd.s32 s7, s22;
	(pc) =	sbr.rel @p1 .LBB2_22-.Ltmp9, $4  }
0x104: {  	p2 =	sgt.u32 s22, $0x1E84  }
0x105: {  	s22 =	sshll.u32 @!p2 s22, $0x7;
	s23 =	simm.s32 @!p2 $0x400  }
0x106: {  	s24 =	simm.s32 @!p2 $0x7A1400;
	s25 =	simm.s32 @!p2 $0x0;
	s22 =	sadd.s32 @!p2 s1, s22  }
0x107: {  	[tilespmem:s25], [sflag:$0x1] =	stream.strided.gather @!p2 [hbm4b:s22+s23], $0x2000, s24, s23, $0x38;
	[tilespmem:$0x10100] =	vst v63  }
0x108: {  	_ =	swait.ge [sflag:s14], $0x2000  }
0x109: {  	[sflag:s14] =	ssyncset.done $0x0  }
0x10a: {  	s22 =	simm.s32 @!p0 $0x4;
	[sflag:s14] =	ssyncadd.s32 $0xFFFFE000  }
0x10b: {  	_ =	swait.ge @!p0 [sflag:s22], $0x2000  }
0x10c: {  	[sflag:s22] =	ssyncset.done @!p0 $0x0  }
0x10d: {  	s24 =	simm.s32 $0x2100;
	s29 =	simm.s32 $0x3;
	[sflag:s22] =	ssyncadd.s32 @!p0 $0xFFFFE000  }
0x10e: {  	s30 =	simm.s32 $0x2;
	v2 =	vadd.s32 s29, v0;
	v1 =	vld [tilespmem:s24+$0x80]  }
0x10f: {  	s23 =	simm.s32 $0x1;
	v6 =	vadd.s32 s30, v0;
	v5 =	vld [tilespmem:s24+$0x0]  }
0x110: {  	v4 =	vadd.s32 s23, v0;
	v3 =	vld [tilespmem:s24+$0xFFFFFF80]  }
0x111: {  	s31 =	simm.s32 $0x0  }
0x112: {  	v8 =	vadd.s32 s31, v0;
	v7 =	vld [tilespmem:s24+$0xFFFFFF00]  }
0x113: {  	s23 =	simm.s32 $0x813;
	[tilespmem:v2+s15+$0x0] =	vst.idx.msk $0xffff, v1  }
0x114: {  	s26 =	simm.s32 $0x812;
	v2 =	vadd.s32 s23, v0;
	[tilespmem:v6+s15+$0x0] =	vst.idx.msk $0xffff, v5;
	v1 =	vld [tilespmem:s24+$0x90]  }
0x115: {  	s25 =	simm.s32 $0x811;
	[tilespmem:v4+s15+$0x0] =	vst.idx.msk $0xffff, v3;
	v6 =	vadd.s32 s26, v0;
	v5 =	vld [tilespmem:s24+$0x10]  }
0x116: {  	v4 =	vadd.s32 s25, v0;
	v3 =	vld [tilespmem:s24+$0xFFFFFF90]  }
0x117: {  	s29 =	simm.s32 $0x810;
	[tilespmem:v8+s15+$0x0] =	vst.idx.msk $0xffff, v7  }
0x118: {  	v8 =	vadd.s32 s29, v0;
	v7 =	vld [tilespmem:s24+$0xFFFFFF10]  }
0x119: {  	s30 =	simm.s32 $0x1023;
	[tilespmem:v2+s15+$0x0] =	vst.idx.msk $0xffff, v1  }
0x11a: {  	s23 =	simm.s32 $0x1022;
	v2 =	vadd.s32 s30, v0;
	[tilespmem:v6+s15+$0x0] =	vst.idx.msk $0xffff, v5;
	v1 =	vld [tilespmem:s24+$0xA0]  }
0x11b: {  	s31 =	simm.s32 $0x1021;
	[tilespmem:v4+s15+$0x0] =	vst.idx.msk $0xffff, v3;
	v6 =	vadd.s32 s23, v0;
	v5 =	vld [tilespmem:s24+$0x20]  }
0x11c: {  	v4 =	vadd.s32 s31, v0;
	v3 =	vld [tilespmem:s24+$0xFFFFFFA0]  }
0x11d: {  	s25 =	simm.s32 $0x1020;
	[tilespmem:v8+s15+$0x0] =	vst.idx.msk $0xffff, v7  }
0x11e: {  	v8 =	vadd.s32 s25, v0;
	v7 =	vld [tilespmem:s24+$0xFFFFFF20]  }
0x11f: {  	s26 =	simm.s32 $0x1833;
	[tilespmem:v2+s15+$0x0] =	vst.idx.msk $0xffff, v1  }
0x120: {  	s30 =	simm.s32 $0x1832;
	v2 =	vadd.s32 s26, v0;
	[tilespmem:v6+s15+$0x0] =	vst.idx.msk $0xffff, v5;
	v1 =	vld [tilespmem:s24+$0xB0]  }
0x121: {  	s29 =	simm.s32 $0x1831;
	[tilespmem:v4+s15+$0x0] =	vst.idx.msk $0xffff, v3;
	v6 =	vadd.s32 s30, v0;
	v5 =	vld [tilespmem:s24+$0x30]  }
0x122: {  	v4 =	vadd.s32 s29, v0;
	v3 =	vld [tilespmem:s24+$0xFFFFFFB0]  }
0x123: {  	s31 =	simm.s32 $0x1830;
	[tilespmem:v8+s15+$0x0] =	vst.idx.msk $0xffff, v7  }
0x124: {  	v8 =	vadd.s32 s31, v0;
	v7 =	vld [tilespmem:s24+$0xFFFFFF30]  }
0x125: {  	s23 =	simm.s32 $0x2043;
	[tilespmem:v2+s15+$0x0] =	vst.idx.msk $0xffff, v1  }
0x126: {  	s26 =	simm.s32 $0x2042;
	v2 =	vadd.s32 s23, v0;
	[tilespmem:v6+s15+$0x0] =	vst.idx.msk $0xffff, v5;
	v1 =	vld [tilespmem:s24+$0xC0]  }
0x127: {  	s25 =	simm.s32 $0x2041;
	[tilespmem:v4+s15+$0x0] =	vst.idx.msk $0xffff, v3;
	v6 =	vadd.s32 s26, v0;
	v5 =	vld [tilespmem:s24+$0x40]  }
0x128: {  	v4 =	vadd.s32 s25, v0;
	v3 =	vld [tilespmem:s24+$0xFFFFFFC0]  }
0x129: {  	s29 =	simm.s32 $0x2040;
	[tilespmem:v8+s15+$0x0] =	vst.idx.msk $0xffff, v7  }
0x12a: {  	s22 =	simm.s32 $0x2300;
	v8 =	vadd.s32 s29, v0;
	s25 =	simm.s32 $0x7;
	v7 =	vld [tilespmem:s24+$0xFFFFFF40]  }
0x12b: {  	v9 =	vld [tilespmem:s22+$0x80];
	s26 =	simm.s32 $0x5;
	v10 =	vadd.s32 s25, v0;
	[tilespmem:v2+s15+$0x0] =	vst.idx.msk $0xffff, v1  }
0x12c: {  	s30 =	simm.s32 $0x2853;
	[tilespmem:v6+s15+$0x0] =	vst.idx.msk $0xffff, v5;
	v5 =	vld [tilespmem:s22+$0xFFFFFF80];
	v6 =	vadd.s32 s26, v0  }
0x12d: {  	s31 =	simm.s32 $0x2851;
	[tilespmem:v4+s15+$0x0] =	vst.idx.msk $0xffff, v3;
	v2 =	vadd.s32 s30, v0;
	v1 =	vld [tilespmem:s24+$0xD0]  }
0x12e: {  	v4 =	vadd.s32 s31, v0;
	v3 =	vld [tilespmem:s24+$0xFFFFFFD0]  }
0x12f: {  	s29 =	simm.s32 $0x6;
	[tilespmem:v8+s15+$0x0] =	vst.idx.msk $0xffff, v7  }
0x130: {  	s23 =	simm.s32 $0x4;
	v7 =	vld [tilespmem:s22+$0x0];
	v8 =	vadd.s32 s29, v0;
	[tilespmem:v10+s15+$0x0] =	vst.idx.msk $0xffff, v9  }
0x131: {  	v11 =	vld [tilespmem:s22+$0xFFFFFF00];
	v12 =	vadd.s32 s23, v0;
	s31 =	simm.s32 $0x817;
	[tilespmem:v6+s15+$0x0] =	vst.idx.msk $0xffff, v5  }
0x132: {  	s26 =	simm.s32 $0x2852;
	v5 =	vld [tilespmem:s22+$0x90];
	v6 =	vadd.s32 s31, v0;
	[tilespmem:v2+s15+$0x0] =	vst.idx.msk $0xffff, v1  }
0x133: {  	s30 =	simm.s32 $0x3063;
	[tilespmem:v4+s15+$0x0] =	vst.idx.msk $0xffff, v3;
	v3 =	vld [tilespmem:s24+$0x50];
	v4 =	vadd.s32 s26, v0  }
0x134: {  	s29 =	simm.s32 $0x815;
	v2 =	vadd.s32 s30, v0;
	v1 =	vld [tilespmem:s24+$0xE0]  }
0x135: {  	v10 =	vadd.s32 s29, v0;
	[tilespmem:v8+s15+$0x0] =	vst.idx.msk $0xffff, v7;
	v9 =	vld [tilespmem:s22+$0xFFFFFF90];
	s30 =	simm.s32 $0x816  }
0x136: {  	[tilespmem:v12+s15+$0x0] =	vst.idx.msk $0xffff, v11;
	s31 =	simm.s32 $0x814;
	v7 =	vld [tilespmem:s22+$0x10];
	v8 =	vadd.s32 s30, v0  }
0x137: {  	v11 =	vld [tilespmem:s22+$0xFFFFFF10];
	v60 =	vadd.s32 s31, v0;
	s31 =	simm.s32 $0x1027;
	[tilespmem:v6+s15+$0x0] =	vst.idx.msk $0xffff, v5  }
0x138: {  	s30 =	simm.s32 $0x2850;
	v6 =	vadd.s32 s31, v0;
	[tilespmem:v4+s15+$0x0] =	vst.idx.msk $0xffff, v3;
	v5 =	vld [tilespmem:s22+$0xA0]  }
0x139: {  	s29 =	simm.s32 $0x3873;
	v3 =	vld [tilespmem:s24+$0xFFFFFF50];
	v4 =	vadd.s32 s30, v0;
	[tilespmem:v2+s15+$0x0] =	vst.idx.msk $0xffff, v1  }
0x13a: {  	[tilespmem:v10+s15+$0x0] =	vst.idx.msk $0xffff, v9;
	v2 =	vadd.s32 s29, v0;
	s29 =	simm.s32 $0x1025;
	v1 =	vld [tilespmem:s24+$0xF0]  }
0x13b: {  	s30 =	simm.s32 $0x1026;
	v9 =	vld [tilespmem:s22+$0xFFFFFFA0];
	[tilespmem:v8+s15+$0x0] =	vst.idx.msk $0xffff, v7;
	v10 =	vadd.s32 s29, v0  }
0x13c: {  	s31 =	simm.s32 $0x1024;
	[tilespmem:v60+s15+$0x0] =	vst.idx.msk $0xffff, v11;
	v8 =	vadd.s32 s30, v0;
	v7 =	vld [tilespmem:s22+$0x20]  }
0x13d: {  	v61 =	vadd.s32 s31, v0;
	v11 =	vld [tilespmem:s22+$0xFFFFFF20];
	s30 =	simm.s32 $0x1837;
	[tilespmem:v6+s15+$0x0] =	vst.idx.msk $0xffff, v5  }
0x13e: {  	s26 =	simm.s32 $0x3061;
	[tilespmem:v4+s15+$0x0] =	vst.idx.msk $0xffff, v3;
	v6 =	vadd.s32 s30, v0;
	v5 =	vld [tilespmem:s22+$0xB0]  }
0x13f: {  	s29 =	simm.s32 $0x3062;
	[tilespmem:v2+s15+$0x0] =	vst.idx.msk $0xffff, v1;
	v1 =	vld [tilespmem:s24+$0xFFFFFFE0];
	v2 =	vadd.s32 s26, v0  }
0x140: {  	s31 =	simm.s32 $0x1835;
	v3 =	vld [tilespmem:s24+$0x60];
	v4 =	vadd.s32 s29, v0;
	[tilespmem:v10+s15+$0x0] =	vst.idx.msk $0xffff, v9  }
0x141: {  	s29 =	simm.s32 $0x1836;
	v10 =	vadd.s32 s31, v0;
	[tilespmem:v8+s15+$0x0] =	vst.idx.msk $0xffff, v7;
	v9 =	vld [tilespmem:s22+$0xFFFFFFB0]  }
0x142: {  	s30 =	simm.s32 $0x1834;
	[tilespmem:v61+s15+$0x0] =	vst.idx.msk $0xffff, v11;
	v8 =	vadd.s32 s29, v0;
	v7 =	vld [tilespmem:s22+$0x30]  }
0x143: {  	v62 =	vadd.s32 s30, v0;
	v11 =	vld [tilespmem:s22+$0xFFFFFF30];
	s31 =	simm.s32 $0x3060;
	[tilespmem:v6+s15+$0x0] =	vst.idx.msk $0xffff, v5  }
0x144: {  	s29 =	simm.s32 $0x2047;
	[tilespmem:v2+s15+$0x0] =	vst.idx.msk $0xffff, v1;
	v1 =	vld [tilespmem:s24+$0xFFFFFF60];
	v2 =	vadd.s32 s31, v0  }
0x145: {  	s26 =	simm.s32 $0x3871;
	[tilespmem:v4+s15+$0x0] =	vst.idx.msk $0xffff, v3;
	v6 =	vadd.s32 s29, v0;
	v5 =	vld [tilespmem:s22+$0xC0]  }
0x146: {  	s30 =	simm.s32 $0x2045;
	v4 =	vadd.s32 s26, v0;
	v3 =	vld [tilespmem:s24+$0xFFFFFFF0];
	[tilespmem:v10+s15+$0x0] =	vst.idx.msk $0xffff, v9  }
0x147: {  	v14 =	vadd.s32 s30, v0;
	s31 =	simm.s32 $0x2046;
	[tilespmem:v8+s15+$0x0] =	vst.idx.msk $0xffff, v7;
	v13 =	vld [tilespmem:s22+$0xFFFFFFC0]  }
0x148: {  	s26 =	simm.s32 $0x2044;
	[tilespmem:v62+s15+$0x0] =	vst.idx.msk $0xffff, v11;
	v63 =	vadd.s32 s31, v0;
	v11 =	vld [tilespmem:s22+$0x40]  }
0x149: {  	s29 =	simm.s32 $0x3872;
	v8 =	vld [tilespmem:s22+$0xFFFFFF40];
	v10 =	vadd.s32 s26, v0;
	[tilespmem:v2+s15+$0x0] =	vst.idx.msk $0xffff, v1  }
0x14a: {  	s30 =	simm.s32 $0x3870;
	v7 =	vadd.s32 s29, v0;
	v2 =	vld [tilespmem:s24+$0x70];
	[tilespmem:v6+s15+$0x0] =	vst.idx.msk $0xffff, v5  }
0x14b: {  	s31 =	simm.s32 $0x2857;
	v9 =	vadd.s32 s30, v0;
	[tilespmem:v4+s15+$0x0] =	vst.idx.msk $0xffff, v3;
	v6 =	vld [tilespmem:s24+$0xFFFFFF70]  }
0x14c: {  	s28 =	simm.s32 $0xB;
	s29 =	simm.s32 $0x2855;
	v1 =	vld [tilespmem:s22+$0xD0];
	v3 =	vadd.s32 s31, v0;
	[tilespmem:v14+s15+$0x0] =	vst.idx.msk $0xffff, v13  }
0x14d: {  	s25 =	simm.s32 $0x2500;
	s26 =	simm.s32 $0xC;
	v5 =	vadd.s32 s29, v0;
	s24 =	simm.s32 $0x8;
	[tilespmem:v63+s15+$0x0] =	vst.idx.msk $0xffff, v11;
	v4 =	vld [tilespmem:s22+$0xFFFFFFD0]  }
.LBB2_14:
0x14e: {  	p0 =	slt.u32 s26, $0x3C;
	s29 =	sadd.s32 $0x1, s24;
	v11 =	vld [tilespmem:s25+$0x80];
	v12 =	vadd.s32 s28, v0;
	[tilespmem:v10+s15+$0x0] =	vst.idx.msk $0xffff, v8  }
0x14f: {  	s28 =	sadd.s32 $0x2, s24;
	v8 =	vld [tilespmem:s25+$0xFFFFFF80];
	v10 =	vadd.s32 s29, v0;
	[tilespmem:v7+s15+$0x0] =	vst.idx.msk $0xffff, v2  }
0x150: {  	v7 =	vadd.s32 s28, v0;
	v2 =	vld [tilespmem:s25+$0x0];
	[tilespmem:v9+s15+$0x0] =	vst.idx.msk $0xffff, v6  }
0x151: {  	s28 =	sadd.s32 $0x3063, s23;
	v9 =	vadd.s32 s24, v0;
	v6 =	vld [tilespmem:s25+$0xFFFFFF00];
	[tilespmem:v3+s15+$0x0] =	vst.idx.msk $0xffff, v1  }
0x152: {  	s29 =	sadd.s32 $0x2852, s23;
	v3 =	vadd.s32 s28, v0;
	[tilespmem:v5+s15+$0x0] =	vst.idx.msk $0xffff, v4;
	v1 =	vld [tilespmem:s22+$0xE0]  }
0x153: {  	s28 =	sadd.s32 $0x813, s24;
	v5 =	vadd.s32 s29, v0;
	[tilespmem:v12+s15+$0x0] =	vst.idx.msk $0xffff, v11;
	v4 =	vld [tilespmem:s22+$0x50]  }
0x154: {  	s29 =	sadd.s32 $0x811, s24;
	[tilespmem:v10+s15+$0x0] =	vst.idx.msk $0xffff, v8;
	v8 =	vld [tilespmem:s25+$0x90];
	v10 =	vadd.s32 s28, v0  }
0x155: {  	v12 =	vadd.s32 s29, v0;
	s28 =	sadd.s32 $0x812, s24;
	v11 =	vld [tilespmem:s25+$0xFFFFFF90];
	[tilespmem:v7+s15+$0x0] =	vst.idx.msk $0xffff, v2  }
0x156: {  	s29 =	sadd.s32 $0x810, s24;
	[tilespmem:v9+s15+$0x0] =	vst.idx.msk $0xffff, v6;
	v2 =	vld [tilespmem:s25+$0x10];
	v6 =	vadd.s32 s28, v0  }
0x157: {  	v9 =	vadd.s32 s29, v0;
	s28 =	sadd.s32 $0x3873, s23;
	v7 =	vld [tilespmem:s25+$0xFFFFFF10];
	[tilespmem:v3+s15+$0x0] =	vst.idx.msk $0xffff, v1  }
0x158: {  	s29 =	sadd.s32 $0x2850, s23;
	v3 =	vadd.s32 s28, v0;
	[tilespmem:v5+s15+$0x0] =	vst.idx.msk $0xffff, v4;
	v1 =	vld [tilespmem:s22+$0xF0]  }
0x159: {  	s28 =	sadd.s32 $0x1023, s24;
	v5 =	vadd.s32 s29, v0;
	[tilespmem:v10+s15+$0x0] =	vst.idx.msk $0xffff, v8;
	v4 =	vld [tilespmem:s22+$0xFFFFFF50]  }
0x15a: {  	s29 =	sadd.s32 $0x1021, s24;
	v10 =	vadd.s32 s28, v0;
	[tilespmem:v12+s15+$0x0] =	vst.idx.msk $0xffff, v11;
	v8 =	vld [tilespmem:s25+$0xA0]  }
0x15b: {  	s28 =	sadd.s32 $0x1022, s24;
	v12 =	vadd.s32 s29, v0;
	v11 =	vld [tilespmem:s25+$0xFFFFFFA0];
	[tilespmem:v6+s15+$0x0] =	vst.idx.msk $0xffff, v2  }
0x15c: {  	s29 =	sadd.s32 $0x1020, s24;
	v6 =	vadd.s32 s28, v0;
	[tilespmem:v9+s15+$0x0] =	vst.idx.msk $0xffff, v7;
	v2 =	vld [tilespmem:s25+$0x20]  }
0x15d: {  	s28 =	sadd.s32 $0x3061, s23;
	v9 =	vadd.s32 s29, v0;
	v7 =	vld [tilespmem:s25+$0xFFFFFF20];
	[tilespmem:v3+s15+$0x0] =	vst.idx.msk $0xffff, v1  }
0x15e: {  	v3 =	vadd.s32 s28, v0;
	s28 =	sadd.s32 $0x3062, s23;
	[tilespmem:v5+s15+$0x0] =	vst.idx.msk $0xffff, v4;
	v1 =	vld [tilespmem:s22+$0xFFFFFFE0]  }
0x15f: {  	s29 =	sadd.s32 $0x1833, s24;
	v5 =	vadd.s32 s28, v0;
	[tilespmem:v10+s15+$0x0] =	vst.idx.msk $0xffff, v8;
	v4 =	vld [tilespmem:s22+$0x60]  }
0x160: {  	s28 =	sadd.s32 $0x1831, s24;
	v10 =	vadd.s32 s29, v0;
	[tilespmem:v12+s15+$0x0] =	vst.idx.msk $0xffff, v11;
	v8 =	vld [tilespmem:s25+$0xB0]  }
0x161: {  	v12 =	vadd.s32 s28, v0;
	s28 =	sadd.s32 $0x1832, s24;
	v11 =	vld [tilespmem:s25+$0xFFFFFFB0];
	[tilespmem:v6+s15+$0x0] =	vst.idx.msk $0xffff, v2  }
0x162: {  	s29 =	sadd.s32 $0x1830, s24;
	v6 =	vadd.s32 s28, v0;
	[tilespmem:v9+s15+$0x0] =	vst.idx.msk $0xffff, v7;
	v2 =	vld [tilespmem:s25+$0x30]  }
0x163: {  	s28 =	sadd.s32 $0x3060, s23;
	v9 =	vadd.s32 s29, v0;
	v7 =	vld [tilespmem:s25+$0xFFFFFF30];
	[tilespmem:v3+s15+$0x0] =	vst.idx.msk $0xffff, v1  }
0x164: {  	v3 =	vadd.s32 s28, v0;
	s28 =	sadd.s32 $0x3871, s23;
	v1 =	vld [tilespmem:s22+$0xFFFFFF60];
	[tilespmem:v5+s15+$0x0] =	vst.idx.msk $0xffff, v4  }
0x165: {  	s29 =	sadd.s32 $0x2043, s24;
	v5 =	vadd.s32 s28, v0;
	[tilespmem:v10+s15+$0x0] =	vst.idx.msk $0xffff, v8;
	v4 =	vld [tilespmem:s22+$0xFFFFFFF0]  }
0x166: {  	s28 =	sadd.s32 $0x2041, s24;
	[tilespmem:v12+s15+$0x0] =	vst.idx.msk $0xffff, v11;
	v11 =	vld [tilespmem:s25+$0xC0];
	v12 =	vadd.s32 s29, v0  }
0x167: {  	v14 =	vadd.s32 s28, v0;
	s28 =	sadd.s32 $0x2042, s24;
	v13 =	vld [tilespmem:s25+$0xFFFFFFC0];
	[tilespmem:v6+s15+$0x0] =	vst.idx.msk $0xffff, v2  }
0x168: {  	s29 =	sadd.s32 $0x2040, s24;
	v16 =	vadd.s32 s28, v0;
	[tilespmem:v9+s15+$0x0] =	vst.idx.msk $0xffff, v7;
	v15 =	vld [tilespmem:s25+$0x40]  }
.Ltmp10:
0x169: {  	s28 =	sadd.s32 $0x3872, s23;
	v10 =	vadd.s32 s29, v0;
	v8 =	vld [tilespmem:s25+$0xFFFFFF40];
	[tilespmem:v3+s15+$0x0] =	vst.idx.msk $0xffff, v1;
	(pc) =	sbr.rel @p0 .LBB2_14-.Ltmp10, $4  }
0x16a: {  	s29 =	sadd.s32 $0x3870, s23;
	s23 =	smov.u32 s24;
	s24 =	smov.u32 s26;
	v7 =	vadd.s32 s28, v0;
	[tilespmem:v5+s15+$0x0] =	vst.idx.msk $0xffff, v4;
	v2 =	vld [tilespmem:s22+$0x70]  }
0x16b: {  	s28 =	sadd.s32 $0x2853, s23;
	v9 =	vadd.s32 s29, v0;
	[tilespmem:v12+s15+$0x0] =	vst.idx.msk $0xffff, v11;
	v6 =	vld [tilespmem:s22+$0xFFFFFF70];
	s22 =	smov.u32 s25  }
0x16c: {  	s29 =	sadd.s32 $0x2851, s23;
	v3 =	vadd.s32 s28, v0;
	[tilespmem:v14+s15+$0x0] =	vst.idx.msk $0xffff, v13;
	v1 =	vld [tilespmem:s25+$0xD0]  }
0x16d: {  	s26 =	sadd.s32 $0x4, s26;
	s28 =	sadd.s32 $0x3, s24;
	v5 =	vadd.s32 s29, v0;
	s25 =	sadd.s32 $0x200, s25;
	v4 =	vld [tilespmem:s22+$0xFFFFFFD0];
	[tilespmem:v16+s15+$0x0] =	vst.idx.msk $0xffff, v15  }
0x16e: {  	v11 =	vld [tilespmem:s25+$0x80];
	v12 =	vadd.s32 s28, v0  }
0x16f: {  	s26 =	sadd.s32 $0x1, s24;
	v17 =	vld [tilespmem:s25+$0xFFFFFF00];
	v18 =	vadd.s32 s24, v0  }
0x170: {  	v13 =	vld [tilespmem:s25+$0xFFFFFF80];
	s28 =	sadd.s32 $0x2, s24;
	v14 =	vadd.s32 s26, v0  }
0x171: {  	v15 =	vld [tilespmem:s25+$0x0];
	v16 =	vadd.s32 s28, v0  }
0x172: {  	[tilespmem:v7+s15+$0x0] =	vst.idx.msk $0xffff, v2  }
0x173: {  	s29 =	sadd.s32 $0x813, s24;
	[tilespmem:v12+s15+$0x0] =	vst.idx.msk $0xffff, v11  }
0x174: {  	v28 =	vadd.s32 s29, v0;
	s29 =	sadd.s32 $0x810, s24;
	[tilespmem:v18+s15+$0x0] =	vst.idx.msk $0xffff, v17;
	v27 =	vld [tilespmem:s25+$0x90]  }
0x175: {  	s30 =	sadd.s32 $0x811, s24;
	v33 =	vadd.s32 s29, v0;
	[tilespmem:v14+s15+$0x0] =	vst.idx.msk $0xffff, v13;
	v2 =	vld [tilespmem:s25+$0xFFFFFF10]  }
0x176: {  	s31 =	sadd.s32 $0x812, s24;
	v30 =	vadd.s32 s30, v0;
	[tilespmem:v16+s15+$0x0] =	vst.idx.msk $0xffff, v15;
	v29 =	vld [tilespmem:s25+$0xFFFFFF90]  }
0x177: {  	v32 =	vadd.s32 s31, v0;
	s31 =	sadd.s32 $0x1021, s24;
	[tilespmem:v3+s15+$0x0] =	vst.idx.msk $0xffff, v1;
	v31 =	vld [tilespmem:s25+$0x10]  }
0x178: {  	v37 =	vadd.s32 s31, v0;
	s31 =	sadd.s32 $0x3063, s23;
	[tilespmem:v5+s15+$0x0] =	vst.idx.msk $0xffff, v4  }
0x179: {  	s30 =	sadd.s32 $0x1023, s24;
	v4 =	vld [tilespmem:s22+$0xE0];
	v5 =	vadd.s32 s31, v0;
	[tilespmem:v28+s15+$0x0] =	vst.idx.msk $0xffff, v27  }
0x17a: {  	v35 =	vadd.s32 s30, v0;
	s30 =	sadd.s32 $0x1020, s24;
	[tilespmem:v33+s15+$0x0] =	vst.idx.msk $0xffff, v2;
	v34 =	vld [tilespmem:s25+$0xA0]  }
0x17b: {  	v3 =	vadd.s32 s30, v0;
	[tilespmem:v30+s15+$0x0] =	vst.idx.msk $0xffff, v29;
	v1 =	vld [tilespmem:s25+$0xFFFFFF20]  }
0x17c: {  	s29 =	sadd.s32 $0x1022, s24;
	[tilespmem:v32+s15+$0x0] =	vst.idx.msk $0xffff, v31;
	v36 =	vld [tilespmem:s25+$0xFFFFFFA0]  }
0x17d: {  	[tilespmem:v9+s15+$0x0] =	vst.idx.msk $0xffff, v6;
	v38 =	vadd.s32 s29, v0;
	s31 =	sadd.s32 $0x1831, s24;
	v2 =	vld [tilespmem:s25+$0x20]  }
0x17e: {  	v42 =	vadd.s32 s31, v0;
	s31 =	sadd.s32 $0x3873, s23;
	[tilespmem:v5+s15+$0x0] =	vst.idx.msk $0xffff, v4  }
0x17f: {  	s30 =	sadd.s32 $0x1833, s24;
	v43 =	vadd.s32 s31, v0;
	v5 =	vld [tilespmem:s22+$0xF0];
	[tilespmem:v35+s15+$0x0] =	vst.idx.msk $0xffff, v34  }
0x180: {  	v41 =	vadd.s32 s30, v0;
	s30 =	sadd.s32 $0x1830, s24;
	[tilespmem:v3+s15+$0x0] =	vst.idx.msk $0xffff, v1;
	v6 =	vld [tilespmem:s25+$0xB0]  }
0x181: {  	s29 =	sadd.s32 $0x2852, s23;
	v4 =	vadd.s32 s30, v0;
	[tilespmem:v37+s15+$0x0] =	vst.idx.msk $0xffff, v36;
	v3 =	vld [tilespmem:s25+$0xFFFFFF30]  }
0x182: {  	v40 =	vadd.s32 s29, v0;
	s29 =	sadd.s32 $0x1832, s24;
	s31 =	sadd.s32 $0x2041, s24;
	[tilespmem:v38+s15+$0x0] =	vst.idx.msk $0xffff, v2;
	v9 =	vld [tilespmem:s25+$0xFFFFFFB0]  }
0x183: {  	[tilespmem:v10+s15+$0x0] =	vst.idx.msk $0xffff, v8;
	v47 =	vadd.s32 s31, v0;
	s31 =	sadd.s32 $0x3061, s23;
	v2 =	vadd.s32 s29, v0;
	v1 =	vld [tilespmem:s25+$0x30]  }
0x184: {  	v48 =	vadd.s32 s31, v0;
	[tilespmem:v43+s15+$0x0] =	vst.idx.msk $0xffff, v5;
	v5 =	vld [tilespmem:s22+$0xFFFFFFE0];
	s29 =	sadd.s32 $0x2850, s23  }
0x185: {  	v44 =	vld [tilespmem:s22+$0xFFFFFF50];
	s30 =	sadd.s32 $0x2043, s24;
	v45 =	vadd.s32 s29, v0;
	[tilespmem:v41+s15+$0x0] =	vst.idx.msk $0xffff, v6  }
0x186: {  	v46 =	vadd.s32 s30, v0;
	s30 =	sadd.s32 $0x2040, s24;
	[tilespmem:v4+s15+$0x0] =	vst.idx.msk $0xffff, v3;
	v6 =	vld [tilespmem:s25+$0xC0]  }
0x187: {  	v4 =	vadd.s32 s30, v0;
	[tilespmem:v42+s15+$0x0] =	vst.idx.msk $0xffff, v9;
	v3 =	vld [tilespmem:s25+$0xFFFFFF40]  }
0x188: {  	s29 =	sadd.s32 $0x2042, s24;
	[tilespmem:v2+s15+$0x0] =	vst.idx.msk $0xffff, v1;
	v9 =	vld [tilespmem:s25+$0xFFFFFFC0]  }
0x189: {  	s31 =	sadd.s32 $0x2851, s24;
	[tilespmem:v48+s15+$0x0] =	vst.idx.msk $0xffff, v5;
	v2 =	vadd.s32 s29, v0;
	v1 =	vld [tilespmem:s25+$0x40]  }
0x18a: {  	v39 =	vld [tilespmem:s22+$0x50];
	v52 =	vadd.s32 s31, v0;
	s31 =	sadd.s32 $0x3060, s23;
	[tilespmem:v45+s15+$0x0] =	vst.idx.msk $0xffff, v44  }
0x18b: {  	v53 =	vadd.s32 s31, v0;
	s30 =	sadd.s32 $0x2853, s24;
	v5 =	vld [tilespmem:s22+$0xFFFFFF60];
	[tilespmem:v46+s15+$0x0] =	vst.idx.msk $0xffff, v6  }
0x18c: {  	v51 =	vadd.s32 s30, v0;
	s30 =	sadd.s32 $0x2850, s24;
	[tilespmem:v4+s15+$0x0] =	vst.idx.msk $0xffff, v3;
	v6 =	vld [tilespmem:s25+$0xD0]  }
0x18d: {  	s29 =	sadd.s32 $0x3062, s23;
	v4 =	vadd.s32 s30, v0;
	[tilespmem:v47+s15+$0x0] =	vst.idx.msk $0xffff, v9;
	v3 =	vld [tilespmem:s25+$0xFFFFFF50]  }
0x18e: {  	v50 =	vadd.s32 s29, v0;
	s29 =	sadd.s32 $0x2852, s24;
	[tilespmem:v2+s15+$0x0] =	vst.idx.msk $0xffff, v1;
	v9 =	vld [tilespmem:s25+$0xFFFFFFD0]  }
0x18f: {  	[tilespmem:v40+s15+$0x0] =	vst.idx.msk $0xffff, v39;
	v2 =	vadd.s32 s29, v0;
	v1 =	vld [tilespmem:s25+$0x50]  }
0x190: {  	v49 =	vld [tilespmem:s22+$0x60];
	s29 =	sadd.s32 $0x3871, s23;
	[tilespmem:v53+s15+$0x0] =	vst.idx.msk $0xffff, v5  }
0x191: {  	v54 =	vld [tilespmem:s22+$0xFFFFFFF0];
	s30 =	sadd.s32 $0x3063, s24;
	v55 =	vadd.s32 s29, v0;
	[tilespmem:v51+s15+$0x0] =	vst.idx.msk $0xffff, v6  }
0x192: {  	v56 =	vadd.s32 s30, v0;
	s29 =	sadd.s32 $0x3060, s24;
	[tilespmem:v4+s15+$0x0] =	vst.idx.msk $0xffff, v3;
	v6 =	vld [tilespmem:s25+$0xE0]  }
0x193: {  	s31 =	sadd.s32 $0x3061, s24;
	v57 =	vadd.s32 s29, v0;
	[tilespmem:v52+s15+$0x0] =	vst.idx.msk $0xffff, v9;
	v5 =	vld [tilespmem:s25+$0xFFFFFF60]  }
0x194: {  	s28 =	sadd.s32 $0x3062, s24;
	[tilespmem:v2+s15+$0x0] =	vst.idx.msk $0xffff, v1;
	v2 =	vadd.s32 s31, v0;
	v1 =	vld [tilespmem:s25+$0xFFFFFFE0]  }
0x195: {  	[tilespmem:v50+s15+$0x0] =	vst.idx.msk $0xffff, v49;
	s30 =	sadd.s32 $0x3872, s23;
	v4 =	vadd.s32 s28, v0;
	v3 =	vld [tilespmem:s25+$0x60]  }
0x196: {  	v58 =	vld [tilespmem:s22+$0x70];
	v59 =	vadd.s32 s30, v0;
	s31 =	sadd.s32 $0x3870, s23;
	[tilespmem:v55+s15+$0x0] =	vst.idx.msk $0xffff, v54  }
0x197: {  	s26 =	sadd.s32 $0x3873, s24;
	v60 =	vld [tilespmem:s22+$0xFFFFFF70];
	v61 =	vadd.s32 s31, v0;
	[tilespmem:v56+s15+$0x0] =	vst.idx.msk $0xffff, v6  }
0x198: {  	v62 =	vadd.s32 s26, v0;
	s30 =	sadd.s32 $0x3870, s24;
	[tilespmem:v57+s15+$0x0] =	vst.idx.msk $0xffff, v5;
	v6 =	vld [tilespmem:s25+$0xF0]  }
0x199: {  	v63 =	vadd.s32 s30, v0;
	s28 =	sadd.s32 $0x3871, s24;
	[tilespmem:v2+s15+$0x0] =	vst.idx.msk $0xffff, v1;
	v5 =	vld [tilespmem:s25+$0xFFFFFF70]  }
0x19a: {  	s29 =	sadd.s32 $0x3872, s24;
	[tilespmem:v4+s15+$0x0] =	vst.idx.msk $0xffff, v3;
	v2 =	vadd.s32 s28, v0;
	v1 =	vld [tilespmem:s25+$0xFFFFFFF0]  }
0x19b: {  	[tilespmem:v59+s15+$0x0] =	vst.idx.msk $0xffff, v58;
	v4 =	vadd.s32 s29, v0;
	v3 =	vld [tilespmem:s25+$0x70]  }
0x19c: {  	[tilespmem:v61+s15+$0x0] =	vst.idx.msk $0xffff, v60  }
0x19d: {  	[tilespmem:v62+s15+$0x0] =	vst.idx.msk $0xffff, v6  }
0x19e: {  	[tilespmem:v63+s15+$0x0] =	vst.idx.msk $0xffff, v5  }
0x19f: {  	[tilespmem:v2+s15+$0x0] =	vst.idx.msk $0xffff, v1  }
0x1a0: {  	s26 =	simm.s32 $0x8182;
	[tilespmem:v4+s15+$0x0] =	vst.idx.msk $0xffff, v3  }
0x1a1: {  	v1 =	vld [tilespmem:s26+$0x81]  }
0x1a2: {  	v2 =	vld [tilespmem:s26+$0xFFFFFF7F]  }
0x1a3: {  	v3 =	vld [tilespmem:s26+$0x0]  }
0x1a4: {  	v4 =	vld [tilespmem:s26+$0xFFFFFEFE]  }
0x1a5: {  	s22 =	simm.s32 $0xE160  }
0x1a6: {  	[tilespmem:s22+$0x60] =	vst v1  }
0x1a7: {  	[tilespmem:s22+$0xFFFFFFE0] =	vst v2;
	v1 =	vld [tilespmem:s26+$0x91]  }
0x1a8: {  	[tilespmem:s22+$0x20] =	vst v3;
	v2 =	vld [tilespmem:s26+$0xFFFFFF8F]  }
0x1a9: {  	[tilespmem:s22+$0xFFFFFFA0] =	vst v4;
	v3 =	vld [tilespmem:s26+$0x10]  }
0x1aa: {  	p1 =	por $0x1, $0x1;
	s23 =	simm.s32 $0xC0;
	v4 =	vld [tilespmem:s26+$0xFFFFFF0E]  }
.Ltmp11:
0x1ab: {  	s31 =	sor.u32 $0x50, s23;
	(pc) =	sbr.rel @!p1 .LBB2_16-.Ltmp11, $4  }
0x1ac: {  	[tilespmem:s31+$0xE100] =	vst v1  }
0x1ad: {  	[tilespmem:s22+$0xFFFFFFF0] =	vst v2;
	v1 =	vld [tilespmem:s26+$0xA1]  }
0x1ae: {  	[tilespmem:s22+$0x30] =	vst v3;
	v2 =	vld [tilespmem:s26+$0xFFFFFF9F]  }
0x1af: {  	p0 =	por $0x0, $0x0;
	s24 =	simm.s32 $0x8386;
	[tilespmem:s22+$0xFFFFFFB0] =	vst v4;
	v3 =	vld [tilespmem:s26+$0x20]  }
0x1b0: {  	v4 =	vld [tilespmem:s24+$0x81]  }
0x1b1: {  	s25 =	sor.u32 $0x60, s23;
	v5 =	vld [tilespmem:s24+$0xFFFFFF7F]  }
0x1b2: {  	v6 =	vld [tilespmem:s24+$0xFFFFFEFE];
	[tilespmem:s25+$0xE100] =	vst v1  }
0x1b3: {  	[tilespmem:s22+$0x0] =	vst v2;
	v2 =	vld [tilespmem:s24+$0x0]  }
0x1b4: {  	s25 =	simm.s32 $0xE260;
	v1 =	vld [tilespmem:s26+$0xB1];
	[tilespmem:s22+$0x40] =	vst v3  }
0x1b5: {  	v3 =	vld [tilespmem:s26+$0xFFFFFF1E];
	[tilespmem:s25+$0x60] =	vst v4  }
0x1b6: {  	[tilespmem:s25+$0xFFFFFFE0] =	vst v5;
	v4 =	vld [tilespmem:s24+$0x91]  }
0x1b7: {  	[tilespmem:s25+$0xFFFFFFA0] =	vst v6;
	v5 =	vld [tilespmem:s24+$0xFFFFFF8F]  }
0x1b8: {  	s31 =	sor.u32 $0x70, s23;
	v7 =	vld [tilespmem:s26+$0xFFFFFFAF];
	[tilespmem:s25+$0x20] =	vst v2  }
0x1b9: {  	s23 =	simm.s32 $0x1C0;
	[tilespmem:s31+$0xE100] =	vst v1;
	v6 =	vld [tilespmem:s24+$0x10]  }
0x1ba: {  	p1 =	por $0x1, $0x1;
	s28 =	sor.u32 $0x50, s23;
	v8 =	vld [tilespmem:s24+$0xFFFFFF0E];
	[tilespmem:s22+$0xFFFFFFC0] =	vst v3  }
.Ltmp12:
0x1bb: {  	[tilespmem:s28+$0xE100] =	vst v4;
	v4 =	vld [tilespmem:s26+$0xFFFFFF2E];
	(pc) =	sbr.rel @!p1 .LBB2_18-.Ltmp12, $4  }
0x1bc: {  	[tilespmem:s25+$0xFFFFFFF0] =	vst v5;
	v1 =	vld [tilespmem:s24+$0xA1]  }
0x1bd: {  	[tilespmem:s22+$0x10] =	vst v7;
	v2 =	vld [tilespmem:s24+$0xFFFFFF9F]  }
0x1be: {  	v5 =	vld [tilespmem:s26+$0x30];
	[tilespmem:s25+$0x30] =	vst v6  }
0x1bf: {  	p0 =	por $0x1, $0x1;
	s26 =	simm.s32 $0x4;
	[tilespmem:s25+$0xFFFFFFB0] =	vst v8;
	s28 =	simm.s32 $0x858A;
	v3 =	vld [tilespmem:s24+$0x20]  }
.LBB2_19:
0x1c0: {  	v6 =	vld [tilespmem:s28+$0x81];
	s26 =	sadd.s32 $0x4, s26;
	s29 =	sor.u32 $0x60, s23;
	[tilespmem:s22+$0xFFFFFFD0] =	vst v4  }
0x1c1: {  	v4 =	vld [tilespmem:s28+$0xFFFFFF7F];
	p1 =	slt.u32 s26, $0x7C;
	[tilespmem:s29+$0xE100] =	vst v1  }
0x1c2: {  	[tilespmem:s25+$0x0] =	vst v2;
	v1 =	vld [tilespmem:s24+$0xB1]  }
0x1c3: {  	v2 =	vld [tilespmem:s28+$0x0];
	[tilespmem:s22+$0x50] =	vst v5;
	s22 =	smov.u32 s25  }
0x1c4: {  	s25 =	sadd.s32 $0x100, s25;
	v5 =	vld [tilespmem:s28+$0xFFFFFEFE];
	[tilespmem:s22+$0x40] =	vst v3  }
0x1c5: {  	[tilespmem:s25+$0x60] =	vst v6;
	v3 =	vld [tilespmem:s24+$0xFFFFFF1E]  }
0x1c6: {  	s29 =	sor.u32 $0x70, s23;
	[tilespmem:s25+$0xFFFFFFE0] =	vst v4;
	v4 =	vld [tilespmem:s28+$0x91]  }
0x1c7: {  	v6 =	vld [tilespmem:s28+$0xFFFFFF8F];
	[tilespmem:s29+$0xE100] =	vst v1  }
0x1c8: {  	[tilespmem:s25+$0x20] =	vst v2;
	v7 =	vld [tilespmem:s24+$0xFFFFFFAF]  }
0x1c9: {  	s23 =	sadd.s32 $0x100, s23;
	[tilespmem:s25+$0xFFFFFFA0] =	vst v5;
	v5 =	vld [tilespmem:s28+$0x10]  }
0x1ca: {  	s29 =	sor.u32 $0x50, s23;
	v8 =	vld [tilespmem:s28+$0xFFFFFF0E];
	[tilespmem:s22+$0xFFFFFFC0] =	vst v3  }
.Ltmp13:
0x1cb: {  	[tilespmem:s29+$0xE100] =	vst v4;
	v4 =	vld [tilespmem:s24+$0xFFFFFF2E];
	(pc) =	sbr.rel @p1 .LBB2_19-.Ltmp13, $4  }
0x1cc: {  	[tilespmem:s25+$0xFFFFFFF0] =	vst v6;
	v1 =	vld [tilespmem:s28+$0xA1]  }
0x1cd: {  	v2 =	vld [tilespmem:s28+$0xFFFFFF9F];
	[tilespmem:s22+$0x10] =	vst v7  }
0x1ce: {  	[tilespmem:s25+$0x30] =	vst v5;
	v5 =	vld [tilespmem:s24+$0x30];
	s24 =	smov.u32 s28  }
0x1cf: {  	s28 =	sadd.s32 $0x204, s28;
	[tilespmem:s25+$0xFFFFFFB0] =	vst v8;
	v3 =	vld [tilespmem:s24+$0x20]  }
.Ltmp14:
0x1d0: {  	(pc) =	sbr.rel .LBB2_21-.Ltmp14, $2  }
0x1d1: {  	_ =	sdelay $0x2  }
0x1d2: {  	s28 =	smov.u32 s22;
	s22 =	smov.u32 s25;
	s26 =	smov.u32 s24  }
.LBB2_6:
.Ltmp15:
0x1d3: {  	(pc) =	sbr.rel .LBB2_11-.Ltmp15, $2  }
0x1d4: {  	_ =	sdelay $0x2  }
0x1d5: {  	_ = 	snop  }
.LBB2_8:
.Ltmp16:
0x1d6: {  	(pc) =	sbr.rel .LBB2_11-.Ltmp16, $2  }
0x1d7: {  	_ =	sdelay $0x2  }
0x1d8: {  	s30 =	simm.s32 $0xC160;
	s24 =	simm.s32 $0xC260;
	s29 =	simm.s32 $0x4306  }
.LBB2_18:
.Ltmp17:
0x1d9: {  	(pc) =	sbr.rel .LBB2_21-.Ltmp17, $2  }
0x1da: {  	_ =	sdelay $0x2  }
0x1db: {  	s28 =	simm.s32 $0xE160;
	s22 =	simm.s32 $0xE260;
	s26 =	simm.s32 $0x8386  }
.LBB2_24:
0x1dc: {  	_ =	sfence.sel $0x180000  }
0x1dd: {  	[bflag:$0x0] =	sbarrier.arrive $0xFFFF  }
0x1de: {  	p0 =	sne.s32 s2, $0x0;
	_ =	strace $0x90000047  }
0x1df: {  	s0 =	sadd.s32 @!p0 $0x100000, s0;
	[bflag:$0x2] =	sbarrier.arrive $0xFFFF  }
0x1e0: {  	[sflag:s0] =	ssyncadd.tile.s32 @!p0 $0x1;
	_ =	shalt  }
.Lfunc_end2:
_tile_overlayer_lowered:
.L_overlay_start_2:
0x1e1: {  	(tag) =	ssettag $0x2  }
0x1e2: {  	s0 =	rddreg [dreg:$0x0];
	s2 =	stileid.u32  }
0x1e3: {  	s1 =	rddreg [dreg:$0x1];
	p0 =	sne.s32 s2, $0x0  }
0x1e4: {  	s3 =	rddreg [dreg:$0x2];
	[bflag:$0x3] =	sbarrier.arrive $0xFFFF;
	s2 =	simm.s32 @!p0 $0x1C05  }
0x1e5: {  	[timem:s3], [sflag:s2] =	dma.local @!p0 [hbm:s0], s1  }
0x1e6: {  	s0 =	simm.s32 @!p0 $0x5  }
0x1e7: {  	_ =	swait.ge @!p0 [sflag:s0], s1  }
0x1e8: {  	s1 =	ssub.s32 @!p0 $0x0, s1;
	[sflag:s0] =	ssyncset.done @!p0 $0x0  }
0x1e9: {  	[sflag:s0] =	ssyncadd.s32 @!p0 s1  }
0x1ea: {  	[bflag:$0x3] =	sbarrier.arrive $0xFFFF  }
0x1eb: {  	_ =	shalt  }

// kernel: kernel.7.cloned.1.call-start
scs
__scs_entry_jumppad:
0x0: {  	(pc) =	sbr.rel $0x88, $3  }
0x1: {  	(tag) =	ssettag $0x0;
	lr =	simm.s32 $0x1  }
0x2: {  	[smem:$0x3F9F] =	sst lr;
	_ =	strace $0xD0000000  }
0x3: {  	_ = 	snop  }
0x4: {  	_ = 	snop  }
0x5: {  	_ = 	snop  }
0x6: {  	_ = 	snop  }
0x7: {  	_ = 	snop  }
__scs_overlays_trampoline_lowered:
0x8: {  	[smem:$0x3FAE] =	sst s0  }
0x9: {  	[smem:$0x3FAF] =	sst s1  }
0xa: {  	[smem:$0x3FB0] =	sst s2  }
0xb: {  	[smem:$0x3FB1] =	sst s3  }
0xc: {  	[smem:$0x3FB2] =	sst s4  }
0xd: {  	[smem:$0x3FB3] =	sst s5  }
0xe: {  	[smem:$0x3FB4] =	sst s6  }
0xf: {  	[smem:$0x3FB5] =	sst s7  }
0x10: {  	[smem:$0x3FB6] =	sst s8  }
0x11: {  	[smem:$0x3FB7] =	sst s9;
	s0 =	simm.s32 @!p0 $0x0  }
0x12: {  	s1 =	sld [smem:$0x3F9D];
	s0 =	simm.s32 @p0 $0x1  }
0x13: {  	[smem:$0x3FB8] =	sst s0;
	s0 =	simm.s32 @!p1 $0x0  }
0x14: {  	s2 =	sld [smem:$0x3F9C];
	s0 =	simm.s32 @p1 $0x1  }
0x15: {  	[smem:$0x3FB9] =	sst s0;
	s0 =	simm.s32 @!p2 $0x0  }
0x16: {  	s3 =	sld [smem:$0x3FDB];
	s0 =	simm.s32 @p2 $0x1  }
0x17: {  	s4 =	simm.s32 $0x1BF5;
	[smem:$0x3FBB] =	sst s0  }
0x18: {  	s0 =	sld [smem:$0x3F9E];
	_ =	swait.ge [sflag:s4], $0x0  }
0x19: {  	s7 =	sld [smem:$0x3F9F]  }
0x1a: {  	s8 =	sadd.s32 $0xFFFFE003, lr  }
0x1b: {  	s9 =	sadd.s32 $0xFFFFFEF7, lr;
	s5 =	simm.s32 $0xFFFFFFFF;
	p2 =	slt.u32 s8, $0xFFFFF086  }
0x1c: {  	p1 =	slt.u32 s9, $0xF7A;
	s5 =	simm.s32 @!p2 $0x0  }
0x1d: {  	s5 =	simm.s32 @p1 $0x1;
	p0 =	seq.s32 s7, s2  }
0x1e: {  	s7 =	smul.u32 @!p0 $0xF7A, s2;
	p2 =	seq.s32 @!p0 s5, $0x0  }
0x1f: {  	s9 =	smul.u32 $0xF7A, s1;
	s8 =	simm.s32 @!p0 $0x1BF5;
	p2 =	por !p2, p0  }
0x20: {  	[sflag:s8] =	ssyncset.s32 @!p0 $0xFFFFF086;
	s6 =	sadd.s32 @!p0 s3, s7;
	s7 =	simm.s32 @!p0 $0x108  }
0x21: {  	s3 =	sadd.s32 s3, s9;
	s6 =	sadd.s32 @!p0 $0x88, s6;
	s7 =	simm.s32 @p2 $0x1082  }
0x22: {  	[simem:s7], [sflag:s8] =	dma.local @!p0 [hbm:s6], $0xF7A  }
0x23: {  	s9 =	sor.u32 $0xD0000000, s2;
	s6 =	simm.s32 $0x108;
	_ =	swait.ge @!p0 [sflag:s8], $0x0  }
0x24: {  	s3 =	sadd.s32 $0x88, s3;
	s6 =	simm.s32 @!p1 $0x1082;
	[sflag:s4] =	ssyncset.s32 $0xFFFFF086  }
0x25: {  	[simem:s6], [sflag:s4] =	dma.local [hbm:s3], $0xF7A  }
0x26: {  	[smem:$0x3F9F] =	sst s1;
	(tag) =	ssettag s2;
	_ =	strace s9  }
0x27: {  	s1 =	sld [smem:$0x3FAF]  }
0x28: {  	s2 =	sld [smem:$0x3FB0]  }
0x29: {  	s4 =	sld [smem:$0x3FB2]  }
0x2a: {  	p0 =	seq.s32 s5, $0x0;
	s5 =	sld [smem:$0x3FB3]  }
0x2b: {  	s6 =	sld [smem:$0x3FB4]  }
0x2c: {  	s7 =	sld [smem:$0x3FB5]  }
0x2d: {  	s3 =	simm.s32 $0x108;
	s8 =	sld [smem:$0x3FB6]  }
0x2e: {  	s3 =	simm.s32 @!p0 $0x1082;
	s9 =	sld [smem:$0x3FB7]  }
0x2f: {  	lr =	sadd.s32 s0, s3;
	s0 =	sld [smem:$0x3FAE]  }
0x30: {  	s3 =	sld [smem:$0x3FB1]  }
0x31: {  	[smem:$0x3FBA] =	sst s10  }
0x32: {  	s10 =	sld [smem:$0x3FB8];
	_ =	sdelay $0x3  }
0x33: {  	p0 =	seq.s32 s10, $0x1;
	s10 =	sld [smem:$0x3FBA];
	_ =	sdelay $0x3  }
0x34: {  	[smem:$0x3FBA] =	sst s10  }
0x35: {  	s10 =	sld [smem:$0x3FB9];
	_ =	sdelay $0x3  }
0x36: {  	p1 =	seq.s32 s10, $0x1;
	s10 =	sld [smem:$0x3FBA];
	_ =	sdelay $0x3  }
0x37: {  	[smem:$0x3FBA] =	sst s10  }
0x38: {  	s10 =	sld [smem:$0x3FBB]  }
0x39: {  	_ = 	snop;
	(pc) =	sbr.ind lr, $3  }
0x3a: {  	_ = 	snop  }
0x3b: {  	_ = 	snop  }
0x3c: {  	p2 =	seq.s32 s10, $0x1;
	s10 =	sld [smem:$0x3FBA]  }
0x3d: {  	_ =	shalt  }
0x3e: {  	_ =	shalt  }
0x3f: {  	_ =	shalt  }
0x40: {  	_ =	shalt  }
0x41: {  	_ =	shalt  }
0x42: {  	_ =	shalt  }
0x43: {  	_ =	shalt  }
0x44: {  	_ =	shalt  }
0x45: {  	_ =	shalt  }
0x46: {  	_ =	shalt  }
0x47: {  	_ =	shalt  }
0x48: {  	_ =	shalt  }
0x49: {  	_ =	shalt  }
0x4a: {  	_ =	shalt  }
0x4b: {  	_ =	shalt  }
0x4c: {  	_ =	shalt  }
0x4d: {  	_ =	shalt  }
0x4e: {  	_ =	shalt  }
0x4f: {  	_ =	shalt  }
0x50: {  	_ =	shalt  }
0x51: {  	_ =	shalt  }
0x52: {  	_ =	shalt  }
0x53: {  	_ =	shalt  }
0x54: {  	_ =	shalt  }
0x55: {  	_ =	shalt  }
0x56: {  	_ =	shalt  }
0x57: {  	_ =	shalt  }
0x58: {  	_ =	shalt  }
0x59: {  	_ =	shalt  }
0x5a: {  	_ =	shalt  }
0x5b: {  	_ =	shalt  }
0x5c: {  	_ =	shalt  }
0x5d: {  	_ =	shalt  }
0x5e: {  	_ =	shalt  }
0x5f: {  	_ =	shalt  }
0x60: {  	_ =	shalt  }
0x61: {  	_ =	shalt  }
0x62: {  	_ =	shalt  }
0x63: {  	_ =	shalt  }
0x64: {  	_ =	shalt  }
0x65: {  	_ =	shalt  }
0x66: {  	_ =	shalt  }
0x67: {  	_ =	shalt  }
0x68: {  	_ =	shalt  }
0x69: {  	_ =	shalt  }
0x6a: {  	_ =	shalt  }
0x6b: {  	_ =	shalt  }
0x6c: {  	_ =	shalt  }
0x6d: {  	_ =	shalt  }
0x6e: {  	_ =	shalt  }
0x6f: {  	_ =	shalt  }
0x70: {  	_ =	shalt  }
0x71: {  	_ =	shalt  }
0x72: {  	_ =	shalt  }
0x73: {  	_ =	shalt  }
0x74: {  	_ =	shalt  }
0x75: {  	_ =	shalt  }
0x76: {  	_ =	shalt  }
0x77: {  	_ =	shalt  }
0x78: {  	_ =	shalt  }
0x79: {  	_ =	shalt  }
0x7a: {  	_ =	shalt  }
0x7b: {  	_ =	shalt  }
0x7c: {  	_ =	shalt  }
0x7d: {  	_ =	shalt  }
0x7e: {  	_ =	shalt  }
0x7f: {  	_ =	shalt  }
0x80: {  	_ =	shalt  }
0x81: {  	_ =	shalt  }
0x82: {  	_ =	shalt  }
0x83: {  	_ =	shalt  }
0x84: {  	_ =	shalt  }
0x85: {  	_ =	shalt  }
0x86: {  	_ =	shalt  }
0x87: {  	_ =	shalt  }
.Lfunc_end0:
.L_simem_size_0:
called_computation.1_lowered:
.L_overlay_start_0:
0x88: {  	s2 =	sld [smem:$0x3FD9]  }
0x89: {  	s3 =	sld [smem:$0x3FFE];
	_ =	sdelay $0x1  }
0x8a: {  	s1 =	srdreg.scid  }
0x8b: {  	s0 =	sand.u32 $0x1, s1  }
0x8c: {  	s17 =	sshll.u32 s0, $0xA;
	s2 =	sadd.s32 s3, s2  }
0x8d: {  	s2 =	sadd.s32 s2, s17  }
0x8e: {  	[smem:$0x3FC6] =	sst s2  }
0x8f: {  	_ = 	snop  }
0x90: {  	s2 =	sld [smem:$0x3FD0];
	(tm) =	ssettm $0x1  }
0x91: {  	s18 =	sld [smem:$0x3FFB];
	_ =	sdelay $0x3  }
0x92: {  	_ =	strace s18  }
0x93: {  	s3 =	sld [smem:$0x3FFC];
	_ =	sdelay $0x3  }
0x94: {  	_ =	strace s3  }
0x95: {  	s3 =	sld [smem:$0x3FFD];
	_ =	sdelay $0x3  }
0x96: {  	_ =	strace s3  }
0x97: {  	_ =	strace $0x8FFFFFFF  }
0x98: {  	s19 =	sld [smem:$0x3FDB];
	_ =	sdelay $0x1  }
0x99: {  	s4 =	simm.s32 $_scs_section_size  }
0x9a: {  	s5 =	simm.s32 $_size__tile_overlayer_lowered;
	s6 =	simm.s32 $_tile_overlayer_lowered  }
0x9b: {  	s22 =	simm.s32 $0x1BFF;
	s21 =	sshll.u32 s6, $0x1;
	s3 =	sadd.s32 s4, s19  }
0x9c: {  	s7 =	simm.s32 $0x0;
	s20 =	sshll.u32 s5, $0x1;
	s5 =	sadd.s32 s21, s3  }
0x9d: {  	[timem:s7], [sflag:s22] =	dma.local [hbm:s5], s20  }
0x9e: {  	_ =	swait.ge [sflag:s22], s20  }
0x9f: {  	s4 =	ssub.s32 $0x0, s20;
	[sflag:s22] =	ssyncset.done $0x0  }
0xa0: {  	[sflag:s22] =	ssyncadd.s32 s4;
	_ =	sdelay $0x1  }
0xa1: {  	s23 =	simm.s32 $0x1B8B  }
0xa2: {  	_ =	swait.ge [sflag:s23], $0x1  }
0xa3: {  	[sflag:s23] =	ssyncset.done $0x0  }
0xa4: {  	s25 =	simm.s32 $0x1B8E;
	s24 =	sld [smem:$0x3FFE];
	[sflag:s23] =	ssyncadd.s32 $0xFFFFFFFF  }
0xa5: {  	s26 =	simm.s32 $execute0_lowered;
	[smem:$0x3FD2] =	sst s25  }
0xa6: {  	s5 =	sshll.u32 s26, $0x1;
	_ =	strace $0x80000049;
	[dreg:$0x1] =	wrdreg $0xFFFFFFFF  }
0xa7: {  	s28 =	simm.s32 $_size_execute0_lowered;
	s3 =	sadd.s32 s3, s5;
	[dreg:$0x0] =	wrdreg $0x0  }
0xa8: {  	s5 =	sshll.u32 s28, $0x1;
	[dreg:$0x2] =	wrdreg s3  }
0xa9: {  	[dreg:$0x3] =	wrdreg s5  }
0xaa: {  	[dreg:$0x4] =	wrdreg $0xC0  }
0xab: {  	_ =	task [dreg:s7], $0x5FFFF  }
0xac: {  	[dreg:$0x1] =	wrdreg $0xFFFFFFFF  }
0xad: {  	[dreg:$0x0] =	wrdreg $0x60  }
0xae: {  	[dreg:$0x2] =	wrdreg s24  }
0xaf: {  	[dreg:$0x3] =	wrdreg s2  }
0xb0: {  	[dreg:$0x4] =	wrdreg $0x9  }
0xb1: {  	_ =	task.clear_ibuf [dreg:s7], $0x5FFFF;
	_ =	strace $0x90000049  }
0xb2: {  	s29 =	simm.s32 $0x9;
	_ =	strace $0x8000004B  }
0xb3: {  	_ =	swait.ge [sflag:s29], $0x1  }
0xb4: {  	[sflag:s29] =	ssyncadd.s32 $0xFFFFFFFF  }
0xb5: {  	_ =	strace $0x9000004B  }
0xb6: {  	_ =	sfence  }
0xb7: {  	s30 =	sld [smem:$0x0];
	_ =	sdelay $0x2  }
0xb8: {  	s31 =	sshll.u32 s1, $0xD;
	s1 =	sshrl.u32 s1, $0x2  }
0xb9: {  	s3 =	sand.u32 $0x4000, s31;
	s1 =	sadd.s32 s1, s30  }
0xba: {  	s0 =	sor.u32 s3, s0;
	s1 =	sshll.u32 s1, $0x11  }
0xbb: {  	s0 =	sor.u32 s1, s0  }
0xbc: {  	s0 =	sadd.s32 $0x8F2B, s0  }
0xbd: {  	[sflag:s0] =	ssyncadd.remote.s32 $0x1  }
0xbe: {  	_ =	sfence.sel $0xFFFF  }
0xbf: {  	[dreg:$0x0] =	wrdreg $0xFFFFFFFF;
	(pc) =	sbr.abs _section_cstart, $3  }
0xc0: {  	[dreg:$0x1] =	wrdreg $0xFFFFFFFF  }
0xc1: {  	_ =	task.clear_ibuf [dreg:s7], $0x2FFFF;
	_ =	strace $0x9FFFFFFF  }
0xc2: {  	(tm) =	ssettm $0x7FFFFFFF  }
0xc3: {  	_ =	shalt  }
tec
execute0_lowered:
.L_overlay_start_1:
0x0: {  	(tag) =	ssettag $0x1  }
0x1: {  	v0 =	vlaneseq.u32  }
0x2: {  	s0 =	rddreg [dreg:$0x0];
	s2 =	simm.s32 $0x0;
	v8 =	vmul.u32 $0x88, v0  }
0x3: {  	[smem:$0x7FF] =	sst s2  }
0x4: {  	s1 =	rddreg [dreg:$0x1];
	_ =	strace $0x8000004A;
	v3 =	vadd.s32 $0x1981, v8;
	[tilespmem:$0x1FEB0] =	vst v8  }
0x5: {  	v4 =	vadd.s32 $0x1106, v8;
	[tilespmem:$0x1FE10] =	vst v3  }
0x6: {  	v15 =	vadd.s32 $0x1982, v8;
	[tilespmem:$0x1FE50] =	vst v4  }
0x7: {  	v9 =	vadd.s32 $0x1983, v8;
	[tilespmem:$0x1FE60] =	vst v15  }
0x8: {  	v23 =	vadd.s32 $0x1984, v8;
	[tilespmem:$0x1FE70] =	vst v9  }
0x9: {  	v27 =	vadd.s32 $0x1985, v8;
	[tilespmem:$0x1FE80] =	vst v23  }
0xa: {  	v31 =	vadd.s32 $0x1986, v8;
	[tilespmem:$0x1FE90] =	vst v27  }
0xb: {  	v11 =	vadd.s32 $0x880, v8;
	[tilespmem:$0x1FEA0] =	vst v31  }
0xc: {  	v2 =	vadd.s32 $0x1100, v8;
	[tilespmem:$0x1FEC0] =	vst v11  }
0xd: {  	v7 =	vadd.s32 $0x1980, v8;
	[tilespmem:$0x1FED0] =	vst v2  }
0xe: {  	v12 =	vor.u32 $0x1, v8;
	[tilespmem:$0x1FEE0] =	vst v7  }
0xf: {  	v10 =	vadd.s32 $0x881, v8;
	[tilespmem:$0x1FEF0] =	vst v12  }
0x10: {  	v13 =	vadd.s32 $0x1101, v8;
	[tilespmem:$0x1FF00] =	vst v10  }
0x11: {  	v16 =	vor.u32 $0x2, v8;
	[tilespmem:$0x1FF10] =	vst v13  }
0x12: {  	v21 =	vadd.s32 $0x882, v8;
	[tilespmem:$0x1FF20] =	vst v16  }
0x13: {  	v20 =	vadd.s32 $0x1102, v8;
	[tilespmem:$0x1FF30] =	vst v21  }
0x14: {  	v24 =	vor.u32 $0x3, v8;
	[tilespmem:$0x1FF40] =	vst v20  }
0x15: {  	v25 =	vadd.s32 $0x883, v8;
	[tilespmem:$0x1FF50] =	vst v24  }
0x16: {  	v28 =	vor.u32 $0x4, v8;
	[tilespmem:$0x1FF60] =	vst v25  }
0x17: {  	v29 =	vadd.s32 $0x884, v8;
	[tilespmem:$0x1FF70] =	vst v28  }
0x18: {  	s3 =	srdreg.scid;
	s4 =	stileid.u32;
	v17 =	vor.u32 $0x5, v8;
	[tilespmem:$0x1FF80] =	vst v29  }
0x19: {  	s12 =	simm.s32 $0x7;
	s13 =	simm.s32 $0x80;
	s14 =	simm.s32 $0x6400;
	v5 =	vadd.s32 $0x885, v8;
	[tilespmem:$0x1FF90] =	vst v17  }
0x1a: {  	s17 =	simm.s32 $0xA400;
	s18 =	simm.s32 $0xC400;
	s19 =	simm.s32 $0x1;
	v32 =	vor.u32 $0x6, v8;
	[tilespmem:$0x1FFA0] =	vst v5  }
0x1b: {  	s20 =	simm.s32 $0xE400;
	s21 =	simm.s32 $0x2;
	s22 =	simm.s32 $0x6;
	v30 =	vadd.s32 $0x886, v8;
	[tilespmem:$0x1FFB0] =	vst v32  }
0x1c: {  	s23 =	simm.s32 $0x10600;
	s24 =	simm.s32 $0x3;
	s25 =	simm.s32 $0x5;
	v19 =	vor.u32 $0x7, v8;
	[tilespmem:$0x1FFC0] =	vst v30  }
0x1d: {  	s26 =	simm.s32 $0x4;
	s3 =	sand.u32 $0x1, s3;
	s4 =	sshll.u32 s4, $0x1;
	v6 =	vadd.s32 $0x1107, v8;
	[tilespmem:$0x1FFD0] =	vst v19  }
0x1e: {  	s28 =	simm.s32 $0x0;
	s4 =	sor.u32 s3, s4;
	s6 =	ssub.s32 $0x2, s3;
	v3 =	vadd.s32 $0x1103, v8;
	[tilespmem:$0x1FFF0] =	vst v6  }
0x1f: {  	s3 =	sadd.s32 $0xA00, s0;
	s5 =	sshll.u32 s4, $0x6;
	s4 =	sshll.u32 s4, $0x9;
	v4 =	vadd.s32 $0x1987, v8;
	[tilespmem:$0x1FE20] =	vst v3  }
0x20: {  	s31 =	sshrl.u32 s6, $0x1;
	s5 =	sadd.s32 s5, s0;
	s4 =	sadd.s32 s1, s4;
	v3 =	vadd.s32 $0x1104, v8;
	[tilespmem:$0x1FFE0] =	vst v4  }
0x21: {  	v1 =	vimm.s32 $0x0;
	vm0 =	vcmask $0x300;
	s0 =	ssub.s32 s6, s31;
	s5 =	sadd.s32 $0x7A1E00, s5;
	s6 =	sadd.s32 $0x80, s4;
	[tilespmem:$0x1FE30] =	vst v3;
	v3 =	vadd.s32 $0x1105, v8  }
0x22: {  	v1 =	vsel vm0, $0x3, v1;
	v63 =	vadd.s32 $0x887, v8;
	s7 =	sadd.s32 $0x100, s4;
	s8 =	sadd.s32 $0x180, s4;
	s9 =	smax.u32 s0, $0x1;
	[tilespmem:$0x1FE40] =	vst v3  }
.LBB2_1:
0x23: {  	s0 =	simm.s32 $0x200;
	s1 =	simm.s32 $0x4000  }
0x24: {  	[tilespmem:s2], [sflag:$0x7] =	stream.strided.gather [hbm4b:s5+s0], $0x6400, s1, s0, $0x38;
	[tilespmem:$0x12800] =	vst v63  }
0x25: {  	_ =	swait.ge [sflag:s12], $0x6400  }
0x26: {  	[sflag:s12] =	ssyncset.done $0x0  }
0x27: {  	[sflag:s12] =	ssyncadd.s32 $0xFFFF9C00  }
0x28: {  	[tilespmem:s14], [sflag:$0x1] =	stream.indirect.gather [hbm4b:s3+s13], $0x40, s2, s13, $0xb8;
	[tilespmem:$0x12800] =	vst v63  }
0x29: {  	s30 =	simm.s32 $0x8400  }
0x2a: {  	[tilespmem:s30], [sflag:$0x2] =	stream.indirect.gather [hbm4b:s3+s13], $0x40, s13, s13, $0xb8;
	[tilespmem:$0x12800] =	vst v63  }
0x2b: {  	s31 =	simm.s32 $0x100;
	s29 =	simm.s32 $0x0  }
0x2c: {  	[tilespmem:s17], [sflag:$0x3] =	stream.indirect.gather [hbm4b:s3+s13], $0x40, s31, s13, $0xb8;
	[tilespmem:$0x12800] =	vst v63  }
.LBB2_2:
0x2d: {  	s0 =	sshll.u32 s29, $0x9  }
0x2e: {  	s16 =	simm.s32 $0x0;
	s1 =	simm.s32 $0x1;
	s30 =	sand.u32 $0x3FFFFE00, s0  }
0x2f: {  	s11 =	simm.s32 $0x3;
	s10 =	simm.s32 $0x4;
	s0 =	sor.u32 $0x180, s30  }
0x30: {  	[tilespmem:s18], [sflag:$0x4] =	stream.indirect.gather [hbm4b:s3+s13], $0x40, s0, s13, $0xb8;
	[tilespmem:$0x12800] =	vst v63  }
0x31: {  	p0 =	seq.s32 s29, $0x0;
	s15 =	simm.s32 $0x5;
	v33 =	vmov s16;
	v34 =	vmov s1;
	_ =	swait.ge [sflag:s19], $0x2000  }
0x32: {  	s1 =	simm.s32 $0x2;
	v36 =	vmov s11;
	v37 =	vmov s10;
	s16 =	simm.s32 $0x6;
	v38 =	vmov s15;
	[sflag:s19] =	ssyncset.done $0x0  }
0x33: {  	s10 =	simm.s32 @!p0 $0x5;
	s11 =	simm.s32 $0x7;
	v35 =	vmov s1;
	v33 =	vshrl.u32 v33, $0x3;
	v39 =	vmov s16;
	[sflag:s19] =	ssyncadd.s32 $0xFFFFE000  }
0x34: {  	v34 =	vshrl.u32 v34, $0x3;
	v40 =	vmov s11;
	v36 =	vshrl.u32 v36, $0x3;
	_ =	swait.ge @!p0 [sflag:s10], $0x2000  }
0x35: {  	v37 =	vshrl.u32 v37, $0x3;
	v38 =	vshrl.u32 v38, $0x3;
	v40 =	vshrl.u32 v40, $0x3;
	[sflag:s10] =	ssyncset.done @!p0 $0x0  }
0x36: {  	s31 =	simm.s32 $0x6500;
	v33 =	vshll.u32 v33, v1;
	v35 =	vshrl.u32 v35, $0x3;
	v40 =	vshll.u32 v40, v1;
	[sflag:s10] =	ssyncadd.s32 @!p0 $0xFFFFE000  }
0x37: {  	v42 =	vshrl.u32 v39, $0x3;
	v34 =	vshll.u32 v34, v1;
	v26 =	vbroadcast v40, $0x0;
	v60 =	vld [tilespmem:s31+$0xC0]  }
0x38: {  	v36 =	vshll.u32 v36, v1;
	v44 =	vshll.u32 v37, v1;
	v3 =	vbroadcast v33, $0x0;
	v43 =	vld [tilespmem:s31+$0xFFFFFF00]  }
0x39: {  	v35 =	vshll.u32 v35, v1;
	v18 =	vbroadcast v34, $0x0;
	v46 =	vadd.s32 v19, v26;
	v45 =	vld [tilespmem:s31+$0xFFFFFF40]  }
0x3a: {  	v61 =	vshll.u32 v38, v1;
	v37 =	vbroadcast v35, $0x0;
	v62 =	vadd.s32 v8, v3;
	v47 =	vld [tilespmem:s31+$0xFFFFFF80]  }
0x3b: {  	v42 =	vshll.u32 v42, v1;
	v36 =	vbroadcast v36, $0x0;
	v48 =	vadd.s32 v12, v18;
	v49 =	vld [tilespmem:s31+$0xFFFFFFC0]  }
0x3c: {  	v35 =	vbroadcast v44, $0x0;
	v50 =	vadd.s32 v16, v37;
	v51 =	vld [tilespmem:s31+$0x0];
	v57 =	vmul.f32 $8.000000000e+00, v60  }
0x3d: {  	v33 =	vbroadcast v61, $0x0;
	v52 =	vadd.s32 v24, v36;
	v53 =	vld [tilespmem:s31+$0x40];
	v43 =	vmul.f32 $8.000000000e+00, v43  }
0x3e: {  	v34 =	vbroadcast v42, $0x0;
	v54 =	vadd.s32 v28, v35;
	v55 =	vld [tilespmem:s31+$0x80];
	v45 =	vmul.f32 $8.000000000e+00, v45;
	[tilespmem:v46+s20+$0x0] =	vst.idx.msk $0xffff, v57  }
0x3f: {  	v59 =	vmul.f32 $8.000000000e+00, v47;
	[tilespmem:v62+s20+$0x0] =	vst.idx.msk $0xffff, v43;
	v43 =	vadd.s32 v17, v33;
	v44 =	vld [tilespmem:s31+$0xD0]  }
0x40: {  	v60 =	vmul.f32 $8.000000000e+00, v49;
	v47 =	vadd.s32 v32, v34;
	[tilespmem:v48+s20+$0x0] =	vst.idx.msk $0xffff, v45;
	v46 =	vld [tilespmem:s31+$0xFFFFFF10]  }
0x41: {  	s15 =	simm.s32 $0x8;
	v61 =	vmul.f32 $8.000000000e+00, v51;
	[tilespmem:v50+s20+$0x0] =	vst.idx.msk $0xffff, v59;
	v50 =	vadd.s32 v63, v26;
	v49 =	vld [tilespmem:s31+$0xFFFFFF50]  }
0x42: {  	v58 =	vmov s15;
	v56 =	vadd.s32 v11, v3;
	[tilespmem:v52+s20+$0x0] =	vst.idx.msk $0xffff, v60;
	v62 =	vmul.f32 $8.000000000e+00, v53;
	v57 =	vld [tilespmem:s31+$0xFFFFFF90]  }
0x43: {  	v42 =	vshrl.u32 v58, $0x3;
	v38 =	vmul.f32 $8.000000000e+00, v55;
	v53 =	vadd.s32 v10, v18;
	[tilespmem:v54+s20+$0x0] =	vst.idx.msk $0xffff, v61;
	v58 =	vld [tilespmem:s31+$0xFFFFFFD0]  }
0x44: {  	v55 =	vadd.s32 v21, v37;
	v59 =	vld [tilespmem:s31+$0x10];
	[tilespmem:v43+s20+$0x0] =	vst.idx.msk $0xffff, v62;
	v43 =	vmul.f32 $8.000000000e+00, v44  }
0x45: {  	[tilespmem:v47+s20+$0x0] =	vst.idx.msk $0xffff, v38;
	v45 =	vmul.f32 $8.000000000e+00, v46;
	v46 =	vadd.s32 v25, v36;
	v60 =	vld [tilespmem:s31+$0x50]  }
0x46: {  	v61 =	vld [tilespmem:s31+$0x90];
	v47 =	vmul.f32 $8.000000000e+00, v49;
	v49 =	vadd.s32 v29, v35;
	[tilespmem:v50+s20+$0x0] =	vst.idx.msk $0xffff, v43  }
0x47: {  	v39 =	vmul.f32 $8.000000000e+00, v57;
	[tilespmem:v56+s20+$0x0] =	vst.idx.msk $0xffff, v45;
	v45 =	vadd.s32 v5, v33;
	v50 =	vld [tilespmem:s31+$0xE0]  }
0x48: {  	v62 =	vmul.f32 $8.000000000e+00, v58;
	[tilespmem:v53+s20+$0x0] =	vst.idx.msk $0xffff, v47;
	v53 =	vadd.s32 v30, v34;
	v56 =	vld [tilespmem:s31+$0xFFFFFF20]  }
0x49: {  	[tilespmem:v55+s20+$0x0] =	vst.idx.msk $0xffff, v39;
	v39 =	vmul.f32 $8.000000000e+00, v59;
	v55 =	vadd.s32 v6, v26;
	v57 =	vld [tilespmem:s31+$0xFFFFFF60]  }
0x4a: {  	s15 =	simm.s32 $0xD;
	v58 =	vadd.s32 v2, v3;
	[tilespmem:v46+s20+$0x0] =	vst.idx.msk $0xffff, v62;
	v46 =	vmul.f32 $8.000000000e+00, v60  }
0x4b: {  	s16 =	simm.s32 $0x9;
	v44 =	vmov s15;
	v59 =	vld [tilespmem:s31+$0xFFFFFFA0];
	v47 =	vmul.f32 $8.000000000e+00, v61;
	v60 =	vadd.s32 v13, v18;
	[tilespmem:v49+s20+$0x0] =	vst.idx.msk $0xffff, v39  }
0x4c: {  	v48 =	vmov s16;
	s16 =	simm.s32 $0xE;
	v41 =	vshrl.u32 v44, $0x3;
	[tilespmem:v45+s20+$0x0] =	vst.idx.msk $0xffff, v46;
	v44 =	vmul.f32 $8.000000000e+00, v50  }
0x4d: {  	v14 =	vmovc v2;
	v38 =	vmov s16;
	v43 =	vshll.u32 v42, v1;
	v50 =	vmul.f32 $8.000000000e+00, v56;
	v2 =	vld [tilespmem:$0x1FE20];
	[tilespmem:v53+s20+$0x0] =	vst.idx.msk $0xffff, v47  }
0x4e: {  	v42 =	vshrl.u32 v38, $0x3;
	v38 =	vbroadcast v43, $0x0;
	v43 =	vmul.f32 $8.000000000e+00, v57;
	v22 =	vld [tilespmem:$0x1FE30];
	[tilespmem:v55+s20+$0x0] =	vst.idx.msk $0xffff, v44  }
0x4f: {  	[tilespmem:v58+s20+$0x0] =	vst.idx.msk $0xffff, v50  }
0x50: {  	v49 =	vadd.s32 v20, v37;
	v46 =	vmul.f32 $8.000000000e+00, v59;
	v59 =	vld [tilespmem:$0x1FE40];
	[tilespmem:v60+s20+$0x0] =	vst.idx.msk $0xffff, v43  }
0x51: {  	v0 =	vld [tilespmem:$0x1FE50];
	_ =	sdelay $0x1  }
0x52: {  	s1 =	simm.s32 $0xA  }
0x53: {  	v51 =	vmov s1;
	v62 =	vld [tilespmem:s31+$0xFFFFFFE0]  }
0x54: {  	v51 =	vshrl.u32 v51, $0x3;
	[tilespmem:v49+s20+$0x0] =	vst.idx.msk $0xffff, v46  }
0x55: {  	v44 =	vshll.u32 v51, v1;
	v39 =	vadd.s32 v2, v36;
	v51 =	vadd.s32 v0, v34;
	v0 =	vld [tilespmem:$0x1FFE0];
	_ =	sdelay $0x1  }
0x56: {  	v4 =	vmov v5;
	v5 =	vmov v63;
	v63 =	vld [tilespmem:s31+$0x20]  }
0x57: {  	v40 =	vld [tilespmem:s31+$0x60];
	v62 =	vmul.f32 $8.000000000e+00, v62  }
0x58: {  	v61 =	vld [tilespmem:s31+$0xA0]  }
0x59: {  	s10 =	simm.s32 $0xB;
	v53 =	vadd.s32 v0, v26;
	v0 =	vld [tilespmem:$0x1FEE0];
	[tilespmem:v39+s20+$0x0] =	vst.idx.msk $0xffff, v62  }
0x5a: {  	v7 =	vmov v30;
	s11 =	simm.s32 $0xC;
	v52 =	vmov s10;
	v57 =	vadd.s32 v22, v35;
	v30 =	vld [tilespmem:$0x1FE10]  }
0x5b: {  	v54 =	vmov s11;
	v48 =	vshrl.u32 v48, $0x3;
	v52 =	vshrl.u32 v52, $0x3;
	v56 =	vld [tilespmem:s31+$0xF0]  }
0x5c: {  	v54 =	vshrl.u32 v54, $0x3;
	v45 =	vshll.u32 v52, v1;
	v47 =	vshll.u32 v48, v1;
	v50 =	vld [tilespmem:s31+$0xFFFFFF30]  }
0x5d: {  	v63 =	vmul.f32 $8.000000000e+00, v63;
	v43 =	vshll.u32 v41, v1;
	v52 =	vld [tilespmem:s31+$0xFFFFFF70];
	v55 =	vadd.s32 v59, v33  }
0x5e: {  	v46 =	vshll.u32 v54, v1;
	v49 =	vld [tilespmem:s31+$0xFFFFFFB0];
	v39 =	vmul.f32 $8.000000000e+00, v40;
	v40 =	vmul.f32 $8.000000000e+00, v61;
	v26 =	vmovc v59  }
0x5f: {  	s0 =	simm.s32 $0x10;
	s1 =	simm.s32 $0xF;
	v54 =	vld [tilespmem:s31+$0xFFFFFFF0];
	[tilespmem:v57+s20+$0x0] =	vst.idx.msk $0xffff, v63;
	v48 =	vadd.s32 v0, v3;
	v41 =	vadd.s32 v30, v18;
	v18 =	vmov v2  }
.LBB2_3:
0x60: {  	_ = 	snop  }
0x61: {  	v57 =	vmov s1;
	v58 =	vld [tilespmem:s31+$0x30]  }
0x62: {  	v37 =	vadd.s32 v15, v37;
	v36 =	vadd.s32 v9, v36;
	[tilespmem:v55+s20+$0x0] =	vst.idx.msk $0xffff, v39;
	v60 =	vmul.f32 $8.000000000e+00, v56  }
0x63: {  	v35 =	vadd.s32 v23, v35;
	v61 =	vshrl.u32 v57, $0x3;
	[tilespmem:v51+s20+$0x0] =	vst.idx.msk $0xffff, v40;
	v62 =	vld [tilespmem:s31+$0x70];
	v50 =	vmul.f32 $8.000000000e+00, v50  }
0x64: {  	v39 =	vmov v38;
	v38 =	vshll.u32 v61, v1;
	v63 =	vmul.f32 $8.000000000e+00, v52;
	v52 =	vld [tilespmem:s31+$0xB0];
	s31 =	sadd.s32 $0x200, s31;
	[tilespmem:v53+s20+$0x0] =	vst.idx.msk $0xffff, v60  }
0x65: {  	v33 =	vadd.s32 v27, v33;
	v40 =	vbroadcast v38, $0x0;
	v55 =	vmul.f32 $8.000000000e+00, v49;
	[tilespmem:v48+s20+$0x0] =	vst.idx.msk $0xffff, v50;
	v53 =	vld [tilespmem:s31+$0xC0]  }
0x66: {  	v42 =	vshll.u32 v42, v1;
	v34 =	vadd.s32 v31, v34;
	[tilespmem:v41+s20+$0x0] =	vst.idx.msk $0xffff, v63;
	v60 =	vmul.f32 $8.000000000e+00, v58;
	v48 =	vld [tilespmem:s31+$0xFFFFFF00]  }
0x67: {  	v57 =	vmul.f32 $8.000000000e+00, v54;
	v41 =	vbroadcast v47, $0x0;
	v47 =	vadd.s32 v19, v40;
	[tilespmem:v37+s20+$0x0] =	vst.idx.msk $0xffff, v55;
	v59 =	vld [tilespmem:s31+$0xFFFFFF40]  }
0x68: {  	v51 =	vadd.s32 v8, v39;
	v37 =	vbroadcast v44, $0x0;
	v61 =	vld [tilespmem:s31+$0xFFFFFF80];
	v62 =	vmul.f32 $8.000000000e+00, v62;
	[tilespmem:v35+s20+$0x0] =	vst.idx.msk $0xffff, v60  }
0x69: {  	[tilespmem:v36+s20+$0x0] =	vst.idx.msk $0xffff, v57;
	v49 =	vadd.s32 v12, v41;
	v35 =	vbroadcast v46, $0x0;
	v56 =	vmul.f32 $8.000000000e+00, v52;
	v52 =	vld [tilespmem:s31+$0x0]  }
0x6a: {  	v36 =	vbroadcast v45, $0x0;
	v63 =	vld [tilespmem:s31+$0xFFFFFFC0];
	v45 =	vadd.s32 v16, v37;
	[tilespmem:v33+s20+$0x0] =	vst.idx.msk $0xffff, v62;
	v57 =	vmul.f32 $8.000000000e+00, v53  }
0x6b: {  	v33 =	vbroadcast v43, $0x0;
	v43 =	vadd.s32 v28, v35;
	[tilespmem:v34+s20+$0x0] =	vst.idx.msk $0xffff, v56;
	v58 =	vmul.f32 $8.000000000e+00, v48;
	v53 =	vld [tilespmem:s31+$0x40]  }
0x6c: {  	v34 =	vbroadcast v42, $0x0;
	v48 =	vadd.s32 v24, v36;
	v59 =	vmul.f32 $8.000000000e+00, v59;
	v50 =	vld [tilespmem:s31+$0x80];
	[tilespmem:v47+s20+$0x0] =	vst.idx.msk $0xffff, v57  }
0x6d: {  	v60 =	vmov s0;
	v62 =	vadd.s32 v17, v33;
	v61 =	vmul.f32 $8.000000000e+00, v61;
	[tilespmem:v51+s20+$0x0] =	vst.idx.msk $0xffff, v58;
	v47 =	vld [tilespmem:s31+$0xD0]  }
0x6e: {  	v42 =	vshrl.u32 v60, $0x3;
	[tilespmem:v49+s20+$0x0] =	vst.idx.msk $0xffff, v59;
	v49 =	vadd.s32 v32, v34;
	v60 =	vmul.f32 $8.000000000e+00, v52;
	v51 =	vld [tilespmem:s31+$0xFFFFFF10]  }
0x6f: {  	v63 =	vmul.f32 $8.000000000e+00, v63;
	[tilespmem:v45+s20+$0x0] =	vst.idx.msk $0xffff, v61;
	v45 =	vadd.s32 v5, v40;
	v55 =	vld [tilespmem:s31+$0xFFFFFF50]  }
0x70: {  	v56 =	vadd.s32 v11, v39;
	v57 =	vld [tilespmem:s31+$0xFFFFFF90];
	[tilespmem:v43+s20+$0x0] =	vst.idx.msk $0xffff, v60;
	v61 =	vmul.f32 $8.000000000e+00, v53  }
0x71: {  	[tilespmem:v48+s20+$0x0] =	vst.idx.msk $0xffff, v63;
	v53 =	vadd.s32 v10, v41;
	v43 =	vmul.f32 $8.000000000e+00, v50  }
0x72: {  	v50 =	vadd.s32 v21, v37;
	v58 =	vld [tilespmem:s31+$0xFFFFFFD0];
	[tilespmem:v62+s20+$0x0] =	vst.idx.msk $0xffff, v61;
	v38 =	vmul.f32 $8.000000000e+00, v47  }
0x73: {  	v59 =	vld [tilespmem:s31+$0x10];
	[tilespmem:v49+s20+$0x0] =	vst.idx.msk $0xffff, v43;
	v47 =	vmul.f32 $8.000000000e+00, v51  }
0x74: {  	v51 =	vadd.s32 v25, v36;
	v60 =	vld [tilespmem:s31+$0x50];
	v49 =	vmul.f32 $8.000000000e+00, v55;
	[tilespmem:v45+s20+$0x0] =	vst.idx.msk $0xffff, v38  }
0x75: {  	v55 =	vadd.s32 v29, v35;
	v61 =	vld [tilespmem:s31+$0x90];
	v62 =	vmul.f32 $8.000000000e+00, v57;
	[tilespmem:v56+s20+$0x0] =	vst.idx.msk $0xffff, v47  }
0x76: {  	s15 =	sadd.s32 $0x1, s0;
	v45 =	vadd.s32 v4, v33;
	[tilespmem:v53+s20+$0x0] =	vst.idx.msk $0xffff, v49;
	v47 =	vld [tilespmem:s31+$0xE0]  }
0x77: {  	s11 =	sadd.s32 $0x4, s0;
	v54 =	vmov s15;
	v53 =	vadd.s32 v7, v34;
	[tilespmem:v50+s20+$0x0] =	vst.idx.msk $0xffff, v62;
	v56 =	vld [tilespmem:s31+$0xFFFFFF20];
	v63 =	vmul.f32 $8.000000000e+00, v58  }
0x78: {  	s15 =	sadd.s32 $0x5, s0;
	v44 =	vmov s11;
	v38 =	vshll.u32 v42, v1;
	v42 =	vmul.f32 $8.000000000e+00, v59;
	v59 =	vld [tilespmem:s31+$0xFFFFFFA0]  }
0x79: {  	v46 =	vmov s15;
	v57 =	vld [tilespmem:s31+$0xFFFFFF60];
	[tilespmem:v51+s20+$0x0] =	vst.idx.msk $0xffff, v63;
	v49 =	vmul.f32 $8.000000000e+00, v60;
	v60 =	vshrl.u32 v44, $0x3  }
0x7a: {  	s16 =	sadd.s32 $0x2, s0;
	[tilespmem:v55+s20+$0x0] =	vst.idx.msk $0xffff, v42;
	v44 =	vmul.f32 $8.000000000e+00, v61;
	v61 =	vshrl.u32 v46, $0x3;
	v46 =	vadd.s32 v20, v37;
	v62 =	vld [tilespmem:s31+$0xFFFFFFE0]  }
0x7b: {  	v52 =	vmov s16;
	s16 =	sadd.s32 $0x6, s0;
	v50 =	vadd.s32 v6, v40;
	v63 =	vld [tilespmem:s31+$0x20];
	[tilespmem:v45+s20+$0x0] =	vst.idx.msk $0xffff, v49  }
0x7c: {  	v43 =	vmov s16;
	v58 =	vadd.s32 v14, v39;
	[tilespmem:v53+s20+$0x0] =	vst.idx.msk $0xffff, v44;
	v2 =	vld [tilespmem:s31+$0x60]  }
0x7d: {  	v51 =	vadd.s32 v13, v41;
	v42 =	vshrl.u32 v43, $0x3;
	v3 =	vld [tilespmem:s31+$0xA0];
	v43 =	vmul.f32 $8.000000000e+00, v59  }
0x7e: {  	v54 =	vshrl.u32 v54, $0x3;
	v0 =	vadd.s32 v18, v36;
	v45 =	vmul.f32 $8.000000000e+00, v47;
	v59 =	vld [tilespmem:$0x1FE50]  }
0x7f: {  	v55 =	vmul.f32 $8.000000000e+00, v56;
	v49 =	vmul.f32 $8.000000000e+00, v57;
	[tilespmem:v46+s20+$0x0] =	vst.idx.msk $0xffff, v43;
	v46 =	vshll.u32 v60, v1;
	v60 =	vld [tilespmem:$0x1FEE0]  }
0x80: {  	p1 =	slt.u32 s0, $0x78;
	s10 =	sadd.s32 $0x3, s0;
	v57 =	vadd.s32 v22, v35;
	v47 =	vshll.u32 v54, v1;
	[tilespmem:v50+s20+$0x0] =	vst.idx.msk $0xffff, v45;
	v54 =	vmul.f32 $8.000000000e+00, v62;
	v62 =	vld [tilespmem:$0x1FFE0]  }
.Ltmp0:
0x81: {  	v52 =	vshrl.u32 v52, $0x3;
	v48 =	vmov s10;
	v41 =	vadd.s32 v30, v41;
	[tilespmem:v58+s20+$0x0] =	vst.idx.msk $0xffff, v55;
	v56 =	vld [tilespmem:s31+$0xF0];
	(pc) =	sbr.rel @p1 .LBB2_3-.Ltmp0, $4  }
0x82: {  	v48 =	vshrl.u32 v48, $0x3;
	v44 =	vshll.u32 v52, v1;
	v55 =	vadd.s32 v26, v33;
	[tilespmem:v51+s20+$0x0] =	vst.idx.msk $0xffff, v49;
	v50 =	vld [tilespmem:s31+$0xFFFFFF30]  }
0x83: {  	v45 =	vshll.u32 v48, v1;
	v43 =	vshll.u32 v61, v1;
	v52 =	vld [tilespmem:s31+$0xFFFFFF70];
	v58 =	vmul.f32 $8.000000000e+00, v63  }
0x84: {  	v38 =	vbroadcast v38, $0x0;
	v49 =	vld [tilespmem:s31+$0xFFFFFFB0];
	v51 =	vadd.s32 v59, v34;
	[tilespmem:v0+s20+$0x0] =	vst.idx.msk $0xffff, v54;
	v48 =	vadd.s32 v60, v39  }
0x85: {  	s1 =	sadd.s32 $0x7, s0;
	s0 =	sadd.s32 $0x8, s0;
	[tilespmem:v57+s20+$0x0] =	vst.idx.msk $0xffff, v58;
	v54 =	vld [tilespmem:s31+$0xFFFFFFF0];
	v39 =	vmul.f32 $8.000000000e+00, v2;
	v53 =	vadd.s32 v62, v40;
	v40 =	vmul.f32 $8.000000000e+00, v3  }
0x86: {  	_ =	sdelay $0x3  }
0x87: {  	v0 =	vmov s1;
	v2 =	vadd.s32 v15, v37;
	v3 =	vld [tilespmem:s31+$0x30];
	v57 =	vmul.f32 $8.000000000e+00, v56;
	[tilespmem:v55+s20+$0x0] =	vst.idx.msk $0xffff, v39  }
0x88: {  	v36 =	vadd.s32 v9, v36;
	v0 =	vshrl.u32 v0, $0x3;
	v58 =	vmul.f32 $8.000000000e+00, v50;
	[tilespmem:v51+s20+$0x0] =	vst.idx.msk $0xffff, v40;
	v61 =	vld [tilespmem:s31+$0x70]  }
0x89: {  	v35 =	vadd.s32 v23, v35;
	s0 =	sadd.s32 $0x200, s31;
	v0 =	vshll.u32 v0, v1;
	v63 =	vmul.f32 $8.000000000e+00, v52;
	v51 =	vld [tilespmem:s31+$0xB0];
	[tilespmem:v53+s20+$0x0] =	vst.idx.msk $0xffff, v57  }
0x8a: {  	v33 =	vadd.s32 v27, v33;
	v37 =	vld [tilespmem:s0+$0xC0];
	v0 =	vbroadcast v0, $0x0;
	[tilespmem:v48+s20+$0x0] =	vst.idx.msk $0xffff, v58;
	v55 =	vmul.f32 $8.000000000e+00, v49  }
0x8b: {  	v42 =	vshll.u32 v42, v1;
	v34 =	vadd.s32 v31, v34;
	v56 =	vld [tilespmem:s0+$0xFFFFFF00];
	[tilespmem:v41+s20+$0x0] =	vst.idx.msk $0xffff, v63;
	v57 =	vmul.f32 $8.000000000e+00, v54  }
0x8c: {  	v47 =	vbroadcast v47, $0x0;
	v41 =	vld [tilespmem:s0+$0xFFFFFF40];
	v49 =	vadd.s32 v19, v0;
	[tilespmem:v2+s20+$0x0] =	vst.idx.msk $0xffff, v55;
	v2 =	vmul.f32 $8.000000000e+00, v3  }
0x8d: {  	v44 =	vbroadcast v44, $0x0;
	v58 =	vld [tilespmem:s0+$0xFFFFFF80];
	v3 =	vadd.s32 v8, v38;
	[tilespmem:v36+s20+$0x0] =	vst.idx.msk $0xffff, v57;
	v61 =	vmul.f32 $8.000000000e+00, v61  }
0x8e: {  	v45 =	vbroadcast v45, $0x0;
	v63 =	vadd.s32 v12, v47;
	v54 =	vld [tilespmem:s0+$0xFFFFFFC0];
	[tilespmem:v35+s20+$0x0] =	vst.idx.msk $0xffff, v2;
	v2 =	vmul.f32 $8.000000000e+00, v51  }
0x8f: {  	v46 =	vbroadcast v46, $0x0;
	v37 =	vmul.f32 $8.000000000e+00, v37;
	v35 =	vadd.s32 v16, v44;
	v51 =	vld [tilespmem:s0+$0x0];
	[tilespmem:v33+s20+$0x0] =	vst.idx.msk $0xffff, v61  }
0x90: {  	v43 =	vbroadcast v43, $0x0;
	v55 =	vmul.f32 $8.000000000e+00, v56;
	v56 =	vadd.s32 v24, v45;
	v57 =	vld [tilespmem:s0+$0x40];
	[tilespmem:v34+s20+$0x0] =	vst.idx.msk $0xffff, v2  }
0x91: {  	v42 =	vbroadcast v42, $0x0;
	v2 =	vmul.f32 $8.000000000e+00, v41;
	v34 =	vadd.s32 v28, v46;
	v41 =	vld [tilespmem:s0+$0x80];
	[tilespmem:v49+s20+$0x0] =	vst.idx.msk $0xffff, v37  }
0x92: {  	[tilespmem:v3+s20+$0x0] =	vst.idx.msk $0xffff, v55;
	v3 =	vmul.f32 $8.000000000e+00, v58;
	v58 =	vadd.s32 v17, v43;
	v37 =	vld [tilespmem:s0+$0xD0]  }
0x93: {  	v61 =	vld [tilespmem:s0+$0xFFFFFF10];
	[tilespmem:v63+s20+$0x0] =	vst.idx.msk $0xffff, v2;
	v2 =	vmul.f32 $8.000000000e+00, v54;
	v63 =	vadd.s32 v32, v42  }
0x94: {  	v54 =	vld [tilespmem:s0+$0xFFFFFF50];
	[tilespmem:v35+s20+$0x0] =	vst.idx.msk $0xffff, v3;
	v3 =	vmul.f32 $8.000000000e+00, v51;
	v35 =	vadd.s32 v5, v0  }
0x95: {  	v50 =	vadd.s32 v11, v38;
	v55 =	vld [tilespmem:s0+$0xFFFFFF90];
	[tilespmem:v56+s20+$0x0] =	vst.idx.msk $0xffff, v2;
	v2 =	vmul.f32 $8.000000000e+00, v57  }
0x96: {  	v56 =	vadd.s32 v10, v47;
	v57 =	vld [tilespmem:s0+$0xFFFFFFD0];
	[tilespmem:v34+s20+$0x0] =	vst.idx.msk $0xffff, v3;
	v3 =	vmul.f32 $8.000000000e+00, v41  }
0x97: {  	v52 =	vadd.s32 v21, v44;
	v53 =	vld [tilespmem:s0+$0x10];
	[tilespmem:v58+s20+$0x0] =	vst.idx.msk $0xffff, v2;
	v2 =	vmul.f32 $8.000000000e+00, v37  }
0x98: {  	v58 =	vmul.f32 $8.000000000e+00, v61;
	v37 =	vadd.s32 v25, v45;
	v61 =	vld [tilespmem:s0+$0x50];
	[tilespmem:v63+s20+$0x0] =	vst.idx.msk $0xffff, v3  }
0x99: {  	v63 =	vadd.s32 v29, v46;
	v3 =	vmul.f32 $8.000000000e+00, v54;
	v54 =	vld [tilespmem:s0+$0x90];
	[tilespmem:v35+s20+$0x0] =	vst.idx.msk $0xffff, v2  }
0x9a: {  	[tilespmem:v50+s20+$0x0] =	vst.idx.msk $0xffff, v58;
	v2 =	vmul.f32 $8.000000000e+00, v55;
	v55 =	vadd.s32 v4, v43;
	v35 =	vld [tilespmem:s0+$0xE0]  }
0x9b: {  	v50 =	vld [tilespmem:s0+$0xFFFFFF20];
	[tilespmem:v56+s20+$0x0] =	vst.idx.msk $0xffff, v3;
	v3 =	vmul.f32 $8.000000000e+00, v57;
	v56 =	vadd.s32 v7, v42  }
0x9c: {  	v34 =	vadd.s32 v6, v0;
	v57 =	vld [tilespmem:s0+$0xFFFFFF60];
	[tilespmem:v52+s20+$0x0] =	vst.idx.msk $0xffff, v2;
	v2 =	vmul.f32 $8.000000000e+00, v53  }
0x9d: {  	v41 =	vadd.s32 v14, v38;
	v58 =	vld [tilespmem:s0+$0xFFFFFFA0];
	[tilespmem:v37+s20+$0x0] =	vst.idx.msk $0xffff, v3;
	v3 =	vmul.f32 $8.000000000e+00, v61  }
0x9e: {  	v37 =	vadd.s32 v13, v47;
	v61 =	vld [tilespmem:s0+$0xFFFFFFE0];
	[tilespmem:v63+s20+$0x0] =	vst.idx.msk $0xffff, v2;
	v2 =	vmul.f32 $8.000000000e+00, v54  }
0x9f: {  	v40 =	vadd.s32 v20, v44;
	v49 =	vld [tilespmem:s0+$0x20];
	[tilespmem:v55+s20+$0x0] =	vst.idx.msk $0xffff, v3;
	v3 =	vmul.f32 $8.000000000e+00, v35  }
0xa0: {  	v63 =	vmul.f32 $8.000000000e+00, v50;
	v35 =	vadd.s32 v18, v45;
	v50 =	vld [tilespmem:s0+$0x60];
	[tilespmem:v56+s20+$0x0] =	vst.idx.msk $0xffff, v2  }
0xa1: {  	v56 =	vadd.s32 v22, v46;
	v2 =	vmul.f32 $8.000000000e+00, v57;
	v57 =	vld [tilespmem:s0+$0xA0];
	[tilespmem:v34+s20+$0x0] =	vst.idx.msk $0xffff, v3  }
0xa2: {  	[tilespmem:v41+s20+$0x0] =	vst.idx.msk $0xffff, v63;
	v3 =	vmul.f32 $8.000000000e+00, v58;
	v58 =	vadd.s32 v26, v43;
	v34 =	vld [tilespmem:s0+$0xF0]  }
0xa3: {  	v41 =	vld [tilespmem:s0+$0xFFFFFF30];
	[tilespmem:v37+s20+$0x0] =	vst.idx.msk $0xffff, v2;
	v2 =	vmul.f32 $8.000000000e+00, v61;
	v61 =	vadd.s32 v59, v42  }
0xa4: {  	v0 =	vadd.s32 v62, v0;
	v63 =	vld [tilespmem:s0+$0xFFFFFF70];
	[tilespmem:v40+s20+$0x0] =	vst.idx.msk $0xffff, v3;
	v3 =	vmul.f32 $8.000000000e+00, v49  }
0xa5: {  	v49 =	vadd.s32 v60, v38;
	v40 =	vld [tilespmem:s0+$0xFFFFFFB0];
	[tilespmem:v35+s20+$0x0] =	vst.idx.msk $0xffff, v2;
	v2 =	vmul.f32 $8.000000000e+00, v50  }
0xa6: {  	v54 =	vadd.s32 v30, v47;
	v55 =	vld [tilespmem:s0+$0xFFFFFFF0];
	[tilespmem:v56+s20+$0x0] =	vst.idx.msk $0xffff, v3;
	v3 =	vmul.f32 $8.000000000e+00, v57  }
0xa7: {  	v56 =	vadd.s32 v15, v44;
	v57 =	vld [tilespmem:s0+$0x30];
	[tilespmem:v58+s20+$0x0] =	vst.idx.msk $0xffff, v2;
	v2 =	vmul.f32 $8.000000000e+00, v34  }
0xa8: {  	v59 =	vadd.s32 v9, v45;
	v58 =	vmul.f32 $8.000000000e+00, v41;
	v60 =	vld [tilespmem:s0+$0x70];
	[tilespmem:v61+s20+$0x0] =	vst.idx.msk $0xffff, v3  }
0xa9: {  	v61 =	vadd.s32 v23, v46;
	v3 =	vmul.f32 $8.000000000e+00, v63;
	v62 =	vld [tilespmem:s0+$0xB0];
	[tilespmem:v0+s20+$0x0] =	vst.idx.msk $0xffff, v2  }
0xaa: {  	[tilespmem:v49+s20+$0x0] =	vst.idx.msk $0xffff, v58;
	v0 =	vmul.f32 $8.000000000e+00, v40;
	v2 =	vadd.s32 v27, v43  }
0xab: {  	v63 =	vadd.s32 v31, v42;
	[tilespmem:v54+s20+$0x0] =	vst.idx.msk $0xffff, v3;
	v3 =	vmul.f32 $8.000000000e+00, v55  }
0xac: {  	[tilespmem:v56+s20+$0x0] =	vst.idx.msk $0xffff, v0;
	v0 =	vmul.f32 $8.000000000e+00, v57  }
0xad: {  	[tilespmem:v59+s20+$0x0] =	vst.idx.msk $0xffff, v3;
	v3 =	vmul.f32 $8.000000000e+00, v60  }
0xae: {  	[tilespmem:v61+s20+$0x0] =	vst.idx.msk $0xffff, v0;
	v0 =	vmul.f32 $8.000000000e+00, v62  }
0xaf: {  	s31 =	sshll.u32 s29, $0x11;
	[tilespmem:v2+s20+$0x0] =	vst.idx.msk $0xffff, v3  }
0xb0: {  	s10 =	simm.s32 $0xE400;
	s1 =	sadd.s32 s31, s4;
	[tilespmem:v63+s20+$0x0] =	vst.idx.msk $0xffff, v0  }
0xb1: {  	[hbm4b:s1+s2] =	stream.linear.scatter [tilespmem:s10], [sflag:$0x5], $0x80, $0x38;
	[tilespmem:$0x12800] =	vst v63  }
0xb2: {  	s11 =	simm.s32 $0xE488;
	s10 =	sadd.s32 $0x10, s1  }
0xb3: {  	[hbm4b:s10+s2] =	stream.linear.scatter [tilespmem:s11], [sflag:$0x5], $0x80, $0x38;
	[tilespmem:$0x12800] =	vst v63  }
0xb4: {  	s15 =	simm.s32 $0xE510;
	s16 =	sadd.s32 $0x20, s1  }
0xb5: {  	[hbm4b:s16+s2] =	stream.linear.scatter [tilespmem:s15], [sflag:$0x5], $0x80, $0x38;
	[tilespmem:$0x12800] =	vst v63  }
0xb6: {  	s10 =	simm.s32 $0xE598;
	s11 =	sadd.s32 $0x30, s1  }
0xb7: {  	[hbm4b:s11+s2] =	stream.linear.scatter [tilespmem:s10], [sflag:$0x5], $0x80, $0x38;
	[tilespmem:$0x12800] =	vst v63  }
0xb8: {  	s15 =	simm.s32 $0xE620;
	s16 =	sadd.s32 $0x40, s1  }
0xb9: {  	[hbm4b:s16+s2] =	stream.linear.scatter [tilespmem:s15], [sflag:$0x5], $0x80, $0x38;
	[tilespmem:$0x12800] =	vst v63  }
0xba: {  	s0 =	simm.s32 $0x440;
	s10 =	simm.s32 $0xE6A8;
	s11 =	sadd.s32 $0x50, s1  }
0xbb: {  	[hbm4b:s11+s2] =	stream.linear.scatter [tilespmem:s10], [sflag:$0x5], $0x80, $0x38;
	[tilespmem:$0x12800] =	vst v63  }
0xbc: {  	s15 =	simm.s32 $0xE730;
	s16 =	sadd.s32 $0x60, s1;
	s10 =	simm.s32 $0x2200  }
0xbd: {  	v51 =	vmov v26;
	v52 =	vmov v18;
	[hbm4b:s16+s2] =	stream.linear.scatter [tilespmem:s15], [sflag:$0x5], $0x80, $0x38;
	[tilespmem:$0x12800] =	vst v63  }
0xbe: {  	v53 =	vmovc v22;
	v30 =	vmovc v14;
	v31 =	vmov v20;
	v40 =	vmov v5;
	v27 =	vmov v4;
	s11 =	simm.s32 $0xE7B8;
	s15 =	sadd.s32 $0x70, s1;
	s1 =	sadd.s32 $0x4000, s1  }
.LBB2_5:
0xbf: {  	[hbm4b:s15+s2] =	stream.linear.scatter [tilespmem:s11], [sflag:$0x5], $0x80, $0x38;
	[tilespmem:$0x12800] =	vst v63  }
0xc0: {  	s11 =	smov.u32 s0;
	s0 =	smov.u32 s10  }
0xc1: {  	s16 =	sadd.s32 $0x1100, s10;
	s0 =	sshra.s32 s0, $0x2;
	s15 =	sadd.s32 $0xE400, s11  }
0xc2: {  	[hbm4b:s1+s2] =	stream.linear.scatter [tilespmem:s15], [sflag:$0x5], $0x80, $0x38;
	[tilespmem:$0x12800] =	vst v63  }
0xc3: {  	p1 =	sne.s32 s10, $0x7700;
	s10 =	sadd.s32 $0xE488, s11;
	s15 =	sadd.s32 $0x10, s1  }
0xc4: {  	[hbm4b:s15+s2] =	stream.linear.scatter [tilespmem:s10], [sflag:$0x5], $0x80, $0x38;
	[tilespmem:$0x12800] =	vst v63  }
0xc5: {  	s10 =	sadd.s32 $0xE510, s11;
	s15 =	sadd.s32 $0x20, s1  }
0xc6: {  	[hbm4b:s15+s2] =	stream.linear.scatter [tilespmem:s10], [sflag:$0x5], $0x80, $0x38;
	[tilespmem:$0x12800] =	vst v63  }
0xc7: {  	s10 =	sadd.s32 $0xE598, s11;
	s15 =	sadd.s32 $0x30, s1  }
0xc8: {  	[hbm4b:s15+s2] =	stream.linear.scatter [tilespmem:s10], [sflag:$0x5], $0x80, $0x38;
	[tilespmem:$0x12800] =	vst v63  }
0xc9: {  	s10 =	sadd.s32 $0xE620, s11;
	s15 =	sadd.s32 $0x40, s1  }
0xca: {  	[hbm4b:s15+s2] =	stream.linear.scatter [tilespmem:s10], [sflag:$0x5], $0x80, $0x38;
	[tilespmem:$0x12800] =	vst v63  }
.Ltmp1:
0xcb: {  	s10 =	sadd.s32 $0xE6A8, s11;
	s15 =	sadd.s32 $0x50, s1;
	(pc) =	sbr.rel @p1 .LBB2_5-.Ltmp1, $4  }
0xcc: {  	[hbm4b:s15+s2] =	stream.linear.scatter [tilespmem:s10], [sflag:$0x5], $0x80, $0x38;
	[tilespmem:$0x12800] =	vst v63  }
0xcd: {  	s10 =	sadd.s32 $0xE730, s11;
	s15 =	sadd.s32 $0x60, s1;
	s11 =	sadd.s32 $0xE7B8, s11  }
0xce: {  	[hbm4b:s15+s2] =	stream.linear.scatter [tilespmem:s10], [sflag:$0x5], $0x80, $0x38;
	[tilespmem:$0x12800] =	vst v63  }
0xcf: {  	s15 =	sadd.s32 $0x70, s1;
	s1 =	sadd.s32 $0x4000, s1;
	s10 =	smov.u32 s16  }
0xd0: {  	[hbm4b:s15+s2] =	stream.linear.scatter [tilespmem:s11], [sflag:$0x5], $0x80, $0x38;
	[tilespmem:$0x12800] =	vst v63  }
0xd1: {  	s10 =	sadd.s32 $0xE400, s0  }
0xd2: {  	[hbm4b:s1+s2] =	stream.linear.scatter [tilespmem:s10], [sflag:$0x5], $0x80, $0x38;
	[tilespmem:$0x12800] =	vst v63  }
0xd3: {  	s15 =	sadd.s32 $0xE488, s0;
	s16 =	sadd.s32 $0x10, s1  }
0xd4: {  	[hbm4b:s16+s2] =	stream.linear.scatter [tilespmem:s15], [sflag:$0x5], $0x80, $0x38;
	[tilespmem:$0x12800] =	vst v63  }
0xd5: {  	s15 =	sadd.s32 $0xE510, s0;
	s16 =	sadd.s32 $0x20, s1  }
0xd6: {  	[hbm4b:s16+s2] =	stream.linear.scatter [tilespmem:s15], [sflag:$0x5], $0x80, $0x38;
	[tilespmem:$0x12800] =	vst v63  }
0xd7: {  	s15 =	sadd.s32 $0xE598, s0;
	s16 =	sadd.s32 $0x30, s1  }
0xd8: {  	[hbm4b:s16+s2] =	stream.linear.scatter [tilespmem:s15], [sflag:$0x5], $0x80, $0x38;
	[tilespmem:$0x12800] =	vst v63  }
0xd9: {  	s15 =	sadd.s32 $0xE620, s0;
	s16 =	sadd.s32 $0x40, s1  }
0xda: {  	[hbm4b:s16+s2] =	stream.linear.scatter [tilespmem:s15], [sflag:$0x5], $0x80, $0x38;
	[tilespmem:$0x12800] =	vst v63  }
0xdb: {  	p1 =	sne.s32 s29, $0x31;
	s15 =	sadd.s32 $0xE6A8, s0;
	s16 =	sadd.s32 $0x50, s1  }
0xdc: {  	[hbm4b:s16+s2] =	stream.linear.scatter [tilespmem:s15], [sflag:$0x5], $0x80, $0x38;
	[tilespmem:$0x12800] =	vst v63  }
.Ltmp2:
0xdd: {  	_ = 	snop;
	(pc) =	sbr.rel @p1 .LBB2_8-.Ltmp2, $4  }
0xde: {  	s15 =	sadd.s32 $0xE730, s0;
	s16 =	sadd.s32 $0x60, s1  }
0xdf: {  	[hbm4b:s16+s2] =	stream.linear.scatter [tilespmem:s15], [sflag:$0x5], $0x80, $0x38;
	[tilespmem:$0x12800] =	vst v63  }
0xe0: {  	s15 =	sadd.s32 $0xE7B8, s0;
	s16 =	sadd.s32 $0x70, s1  }
0xe1: {  	[hbm4b:s16+s2] =	stream.linear.scatter [tilespmem:s15], [sflag:$0x5], $0x80, $0x38;
	[tilespmem:$0x12800] =	vst v63  }
.Ltmp3:
0xe2: {  	(pc) =	sbr.rel .LBB2_9-.Ltmp3, $4  }
0xe3: {  	_ = 	snop  }
0xe4: {  	_ =	swait.ge [sflag:s21], $0x2000  }
0xe5: {  	[sflag:s21] =	ssyncset.done $0x0  }
0xe6: {  	v20 =	vmov v52;
	v15 =	vmov v53;
	v26 =	vmov v51;
	[sflag:s21] =	ssyncadd.s32 $0xFFFFE000  }
.LBB2_8:
.Ltmp4:
0xe7: {  	s0 =	sadd.s32 $0x200, s30;
	(pc) =	sbr.rel @p0 .LBB2_10-.Ltmp4, $4  }
0xe8: {  	[tilespmem:s14], [sflag:$0x1] =	stream.indirect.gather [hbm4b:s3+s13], $0x40, s0, s13, $0xb8;
	[tilespmem:$0x12800] =	vst v63  }
0xe9: {  	_ =	swait.ge [sflag:s21], $0x2000  }
0xea: {  	[sflag:s21] =	ssyncset.done $0x0  }
0xeb: {  	v20 =	vmov v52;
	v15 =	vmov v53;
	v26 =	vmov v51;
	[sflag:s21] =	ssyncadd.s32 $0xFFFFE000  }
.LBB2_9:
0xec: {  	_ =	swait.ge [sflag:s22], $0x2000  }
0xed: {  	[sflag:s22] =	ssyncset.done $0x0  }
0xee: {  	[sflag:s22] =	ssyncadd.s32 $0xFFFFE000  }
.LBB2_10:
0xef: {  	s0 =	simm.s32 $0x0;
	s16 =	simm.s32 $0x1;
	s1 =	simm.s32 $0x2  }
0xf0: {  	s10 =	simm.s32 $0x3;
	s11 =	simm.s32 $0x4;
	s15 =	simm.s32 $0x5;
	v0 =	vmov s0;
	v2 =	vmov s16;
	v3 =	vmov s1  }
0xf1: {  	v33 =	vmov s10;
	s16 =	simm.s32 $0x6;
	v34 =	vmov s11;
	v35 =	vmov s15  }
0xf2: {  	s10 =	simm.s32 $0x7;
	v0 =	vshrl.u32 v0, $0x3;
	v36 =	vmov s16;
	v2 =	vshrl.u32 v2, $0x3  }
0xf3: {  	v37 =	vmov s10;
	v3 =	vshrl.u32 v3, $0x3;
	v33 =	vshrl.u32 v33, $0x3  }
0xf4: {  	s0 =	simm.s32 $0x85F0;
	v34 =	vshrl.u32 v34, $0x3;
	v35 =	vshrl.u32 v35, $0x3;
	v0 =	vshll.u32 v0, v1  }
0xf5: {  	v38 =	vld [tilespmem:s0+$0xFFFFFE10];
	v37 =	vshrl.u32 v37, $0x3;
	v2 =	vshll.u32 v2, v1;
	v39 =	vbroadcast v0, $0x0  }
0xf6: {  	v42 =	vld [tilespmem:s0+$0xFFFFFE50];
	v36 =	vshrl.u32 v36, $0x3;
	v37 =	vshll.u32 v37, v1;
	v9 =	vbroadcast v2, $0x0  }
0xf7: {  	v3 =	vshll.u32 v3, v1;
	v0 =	vld [tilespmem:s0+$0xFFFFFFD0];
	v41 =	vbroadcast v37, $0x0;
	v44 =	vadd.s32 v8, v39  }
0xf8: {  	v33 =	vshll.u32 v33, v1;
	v34 =	vshll.u32 v34, v1;
	v46 =	vadd.s32 v12, v9  }
0xf9: {  	v45 =	vld [tilespmem:s0+$0xFFFFFE90];
	v43 =	vshll.u32 v35, v1;
	v37 =	vbroadcast v3, $0x0;
	v2 =	vadd.s32 v19, v41  }
0xfa: {  	v47 =	vld [tilespmem:s0+$0xFFFFFED0];
	v3 =	vshll.u32 v36, v1;
	v36 =	vbroadcast v33, $0x0;
	v38 =	vmul.f32 $8.000000000e+00, v38  }
0xfb: {  	v49 =	vld [tilespmem:s0+$0xFFFFFF10];
	v35 =	vbroadcast v34, $0x0;
	v48 =	vadd.s32 v16, v37;
	v42 =	vmul.f32 $8.000000000e+00, v42  }
0xfc: {  	v51 =	vld [tilespmem:s0+$0xFFFFFF50];
	v33 =	vbroadcast v43, $0x0;
	v50 =	vadd.s32 v24, v36;
	v0 =	vmul.f32 $8.000000000e+00, v0;
	[tilespmem:v44+s23+$0x0] =	vst.idx.msk $0xffff, v38  }
0xfd: {  	v52 =	vld [tilespmem:s0+$0xFFFFFF90];
	v59 =	vadd.s32 v28, v35;
	v34 =	vbroadcast v3, $0x0;
	[tilespmem:v46+s23+$0x0] =	vst.idx.msk $0xffff, v42  }
0xfe: {  	v3 =	vadd.s32 v17, v33;
	[tilespmem:v2+s23+$0x0] =	vst.idx.msk $0xffff, v0;
	v2 =	vmul.f32 $8.000000000e+00, v45;
	v44 =	vld [tilespmem:s0+$0xFFFFFE20]  }
0xff: {  	v60 =	vmul.f32 $8.000000000e+00, v47;
	v45 =	vadd.s32 v32, v34;
	v61 =	vld [tilespmem:s0+$0xFFFFFE60]  }
0x100: {  	v53 =	vadd.s32 v11, v39;
	v38 =	vld [tilespmem:s0+$0xFFFFFFE0];
	[tilespmem:v48+s23+$0x0] =	vst.idx.msk $0xffff, v2;
	v2 =	vmul.f32 $8.000000000e+00, v49  }
0x101: {  	v63 =	vadd.s32 v10, v9;
	v62 =	vmul.f32 $8.000000000e+00, v51;
	[tilespmem:v50+s23+$0x0] =	vst.idx.msk $0xffff, v60  }
0x102: {  	v48 =	vadd.s32 v40, v41;
	v54 =	vld [tilespmem:s0+$0xFFFFFEA0];
	[tilespmem:v59+s23+$0x0] =	vst.idx.msk $0xffff, v2;
	v2 =	vmul.f32 $8.000000000e+00, v52  }
0x103: {  	v18 =	vmovc v24;
	v24 =	vmov v17;
	v17 =	vmov v32;
	[tilespmem:v3+s23+$0x0] =	vst.idx.msk $0xffff, v62;
	v55 =	vld [tilespmem:s0+$0xFFFFFEE0];
	v32 =	vmul.f32 $8.000000000e+00, v44  }
0x104: {  	v52 =	vadd.s32 v21, v37;
	v56 =	vld [tilespmem:s0+$0xFFFFFF20];
	v61 =	vmul.f32 $8.000000000e+00, v61;
	[tilespmem:v45+s23+$0x0] =	vst.idx.msk $0xffff, v2  }
0x105: {  	s15 =	simm.s32 $0x9;
	v51 =	vadd.s32 v7, v34;
	v60 =	vadd.s32 v25, v36;
	v57 =	vld [tilespmem:s0+$0xFFFFFF60];
	v3 =	vmul.f32 $8.000000000e+00, v38;
	[tilespmem:v53+s23+$0x0] =	vst.idx.msk $0xffff, v32  }
0x106: {  	s11 =	simm.s32 $0x8;
	s10 =	simm.s32 $0xB;
	v46 =	vmov s15;
	v42 =	vadd.s32 v27, v33;
	v62 =	vadd.s32 v29, v35;
	v58 =	vld [tilespmem:s0+$0xFFFFFFA0];
	[tilespmem:v63+s23+$0x0] =	vst.idx.msk $0xffff, v61  }
0x107: {  	s16 =	simm.s32 $0xA;
	v0 =	vmov s11;
	v50 =	vmov s10;
	[tilespmem:v48+s23+$0x0] =	vst.idx.msk $0xffff, v3;
	v3 =	vmul.f32 $8.000000000e+00, v54;
	v53 =	vld [tilespmem:s0+$0xFFFFFE30]  }
0x108: {  	v0 =	vshrl.u32 v0, $0x3;
	v49 =	vmov s16;
	v63 =	vmul.f32 $8.000000000e+00, v55;
	v54 =	vld [tilespmem:s0+$0xFFFFFE70]  }
0x109: {  	v59 =	vshrl.u32 v50, $0x3;
	v50 =	vadd.s32 v30, v39;
	v48 =	vld [tilespmem:s0+$0xFFFFFFF0];
	[tilespmem:v52+s23+$0x0] =	vst.idx.msk $0xffff, v3;
	v3 =	vmul.f32 $8.000000000e+00, v56  }
0x10a: {  	s16 =	simm.s32 $0xE;
	v0 =	vshll.u32 v0, v1;
	v45 =	vadd.s32 v13, v9;
	v32 =	vmul.f32 $8.000000000e+00, v57;
	[tilespmem:v60+s23+$0x0] =	vst.idx.msk $0xffff, v63  }
0x10b: {  	s15 =	simm.s32 $0xD;
	v2 =	vmov s16;
	v52 =	vadd.s32 v6, v41;
	[tilespmem:v62+s23+$0x0] =	vst.idx.msk $0xffff, v3;
	v3 =	vmul.f32 $8.000000000e+00, v58  }
0x10c: {  	v38 =	vmov s15;
	[tilespmem:v42+s23+$0x0] =	vst.idx.msk $0xffff, v32;
	v42 =	vshrl.u32 v2, $0x3;
	v2 =	vmul.f32 $8.000000000e+00, v53  }
0x10d: {  	v58 =	vshrl.u32 v38, $0x3;
	v38 =	vbroadcast v0, $0x0;
	v0 =	vmul.f32 $8.000000000e+00, v54;
	[tilespmem:v51+s23+$0x0] =	vst.idx.msk $0xffff, v3  }
0x10e: {  	v55 =	vld [tilespmem:s0+$0xFFFFFEB0];
	v56 =	vmul.f32 $8.000000000e+00, v48;
	[tilespmem:v50+s23+$0x0] =	vst.idx.msk $0xffff, v2  }
0x10f: {  	[tilespmem:v45+s23+$0x0] =	vst.idx.msk $0xffff, v0  }
0x110: {  	v60 =	vadd.s32 v31, v37;
	[tilespmem:v52+s23+$0x0] =	vst.idx.msk $0xffff, v56  }
0x111: {  	v14 =	vmov v16;
	v16 =	vmov v31;
	v31 =	vmov v7;
	v7 =	vld [tilespmem:$0x1FE50]  }
0x112: {  	v57 =	vld [tilespmem:s0+$0xFFFFFEF0]  }
0x113: {  	v63 =	vld [tilespmem:s0+$0xFFFFFF70];
	v2 =	vmul.f32 $8.000000000e+00, v55  }
0x114: {  	v61 =	vld [tilespmem:s0+$0xFFFFFF30]  }
0x115: {  	v32 =	vld [tilespmem:s0+$0xFFFFFFB0];
	[tilespmem:v60+s23+$0x0] =	vst.idx.msk $0xffff, v2  }
0x116: {  	v62 =	vadd.s32 v20, v36;
	v51 =	vadd.s32 v7, v34;
	v7 =	vld [tilespmem:$0x1FFE0]  }
0x117: {  	v50 =	vld [tilespmem:s0+$0xFFFFFE40]  }
0x118: {  	v3 =	vadd.s32 v15, v35;
	v52 =	vld [tilespmem:s0+$0xFFFFFE80]  }
0x119: {  	v49 =	vshrl.u32 v49, $0x3;
	v0 =	vmul.f32 $8.000000000e+00, v57;
	v56 =	vld [tilespmem:s0+$0x0]  }
0x11a: {  	v44 =	vshll.u32 v49, v1;
	v49 =	vld [tilespmem:s0+$0xFFFFFEC0]  }
0x11b: {  	v2 =	vmul.f32 $8.000000000e+00, v61;
	v53 =	vadd.s32 v7, v41;
	v7 =	vld [tilespmem:$0x1FEE0];
	[tilespmem:v62+s23+$0x0] =	vst.idx.msk $0xffff, v0  }
0x11c: {  	v4 =	vmov v8;
	v22 =	vmov v28;
	v23 =	vmov v29;
	s11 =	simm.s32 $0xC;
	v0 =	vld [tilespmem:$0x1FE10]  }
0x11d: {  	v8 =	vmovc v12;
	v28 =	vmovc v19;
	v12 =	vmov v13;
	v46 =	vshrl.u32 v46, $0x3;
	v43 =	vmov s11;
	v54 =	vld [tilespmem:s0+$0xFFFFFF00];
	[tilespmem:v3+s23+$0x0] =	vst.idx.msk $0xffff, v2  }
0x11e: {  	v47 =	vshll.u32 v46, v1;
	v43 =	vshrl.u32 v43, $0x3;
	v13 =	vmovc v40;
	v40 =	vmul.f32 $8.000000000e+00, v32;
	v32 =	vmovc v28;
	v28 =	vld [tilespmem:$0x1FE60]  }
0x11f: {  	v46 =	vshll.u32 v43, v1;
	v6 =	vmovc v30;
	v30 =	vmovc v17;
	v17 =	vmov v26;
	v43 =	vshll.u32 v58, v1;
	v29 =	vld [tilespmem:$0x1FE70]  }
0x120: {  	v45 =	vshll.u32 v59, v1;
	v55 =	vadd.s32 v26, v33;
	v26 =	vmovc v24;
	v24 =	vmovc v15;
	v15 =	vmov v21;
	v21 =	vld [tilespmem:$0x1FE90]  }
0x121: {  	v19 =	vmovc v25;
	v48 =	vadd.s32 v7, v39;
	v39 =	vmul.f32 $8.000000000e+00, v63;
	v41 =	vadd.s32 v0, v9;
	v9 =	vld [tilespmem:$0x1FE80]  }
0x122: {  	s1 =	simm.s32 $0x10;
	s10 =	simm.s32 $0xF;
	v25 =	vld [tilespmem:$0x1FEA0];
	v7 =	vmovc v11;
	v11 =	vmovc v10;
	v10 =	vmov v8;
	v8 =	vmov v6;
	v6 =	vmov v4  }
.LBB2_11:
0x123: {  	_ = 	snop  }
0x124: {  	v0 =	vmov s10  }
0x125: {  	v2 =	vadd.s32 v28, v37;
	v3 =	vld [tilespmem:s0+$0xFFFFFF40];
	v36 =	vadd.s32 v29, v36;
	[tilespmem:v55+s23+$0x0] =	vst.idx.msk $0xffff, v39;
	v63 =	vmul.f32 $8.000000000e+00, v56  }
0x126: {  	v35 =	vadd.s32 v9, v35;
	v0 =	vshrl.u32 v0, $0x3;
	[tilespmem:v51+s23+$0x0] =	vst.idx.msk $0xffff, v40;
	v57 =	vld [tilespmem:s0+$0xFFFFFF80];
	v56 =	vmul.f32 $8.000000000e+00, v50  }
0x127: {  	v33 =	vadd.s32 v21, v33;
	v0 =	vshll.u32 v0, v1;
	v59 =	vld [tilespmem:s0+$0xFFFFFFC0];
	s0 =	sadd.s32 $0x200, s0;
	v58 =	vmul.f32 $8.000000000e+00, v52;
	[tilespmem:v53+s23+$0x0] =	vst.idx.msk $0xffff, v63  }
0x128: {  	v42 =	vshll.u32 v42, v1;
	v40 =	vbroadcast v0, $0x0;
	v0 =	vmul.f32 $8.000000000e+00, v49;
	[tilespmem:v48+s23+$0x0] =	vst.idx.msk $0xffff, v56;
	v53 =	vld [tilespmem:s0+$0xFFFFFFD0]  }
0x129: {  	v34 =	vadd.s32 v25, v34;
	v39 =	vmov v38;
	v61 =	vmul.f32 $8.000000000e+00, v54;
	[tilespmem:v41+s23+$0x0] =	vst.idx.msk $0xffff, v58;
	v38 =	vld [tilespmem:s0+$0xFFFFFE10]  }
0x12a: {  	v41 =	vbroadcast v47, $0x0;
	v63 =	vadd.s32 v32, v40;
	[tilespmem:v2+s23+$0x0] =	vst.idx.msk $0xffff, v0;
	v0 =	vmul.f32 $8.000000000e+00, v3;
	v62 =	vld [tilespmem:s0+$0xFFFFFE50]  }
0x12b: {  	v37 =	vbroadcast v44, $0x0;
	v2 =	vadd.s32 v6, v39;
	[tilespmem:v36+s23+$0x0] =	vst.idx.msk $0xffff, v61;
	v3 =	vld [tilespmem:s0+$0xFFFFFE90];
	v60 =	vmul.f32 $8.000000000e+00, v57  }
0x12c: {  	v36 =	vbroadcast v45, $0x0;
	v61 =	vld [tilespmem:s0+$0xFFFFFED0];
	v48 =	vadd.s32 v10, v41;
	[tilespmem:v35+s23+$0x0] =	vst.idx.msk $0xffff, v0;
	v0 =	vmul.f32 $8.000000000e+00, v59  }
0x12d: {  	v45 =	vadd.s32 v14, v37;
	v35 =	vbroadcast v46, $0x0;
	v51 =	vld [tilespmem:s0+$0xFFFFFF10];
	[tilespmem:v33+s23+$0x0] =	vst.idx.msk $0xffff, v60;
	v56 =	vmul.f32 $8.000000000e+00, v53  }
0x12e: {  	v44 =	vadd.s32 v18, v36;
	v33 =	vbroadcast v43, $0x0;
	v57 =	vld [tilespmem:s0+$0xFFFFFF50];
	[tilespmem:v34+s23+$0x0] =	vst.idx.msk $0xffff, v0;
	v38 =	vmul.f32 $8.000000000e+00, v38  }
0x12f: {  	v58 =	vadd.s32 v22, v35;
	v34 =	vbroadcast v42, $0x0;
	v59 =	vld [tilespmem:s0+$0xFFFFFF90];
	v0 =	vmul.f32 $8.000000000e+00, v62;
	[tilespmem:v63+s23+$0x0] =	vst.idx.msk $0xffff, v56  }
0x130: {  	[tilespmem:v2+s23+$0x0] =	vst.idx.msk $0xffff, v38;
	v2 =	vmul.f32 $8.000000000e+00, v3;
	v3 =	vadd.s32 v26, v33;
	v63 =	vld [tilespmem:s0+$0xFFFFFFE0]  }
0x131: {  	v47 =	vadd.s32 v30, v34;
	[tilespmem:v48+s23+$0x0] =	vst.idx.msk $0xffff, v0;
	v0 =	vmul.f32 $8.000000000e+00, v61;
	v60 =	vld [tilespmem:s0+$0xFFFFFE20]  }
0x132: {  	v61 =	vld [tilespmem:s0+$0xFFFFFE60];
	[tilespmem:v45+s23+$0x0] =	vst.idx.msk $0xffff, v2;
	v2 =	vmul.f32 $8.000000000e+00, v51;
	v45 =	vadd.s32 v13, v40  }
0x133: {  	v4 =	vld [tilespmem:$0x1FFF0];
	v62 =	vmov s1;
	v53 =	vadd.s32 v7, v39;
	[tilespmem:v44+s23+$0x0] =	vst.idx.msk $0xffff, v0;
	v0 =	vmul.f32 $8.000000000e+00, v57  }
0x134: {  	v52 =	vadd.s32 v11, v41;
	v42 =	vshrl.u32 v62, $0x3;
	v62 =	vld [tilespmem:s0+$0xFFFFFEA0];
	[tilespmem:v58+s23+$0x0] =	vst.idx.msk $0xffff, v2;
	v2 =	vmul.f32 $8.000000000e+00, v59  }
0x135: {  	v55 =	vld [tilespmem:s0+$0xFFFFFEE0];
	[tilespmem:v3+s23+$0x0] =	vst.idx.msk $0xffff, v0;
	v0 =	vmul.f32 $8.000000000e+00, v63  }
0x136: {  	v49 =	vadd.s32 v15, v37;
	v56 =	vld [tilespmem:s0+$0xFFFFFF20];
	v63 =	vmul.f32 $8.000000000e+00, v60;
	[tilespmem:v47+s23+$0x0] =	vst.idx.msk $0xffff, v2  }
0x137: {  	v60 =	vadd.s32 v19, v36;
	v57 =	vld [tilespmem:s0+$0xFFFFFF60];
	v61 =	vmul.f32 $8.000000000e+00, v61;
	[tilespmem:v45+s23+$0x0] =	vst.idx.msk $0xffff, v0  }
0x138: {  	v50 =	vadd.s32 v23, v35;
	v58 =	vld [tilespmem:s0+$0xFFFFFFA0];
	[tilespmem:v53+s23+$0x0] =	vst.idx.msk $0xffff, v63  }
0x139: {  	s16 =	sadd.s32 $0x3, s1;
	v0 =	vshll.u32 v42, v1;
	v62 =	vmul.f32 $8.000000000e+00, v62;
	v42 =	vadd.s32 v27, v33;
	[tilespmem:v52+s23+$0x0] =	vst.idx.msk $0xffff, v61;
	v53 =	vld [tilespmem:s0+$0xFFFFFE30]  }
0x13a: {  	v44 =	vmov s16;
	v63 =	vmul.f32 $8.000000000e+00, v55;
	v52 =	vadd.s32 v31, v34;
	v54 =	vld [tilespmem:s0+$0xFFFFFE70]  }
0x13b: {  	v59 =	vshrl.u32 v44, $0x3;
	v44 =	vadd.s32 v8, v39;
	v45 =	vld [tilespmem:s0+$0xFFFFFFF0];
	[tilespmem:v49+s23+$0x0] =	vst.idx.msk $0xffff, v62;
	v38 =	vmul.f32 $8.000000000e+00, v56  }
0x13c: {  	s16 =	sadd.s32 $0x6, s1;
	v55 =	vld [tilespmem:s0+$0xFFFFFEB0];
	[tilespmem:v60+s23+$0x0] =	vst.idx.msk $0xffff, v63;
	v46 =	vmul.f32 $8.000000000e+00, v57;
	v57 =	vadd.s32 v12, v41  }
0x13d: {  	v2 =	vmov s16;
	v49 =	vadd.s32 v4, v40;
	v60 =	vld [tilespmem:s0+$0xFFFFFEF0];
	[tilespmem:v50+s23+$0x0] =	vst.idx.msk $0xffff, v38;
	v50 =	vmul.f32 $8.000000000e+00, v58  }
0x13e: {  	v58 =	vadd.s32 v16, v37;
	v61 =	vld [tilespmem:s0+$0xFFFFFF30];
	[tilespmem:v42+s23+$0x0] =	vst.idx.msk $0xffff, v46;
	v42 =	vshrl.u32 v2, $0x3;
	v2 =	vmul.f32 $8.000000000e+00, v53  }
0x13f: {  	v62 =	vadd.s32 v20, v36;
	v38 =	vbroadcast v0, $0x0;
	v63 =	vld [tilespmem:s0+$0xFFFFFF70];
	[tilespmem:v52+s23+$0x0] =	vst.idx.msk $0xffff, v50;
	v0 =	vmul.f32 $8.000000000e+00, v54  }
0x140: {  	v45 =	vmul.f32 $8.000000000e+00, v45;
	v5 =	vld [tilespmem:s0+$0xFFFFFFB0];
	[tilespmem:v44+s23+$0x0] =	vst.idx.msk $0xffff, v2  }
0x141: {  	s11 =	sadd.s32 $0x1, s1;
	v2 =	vmul.f32 $8.000000000e+00, v55;
	[tilespmem:v57+s23+$0x0] =	vst.idx.msk $0xffff, v0;
	v57 =	vld [tilespmem:$0x1FE50]  }
0x142: {  	s15 =	sadd.s32 $0x2, s1;
	v48 =	vmov s11;
	s11 =	sadd.s32 $0x4, s1;
	[tilespmem:v49+s23+$0x0] =	vst.idx.msk $0xffff, v45;
	v0 =	vmul.f32 $8.000000000e+00, v60;
	v60 =	vld [tilespmem:$0x1FFE0]  }
0x143: {  	v43 =	vmov s11;
	v51 =	vmov s15;
	s15 =	sadd.s32 $0x5, s1;
	[tilespmem:v58+s23+$0x0] =	vst.idx.msk $0xffff, v2;
	v2 =	vmul.f32 $8.000000000e+00, v61;
	v61 =	vld [tilespmem:$0x1FEE0]  }
0x144: {  	p0 =	slt.u32 s1, $0x78;
	v48 =	vshrl.u32 v48, $0x3;
	v3 =	vmov s15;
	v4 =	vadd.s32 v24, v35;
	[tilespmem:v62+s23+$0x0] =	vst.idx.msk $0xffff, v0;
	v0 =	vld [tilespmem:$0x1FE10]  }
.Ltmp5:
0x145: {  	v43 =	vshrl.u32 v43, $0x3;
	v51 =	vshrl.u32 v51, $0x3;
	v3 =	vshrl.u32 v3, $0x3;
	v56 =	vld [tilespmem:s0+$0x0];
	(pc) =	sbr.rel @p0 .LBB2_11-.Ltmp5, $4  }
0x146: {  	v47 =	vshll.u32 v48, v1;
	v46 =	vshll.u32 v43, v1;
	v43 =	vshll.u32 v3, v1;
	v50 =	vld [tilespmem:s0+$0xFFFFFE40]  }
0x147: {  	v55 =	vadd.s32 v17, v33;
	v44 =	vshll.u32 v51, v1;
	v45 =	vshll.u32 v59, v1;
	v52 =	vld [tilespmem:s0+$0xFFFFFE80]  }
0x148: {  	v49 =	vld [tilespmem:s0+$0xFFFFFEC0];
	v51 =	vadd.s32 v57, v34;
	v53 =	vadd.s32 v60, v40;
	v40 =	vmul.f32 $8.000000000e+00, v5  }
0x149: {  	s10 =	sadd.s32 $0x7, s1;
	s1 =	sadd.s32 $0x8, s1;
	v54 =	vld [tilespmem:s0+$0xFFFFFF00];
	[tilespmem:v4+s23+$0x0] =	vst.idx.msk $0xffff, v2;
	v48 =	vadd.s32 v61, v39;
	v39 =	vmul.f32 $8.000000000e+00, v63;
	v41 =	vadd.s32 v0, v41  }
0x14a: {  	_ =	sdelay $0x3  }
0x14b: {  	v0 =	vmov s10;
	v2 =	vadd.s32 v28, v37;
	v3 =	vld [tilespmem:s0+$0xFFFFFF40];
	v4 =	vmul.f32 $8.000000000e+00, v56;
	[tilespmem:v55+s23+$0x0] =	vst.idx.msk $0xffff, v39  }
0x14c: {  	v36 =	vadd.s32 v29, v36;
	[tilespmem:v51+s23+$0x0] =	vst.idx.msk $0xffff, v40;
	v0 =	vshrl.u32 v0, $0x3;
	v5 =	vmul.f32 $8.000000000e+00, v50;
	v63 =	vld [tilespmem:s0+$0xFFFFFF80]  }
0x14d: {  	v35 =	vadd.s32 v9, v35;
	s15 =	sadd.s32 $0x200, s0;
	v40 =	vld [tilespmem:s0+$0xFFFFFFC0];
	v0 =	vshll.u32 v0, v1;
	v55 =	vmul.f32 $8.000000000e+00, v52;
	[tilespmem:v53+s23+$0x0] =	vst.idx.msk $0xffff, v4  }
0x14e: {  	v33 =	vadd.s32 v21, v33;
	v56 =	vld [tilespmem:s15+$0xFFFFFFD0];
	v0 =	vbroadcast v0, $0x0;
	[tilespmem:v48+s23+$0x0] =	vst.idx.msk $0xffff, v5;
	v57 =	vmul.f32 $8.000000000e+00, v49  }
0x14f: {  	v42 =	vshll.u32 v42, v1;
	v34 =	vadd.s32 v25, v34;
	v58 =	vld [tilespmem:s15+$0xFFFFFE10];
	[tilespmem:v41+s23+$0x0] =	vst.idx.msk $0xffff, v55;
	v59 =	vmul.f32 $8.000000000e+00, v54  }
0x150: {  	v47 =	vbroadcast v47, $0x0;
	v60 =	vld [tilespmem:s15+$0xFFFFFE50];
	v61 =	vadd.s32 v32, v0;
	[tilespmem:v2+s23+$0x0] =	vst.idx.msk $0xffff, v57;
	v2 =	vmul.f32 $8.000000000e+00, v3  }
0x151: {  	v44 =	vbroadcast v44, $0x0;
	v62 =	vld [tilespmem:s15+$0xFFFFFE90];
	v3 =	vadd.s32 v6, v38;
	[tilespmem:v36+s23+$0x0] =	vst.idx.msk $0xffff, v59;
	v63 =	vmul.f32 $8.000000000e+00, v63  }
0x152: {  	v45 =	vbroadcast v45, $0x0;
	v50 =	vmovc v21;
	v21 =	vadd.s32 v10, v47;
	v52 =	vld [tilespmem:s15+$0xFFFFFED0];
	[tilespmem:v35+s23+$0x0] =	vst.idx.msk $0xffff, v2;
	v2 =	vmul.f32 $8.000000000e+00, v40  }
0x153: {  	v46 =	vbroadcast v46, $0x0;
	v53 =	vadd.s32 v14, v44;
	v54 =	vld [tilespmem:s15+$0xFFFFFF10];
	v4 =	vmul.f32 $8.000000000e+00, v56;
	[tilespmem:v33+s23+$0x0] =	vst.idx.msk $0xffff, v63  }
0x154: {  	v43 =	vbroadcast v43, $0x0;
	v57 =	vld [tilespmem:s15+$0xFFFFFF50];
	v55 =	vmul.f32 $8.000000000e+00, v58;
	v56 =	vadd.s32 v18, v45;
	[tilespmem:v34+s23+$0x0] =	vst.idx.msk $0xffff, v2  }
0x155: {  	v42 =	vbroadcast v42, $0x0;
	v58 =	vadd.s32 v22, v46;
	v59 =	vld [tilespmem:s15+$0xFFFFFF90];
	v2 =	vmul.f32 $8.000000000e+00, v60;
	[tilespmem:v61+s23+$0x0] =	vst.idx.msk $0xffff, v4  }
0x156: {  	v60 =	vadd.s32 v26, v43;
	[tilespmem:v3+s23+$0x0] =	vst.idx.msk $0xffff, v55;
	v3 =	vmul.f32 $8.000000000e+00, v62;
	v61 =	vld [tilespmem:s15+$0xFFFFFFE0]  }
0x157: {  	v62 =	vadd.s32 v30, v42;
	v33 =	vld [tilespmem:s15+$0xFFFFFE20];
	[tilespmem:v21+s23+$0x0] =	vst.idx.msk $0xffff, v2;
	v2 =	vmul.f32 $8.000000000e+00, v52  }
0x158: {  	v14 =	vadd.s32 v13, v0;
	v63 =	vld [tilespmem:s15+$0xFFFFFE60];
	[tilespmem:v53+s23+$0x0] =	vst.idx.msk $0xffff, v3;
	v3 =	vmul.f32 $8.000000000e+00, v54  }
0x159: {  	v18 =	vadd.s32 v7, v38;
	v21 =	vld [tilespmem:s15+$0xFFFFFEA0];
	[tilespmem:v56+s23+$0x0] =	vst.idx.msk $0xffff, v2;
	v2 =	vmul.f32 $8.000000000e+00, v57  }
0x15a: {  	v22 =	vadd.s32 v11, v47;
	[tilespmem:v58+s23+$0x0] =	vst.idx.msk $0xffff, v3;
	v3 =	vmul.f32 $8.000000000e+00, v59  }
0x15b: {  	v30 =	vadd.s32 v15, v44;
	[tilespmem:v60+s23+$0x0] =	vst.idx.msk $0xffff, v2;
	v2 =	vmul.f32 $8.000000000e+00, v61  }
0x15c: {  	v53 =	vmul.f32 $8.000000000e+00, v33;
	[tilespmem:v62+s23+$0x0] =	vst.idx.msk $0xffff, v3  }
0x15d: {  	v3 =	vmul.f32 $8.000000000e+00, v63;
	[tilespmem:v14+s23+$0x0] =	vst.idx.msk $0xffff, v2  }
0x15e: {  	v26 =	vld [tilespmem:s15+$0xFFFFFEE0];
	[tilespmem:v18+s23+$0x0] =	vst.idx.msk $0xffff, v53;
	v2 =	vmul.f32 $8.000000000e+00, v21  }
0x15f: {  	v52 =	vld [tilespmem:s15+$0xFFFFFF20];
	[tilespmem:v22+s23+$0x0] =	vst.idx.msk $0xffff, v3  }
0x160: {  	v55 =	vld [tilespmem:s15+$0xFFFFFF60];
	[tilespmem:v30+s23+$0x0] =	vst.idx.msk $0xffff, v2  }
0x161: {  	v54 =	vadd.s32 v19, v45;
	v21 =	vld [tilespmem:$0x1FFF0]  }
0x162: {  	v56 =	vadd.s32 v23, v46;
	v57 =	vld [tilespmem:s15+$0xFFFFFFA0]  }
0x163: {  	v58 =	vadd.s32 v27, v43;
	v40 =	vld [tilespmem:s15+$0xFFFFFE30]  }
0x164: {  	v59 =	vadd.s32 v31, v42;
	v35 =	vld [tilespmem:s15+$0xFFFFFFF0];
	v3 =	vmul.f32 $8.000000000e+00, v26  }
0x165: {  	v62 =	vadd.s32 v8, v38;
	v60 =	vld [tilespmem:s15+$0xFFFFFE70];
	v2 =	vmul.f32 $8.000000000e+00, v52  }
0x166: {  	v63 =	vld [tilespmem:s15+$0xFFFFFEB0];
	[tilespmem:v54+s23+$0x0] =	vst.idx.msk $0xffff, v3;
	v3 =	vmul.f32 $8.000000000e+00, v55;
	v61 =	vadd.s32 v21, v0  }
0x167: {  	v14 =	vadd.s32 v12, v47;
	[tilespmem:v56+s23+$0x0] =	vst.idx.msk $0xffff, v2;
	v2 =	vmul.f32 $8.000000000e+00, v57  }
0x168: {  	v16 =	vadd.s32 v16, v44;
	v15 =	vld [tilespmem:s15+$0xFFFFFEF0];
	[tilespmem:v58+s23+$0x0] =	vst.idx.msk $0xffff, v3;
	v19 =	vmul.f32 $8.000000000e+00, v40  }
0x169: {  	v3 =	vmul.f32 $8.000000000e+00, v35;
	[tilespmem:v59+s23+$0x0] =	vst.idx.msk $0xffff, v2  }
0x16a: {  	v22 =	vadd.s32 v20, v45;
	v18 =	vld [tilespmem:s15+$0xFFFFFF30];
	v2 =	vmul.f32 $8.000000000e+00, v60;
	[tilespmem:v62+s23+$0x0] =	vst.idx.msk $0xffff, v19  }
0x16b: {  	v23 =	vld [tilespmem:s15+$0xFFFFFF70];
	[tilespmem:v61+s23+$0x0] =	vst.idx.msk $0xffff, v3;
	v3 =	vmul.f32 $8.000000000e+00, v63  }
0x16c: {  	v27 =	vld [tilespmem:s15+$0xFFFFFFB0];
	[tilespmem:v14+s23+$0x0] =	vst.idx.msk $0xffff, v2  }
0x16d: {  	v2 =	vmul.f32 $8.000000000e+00, v15;
	v5 =	vld [tilespmem:$0x1FE50];
	[tilespmem:v16+s23+$0x0] =	vst.idx.msk $0xffff, v3  }
0x16e: {  	v39 =	vld [tilespmem:$0x1FFE0]  }
0x16f: {  	v49 =	vld [tilespmem:$0x1FEE0];
	[tilespmem:v22+s23+$0x0] =	vst.idx.msk $0xffff, v2  }
0x170: {  	v26 =	vadd.s32 v24, v46;
	v53 =	vld [tilespmem:$0x1FE10]  }
0x171: {  	v30 =	vadd.s32 v17, v43;
	v34 =	vld [tilespmem:s15+$0x0]  }
0x172: {  	v41 =	vld [tilespmem:s15+$0xFFFFFE40];
	v5 =	vadd.s32 v5, v42  }
0x173: {  	v31 =	vld [tilespmem:s15+$0xFFFFFE80];
	v3 =	vmul.f32 $8.000000000e+00, v18;
	v0 =	vadd.s32 v39, v0  }
0x174: {  	v52 =	vld [tilespmem:s15+$0xFFFFFEC0];
	v2 =	vmul.f32 $8.000000000e+00, v23;
	v51 =	vadd.s32 v49, v38  }
0x175: {  	v55 =	vld [tilespmem:s15+$0xFFFFFF00];
	[tilespmem:v26+s23+$0x0] =	vst.idx.msk $0xffff, v3;
	v3 =	vmul.f32 $8.000000000e+00, v27;
	v54 =	vadd.s32 v53, v47  }
0x176: {  	v56 =	vadd.s32 v28, v44;
	v57 =	vld [tilespmem:s15+$0xFFFFFF40];
	[tilespmem:v30+s23+$0x0] =	vst.idx.msk $0xffff, v2;
	v2 =	vmul.f32 $8.000000000e+00, v34  }
0x177: {  	v59 =	vadd.s32 v29, v45;
	v58 =	vmul.f32 $8.000000000e+00, v41;
	v60 =	vld [tilespmem:s15+$0xFFFFFF80];
	[tilespmem:v5+s23+$0x0] =	vst.idx.msk $0xffff, v3  }
0x178: {  	v61 =	vadd.s32 v9, v46;
	v3 =	vmul.f32 $8.000000000e+00, v31;
	v62 =	vld [tilespmem:s15+$0xFFFFFFC0];
	[tilespmem:v0+s23+$0x0] =	vst.idx.msk $0xffff, v2  }
0x179: {  	[tilespmem:v51+s23+$0x0] =	vst.idx.msk $0xffff, v58;
	v0 =	vmul.f32 $8.000000000e+00, v52;
	v2 =	vadd.s32 v50, v43  }
0x17a: {  	v63 =	vadd.s32 v25, v42;
	[tilespmem:v54+s23+$0x0] =	vst.idx.msk $0xffff, v3;
	v3 =	vmul.f32 $8.000000000e+00, v55  }
0x17b: {  	[tilespmem:v56+s23+$0x0] =	vst.idx.msk $0xffff, v0;
	v0 =	vmul.f32 $8.000000000e+00, v57  }
0x17c: {  	[tilespmem:v59+s23+$0x0] =	vst.idx.msk $0xffff, v3;
	v3 =	vmul.f32 $8.000000000e+00, v60  }
0x17d: {  	[tilespmem:v61+s23+$0x0] =	vst.idx.msk $0xffff, v0;
	v0 =	vmul.f32 $8.000000000e+00, v62  }
0x17e: {  	[tilespmem:v2+s23+$0x0] =	vst.idx.msk $0xffff, v3  }
0x17f: {  	s1 =	sadd.s32 s31, s6;
	s16 =	simm.s32 $0x10600;
	[tilespmem:v63+s23+$0x0] =	vst.idx.msk $0xffff, v0  }
0x180: {  	[hbm4b:s1+s2] =	stream.linear.scatter [tilespmem:s16], [sflag:$0x6], $0x80, $0x38;
	[tilespmem:$0x12800] =	vst v63  }
0x181: {  	s10 =	simm.s32 $0x10688;
	s11 =	sadd.s32 $0x10, s1  }
0x182: {  	[hbm4b:s11+s2] =	stream.linear.scatter [tilespmem:s10], [sflag:$0x6], $0x80, $0x38;
	[tilespmem:$0x12800] =	vst v63  }
0x183: {  	s15 =	simm.s32 $0x10710;
	s16 =	sadd.s32 $0x20, s1  }
0x184: {  	[hbm4b:s16+s2] =	stream.linear.scatter [tilespmem:s15], [sflag:$0x6], $0x80, $0x38;
	[tilespmem:$0x12800] =	vst v63  }
0x185: {  	s10 =	simm.s32 $0x10798;
	s11 =	sadd.s32 $0x30, s1  }
0x186: {  	[hbm4b:s11+s2] =	stream.linear.scatter [tilespmem:s10], [sflag:$0x6], $0x80, $0x38;
	[tilespmem:$0x12800] =	vst v63  }
0x187: {  	s15 =	simm.s32 $0x10820;
	s16 =	sadd.s32 $0x40, s1  }
0x188: {  	[hbm4b:s16+s2] =	stream.linear.scatter [tilespmem:s15], [sflag:$0x6], $0x80, $0x38;
	[tilespmem:$0x12800] =	vst v63  }
0x189: {  	s0 =	simm.s32 $0x440;
	s10 =	simm.s32 $0x108A8;
	s11 =	sadd.s32 $0x50, s1  }
0x18a: {  	[hbm4b:s11+s2] =	stream.linear.scatter [tilespmem:s10], [sflag:$0x6], $0x80, $0x38;
	[tilespmem:$0x12800] =	vst v63  }
0x18b: {  	s15 =	simm.s32 $0x10930;
	s16 =	sadd.s32 $0x60, s1;
	s10 =	simm.s32 $0x2200  }
0x18c: {  	[hbm4b:s16+s2] =	stream.linear.scatter [tilespmem:s15], [sflag:$0x6], $0x80, $0x38;
	[tilespmem:$0x12800] =	vst v63  }
0x18d: {  	v9 =	vmov v21;
	v63 =	vmov v13;
	s11 =	simm.s32 $0x109B8;
	s15 =	sadd.s32 $0x70, s1;
	s1 =	sadd.s32 $0x4000, s1  }
.LBB2_13:
0x18e: {  	[hbm4b:s15+s2] =	stream.linear.scatter [tilespmem:s11], [sflag:$0x6], $0x80, $0x38;
	[tilespmem:$0x12800] =	vst v63  }
0x18f: {  	s11 =	smov.u32 s0;
	s0 =	smov.u32 s10  }
0x190: {  	s16 =	sadd.s32 $0x1100, s10;
	s0 =	sshra.s32 s0, $0x2;
	s15 =	sadd.s32 $0x10600, s11  }
0x191: {  	[hbm4b:s1+s2] =	stream.linear.scatter [tilespmem:s15], [sflag:$0x6], $0x80, $0x38;
	[tilespmem:$0x12800] =	vst v63  }
0x192: {  	p0 =	sne.s32 s10, $0x7700;
	s10 =	sadd.s32 $0x10688, s11;
	s15 =	sadd.s32 $0x10, s1  }
0x193: {  	[hbm4b:s15+s2] =	stream.linear.scatter [tilespmem:s10], [sflag:$0x6], $0x80, $0x38;
	[tilespmem:$0x12800] =	vst v63  }
0x194: {  	s10 =	sadd.s32 $0x10710, s11;
	s15 =	sadd.s32 $0x20, s1  }
0x195: {  	[hbm4b:s15+s2] =	stream.linear.scatter [tilespmem:s10], [sflag:$0x6], $0x80, $0x38;
	[tilespmem:$0x12800] =	vst v63  }
0x196: {  	s10 =	sadd.s32 $0x10798, s11;
	s15 =	sadd.s32 $0x30, s1  }
0x197: {  	[hbm4b:s15+s2] =	stream.linear.scatter [tilespmem:s10], [sflag:$0x6], $0x80, $0x38;
	[tilespmem:$0x12800] =	vst v63  }
0x198: {  	s10 =	sadd.s32 $0x10820, s11;
	s15 =	sadd.s32 $0x40, s1  }
0x199: {  	[hbm4b:s15+s2] =	stream.linear.scatter [tilespmem:s10], [sflag:$0x6], $0x80, $0x38;
	[tilespmem:$0x12800] =	vst v63  }
.Ltmp6:
0x19a: {  	s10 =	sadd.s32 $0x108A8, s11;
	s15 =	sadd.s32 $0x50, s1;
	(pc) =	sbr.rel @p0 .LBB2_13-.Ltmp6, $4  }
0x19b: {  	[hbm4b:s15+s2] =	stream.linear.scatter [tilespmem:s10], [sflag:$0x6], $0x80, $0x38;
	[tilespmem:$0x12800] =	vst v63  }
0x19c: {  	s10 =	sadd.s32 $0x10930, s11;
	s15 =	sadd.s32 $0x60, s1;
	s11 =	sadd.s32 $0x109B8, s11  }
0x19d: {  	[hbm4b:s15+s2] =	stream.linear.scatter [tilespmem:s10], [sflag:$0x6], $0x80, $0x38;
	[tilespmem:$0x12800] =	vst v63  }
0x19e: {  	s15 =	sadd.s32 $0x70, s1;
	s1 =	sadd.s32 $0x4000, s1;
	s10 =	smov.u32 s16  }
0x19f: {  	[hbm4b:s15+s2] =	stream.linear.scatter [tilespmem:s11], [sflag:$0x6], $0x80, $0x38;
	[tilespmem:$0x12800] =	vst v63  }
0x1a0: {  	s10 =	sadd.s32 $0x10600, s0  }
0x1a1: {  	[hbm4b:s1+s2] =	stream.linear.scatter [tilespmem:s10], [sflag:$0x6], $0x80, $0x38;
	[tilespmem:$0x12800] =	vst v63  }
0x1a2: {  	s15 =	sadd.s32 $0x10688, s0;
	s16 =	sadd.s32 $0x10, s1  }
0x1a3: {  	[hbm4b:s16+s2] =	stream.linear.scatter [tilespmem:s15], [sflag:$0x6], $0x80, $0x38;
	[tilespmem:$0x12800] =	vst v63  }
0x1a4: {  	s15 =	sadd.s32 $0x10710, s0;
	s16 =	sadd.s32 $0x20, s1  }
0x1a5: {  	[hbm4b:s16+s2] =	stream.linear.scatter [tilespmem:s15], [sflag:$0x6], $0x80, $0x38;
	[tilespmem:$0x12800] =	vst v63  }
0x1a6: {  	s15 =	sadd.s32 $0x10798, s0;
	s16 =	sadd.s32 $0x30, s1  }
0x1a7: {  	[hbm4b:s16+s2] =	stream.linear.scatter [tilespmem:s15], [sflag:$0x6], $0x80, $0x38;
	[tilespmem:$0x12800] =	vst v63  }
0x1a8: {  	s15 =	sadd.s32 $0x10820, s0;
	s16 =	sadd.s32 $0x40, s1  }
0x1a9: {  	[hbm4b:s16+s2] =	stream.linear.scatter [tilespmem:s15], [sflag:$0x6], $0x80, $0x38;
	[tilespmem:$0x12800] =	vst v63  }
0x1aa: {  	s15 =	sadd.s32 $0x108A8, s0;
	s16 =	sadd.s32 $0x50, s1  }
0x1ab: {  	[hbm4b:s16+s2] =	stream.linear.scatter [tilespmem:s15], [sflag:$0x6], $0x80, $0x38;
	[tilespmem:$0x12800] =	vst v63  }
0x1ac: {  	s15 =	sadd.s32 $0x10930, s0;
	s16 =	sadd.s32 $0x60, s1  }
0x1ad: {  	[hbm4b:s16+s2] =	stream.linear.scatter [tilespmem:s15], [sflag:$0x6], $0x80, $0x38;
	[tilespmem:$0x12800] =	vst v63  }
0x1ae: {  	p0 =	seq.s32 s29, $0x31;
	s15 =	sadd.s32 $0x109B8, s0;
	s16 =	sadd.s32 $0x70, s1  }
0x1af: {  	[hbm4b:s16+s2] =	stream.linear.scatter [tilespmem:s15], [sflag:$0x6], $0x80, $0x38;
	[tilespmem:$0x12800] =	vst v63  }
0x1b0: {  	s10 =	simm.s32 @!p0 $0x8400;
	s0 =	sadd.s32 @!p0 $0x280, s30;
	s1 =	simm.s32 @!p0 $0x80  }
0x1b1: {  	[tilespmem:s10], [sflag:$0x2] =	stream.indirect.gather @!p0 [hbm4b:s3+s1], $0x40, s0, s1, $0xb8;
	[tilespmem:$0x12800] =	vst v63  }
0x1b2: {  	_ =	swait.ge [sflag:s24], $0x2000  }
0x1b3: {  	[sflag:s24] =	ssyncset.done $0x0  }
0x1b4: {  	[sflag:s24] =	ssyncadd.s32 $0xFFFFE000  }
0x1b5: {  	s11 =	simm.s32 $0x1;
	s16 =	simm.s32 $0x3;
	_ =	swait.ge [sflag:s25], $0x2000  }
0x1b6: {  	v2 =	vmov s11;
	v4 =	vmov s16;
	s10 =	simm.s32 $0x0;
	v22 =	vld [tilespmem:$0x1FFD0]  }
0x1b7: {  	v2 =	vshrl.u32 v2, $0x3;
	v4 =	vshrl.u32 v4, $0x3;
	v0 =	vmov s10;
	s10 =	simm.s32 $0x7;
	v6 =	vld [tilespmem:$0x1FEB0]  }
0x1b8: {  	v4 =	vshll.u32 v4, v1;
	v0 =	vshrl.u32 v0, $0x3;
	v35 =	vmov s10;
	[sflag:s25] =	ssyncset.done $0x0;
	v7 =	vld [tilespmem:$0x1FEF0]  }
0x1b9: {  	s0 =	simm.s32 $0xA5F0;
	v36 =	vbroadcast v4, $0x0;
	v0 =	vshll.u32 v0, v1;
	v35 =	vshrl.u32 v35, $0x3;
	v4 =	vld [tilespmem:$0x1FF20];
	[sflag:s25] =	ssyncadd.s32 $0xFFFFE000  }
0x1ba: {  	v2 =	vshll.u32 v2, v1;
	v35 =	vshll.u32 v35, v1;
	v39 =	vbroadcast v0, $0x0;
	v0 =	vld [tilespmem:s0+$0xFFFFFFD0]  }
0x1bb: {  	v40 =	vbroadcast v2, $0x0;
	v41 =	vbroadcast v35, $0x0;
	v38 =	vld [tilespmem:s0+$0xFFFFFE10]  }
0x1bc: {  	s15 =	simm.s32 $0x2;
	v42 =	vld [tilespmem:s0+$0xFFFFFE50]  }
0x1bd: {  	s11 =	simm.s32 $0x4;
	v3 =	vmov s15;
	v2 =	vadd.s32 v22, v41;
	v45 =	vadd.s32 v7, v40;
	v7 =	vld [tilespmem:$0x1FF50]  }
0x1be: {  	v5 =	vmov s11;
	v3 =	vshrl.u32 v3, $0x3;
	v44 =	vld [tilespmem:s0+$0xFFFFFE90];
	v43 =	vadd.s32 v6, v39  }
0x1bf: {  	v5 =	vshrl.u32 v5, $0x3;
	v3 =	vshll.u32 v3, v1;
	v46 =	vld [tilespmem:s0+$0xFFFFFED0]  }
0x1c0: {  	v5 =	vshll.u32 v5, v1;
	s16 =	simm.s32 $0x6;
	v37 =	vbroadcast v3, $0x0;
	v47 =	vld [tilespmem:s0+$0xFFFFFF10];
	v0 =	vmul.f32 $8.000000000e+00, v0  }
0x1c1: {  	v34 =	vmov s16;
	v35 =	vbroadcast v5, $0x0;
	v48 =	vld [tilespmem:s0+$0xFFFFFF50];
	v5 =	vmul.f32 $8.000000000e+00, v38  }
0x1c2: {  	v34 =	vshrl.u32 v34, $0x3;
	v4 =	vadd.s32 v4, v37;
	v56 =	vadd.s32 v7, v36;
	v7 =	vld [tilespmem:$0x1FF70];
	[tilespmem:v2+s20+$0x0] =	vst.idx.msk $0xffff, v0  }
0x1c3: {  	s15 =	simm.s32 $0x5;
	v3 =	vshll.u32 v34, v1;
	v50 =	vld [tilespmem:s0+$0xFFFFFF90];
	v42 =	vmul.f32 $8.000000000e+00, v42;
	[tilespmem:v43+s20+$0x0] =	vst.idx.msk $0xffff, v5  }
0x1c4: {  	v33 =	vmov s15;
	v34 =	vbroadcast v3, $0x0;
	v3 =	vld [tilespmem:$0x1FF90]  }
0x1c5: {  	v33 =	vshrl.u32 v33, $0x3;
	v2 =	vmul.f32 $8.000000000e+00, v44;
	v5 =	vld [tilespmem:s0+$0xFFFFFFE0];
	[tilespmem:v45+s20+$0x0] =	vst.idx.msk $0xffff, v42  }
0x1c6: {  	v33 =	vshll.u32 v33, v1;
	v30 =	vld [tilespmem:$0x1FFB0]  }
0x1c7: {  	v33 =	vbroadcast v33, $0x0;
	v57 =	vmul.f32 $8.000000000e+00, v46;
	v43 =	vld [tilespmem:s0+$0xFFFFFE20];
	[tilespmem:v4+s20+$0x0] =	vst.idx.msk $0xffff, v2;
	v49 =	vadd.s32 v7, v35  }
0x1c8: {  	v7 =	vld [tilespmem:$0x1FEC0]  }
0x1c9: {  	v59 =	vld [tilespmem:s0+$0xFFFFFE60];
	[tilespmem:v56+s20+$0x0] =	vst.idx.msk $0xffff, v57;
	v3 =	vadd.s32 v3, v33  }
0x1ca: {  	v2 =	vmul.f32 $8.000000000e+00, v47;
	v11 =	vld [tilespmem:$0x1FF00]  }
0x1cb: {  	v52 =	vld [tilespmem:s0+$0xFFFFFEA0];
	v58 =	vadd.s32 v30, v34  }
0x1cc: {  	v60 =	vmul.f32 $8.000000000e+00, v48;
	v4 =	vadd.s32 v63, v41;
	v53 =	vld [tilespmem:s0+$0xFFFFFEE0];
	[tilespmem:v49+s20+$0x0] =	vst.idx.msk $0xffff, v2  }
0x1cd: {  	v51 =	vadd.s32 v7, v39;
	v15 =	vld [tilespmem:$0x1FF30]  }
0x1ce: {  	v2 =	vmul.f32 $8.000000000e+00, v50;
	v54 =	vld [tilespmem:s0+$0xFFFFFF20];
	[tilespmem:v3+s20+$0x0] =	vst.idx.msk $0xffff, v60  }
0x1cf: {  	v48 =	vadd.s32 v11, v40;
	v3 =	vmul.f32 $8.000000000e+00, v5;
	v19 =	vld [tilespmem:$0x1FF60]  }
0x1d0: {  	v61 =	vmul.f32 $8.000000000e+00, v43;
	v55 =	vld [tilespmem:s0+$0xFFFFFF60];
	[tilespmem:v58+s20+$0x0] =	vst.idx.msk $0xffff, v2  }
0x1d1: {  	v23 =	vld [tilespmem:$0x1FF80];
	[tilespmem:v4+s20+$0x0] =	vst.idx.msk $0xffff, v3  }
0x1d2: {  	v32 =	vmul.f32 $8.000000000e+00, v59;
	v56 =	vld [tilespmem:s0+$0xFFFFFFA0];
	[tilespmem:v51+s20+$0x0] =	vst.idx.msk $0xffff, v61;
	v50 =	vadd.s32 v15, v37  }
0x1d3: {  	v27 =	vld [tilespmem:$0x1FFA0]  }
0x1d4: {  	v60 =	vld [tilespmem:s0+$0xFFFFFFF0];
	[tilespmem:v48+s20+$0x0] =	vst.idx.msk $0xffff, v32;
	v62 =	vadd.s32 v19, v36  }
0x1d5: {  	s16 =	simm.s32 $0xA;
	v3 =	vmul.f32 $8.000000000e+00, v52;
	v31 =	vld [tilespmem:$0x1FFC0]  }
0x1d6: {  	v47 =	vmov s16;
	v51 =	vld [tilespmem:s0+$0xFFFFFE30];
	v46 =	vadd.s32 v23, v35  }
0x1d7: {  	v52 =	vshrl.u32 v47, $0x3;
	v61 =	vmul.f32 $8.000000000e+00, v53;
	v47 =	vld [tilespmem:s0+$0xFFFFFE70];
	[tilespmem:v50+s20+$0x0] =	vst.idx.msk $0xffff, v3  }
0x1d8: {  	v4 =	vadd.s32 v27, v33;
	v8 =	vld [tilespmem:$0x1FED0]  }
0x1d9: {  	v3 =	vmul.f32 $8.000000000e+00, v54;
	v57 =	vld [tilespmem:s0+$0xFFFFFEB0];
	[tilespmem:v62+s20+$0x0] =	vst.idx.msk $0xffff, v61  }
0x1da: {  	v48 =	vadd.s32 v31, v34;
	v12 =	vld [tilespmem:$0x1FF10]  }
0x1db: {  	v62 =	vmul.f32 $8.000000000e+00, v55;
	v58 =	vld [tilespmem:s0+$0xFFFFFEF0];
	[tilespmem:v46+s20+$0x0] =	vst.idx.msk $0xffff, v3  }
0x1dc: {  	s11 =	simm.s32 $0x8;
	v50 =	vadd.s32 v9, v41;
	v16 =	vld [tilespmem:$0x1FF40]  }
0x1dd: {  	s10 =	simm.s32 $0xB;
	v0 =	vmov s11;
	v3 =	vmul.f32 $8.000000000e+00, v56;
	v59 =	vld [tilespmem:s0+$0xFFFFFF30];
	[tilespmem:v4+s20+$0x0] =	vst.idx.msk $0xffff, v62;
	v54 =	vadd.s32 v8, v39  }
0x1de: {  	v0 =	vshrl.u32 v0, $0x3;
	v42 =	vmov s10;
	s16 =	simm.s32 $0xE;
	v20 =	vld [tilespmem:$0x1FE20]  }
0x1df: {  	v2 =	vmov s16;
	v4 =	vmul.f32 $8.000000000e+00, v60;
	v61 =	vld [tilespmem:s0+$0xFFFFFF70];
	[tilespmem:v48+s20+$0x0] =	vst.idx.msk $0xffff, v3;
	v32 =	vadd.s32 v12, v40  }
0x1e0: {  	v53 =	vshrl.u32 v42, $0x3;
	v42 =	vshrl.u32 v2, $0x3;
	v2 =	vmul.f32 $8.000000000e+00, v51;
	v24 =	vld [tilespmem:$0x1FE30]  }
0x1e1: {  	v0 =	vshll.u32 v0, v1;
	v62 =	vld [tilespmem:s0+$0xFFFFFFB0];
	[tilespmem:v50+s20+$0x0] =	vst.idx.msk $0xffff, v4;
	v46 =	vadd.s32 v16, v37  }
0x1e2: {  	v38 =	vbroadcast v0, $0x0;
	v0 =	vmul.f32 $8.000000000e+00, v47;
	v56 =	vld [tilespmem:s0+$0x0];
	[tilespmem:v54+s20+$0x0] =	vst.idx.msk $0xffff, v2  }
0x1e3: {  	v28 =	vld [tilespmem:$0x1FE40]  }
0x1e4: {  	v60 =	vadd.s32 v20, v36;
	v2 =	vmul.f32 $8.000000000e+00, v57;
	v50 =	vld [tilespmem:s0+$0xFFFFFE40];
	[tilespmem:v32+s20+$0x0] =	vst.idx.msk $0xffff, v0  }
0x1e5: {  	v32 =	vld [tilespmem:$0x1FE50]  }
0x1e6: {  	v44 =	vshll.u32 v52, v1;
	v3 =	vadd.s32 v24, v35;
	v52 =	vld [tilespmem:s0+$0xFFFFFE80];
	[tilespmem:v46+s20+$0x0] =	vst.idx.msk $0xffff, v2  }
0x1e7: {  	s11 =	simm.s32 $0xC;
	v0 =	vmul.f32 $8.000000000e+00, v58;
	v26 =	vld [tilespmem:$0x1FFE0]  }
0x1e8: {  	v49 =	vmov s11;
	v10 =	vld [tilespmem:$0x1FEE0]  }
0x1e9: {  	v43 =	vshrl.u32 v49, $0x3;
	v2 =	vmul.f32 $8.000000000e+00, v59;
	v49 =	vld [tilespmem:s0+$0xFFFFFEC0];
	[tilespmem:v60+s20+$0x0] =	vst.idx.msk $0xffff, v0  }
0x1ea: {  	s15 =	simm.s32 $0x9;
	v13 =	vld [tilespmem:$0x1FE10]  }
0x1eb: {  	v45 =	vmov s15;
	s15 =	simm.s32 $0xD;
	v54 =	vld [tilespmem:s0+$0xFFFFFF00];
	[tilespmem:v3+s20+$0x0] =	vst.idx.msk $0xffff, v2  }
0x1ec: {  	v45 =	vshrl.u32 v45, $0x3;
	v5 =	vmov s15;
	v17 =	vld [tilespmem:$0x1FE60]  }
0x1ed: {  	v5 =	vshrl.u32 v5, $0x3;
	v47 =	vshll.u32 v45, v1;
	v45 =	vshll.u32 v53, v1;
	v21 =	vld [tilespmem:$0x1FE70]  }
0x1ee: {  	v46 =	vshll.u32 v43, v1;
	v43 =	vshll.u32 v5, v1;
	v55 =	vadd.s32 v28, v33;
	v25 =	vld [tilespmem:$0x1FE80]  }
0x1ef: {  	v51 =	vadd.s32 v32, v34;
	v29 =	vld [tilespmem:$0x1FE90];
	v53 =	vadd.s32 v26, v41;
	v48 =	vadd.s32 v10, v39  }
0x1f0: {  	s1 =	simm.s32 $0x10;
	s10 =	simm.s32 $0xF;
	v18 =	vld [tilespmem:$0x1FEA0];
	v39 =	vmul.f32 $8.000000000e+00, v61;
	v41 =	vadd.s32 v13, v40;
	v40 =	vmul.f32 $8.000000000e+00, v62  }
.LBB2_15:
0x1f1: {  	_ =	sdelay $0x1  }
0x1f2: {  	v14 =	vld [tilespmem:$0x1FEF0];
	[tilespmem:v55+s20+$0x0] =	vst.idx.msk $0xffff, v39;
	v5 =	vmul.f32 $8.000000000e+00, v50  }
0x1f3: {  	v0 =	vmov s10;
	v2 =	vadd.s32 v17, v37;
	v3 =	vld [tilespmem:s0+$0xFFFFFF40];
	[tilespmem:v51+s20+$0x0] =	vst.idx.msk $0xffff, v40;
	v57 =	vmul.f32 $8.000000000e+00, v52  }
0x1f4: {  	v0 =	vshrl.u32 v0, $0x3;
	v58 =	vld [tilespmem:s0+$0xFFFFFFC0];
	[tilespmem:v48+s20+$0x0] =	vst.idx.msk $0xffff, v5  }
0x1f5: {  	v0 =	vshll.u32 v0, v1;
	v4 =	vmul.f32 $8.000000000e+00, v56;
	v56 =	vld [tilespmem:s0+$0xFFFFFF80];
	s0 =	sadd.s32 $0x200, s0;
	[tilespmem:v41+s20+$0x0] =	vst.idx.msk $0xffff, v57;
	v41 =	vbroadcast v47, $0x0  }
0x1f6: {  	v36 =	vadd.s32 v21, v36;
	v40 =	vbroadcast v0, $0x0;
	v0 =	vmul.f32 $8.000000000e+00, v49;
	v59 =	vld [tilespmem:s0+$0xFFFFFE10]  }
0x1f7: {  	[tilespmem:v53+s20+$0x0] =	vst.idx.msk $0xffff, v4;
	v5 =	vadd.s32 v29, v33;
	v53 =	vadd.s32 v14, v41;
	v14 =	vld [tilespmem:$0x1FF20]  }
0x1f8: {  	v35 =	vadd.s32 v25, v35;
	v39 =	vmov v38;
	[tilespmem:v2+s20+$0x0] =	vst.idx.msk $0xffff, v0  }
0x1f9: {  	v60 =	vmul.f32 $8.000000000e+00, v54;
	v0 =	vmul.f32 $8.000000000e+00, v3;
	v2 =	vadd.s32 v6, v39;
	v3 =	vld [tilespmem:s0+$0xFFFFFE90]  }
0x1fa: {  	v34 =	vadd.s32 v18, v34;
	v37 =	vbroadcast v44, $0x0;
	v61 =	vld [tilespmem:s0+$0xFFFFFE50];
	v38 =	vmul.f32 $8.000000000e+00, v56  }
0x1fb: {  	[tilespmem:v36+s20+$0x0] =	vst.idx.msk $0xffff, v60;
	v4 =	vld [tilespmem:s0+$0xFFFFFFD0]  }
0x1fc: {  	[tilespmem:v5+s20+$0x0] =	vst.idx.msk $0xffff, v38;
	v5 =	vmul.f32 $8.000000000e+00, v59;
	v54 =	vadd.s32 v14, v37;
	v14 =	vld [tilespmem:$0x1FF50]  }
0x1fd: {  	v52 =	vadd.s32 v22, v40;
	[tilespmem:v35+s20+$0x0] =	vst.idx.msk $0xffff, v0;
	v0 =	vmul.f32 $8.000000000e+00, v58  }
0x1fe: {  	[tilespmem:v2+s20+$0x0] =	vst.idx.msk $0xffff, v5;
	v2 =	vmul.f32 $8.000000000e+00, v3;
	v3 =	vld [tilespmem:$0x1FF90]  }
0x1ff: {  	v36 =	vbroadcast v45, $0x0;
	v48 =	vld [tilespmem:s0+$0xFFFFFED0];
	[tilespmem:v34+s20+$0x0] =	vst.idx.msk $0xffff, v0;
	v0 =	vmul.f32 $8.000000000e+00, v61  }
0x200: {  	v4 =	vmul.f32 $8.000000000e+00, v4;
	v56 =	vld [tilespmem:s0+$0xFFFFFF50]  }
0x201: {  	v33 =	vbroadcast v43, $0x0;
	[tilespmem:v53+s20+$0x0] =	vst.idx.msk $0xffff, v0;
	v62 =	vadd.s32 v14, v36;
	v14 =	vld [tilespmem:$0x1FF70]  }
0x202: {  	[tilespmem:v52+s20+$0x0] =	vst.idx.msk $0xffff, v4;
	v61 =	vld [tilespmem:s0+$0xFFFFFE60]  }
0x203: {  	v5 =	vld [tilespmem:s0+$0xFFFFFFE0];
	v3 =	vadd.s32 v3, v33  }
0x204: {  	v35 =	vbroadcast v46, $0x0;
	v46 =	vadd.s32 v11, v41;
	v55 =	vld [tilespmem:s0+$0xFFFFFF10];
	v0 =	vmul.f32 $8.000000000e+00, v48  }
0x205: {  	v42 =	vshll.u32 v42, v1;
	v45 =	vadd.s32 v63, v40;
	v59 =	vld [tilespmem:s0+$0xFFFFFE20]  }
0x206: {  	v34 =	vbroadcast v42, $0x0;
	v58 =	vld [tilespmem:s0+$0xFFFFFF90];
	v57 =	vadd.s32 v14, v35;
	[tilespmem:v62+s20+$0x0] =	vst.idx.msk $0xffff, v0;
	v0 =	vmul.f32 $8.000000000e+00, v56  }
0x207: {  	v51 =	vadd.s32 v7, v39;
	[tilespmem:v54+s20+$0x0] =	vst.idx.msk $0xffff, v2;
	v62 =	vmul.f32 $8.000000000e+00, v61  }
0x208: {  	v60 =	vadd.s32 v30, v34;
	v52 =	vld [tilespmem:s0+$0xFFFFFEA0];
	[tilespmem:v3+s20+$0x0] =	vst.idx.msk $0xffff, v0;
	v0 =	vmul.f32 $8.000000000e+00, v5  }
0x209: {  	s15 =	sadd.s32 $0x2, s1;
	v2 =	vmul.f32 $8.000000000e+00, v55;
	[tilespmem:v46+s20+$0x0] =	vst.idx.msk $0xffff, v62  }
0x20a: {  	v50 =	vmov s15;
	v53 =	vld [tilespmem:s0+$0xFFFFFEE0];
	v5 =	vmul.f32 $8.000000000e+00, v59;
	[tilespmem:v45+s20+$0x0] =	vst.idx.msk $0xffff, v0  }
0x20b: {  	v49 =	vadd.s32 v15, v37;
	v4 =	vmov s1;
	v55 =	vld [tilespmem:s0+$0xFFFFFF60];
	[tilespmem:v57+s20+$0x0] =	vst.idx.msk $0xffff, v2;
	v2 =	vmul.f32 $8.000000000e+00, v58  }
0x20c: {  	v50 =	vshrl.u32 v50, $0x3;
	v42 =	vadd.s32 v19, v36;
	v4 =	vshrl.u32 v4, $0x3;
	[tilespmem:v51+s20+$0x0] =	vst.idx.msk $0xffff, v5;
	v54 =	vld [tilespmem:s0+$0xFFFFFF20]  }
0x20d: {  	s11 =	sadd.s32 $0x1, s1;
	v0 =	vshll.u32 v4, v1;
	v4 =	vmul.f32 $8.000000000e+00, v52;
	v5 =	vadd.s32 v27, v33;
	v52 =	vld [tilespmem:s0+$0xFFFFFE70];
	[tilespmem:v60+s20+$0x0] =	vst.idx.msk $0xffff, v2  }
0x20e: {  	v47 =	vmov s11;
	s11 =	sadd.s32 $0x4, s1;
	v44 =	vshll.u32 v50, v1;
	v60 =	vadd.s32 v23, v35;
	v61 =	vld [tilespmem:s0+$0xFFFFFFA0]  }
0x20f: {  	s16 =	sadd.s32 $0x3, s1;
	v43 =	vmov s11;
	v45 =	vld [tilespmem:s0+$0xFFFFFFF0];
	v58 =	vadd.s32 v12, v41;
	v62 =	vmul.f32 $8.000000000e+00, v53  }
0x210: {  	v38 =	vmov s16;
	v46 =	vadd.s32 v31, v34;
	v51 =	vld [tilespmem:s0+$0xFFFFFE30];
	[tilespmem:v49+s20+$0x0] =	vst.idx.msk $0xffff, v4;
	v55 =	vmul.f32 $8.000000000e+00, v55  }
0x211: {  	v49 =	vadd.s32 v9, v40;
	v53 =	vshrl.u32 v38, $0x3;
	[tilespmem:v42+s20+$0x0] =	vst.idx.msk $0xffff, v62;
	v4 =	vmul.f32 $8.000000000e+00, v54  }
0x212: {  	v38 =	vbroadcast v0, $0x0;
	v57 =	vld [tilespmem:s0+$0xFFFFFEB0];
	v0 =	vmul.f32 $8.000000000e+00, v52;
	[tilespmem:v5+s20+$0x0] =	vst.idx.msk $0xffff, v55;
	v54 =	vadd.s32 v8, v39  }
0x213: {  	v47 =	vshrl.u32 v47, $0x3;
	v43 =	vshrl.u32 v43, $0x3;
	s16 =	sadd.s32 $0x6, s1;
	v59 =	vld [tilespmem:s0+$0xFFFFFEF0];
	[tilespmem:v60+s20+$0x0] =	vst.idx.msk $0xffff, v4;
	v4 =	vmul.f32 $8.000000000e+00, v61  }
0x214: {  	v48 =	vadd.s32 v16, v37;
	v2 =	vmov s16;
	v5 =	vmul.f32 $8.000000000e+00, v45;
	[tilespmem:v58+s20+$0x0] =	vst.idx.msk $0xffff, v0;
	v60 =	vld [tilespmem:s0+$0xFFFFFF30]  }
0x215: {  	s15 =	sadd.s32 $0x5, s1;
	v42 =	vshrl.u32 v2, $0x3;
	v2 =	vmul.f32 $8.000000000e+00, v51;
	v62 =	vld [tilespmem:s0+$0xFFFFFF70];
	v61 =	vadd.s32 v20, v36;
	[tilespmem:v46+s20+$0x0] =	vst.idx.msk $0xffff, v4  }
0x216: {  	p1 =	slt.u32 s1, $0x78;
	v47 =	vshll.u32 v47, v1;
	v14 =	vmovc v63;
	v3 =	vmov s15;
	[tilespmem:v49+s20+$0x0] =	vst.idx.msk $0xffff, v5;
	v4 =	vadd.s32 v24, v35;
	v63 =	vld [tilespmem:s0+$0xFFFFFFB0]  }
.Ltmp7:
0x217: {  	v3 =	vshrl.u32 v3, $0x3;
	v41 =	vadd.s32 v13, v41;
	v52 =	vld [tilespmem:s0+$0xFFFFFE80];
	[tilespmem:v54+s20+$0x0] =	vst.idx.msk $0xffff, v2;
	v2 =	vmul.f32 $8.000000000e+00, v57;
	(pc) =	sbr.rel @p1 .LBB2_15-.Ltmp7, $4  }
0x218: {  	v55 =	vadd.s32 v28, v33;
	v51 =	vadd.s32 v32, v34;
	v56 =	vld [tilespmem:s0+$0x0];
	v0 =	vmul.f32 $8.000000000e+00, v59  }
0x219: {  	v45 =	vshll.u32 v53, v1;
	v53 =	vadd.s32 v26, v40;
	v50 =	vld [tilespmem:s0+$0xFFFFFE40];
	[tilespmem:v48+s20+$0x0] =	vst.idx.msk $0xffff, v2;
	v2 =	vmul.f32 $8.000000000e+00, v60  }
0x21a: {  	v46 =	vshll.u32 v43, v1;
	v43 =	vshll.u32 v3, v1;
	[tilespmem:v61+s20+$0x0] =	vst.idx.msk $0xffff, v0;
	v49 =	vld [tilespmem:s0+$0xFFFFFEC0]  }
0x21b: {  	s10 =	sadd.s32 $0x7, s1;
	s1 =	sadd.s32 $0x8, s1;
	v48 =	vadd.s32 v10, v39;
	v39 =	vmul.f32 $8.000000000e+00, v62;
	v54 =	vld [tilespmem:s0+$0xFFFFFF00];
	[tilespmem:v4+s20+$0x0] =	vst.idx.msk $0xffff, v2;
	v40 =	vmul.f32 $8.000000000e+00, v63;
	v63 =	vmovc v14  }
0x21c: {  	_ =	sdelay $0x3  }
0x21d: {  	v0 =	vmov s10;
	v2 =	vadd.s32 v17, v37;
	v3 =	vld [tilespmem:s0+$0xFFFFFF40];
	v57 =	vmul.f32 $8.000000000e+00, v52;
	[tilespmem:v55+s20+$0x0] =	vst.idx.msk $0xffff, v39  }
0x21e: {  	v36 =	vadd.s32 v21, v36;
	v4 =	vmul.f32 $8.000000000e+00, v56;
	v0 =	vshrl.u32 v0, $0x3;
	[tilespmem:v51+s20+$0x0] =	vst.idx.msk $0xffff, v40;
	v56 =	vld [tilespmem:s0+$0xFFFFFF80]  }
0x21f: {  	v35 =	vadd.s32 v25, v35;
	s15 =	sadd.s32 $0x200, s0;
	v5 =	vmul.f32 $8.000000000e+00, v50;
	v0 =	vshll.u32 v0, v1;
	v40 =	vld [tilespmem:s0+$0xFFFFFFC0];
	[tilespmem:v41+s20+$0x0] =	vst.idx.msk $0xffff, v57  }
0x220: {  	v33 =	vadd.s32 v29, v33;
	v58 =	vld [tilespmem:s15+$0xFFFFFFD0];
	[tilespmem:v53+s20+$0x0] =	vst.idx.msk $0xffff, v4;
	v0 =	vbroadcast v0, $0x0;
	v59 =	vmul.f32 $8.000000000e+00, v49  }
0x221: {  	v34 =	vadd.s32 v18, v34;
	v60 =	vld [tilespmem:s15+$0xFFFFFE10];
	[tilespmem:v48+s20+$0x0] =	vst.idx.msk $0xffff, v5;
	v61 =	vmul.f32 $8.000000000e+00, v54  }
0x222: {  	v49 =	vadd.s32 v22, v0;
	[tilespmem:v2+s20+$0x0] =	vst.idx.msk $0xffff, v59;
	v2 =	vmul.f32 $8.000000000e+00, v3  }
0x223: {  	v62 =	vld [tilespmem:s15+$0xFFFFFE50];
	v3 =	vadd.s32 v6, v38;
	[tilespmem:v36+s20+$0x0] =	vst.idx.msk $0xffff, v61;
	v51 =	vmul.f32 $8.000000000e+00, v56  }
0x224: {  	v52 =	vld [tilespmem:$0x1FEF0];
	[tilespmem:v35+s20+$0x0] =	vst.idx.msk $0xffff, v2;
	v2 =	vmul.f32 $8.000000000e+00, v40  }
0x225: {  	v4 =	vmul.f32 $8.000000000e+00, v58;
	v54 =	vld [tilespmem:$0x1FF20];
	[tilespmem:v33+s20+$0x0] =	vst.idx.msk $0xffff, v51  }
0x226: {  	v57 =	vmul.f32 $8.000000000e+00, v60;
	v58 =	vld [tilespmem:$0x1FF50];
	[tilespmem:v34+s20+$0x0] =	vst.idx.msk $0xffff, v2  }
0x227: {  	v61 =	vld [tilespmem:$0x1FF70];
	[tilespmem:v49+s20+$0x0] =	vst.idx.msk $0xffff, v4  }
0x228: {  	v47 =	vbroadcast v47, $0x0;
	v5 =	vld [tilespmem:s15+$0xFFFFFE90];
	[tilespmem:v3+s20+$0x0] =	vst.idx.msk $0xffff, v57  }
0x229: {  	v44 =	vbroadcast v44, $0x0;
	v4 =	vld [tilespmem:$0x1FF90]  }
0x22a: {  	v45 =	vbroadcast v45, $0x0;
	v53 =	vld [tilespmem:s15+$0xFFFFFED0];
	v37 =	vadd.s32 v52, v47  }
0x22b: {  	v46 =	vbroadcast v46, $0x0;
	v56 =	vld [tilespmem:s15+$0xFFFFFF10];
	v55 =	vadd.s32 v54, v44  }
0x22c: {  	v42 =	vshll.u32 v42, v1;
	v43 =	vbroadcast v43, $0x0;
	v60 =	vld [tilespmem:s15+$0xFFFFFF50];
	v59 =	vadd.s32 v58, v45  }
0x22d: {  	v42 =	vbroadcast v42, $0x0;
	v22 =	vld [tilespmem:s15+$0xFFFFFF90];
	v2 =	vmul.f32 $8.000000000e+00, v62;
	v62 =	vadd.s32 v61, v46  }
0x22e: {  	v3 =	vmul.f32 $8.000000000e+00, v5;
	v33 =	vld [tilespmem:s15+$0xFFFFFE20];
	v4 =	vadd.s32 v4, v43  }
0x22f: {  	v52 =	vld [tilespmem:s15+$0xFFFFFFE0];
	[tilespmem:v37+s20+$0x0] =	vst.idx.msk $0xffff, v2;
	v2 =	vmul.f32 $8.000000000e+00, v53;
	v53 =	vadd.s32 v30, v42  }
0x230: {  	v54 =	vld [tilespmem:s15+$0xFFFFFE60];
	[tilespmem:v55+s20+$0x0] =	vst.idx.msk $0xffff, v3;
	v3 =	vmul.f32 $8.000000000e+00, v56;
	v56 =	vadd.s32 v7, v38  }
0x231: {  	v55 =	vadd.s32 v63, v0;
	v57 =	vld [tilespmem:s15+$0xFFFFFEA0];
	[tilespmem:v59+s20+$0x0] =	vst.idx.msk $0xffff, v2;
	v2 =	vmul.f32 $8.000000000e+00, v60  }
0x232: {  	v58 =	vadd.s32 v11, v47;
	v59 =	vld [tilespmem:s15+$0xFFFFFEE0];
	[tilespmem:v62+s20+$0x0] =	vst.idx.msk $0xffff, v3;
	v3 =	vmul.f32 $8.000000000e+00, v22  }
0x233: {  	v60 =	vadd.s32 v15, v44;
	v62 =	vmul.f32 $8.000000000e+00, v33;
	v61 =	vld [tilespmem:s15+$0xFFFFFF20];
	[tilespmem:v4+s20+$0x0] =	vst.idx.msk $0xffff, v2  }
0x234: {  	v22 =	vadd.s32 v19, v45;
	v2 =	vmul.f32 $8.000000000e+00, v52;
	v30 =	vld [tilespmem:s15+$0xFFFFFF60];
	[tilespmem:v53+s20+$0x0] =	vst.idx.msk $0xffff, v3  }
0x235: {  	v52 =	vadd.s32 v23, v46;
	v3 =	vmul.f32 $8.000000000e+00, v54;
	[tilespmem:v56+s20+$0x0] =	vst.idx.msk $0xffff, v62;
	v53 =	vld [tilespmem:s15+$0xFFFFFFA0]  }
0x236: {  	v54 =	vadd.s32 v27, v43;
	[tilespmem:v55+s20+$0x0] =	vst.idx.msk $0xffff, v2;
	v2 =	vmul.f32 $8.000000000e+00, v57;
	v40 =	vld [tilespmem:s15+$0xFFFFFE30]  }
0x237: {  	v55 =	vadd.s32 v31, v42;
	v35 =	vld [tilespmem:s15+$0xFFFFFFF0];
	[tilespmem:v58+s20+$0x0] =	vst.idx.msk $0xffff, v3;
	v3 =	vmul.f32 $8.000000000e+00, v59  }
0x238: {  	v58 =	vadd.s32 v8, v38;
	v56 =	vld [tilespmem:s15+$0xFFFFFE70];
	[tilespmem:v60+s20+$0x0] =	vst.idx.msk $0xffff, v2;
	v2 =	vmul.f32 $8.000000000e+00, v61  }
0x239: {  	v57 =	vadd.s32 v9, v0;
	v59 =	vld [tilespmem:s15+$0xFFFFFEB0];
	[tilespmem:v22+s20+$0x0] =	vst.idx.msk $0xffff, v3;
	v3 =	vmul.f32 $8.000000000e+00, v30  }
0x23a: {  	v60 =	vadd.s32 v12, v47;
	v61 =	vld [tilespmem:s15+$0xFFFFFEF0];
	[tilespmem:v52+s20+$0x0] =	vst.idx.msk $0xffff, v2;
	v2 =	vmul.f32 $8.000000000e+00, v53  }
0x23b: {  	v62 =	vadd.s32 v16, v44;
	v19 =	vmul.f32 $8.000000000e+00, v40;
	v16 =	vld [tilespmem:s15+$0xFFFFFF30];
	[tilespmem:v54+s20+$0x0] =	vst.idx.msk $0xffff, v3  }
0x23c: {  	v22 =	vadd.s32 v20, v45;
	v3 =	vmul.f32 $8.000000000e+00, v35;
	v23 =	vld [tilespmem:s15+$0xFFFFFF70];
	[tilespmem:v55+s20+$0x0] =	vst.idx.msk $0xffff, v2  }
0x23d: {  	v27 =	vadd.s32 v24, v46;
	v2 =	vmul.f32 $8.000000000e+00, v56;
	[tilespmem:v58+s20+$0x0] =	vst.idx.msk $0xffff, v19;
	v30 =	vld [tilespmem:s15+$0xFFFFFFB0]  }
0x23e: {  	v31 =	vadd.s32 v28, v43;
	[tilespmem:v57+s20+$0x0] =	vst.idx.msk $0xffff, v3;
	v3 =	vmul.f32 $8.000000000e+00, v59;
	v41 =	vld [tilespmem:s15+$0xFFFFFE40]  }
0x23f: {  	v49 =	vadd.s32 v32, v42;
	v34 =	vld [tilespmem:s15+$0x0];
	[tilespmem:v60+s20+$0x0] =	vst.idx.msk $0xffff, v2;
	v2 =	vmul.f32 $8.000000000e+00, v61  }
0x240: {  	v51 =	vadd.s32 v10, v38;
	v50 =	vld [tilespmem:s15+$0xFFFFFE80];
	[tilespmem:v62+s20+$0x0] =	vst.idx.msk $0xffff, v3;
	v3 =	vmul.f32 $8.000000000e+00, v16  }
0x241: {  	v0 =	vadd.s32 v26, v0;
	v52 =	vld [tilespmem:s15+$0xFFFFFEC0];
	[tilespmem:v22+s20+$0x0] =	vst.idx.msk $0xffff, v2;
	v2 =	vmul.f32 $8.000000000e+00, v23  }
0x242: {  	v53 =	vadd.s32 v13, v47;
	v54 =	vld [tilespmem:s15+$0xFFFFFF00];
	[tilespmem:v27+s20+$0x0] =	vst.idx.msk $0xffff, v3;
	v3 =	vmul.f32 $8.000000000e+00, v30  }
0x243: {  	v55 =	vadd.s32 v17, v44;
	v57 =	vmul.f32 $8.000000000e+00, v41;
	v56 =	vld [tilespmem:s15+$0xFFFFFF40];
	[tilespmem:v31+s20+$0x0] =	vst.idx.msk $0xffff, v2  }
0x244: {  	v58 =	vadd.s32 v21, v45;
	v2 =	vmul.f32 $8.000000000e+00, v34;
	v59 =	vld [tilespmem:s15+$0xFFFFFF80];
	[tilespmem:v49+s20+$0x0] =	vst.idx.msk $0xffff, v3  }
0x245: {  	v60 =	vadd.s32 v25, v46;
	v3 =	vmul.f32 $8.000000000e+00, v50;
	[tilespmem:v51+s20+$0x0] =	vst.idx.msk $0xffff, v57;
	v61 =	vld [tilespmem:s15+$0xFFFFFFC0]  }
0x246: {  	[tilespmem:v0+s20+$0x0] =	vst.idx.msk $0xffff, v2;
	v0 =	vmul.f32 $8.000000000e+00, v52;
	v2 =	vadd.s32 v29, v43  }
0x247: {  	v62 =	vadd.s32 v18, v42;
	[tilespmem:v53+s20+$0x0] =	vst.idx.msk $0xffff, v3;
	v3 =	vmul.f32 $8.000000000e+00, v54  }
0x248: {  	[tilespmem:v55+s20+$0x0] =	vst.idx.msk $0xffff, v0;
	v0 =	vmul.f32 $8.000000000e+00, v56  }
0x249: {  	[tilespmem:v58+s20+$0x0] =	vst.idx.msk $0xffff, v3;
	v3 =	vmul.f32 $8.000000000e+00, v59  }
0x24a: {  	[tilespmem:v60+s20+$0x0] =	vst.idx.msk $0xffff, v0;
	v0 =	vmul.f32 $8.000000000e+00, v61  }
0x24b: {  	[tilespmem:v2+s20+$0x0] =	vst.idx.msk $0xffff, v3  }
0x24c: {  	s1 =	sadd.s32 s31, s7;
	s16 =	simm.s32 $0xE400;
	[tilespmem:v62+s20+$0x0] =	vst.idx.msk $0xffff, v0  }
0x24d: {  	[hbm4b:s1+s2] =	stream.linear.scatter [tilespmem:s16], [sflag:$0x5], $0x80, $0x38;
	[tilespmem:$0x12800] =	vst v63  }
0x24e: {  	s10 =	simm.s32 $0xE488;
	s11 =	sadd.s32 $0x10, s1  }
0x24f: {  	[hbm4b:s11+s2] =	stream.linear.scatter [tilespmem:s10], [sflag:$0x5], $0x80, $0x38;
	[tilespmem:$0x12800] =	vst v63  }
0x250: {  	s15 =	simm.s32 $0xE510;
	s16 =	sadd.s32 $0x20, s1  }
0x251: {  	[hbm4b:s16+s2] =	stream.linear.scatter [tilespmem:s15], [sflag:$0x5], $0x80, $0x38;
	[tilespmem:$0x12800] =	vst v63  }
0x252: {  	s10 =	simm.s32 $0xE598;
	s11 =	sadd.s32 $0x30, s1  }
0x253: {  	[hbm4b:s11+s2] =	stream.linear.scatter [tilespmem:s10], [sflag:$0x5], $0x80, $0x38;
	[tilespmem:$0x12800] =	vst v63  }
0x254: {  	s15 =	simm.s32 $0xE620;
	s16 =	sadd.s32 $0x40, s1  }
0x255: {  	[hbm4b:s16+s2] =	stream.linear.scatter [tilespmem:s15], [sflag:$0x5], $0x80, $0x38;
	[tilespmem:$0x12800] =	vst v63  }
0x256: {  	s0 =	simm.s32 $0x440;
	s10 =	simm.s32 $0xE6A8;
	s11 =	sadd.s32 $0x50, s1  }
0x257: {  	[hbm4b:s11+s2] =	stream.linear.scatter [tilespmem:s10], [sflag:$0x5], $0x80, $0x38;
	[tilespmem:$0x12800] =	vst v63  }
0x258: {  	s15 =	simm.s32 $0xE730;
	s16 =	sadd.s32 $0x60, s1;
	s10 =	simm.s32 $0x2200  }
0x259: {  	[hbm4b:s16+s2] =	stream.linear.scatter [tilespmem:s15], [sflag:$0x5], $0x80, $0x38;
	[tilespmem:$0x12800] =	vst v63  }
0x25a: {  	s11 =	simm.s32 $0xE7B8;
	s15 =	sadd.s32 $0x70, s1;
	s1 =	sadd.s32 $0x4000, s1  }
.LBB2_17:
0x25b: {  	[hbm4b:s15+s2] =	stream.linear.scatter [tilespmem:s11], [sflag:$0x5], $0x80, $0x38;
	[tilespmem:$0x12800] =	vst v63  }
0x25c: {  	s11 =	smov.u32 s0;
	s0 =	smov.u32 s10  }
0x25d: {  	s16 =	sadd.s32 $0x1100, s10;
	s0 =	sshra.s32 s0, $0x2;
	s15 =	sadd.s32 $0xE400, s11  }
0x25e: {  	[hbm4b:s1+s2] =	stream.linear.scatter [tilespmem:s15], [sflag:$0x5], $0x80, $0x38;
	[tilespmem:$0x12800] =	vst v63  }
0x25f: {  	p1 =	sne.s32 s10, $0x7700;
	s10 =	sadd.s32 $0xE488, s11;
	s15 =	sadd.s32 $0x10, s1  }
0x260: {  	[hbm4b:s15+s2] =	stream.linear.scatter [tilespmem:s10], [sflag:$0x5], $0x80, $0x38;
	[tilespmem:$0x12800] =	vst v63  }
0x261: {  	s10 =	sadd.s32 $0xE510, s11;
	s15 =	sadd.s32 $0x20, s1  }
0x262: {  	[hbm4b:s15+s2] =	stream.linear.scatter [tilespmem:s10], [sflag:$0x5], $0x80, $0x38;
	[tilespmem:$0x12800] =	vst v63  }
0x263: {  	s10 =	sadd.s32 $0xE598, s11;
	s15 =	sadd.s32 $0x30, s1  }
0x264: {  	[hbm4b:s15+s2] =	stream.linear.scatter [tilespmem:s10], [sflag:$0x5], $0x80, $0x38;
	[tilespmem:$0x12800] =	vst v63  }
0x265: {  	s10 =	sadd.s32 $0xE620, s11;
	s15 =	sadd.s32 $0x40, s1  }
0x266: {  	[hbm4b:s15+s2] =	stream.linear.scatter [tilespmem:s10], [sflag:$0x5], $0x80, $0x38;
	[tilespmem:$0x12800] =	vst v63  }
.Ltmp8:
0x267: {  	s10 =	sadd.s32 $0xE6A8, s11;
	s15 =	sadd.s32 $0x50, s1;
	(pc) =	sbr.rel @p1 .LBB2_17-.Ltmp8, $4  }
0x268: {  	[hbm4b:s15+s2] =	stream.linear.scatter [tilespmem:s10], [sflag:$0x5], $0x80, $0x38;
	[tilespmem:$0x12800] =	vst v63  }
0x269: {  	s10 =	sadd.s32 $0xE730, s11;
	s15 =	sadd.s32 $0x60, s1;
	s11 =	sadd.s32 $0xE7B8, s11  }
0x26a: {  	[hbm4b:s15+s2] =	stream.linear.scatter [tilespmem:s10], [sflag:$0x5], $0x80, $0x38;
	[tilespmem:$0x12800] =	vst v63  }
0x26b: {  	s15 =	sadd.s32 $0x70, s1;
	s1 =	sadd.s32 $0x4000, s1;
	s10 =	smov.u32 s16  }
0x26c: {  	[hbm4b:s15+s2] =	stream.linear.scatter [tilespmem:s11], [sflag:$0x5], $0x80, $0x38;
	[tilespmem:$0x12800] =	vst v63  }
0x26d: {  	s10 =	sadd.s32 $0xE400, s0  }
0x26e: {  	[hbm4b:s1+s2] =	stream.linear.scatter [tilespmem:s10], [sflag:$0x5], $0x80, $0x38;
	[tilespmem:$0x12800] =	vst v63  }
0x26f: {  	s15 =	sadd.s32 $0xE488, s0;
	s16 =	sadd.s32 $0x10, s1  }
0x270: {  	[hbm4b:s16+s2] =	stream.linear.scatter [tilespmem:s15], [sflag:$0x5], $0x80, $0x38;
	[tilespmem:$0x12800] =	vst v63  }
0x271: {  	s15 =	sadd.s32 $0xE510, s0;
	s16 =	sadd.s32 $0x20, s1  }
0x272: {  	[hbm4b:s16+s2] =	stream.linear.scatter [tilespmem:s15], [sflag:$0x5], $0x80, $0x38;
	[tilespmem:$0x12800] =	vst v63  }
0x273: {  	s15 =	sadd.s32 $0xE598, s0;
	s16 =	sadd.s32 $0x30, s1  }
0x274: {  	[hbm4b:s16+s2] =	stream.linear.scatter [tilespmem:s15], [sflag:$0x5], $0x80, $0x38;
	[tilespmem:$0x12800] =	vst v63  }
0x275: {  	s15 =	sadd.s32 $0xE620, s0;
	s16 =	sadd.s32 $0x40, s1  }
0x276: {  	[hbm4b:s16+s2] =	stream.linear.scatter [tilespmem:s15], [sflag:$0x5], $0x80, $0x38;
	[tilespmem:$0x12800] =	vst v63  }
0x277: {  	s15 =	sadd.s32 $0xE6A8, s0;
	s16 =	sadd.s32 $0x50, s1  }
0x278: {  	[hbm4b:s16+s2] =	stream.linear.scatter [tilespmem:s15], [sflag:$0x5], $0x80, $0x38;
	[tilespmem:$0x12800] =	vst v63  }
0x279: {  	s11 =	sadd.s32 $0xE730, s0;
	s15 =	sadd.s32 $0x60, s1  }
0x27a: {  	[hbm4b:s15+s2] =	stream.linear.scatter [tilespmem:s11], [sflag:$0x5], $0x80, $0x38;
	[tilespmem:$0x12800] =	vst v63  }
0x27b: {  	s10 =	sadd.s32 $0x70, s1;
	s16 =	sadd.s32 $0xE7B8, s0  }
0x27c: {  	[hbm4b:s10+s2] =	stream.linear.scatter [tilespmem:s16], [sflag:$0x5], $0x80, $0x38;
	[tilespmem:$0x12800] =	vst v63  }
0x27d: {  	s0 =	sadd.s32 @!p0 $0x300, s30;
	s1 =	simm.s32 @!p0 $0x80;
	s10 =	simm.s32 @!p0 $0xA400  }
0x27e: {  	[tilespmem:s10], [sflag:$0x3] =	stream.indirect.gather @!p0 [hbm4b:s3+s1], $0x40, s0, s1, $0xb8;
	[tilespmem:$0x12800] =	vst v63  }
0x27f: {  	_ =	swait.ge [sflag:s26], $0x2000  }
0x280: {  	[sflag:s26] =	ssyncset.done $0x0  }
0x281: {  	[sflag:s26] =	ssyncadd.s32 $0xFFFFE000  }
0x282: {  	s30 =	simm.s32 $0x3;
	_ =	swait.ge [sflag:s22], $0x2000  }
0x283: {  	v4 =	vmov s30;
	s11 =	simm.s32 $0x0;
	s15 =	simm.s32 $0x1;
	v20 =	vld [tilespmem:$0x1FFD0]  }
0x284: {  	v4 =	vshrl.u32 v4, $0x3;
	v0 =	vmov s11;
	v2 =	vmov s15;
	s15 =	simm.s32 $0x7;
	v27 =	vld [tilespmem:$0x1FEB0]  }
0x285: {  	v4 =	vshll.u32 v4, v1;
	v0 =	vshrl.u32 v0, $0x3;
	v35 =	vmov s15;
	v31 =	vld [tilespmem:$0x1FEF0]  }
0x286: {  	s16 =	simm.s32 $0x2;
	v2 =	vshrl.u32 v2, $0x3;
	v36 =	vbroadcast v4, $0x0;
	v35 =	vshrl.u32 v35, $0x3;
	[sflag:s22] =	ssyncset.done $0x0;
	v4 =	vld [tilespmem:$0x1FF20]  }
0x287: {  	v3 =	vmov s16;
	v0 =	vshll.u32 v0, v1;
	s0 =	simm.s32 $0xC5F0;
	v35 =	vshll.u32 v35, v1;
	v6 =	vld [tilespmem:$0x1FF50];
	[sflag:s22] =	ssyncadd.s32 $0xFFFFE000  }
0x288: {  	v2 =	vshll.u32 v2, v1;
	v39 =	vbroadcast v0, $0x0;
	v41 =	vbroadcast v35, $0x0;
	v0 =	vld [tilespmem:s0+$0xFFFFFFD0]  }
0x289: {  	s1 =	simm.s32 $0x4;
	v3 =	vshrl.u32 v3, $0x3;
	v40 =	vbroadcast v2, $0x0;
	v38 =	vld [tilespmem:s0+$0xFFFFFE10]  }
0x28a: {  	v5 =	vmov s1;
	v3 =	vshll.u32 v3, v1;
	v42 =	vld [tilespmem:s0+$0xFFFFFE50];
	v2 =	vadd.s32 v20, v41  }
0x28b: {  	v5 =	vshrl.u32 v5, $0x3;
	v37 =	vbroadcast v3, $0x0;
	v44 =	vld [tilespmem:s0+$0xFFFFFE90];
	v43 =	vadd.s32 v27, v39  }
0x28c: {  	v5 =	vshll.u32 v5, v1;
	v45 =	vadd.s32 v31, v40  }
0x28d: {  	s11 =	simm.s32 $0x6;
	v4 =	vadd.s32 v4, v37;
	v56 =	vadd.s32 v6, v36;
	v6 =	vld [tilespmem:$0x1FF70];
	v0 =	vmul.f32 $8.000000000e+00, v0  }
0x28e: {  	v34 =	vmov s11;
	v35 =	vbroadcast v5, $0x0;
	v5 =	vmul.f32 $8.000000000e+00, v38  }
0x28f: {  	v34 =	vshrl.u32 v34, $0x3;
	v42 =	vmul.f32 $8.000000000e+00, v42;
	[tilespmem:v2+s23+$0x0] =	vst.idx.msk $0xffff, v0  }
0x290: {  	v3 =	vshll.u32 v34, v1;
	v46 =	vld [tilespmem:s0+$0xFFFFFED0];
	[tilespmem:v43+s23+$0x0] =	vst.idx.msk $0xffff, v5;
	v2 =	vmul.f32 $8.000000000e+00, v44  }
0x291: {  	v34 =	vbroadcast v3, $0x0;
	v3 =	vld [tilespmem:$0x1FF90];
	[tilespmem:v45+s23+$0x0] =	vst.idx.msk $0xffff, v42  }
0x292: {  	v49 =	vadd.s32 v6, v35;
	v6 =	vld [tilespmem:$0x1FFB0];
	[tilespmem:v4+s23+$0x0] =	vst.idx.msk $0xffff, v2  }
0x293: {  	v7 =	vld [tilespmem:$0x1FEC0];
	_ =	sdelay $0x1  }
0x294: {  	v47 =	vld [tilespmem:s0+$0xFFFFFF10];
	v57 =	vmul.f32 $8.000000000e+00, v46  }
0x295: {  	s10 =	simm.s32 $0x5  }
0x296: {  	v33 =	vmov s10;
	v48 =	vld [tilespmem:s0+$0xFFFFFF50];
	[tilespmem:v56+s23+$0x0] =	vst.idx.msk $0xffff, v57  }
0x297: {  	v33 =	vshrl.u32 v33, $0x3;
	v58 =	vadd.s32 v6, v34;
	v6 =	vmovc v7;
	v51 =	vadd.s32 v7, v39;
	v7 =	vld [tilespmem:$0x1FF00]  }
0x298: {  	v33 =	vshll.u32 v33, v1  }
0x299: {  	v33 =	vbroadcast v33, $0x0;
	v2 =	vmul.f32 $8.000000000e+00, v47;
	_ =	sdelay $0x1  }
0x29a: {  	v50 =	vld [tilespmem:s0+$0xFFFFFF90];
	v3 =	vadd.s32 v3, v33;
	[tilespmem:v49+s23+$0x0] =	vst.idx.msk $0xffff, v2  }
0x29b: {  	v60 =	vmul.f32 $8.000000000e+00, v48;
	v10 =	vmov v7;
	v48 =	vadd.s32 v7, v40;
	v7 =	vld [tilespmem:$0x1FF30];
	_ =	sdelay $0x2  }
0x29c: {  	v5 =	vld [tilespmem:s0+$0xFFFFFFE0]  }
0x29d: {  	v43 =	vld [tilespmem:s0+$0xFFFFFE20];
	[tilespmem:v3+s23+$0x0] =	vst.idx.msk $0xffff, v60  }
0x29e: {  	v2 =	vmul.f32 $8.000000000e+00, v50;
	v13 =	vmov v7;
	v50 =	vadd.s32 v7, v37;
	v7 =	vld [tilespmem:$0x1FF60];
	_ =	sdelay $0x1  }
0x29f: {  	v59 =	vld [tilespmem:s0+$0xFFFFFE60];
	v4 =	vadd.s32 v63, v41;
	_ =	sdelay $0x1  }
0x2a0: {  	v52 =	vld [tilespmem:s0+$0xFFFFFEA0];
	[tilespmem:v58+s23+$0x0] =	vst.idx.msk $0xffff, v2  }
0x2a1: {  	v61 =	vmul.f32 $8.000000000e+00, v43;
	v3 =	vmul.f32 $8.000000000e+00, v5;
	v8 =	vmovc v7;
	v43 =	vadd.s32 v7, v36;
	v7 =	vld [tilespmem:$0x1FF80]  }
0x2a2: {  	v53 =	vld [tilespmem:s0+$0xFFFFFEE0]  }
0x2a3: {  	v62 =	vmul.f32 $8.000000000e+00, v59;
	v54 =	vld [tilespmem:s0+$0xFFFFFF20];
	[tilespmem:v4+s23+$0x0] =	vst.idx.msk $0xffff, v3  }
0x2a4: {  	v55 =	vld [tilespmem:s0+$0xFFFFFF60];
	[tilespmem:v51+s23+$0x0] =	vst.idx.msk $0xffff, v61  }
0x2a5: {  	v3 =	vmul.f32 $8.000000000e+00, v52;
	v4 =	vld [tilespmem:$0x1FFA0];
	[tilespmem:v48+s23+$0x0] =	vst.idx.msk $0xffff, v62  }
0x2a6: {  	v32 =	vmov v7;
	v46 =	vadd.s32 v7, v35;
	v7 =	vld [tilespmem:$0x1FFC0]  }
0x2a7: {  	v56 =	vld [tilespmem:s0+$0xFFFFFFA0];
	[tilespmem:v50+s23+$0x0] =	vst.idx.msk $0xffff, v3  }
0x2a8: {  	v12 =	vld [tilespmem:$0x1FED0]  }
0x2a9: {  	s10 =	simm.s32 $0xA;
	v60 =	vld [tilespmem:s0+$0xFFFFFFF0]  }
0x2aa: {  	v47 =	vmov s10;
	v61 =	vmul.f32 $8.000000000e+00, v53;
	v51 =	vld [tilespmem:s0+$0xFFFFFE30];
	v17 =	vmovc v4;
	v4 =	vadd.s32 v4, v33  }
0x2ab: {  	v52 =	vshrl.u32 v47, $0x3;
	v47 =	vld [tilespmem:s0+$0xFFFFFE70];
	v48 =	vadd.s32 v7, v34  }
0x2ac: {  	v3 =	vmul.f32 $8.000000000e+00, v54;
	v50 =	vadd.s32 v9, v41;
	v57 =	vld [tilespmem:s0+$0xFFFFFEB0];
	[tilespmem:v43+s23+$0x0] =	vst.idx.msk $0xffff, v61  }
0x2ad: {  	s30 =	simm.s32 $0x9;
	v62 =	vmul.f32 $8.000000000e+00, v55;
	v30 =	vmovc v7;
	v7 =	vmov v12;
	v54 =	vadd.s32 v12, v39;
	v12 =	vld [tilespmem:$0x1FF10]  }
0x2ae: {  	s11 =	simm.s32 $0xB;
	v45 =	vmov s30;
	s30 =	simm.s32 $0xE;
	v58 =	vld [tilespmem:s0+$0xFFFFFEF0];
	[tilespmem:v46+s23+$0x0] =	vst.idx.msk $0xffff, v3;
	v3 =	vmul.f32 $8.000000000e+00, v56  }
0x2af: {  	v42 =	vmov s11;
	v2 =	vmov s30;
	v16 =	vld [tilespmem:$0x1FF40];
	[tilespmem:v4+s23+$0x0] =	vst.idx.msk $0xffff, v62;
	v4 =	vmul.f32 $8.000000000e+00, v60  }
0x2b0: {  	s15 =	simm.s32 $0xC;
	v53 =	vshrl.u32 v42, $0x3;
	v42 =	vshrl.u32 v2, $0x3;
	v2 =	vmul.f32 $8.000000000e+00, v51;
	v15 =	vld [tilespmem:$0x1FE20];
	[tilespmem:v48+s23+$0x0] =	vst.idx.msk $0xffff, v3  }
0x2b1: {  	s16 =	simm.s32 $0x8;
	v49 =	vmov s15;
	v3 =	vld [tilespmem:$0x1FE30];
	[tilespmem:v50+s23+$0x0] =	vst.idx.msk $0xffff, v4  }
0x2b2: {  	v0 =	vmov s16;
	v43 =	vshrl.u32 v49, $0x3;
	v59 =	vld [tilespmem:s0+$0xFFFFFF30];
	v49 =	vadd.s32 v12, v40;
	[tilespmem:v54+s23+$0x0] =	vst.idx.msk $0xffff, v2  }
0x2b3: {  	v0 =	vshrl.u32 v0, $0x3;
	v4 =	vld [tilespmem:$0x1FE40]  }
0x2b4: {  	v0 =	vshll.u32 v0, v1;
	v61 =	vld [tilespmem:s0+$0xFFFFFF70];
	v46 =	vadd.s32 v16, v37  }
0x2b5: {  	v38 =	vbroadcast v0, $0x0;
	v0 =	vmul.f32 $8.000000000e+00, v47;
	v62 =	vld [tilespmem:s0+$0xFFFFFFB0]  }
0x2b6: {  	v56 =	vld [tilespmem:s0+$0x0]  }
0x2b7: {  	v2 =	vmul.f32 $8.000000000e+00, v57;
	v50 =	vld [tilespmem:s0+$0xFFFFFE40];
	v60 =	vadd.s32 v15, v36;
	[tilespmem:v49+s23+$0x0] =	vst.idx.msk $0xffff, v0  }
0x2b8: {  	v26 =	vmov v4;
	v55 =	vadd.s32 v4, v33;
	v4 =	vld [tilespmem:$0x1FE50]  }
0x2b9: {  	v44 =	vshll.u32 v52, v1;
	v22 =	vmov v3;
	v3 =	vadd.s32 v3, v35;
	v52 =	vld [tilespmem:s0+$0xFFFFFE80];
	[tilespmem:v46+s23+$0x0] =	vst.idx.msk $0xffff, v2  }
0x2ba: {  	v0 =	vmul.f32 $8.000000000e+00, v58;
	v23 =	vld [tilespmem:$0x1FFE0]  }
0x2bb: {  	v18 =	vmov v15;
	v15 =	vld [tilespmem:$0x1FEE0]  }
0x2bc: {  	v2 =	vmul.f32 $8.000000000e+00, v59;
	v49 =	vld [tilespmem:s0+$0xFFFFFEC0];
	[tilespmem:v60+s23+$0x0] =	vst.idx.msk $0xffff, v0  }
0x2bd: {  	v0 =	vld [tilespmem:$0x1FE10]  }
0x2be: {  	s16 =	simm.s32 $0xD;
	v54 =	vld [tilespmem:s0+$0xFFFFFF00];
	[tilespmem:v3+s23+$0x0] =	vst.idx.msk $0xffff, v2  }
0x2bf: {  	v45 =	vshrl.u32 v45, $0x3;
	v5 =	vmov s16;
	v28 =	vld [tilespmem:$0x1FE60]  }
0x2c0: {  	v5 =	vshrl.u32 v5, $0x3;
	v47 =	vshll.u32 v45, v1;
	v21 =	vld [tilespmem:$0x1FE70]  }
0x2c1: {  	v45 =	vshll.u32 v53, v1;
	v46 =	vshll.u32 v43, v1;
	v51 =	vadd.s32 v4, v34;
	v25 =	vld [tilespmem:$0x1FE80]  }
0x2c2: {  	v43 =	vshll.u32 v5, v1;
	v29 =	vld [tilespmem:$0x1FE90];
	v53 =	vadd.s32 v23, v41;
	v48 =	vadd.s32 v15, v39  }
0x2c3: {  	s1 =	simm.s32 $0x10;
	s10 =	simm.s32 $0xF;
	v19 =	vmovc v4;
	v24 =	vld [tilespmem:$0x1FEA0];
	v39 =	vmul.f32 $8.000000000e+00, v61;
	v11 =	vmovc v0;
	v41 =	vadd.s32 v0, v40;
	v40 =	vmul.f32 $8.000000000e+00, v62  }
.LBB2_19:
0x2c4: {  	v0 =	vmov s10  }
0x2c5: {  	v2 =	vadd.s32 v28, v37;
	v3 =	vld [tilespmem:s0+$0xFFFFFF40];
	[tilespmem:v55+s23+$0x0] =	vst.idx.msk $0xffff, v39;
	v0 =	vshrl.u32 v0, $0x3  }
0x2c6: {  	[tilespmem:v51+s23+$0x0] =	vst.idx.msk $0xffff, v40;
	v55 =	vld [tilespmem:s0+$0xFFFFFF80];
	v0 =	vshll.u32 v0, v1;
	v5 =	vmul.f32 $8.000000000e+00, v50  }
0x2c7: {  	v36 =	vadd.s32 v21, v36;
	v57 =	vld [tilespmem:s0+$0xFFFFFFC0];
	v40 =	vbroadcast v0, $0x0;
	v4 =	vmul.f32 $8.000000000e+00, v56  }
0x2c8: {  	s0 =	sadd.s32 $0x200, s0;
	v56 =	vmul.f32 $8.000000000e+00, v52;
	v0 =	vmul.f32 $8.000000000e+00, v49;
	v52 =	vld [tilespmem:$0x1FF20];
	[tilespmem:v48+s23+$0x0] =	vst.idx.msk $0xffff, v5  }
0x2c9: {  	[tilespmem:v53+s23+$0x0] =	vst.idx.msk $0xffff, v4;
	v5 =	vadd.s32 v29, v33;
	v58 =	vld [tilespmem:s0+$0xFFFFFE10]  }
0x2ca: {  	v35 =	vadd.s32 v25, v35;
	v39 =	vmov v38;
	v59 =	vmul.f32 $8.000000000e+00, v54;
	[tilespmem:v2+s23+$0x0] =	vst.idx.msk $0xffff, v0;
	v4 =	vld [tilespmem:s0+$0xFFFFFFD0]  }
0x2cb: {  	[tilespmem:v41+s23+$0x0] =	vst.idx.msk $0xffff, v56;
	v0 =	vmul.f32 $8.000000000e+00, v3;
	v2 =	vadd.s32 v27, v39;
	v3 =	vld [tilespmem:s0+$0xFFFFFE90]  }
0x2cc: {  	v61 =	vadd.s32 v20, v40;
	[tilespmem:v36+s23+$0x0] =	vst.idx.msk $0xffff, v59;
	v60 =	vld [tilespmem:s0+$0xFFFFFE50];
	v38 =	vmul.f32 $8.000000000e+00, v55  }
0x2cd: {  	v48 =	vld [tilespmem:s0+$0xFFFFFED0]  }
0x2ce: {  	v34 =	vadd.s32 v24, v34;
	v41 =	vbroadcast v47, $0x0;
	v55 =	vld [tilespmem:$0x1FF50];
	[tilespmem:v5+s23+$0x0] =	vst.idx.msk $0xffff, v38;
	v5 =	vmul.f32 $8.000000000e+00, v58  }
0x2cf: {  	[tilespmem:v35+s23+$0x0] =	vst.idx.msk $0xffff, v0;
	v0 =	vmul.f32 $8.000000000e+00, v57;
	v57 =	vld [tilespmem:$0x1FF70];
	v4 =	vmul.f32 $8.000000000e+00, v4  }
0x2d0: {  	v37 =	vbroadcast v44, $0x0;
	[tilespmem:v2+s23+$0x0] =	vst.idx.msk $0xffff, v5;
	v2 =	vmul.f32 $8.000000000e+00, v3;
	v3 =	vld [tilespmem:$0x1FF90]  }
0x2d1: {  	v36 =	vbroadcast v45, $0x0;
	v62 =	vadd.s32 v31, v41;
	[tilespmem:v61+s23+$0x0] =	vst.idx.msk $0xffff, v4;
	v61 =	vld [tilespmem:$0x1FFB0]  }
0x2d2: {  	v35 =	vbroadcast v46, $0x0;
	v53 =	vadd.s32 v52, v37;
	v54 =	vld [tilespmem:s0+$0xFFFFFF10]  }
0x2d3: {  	v42 =	vshll.u32 v42, v1;
	v33 =	vbroadcast v43, $0x0;
	[tilespmem:v34+s23+$0x0] =	vst.idx.msk $0xffff, v0;
	v38 =	vadd.s32 v55, v36;
	v56 =	vld [tilespmem:s0+$0xFFFFFF50]  }
0x2d4: {  	s30 =	sadd.s32 $0x2, s1;
	v34 =	vbroadcast v42, $0x0;
	v59 =	vld [tilespmem:s0+$0xFFFFFF90];
	v0 =	vmul.f32 $8.000000000e+00, v60;
	v58 =	vadd.s32 v57, v35  }
0x2d5: {  	v51 =	vadd.s32 v6, v39;
	v50 =	vmov s30;
	v5 =	vld [tilespmem:s0+$0xFFFFFFE0];
	v3 =	vadd.s32 v3, v33  }
0x2d6: {  	v49 =	vadd.s32 v13, v37;
	[tilespmem:v62+s23+$0x0] =	vst.idx.msk $0xffff, v0;
	v0 =	vmul.f32 $8.000000000e+00, v48;
	v60 =	vld [tilespmem:s0+$0xFFFFFE20];
	v44 =	vadd.s32 v61, v34  }
0x2d7: {  	s16 =	sadd.s32 $0x1, s1;
	s15 =	sadd.s32 $0x4, s1;
	v50 =	vshrl.u32 v50, $0x3;
	v45 =	vadd.s32 v63, v40;
	v62 =	vld [tilespmem:s0+$0xFFFFFE60];
	[tilespmem:v53+s23+$0x0] =	vst.idx.msk $0xffff, v2;
	v2 =	vmul.f32 $8.000000000e+00, v54  }
0x2d8: {  	v47 =	vmov s16;
	v43 =	vmov s15;
	v52 =	vld [tilespmem:s0+$0xFFFFFEA0];
	[tilespmem:v38+s23+$0x0] =	vst.idx.msk $0xffff, v0;
	v0 =	vmul.f32 $8.000000000e+00, v56  }
0x2d9: {  	v47 =	vshrl.u32 v47, $0x3;
	v46 =	vadd.s32 v10, v41;
	v63 =	vld [tilespmem:s0+$0xFFFFFEE0];
	[tilespmem:v58+s23+$0x0] =	vst.idx.msk $0xffff, v2;
	v2 =	vmul.f32 $8.000000000e+00, v59  }
0x2da: {  	v43 =	vshrl.u32 v43, $0x3;
	v47 =	vshll.u32 v47, v1;
	v54 =	vld [tilespmem:s0+$0xFFFFFF20];
	[tilespmem:v3+s23+$0x0] =	vst.idx.msk $0xffff, v0;
	v0 =	vmul.f32 $8.000000000e+00, v5  }
0x2db: {  	v42 =	vadd.s32 v8, v36;
	v4 =	vmov s1;
	v5 =	vmul.f32 $8.000000000e+00, v60;
	[tilespmem:v44+s23+$0x0] =	vst.idx.msk $0xffff, v2;
	v55 =	vld [tilespmem:s0+$0xFFFFFF60]  }
0x2dc: {  	v4 =	vshrl.u32 v4, $0x3;
	v61 =	vadd.s32 v32, v35;
	v60 =	vmul.f32 $8.000000000e+00, v62;
	v62 =	vld [tilespmem:s0+$0xFFFFFFA0];
	[tilespmem:v45+s23+$0x0] =	vst.idx.msk $0xffff, v0  }
0x2dd: {  	v0 =	vshll.u32 v4, v1;
	[tilespmem:v51+s23+$0x0] =	vst.idx.msk $0xffff, v5;
	v4 =	vmul.f32 $8.000000000e+00, v52;
	v5 =	vadd.s32 v17, v33;
	v45 =	vld [tilespmem:s0+$0xFFFFFFF0]  }
0x2de: {  	s11 =	sadd.s32 $0x3, s1;
	v48 =	vadd.s32 v16, v37;
	v63 =	vmul.f32 $8.000000000e+00, v63;
	[tilespmem:v46+s23+$0x0] =	vst.idx.msk $0xffff, v60;
	v46 =	vadd.s32 v30, v34;
	v51 =	vld [tilespmem:s0+$0xFFFFFE30]  }
0x2df: {  	v38 =	vmov s11;
	v52 =	vld [tilespmem:s0+$0xFFFFFE70];
	[tilespmem:v49+s23+$0x0] =	vst.idx.msk $0xffff, v4;
	v4 =	vmul.f32 $8.000000000e+00, v54;
	v49 =	vadd.s32 v9, v40  }
0x2e0: {  	v53 =	vshrl.u32 v38, $0x3;
	[tilespmem:v42+s23+$0x0] =	vst.idx.msk $0xffff, v63;
	v54 =	vadd.s32 v7, v39;
	v57 =	vld [tilespmem:s0+$0xFFFFFEB0];
	v55 =	vmul.f32 $8.000000000e+00, v55  }
0x2e1: {  	s30 =	sadd.s32 $0x6, s1;
	s16 =	sadd.s32 $0x5, s1;
	v58 =	vadd.s32 v12, v41;
	v41 =	vadd.s32 v11, v41;
	v59 =	vld [tilespmem:s0+$0xFFFFFEF0];
	[tilespmem:v61+s23+$0x0] =	vst.idx.msk $0xffff, v4;
	v4 =	vmul.f32 $8.000000000e+00, v62  }
0x2e2: {  	v3 =	vmov s16;
	v2 =	vmov s30;
	v60 =	vld [tilespmem:s0+$0xFFFFFF30];
	[tilespmem:v5+s23+$0x0] =	vst.idx.msk $0xffff, v55;
	v5 =	vmul.f32 $8.000000000e+00, v45  }
0x2e3: {  	v42 =	vshrl.u32 v2, $0x3;
	v61 =	vadd.s32 v18, v36;
	v2 =	vmul.f32 $8.000000000e+00, v51;
	[tilespmem:v46+s23+$0x0] =	vst.idx.msk $0xffff, v4;
	v62 =	vld [tilespmem:s0+$0xFFFFFF70]  }
0x2e4: {  	p0 =	slt.u32 s1, $0x78;
	v38 =	vbroadcast v0, $0x0;
	v0 =	vmul.f32 $8.000000000e+00, v52;
	v4 =	vadd.s32 v22, v35;
	v63 =	vld [tilespmem:s0+$0xFFFFFFB0];
	[tilespmem:v49+s23+$0x0] =	vst.idx.msk $0xffff, v5  }
.Ltmp9:
0x2e5: {  	v44 =	vshll.u32 v50, v1;
	v3 =	vshrl.u32 v3, $0x3;
	[tilespmem:v54+s23+$0x0] =	vst.idx.msk $0xffff, v2;
	v2 =	vmul.f32 $8.000000000e+00, v57;
	v56 =	vld [tilespmem:s0+$0x0];
	(pc) =	sbr.rel @p0 .LBB2_19-.Ltmp9, $4  }
0x2e6: {  	v55 =	vadd.s32 v26, v33;
	v51 =	vadd.s32 v19, v34;
	[tilespmem:v58+s23+$0x0] =	vst.idx.msk $0xffff, v0;
	v0 =	vmul.f32 $8.000000000e+00, v59;
	v50 =	vld [tilespmem:s0+$0xFFFFFE40]  }
0x2e7: {  	v45 =	vshll.u32 v53, v1;
	v53 =	vadd.s32 v23, v40;
	v52 =	vld [tilespmem:s0+$0xFFFFFE80];
	[tilespmem:v48+s23+$0x0] =	vst.idx.msk $0xffff, v2;
	v2 =	vmul.f32 $8.000000000e+00, v60  }
0x2e8: {  	v46 =	vshll.u32 v43, v1;
	v43 =	vshll.u32 v3, v1;
	[tilespmem:v61+s23+$0x0] =	vst.idx.msk $0xffff, v0;
	v49 =	vld [tilespmem:s0+$0xFFFFFEC0]  }
0x2e9: {  	s10 =	sadd.s32 $0x7, s1;
	s1 =	sadd.s32 $0x8, s1;
	v48 =	vadd.s32 v15, v39;
	v54 =	vld [tilespmem:s0+$0xFFFFFF00];
	v39 =	vmul.f32 $8.000000000e+00, v62;
	[tilespmem:v4+s23+$0x0] =	vst.idx.msk $0xffff, v2;
	v40 =	vmul.f32 $8.000000000e+00, v63;
	v63 =	vmovc v14  }
0x2ea: {  	_ =	sdelay $0x3  }
0x2eb: {  	v2 =	vadd.s32 v28, v37;
	v3 =	vld [tilespmem:s0+$0xFFFFFF40];
	v4 =	vmul.f32 $8.000000000e+00, v56;
	[tilespmem:v55+s23+$0x0] =	vst.idx.msk $0xffff, v39  }
0x2ec: {  	v36 =	vadd.s32 v21, v36;
	v5 =	vmul.f32 $8.000000000e+00, v50;
	[tilespmem:v51+s23+$0x0] =	vst.idx.msk $0xffff, v40  }
0x2ed: {  	v35 =	vadd.s32 v25, v35;
	v59 =	vmul.f32 $8.000000000e+00, v52;
	[tilespmem:v53+s23+$0x0] =	vst.idx.msk $0xffff, v4  }
0x2ee: {  	[tilespmem:v48+s23+$0x0] =	vst.idx.msk $0xffff, v5;
	v5 =	vmul.f32 $8.000000000e+00, v49  }
0x2ef: {  	[tilespmem:v41+s23+$0x0] =	vst.idx.msk $0xffff, v59;
	v61 =	vmul.f32 $8.000000000e+00, v54  }
0x2f0: {  	v58 =	vld [tilespmem:s0+$0xFFFFFF80];
	[tilespmem:v2+s23+$0x0] =	vst.idx.msk $0xffff, v5;
	v2 =	vmul.f32 $8.000000000e+00, v3  }
0x2f1: {  	[tilespmem:v36+s23+$0x0] =	vst.idx.msk $0xffff, v61  }
0x2f2: {  	v33 =	vadd.s32 v29, v33;
	[tilespmem:v35+s23+$0x0] =	vst.idx.msk $0xffff, v2  }
0x2f3: {  	v14 =	vld [tilespmem:$0x1FF20];
	_ =	sdelay $0x1  }
0x2f4: {  	v0 =	vmov s10;
	v40 =	vld [tilespmem:s0+$0xFFFFFFC0];
	v53 =	vmul.f32 $8.000000000e+00, v58  }
0x2f5: {  	s30 =	sadd.s32 $0x200, s0;
	v44 =	vbroadcast v44, $0x0;
	v0 =	vshrl.u32 v0, $0x3  }
0x2f6: {  	v34 =	vadd.s32 v24, v34;
	v0 =	vshll.u32 v0, v1;
	v4 =	vld [tilespmem:s30+$0xFFFFFFD0];
	[tilespmem:v33+s23+$0x0] =	vst.idx.msk $0xffff, v53  }
0x2f7: {  	v0 =	vbroadcast v0, $0x0;
	v56 =	vadd.s32 v14, v44;
	v14 =	vld [tilespmem:$0x1FF50]  }
0x2f8: {  	v60 =	vld [tilespmem:s30+$0xFFFFFE10]  }
0x2f9: {  	v47 =	vbroadcast v47, $0x0;
	v62 =	vld [tilespmem:s30+$0xFFFFFE50];
	v52 =	vadd.s32 v20, v0;
	v2 =	vmul.f32 $8.000000000e+00, v40  }
0x2fa: {  	v45 =	vbroadcast v45, $0x0;
	v3 =	vadd.s32 v27, v38  }
0x2fb: {  	v54 =	vadd.s32 v31, v47;
	[tilespmem:v34+s23+$0x0] =	vst.idx.msk $0xffff, v2  }
0x2fc: {  	v4 =	vmul.f32 $8.000000000e+00, v4;
	v59 =	vadd.s32 v14, v45;
	v14 =	vld [tilespmem:$0x1FF70]  }
0x2fd: {  	v58 =	vmul.f32 $8.000000000e+00, v60  }
0x2fe: {  	v55 =	vld [tilespmem:s30+$0xFFFFFED0];
	v2 =	vmul.f32 $8.000000000e+00, v62;
	[tilespmem:v52+s23+$0x0] =	vst.idx.msk $0xffff, v4  }
0x2ff: {  	v46 =	vbroadcast v46, $0x0;
	v5 =	vld [tilespmem:s30+$0xFFFFFE90];
	[tilespmem:v3+s23+$0x0] =	vst.idx.msk $0xffff, v58  }
0x300: {  	v4 =	vld [tilespmem:$0x1FF90];
	[tilespmem:v54+s23+$0x0] =	vst.idx.msk $0xffff, v2  }
0x301: {  	v61 =	vadd.s32 v14, v46;
	v14 =	vld [tilespmem:$0x1FFB0]  }
0x302: {  	v57 =	vld [tilespmem:s30+$0xFFFFFF10]  }
0x303: {  	v42 =	vshll.u32 v42, v1;
	v43 =	vbroadcast v43, $0x0;
	v60 =	vld [tilespmem:s30+$0xFFFFFF50]  }
0x304: {  	v42 =	vbroadcast v42, $0x0;
	v62 =	vld [tilespmem:s30+$0xFFFFFF90]  }
0x305: {  	v3 =	vmul.f32 $8.000000000e+00, v5;
	v5 =	vld [tilespmem:s30+$0xFFFFFFE0];
	v4 =	vadd.s32 v4, v43  }
0x306: {  	v33 =	vld [tilespmem:s30+$0xFFFFFE20];
	v2 =	vmul.f32 $8.000000000e+00, v55;
	v52 =	vadd.s32 v14, v42  }
0x307: {  	v54 =	vadd.s32 v63, v0;
	v53 =	vld [tilespmem:s30+$0xFFFFFE60];
	[tilespmem:v56+s23+$0x0] =	vst.idx.msk $0xffff, v3;
	v3 =	vmul.f32 $8.000000000e+00, v57  }
0x308: {  	v55 =	vadd.s32 v6, v38;
	[tilespmem:v59+s23+$0x0] =	vst.idx.msk $0xffff, v2;
	v2 =	vmul.f32 $8.000000000e+00, v60;
	v56 =	vld [tilespmem:s30+$0xFFFFFEA0]  }
0x309: {  	v57 =	vadd.s32 v10, v47;
	v58 =	vld [tilespmem:s30+$0xFFFFFEE0];
	[tilespmem:v61+s23+$0x0] =	vst.idx.msk $0xffff, v3;
	v3 =	vmul.f32 $8.000000000e+00, v62  }
0x30a: {  	v59 =	vadd.s32 v13, v44;
	v60 =	vld [tilespmem:s30+$0xFFFFFF20];
	[tilespmem:v4+s23+$0x0] =	vst.idx.msk $0xffff, v2;
	v2 =	vmul.f32 $8.000000000e+00, v5  }
0x30b: {  	v4 =	vmul.f32 $8.000000000e+00, v33;
	v5 =	vadd.s32 v8, v45;
	v61 =	vld [tilespmem:s30+$0xFFFFFF60];
	[tilespmem:v52+s23+$0x0] =	vst.idx.msk $0xffff, v3  }
0x30c: {  	v62 =	vadd.s32 v32, v46;
	[tilespmem:v54+s23+$0x0] =	vst.idx.msk $0xffff, v2;
	v3 =	vmul.f32 $8.000000000e+00, v53;
	v52 =	vld [tilespmem:s30+$0xFFFFFFA0]  }
0x30d: {  	[tilespmem:v55+s23+$0x0] =	vst.idx.msk $0xffff, v4;
	v2 =	vmul.f32 $8.000000000e+00, v56;
	v4 =	vadd.s32 v17, v43;
	v35 =	vld [tilespmem:s30+$0xFFFFFFF0]  }
0x30e: {  	v40 =	vld [tilespmem:s30+$0xFFFFFE30];
	v53 =	vadd.s32 v30, v42;
	[tilespmem:v57+s23+$0x0] =	vst.idx.msk $0xffff, v3;
	v3 =	vmul.f32 $8.000000000e+00, v58  }
0x30f: {  	v55 =	vadd.s32 v9, v0;
	[tilespmem:v59+s23+$0x0] =	vst.idx.msk $0xffff, v2;
	v2 =	vmul.f32 $8.000000000e+00, v60;
	v54 =	vld [tilespmem:s30+$0xFFFFFE70]  }
0x310: {  	v56 =	vadd.s32 v7, v38;
	v57 =	vld [tilespmem:s30+$0xFFFFFEB0];
	[tilespmem:v5+s23+$0x0] =	vst.idx.msk $0xffff, v3;
	v3 =	vmul.f32 $8.000000000e+00, v61  }
0x311: {  	[tilespmem:v62+s23+$0x0] =	vst.idx.msk $0xffff, v2;
	v5 =	vadd.s32 v12, v47;
	v58 =	vld [tilespmem:s30+$0xFFFFFEF0];
	v2 =	vmul.f32 $8.000000000e+00, v52  }
0x312: {  	v59 =	vadd.s32 v16, v44;
	v60 =	vld [tilespmem:s30+$0xFFFFFF30];
	[tilespmem:v4+s23+$0x0] =	vst.idx.msk $0xffff, v3;
	v3 =	vmul.f32 $8.000000000e+00, v35  }
0x313: {  	v61 =	vadd.s32 v18, v45;
	v4 =	vmul.f32 $8.000000000e+00, v40;
	v62 =	vld [tilespmem:s30+$0xFFFFFF70];
	[tilespmem:v53+s23+$0x0] =	vst.idx.msk $0xffff, v2  }
0x314: {  	v18 =	vadd.s32 v22, v46;
	v2 =	vmul.f32 $8.000000000e+00, v54;
	[tilespmem:v55+s23+$0x0] =	vst.idx.msk $0xffff, v3;
	v52 =	vld [tilespmem:s30+$0xFFFFFFB0]  }
0x315: {  	[tilespmem:v56+s23+$0x0] =	vst.idx.msk $0xffff, v4;
	v3 =	vmul.f32 $8.000000000e+00, v57;
	v4 =	vadd.s32 v26, v43;
	v34 =	vld [tilespmem:s30+$0x0]  }
0x316: {  	v41 =	vld [tilespmem:s30+$0xFFFFFE40];
	[tilespmem:v5+s23+$0x0] =	vst.idx.msk $0xffff, v2;
	v2 =	vmul.f32 $8.000000000e+00, v58;
	v5 =	vadd.s32 v19, v42  }
0x317: {  	v0 =	vadd.s32 v23, v0;
	[tilespmem:v59+s23+$0x0] =	vst.idx.msk $0xffff, v3;
	v3 =	vmul.f32 $8.000000000e+00, v60;
	v53 =	vld [tilespmem:s30+$0xFFFFFE80]  }
0x318: {  	v54 =	vadd.s32 v15, v38;
	v55 =	vld [tilespmem:s30+$0xFFFFFEC0];
	[tilespmem:v61+s23+$0x0] =	vst.idx.msk $0xffff, v2;
	v2 =	vmul.f32 $8.000000000e+00, v62  }
0x319: {  	v56 =	vadd.s32 v11, v47;
	[tilespmem:v18+s23+$0x0] =	vst.idx.msk $0xffff, v3;
	v57 =	vld [tilespmem:s30+$0xFFFFFF00];
	v3 =	vmul.f32 $8.000000000e+00, v52  }
0x31a: {  	v58 =	vadd.s32 v28, v44;
	v59 =	vld [tilespmem:s30+$0xFFFFFF40];
	[tilespmem:v4+s23+$0x0] =	vst.idx.msk $0xffff, v2;
	v2 =	vmul.f32 $8.000000000e+00, v34  }
0x31b: {  	v60 =	vadd.s32 v21, v45;
	v4 =	vmul.f32 $8.000000000e+00, v41;
	v61 =	vld [tilespmem:s30+$0xFFFFFF80];
	[tilespmem:v5+s23+$0x0] =	vst.idx.msk $0xffff, v3  }
0x31c: {  	v3 =	vmul.f32 $8.000000000e+00, v53;
	v5 =	vadd.s32 v25, v46;
	[tilespmem:v0+s23+$0x0] =	vst.idx.msk $0xffff, v2;
	v62 =	vld [tilespmem:s30+$0xFFFFFFC0]  }
0x31d: {  	[tilespmem:v54+s23+$0x0] =	vst.idx.msk $0xffff, v4;
	v0 =	vmul.f32 $8.000000000e+00, v55;
	v2 =	vadd.s32 v29, v43  }
0x31e: {  	v4 =	vadd.s32 v24, v42;
	[tilespmem:v56+s23+$0x0] =	vst.idx.msk $0xffff, v3;
	v3 =	vmul.f32 $8.000000000e+00, v57  }
0x31f: {  	[tilespmem:v58+s23+$0x0] =	vst.idx.msk $0xffff, v0;
	v0 =	vmul.f32 $8.000000000e+00, v59  }
0x320: {  	[tilespmem:v60+s23+$0x0] =	vst.idx.msk $0xffff, v3;
	v3 =	vmul.f32 $8.000000000e+00, v61  }
0x321: {  	[tilespmem:v5+s23+$0x0] =	vst.idx.msk $0xffff, v0;
	v0 =	vmul.f32 $8.000000000e+00, v62  }
0x322: {  	[tilespmem:v2+s23+$0x0] =	vst.idx.msk $0xffff, v3  }
0x323: {  	s1 =	sadd.s32 s31, s8;
	s31 =	simm.s32 $0x10600;
	[tilespmem:v4+s23+$0x0] =	vst.idx.msk $0xffff, v0  }
0x324: {  	[hbm4b:s1+s2] =	stream.linear.scatter [tilespmem:s31], [sflag:$0x6], $0x80, $0x38;
	[tilespmem:$0x12800] =	vst v63  }
0x325: {  	s10 =	simm.s32 $0x10688;
	s11 =	sadd.s32 $0x10, s1  }
0x326: {  	[hbm4b:s11+s2] =	stream.linear.scatter [tilespmem:s10], [sflag:$0x6], $0x80, $0x38;
	[tilespmem:$0x12800] =	vst v63  }
0x327: {  	s15 =	simm.s32 $0x10710;
	s16 =	sadd.s32 $0x20, s1;
	s0 =	simm.s32 $0x440  }
0x328: {  	[hbm4b:s16+s2] =	stream.linear.scatter [tilespmem:s15], [sflag:$0x6], $0x80, $0x38;
	[tilespmem:$0x12800] =	vst v63  }
0x329: {  	s30 =	simm.s32 $0x10798;
	s31 =	sadd.s32 $0x30, s1;
	s10 =	simm.s32 $0x10820  }
0x32a: {  	[hbm4b:s31+s2] =	stream.linear.scatter [tilespmem:s30], [sflag:$0x6], $0x80, $0x38;
	[tilespmem:$0x12800] =	vst v63  }
0x32b: {  	s11 =	sadd.s32 $0x40, s1;
	s15 =	simm.s32 $0x108A8;
	s16 =	sadd.s32 $0x50, s1  }
0x32c: {  	[hbm4b:s11+s2] =	stream.linear.scatter [tilespmem:s10], [sflag:$0x6], $0x80, $0x38;
	[tilespmem:$0x12800] =	vst v63  }
0x32d: {  	s30 =	simm.s32 $0x10930;
	s31 =	sadd.s32 $0x60, s1;
	s10 =	simm.s32 $0x2200  }
0x32e: {  	[hbm4b:s16+s2] =	stream.linear.scatter [tilespmem:s15], [sflag:$0x6], $0x80, $0x38;
	[tilespmem:$0x12800] =	vst v63  }
0x32f: {  	v11 =	vmov v6;
	v15 =	vmov v28;
	v6 =	vmov v9;
	s11 =	simm.s32 $0x109B8;
	s15 =	sadd.s32 $0x70, s1;
	s1 =	sadd.s32 $0x4000, s1  }
0x330: {  	v21 =	vmovc v13;
	v25 =	vmovc v8;
	v29 =	vmov v32;
	v5 =	vmov v17;
	v2 =	vmov v7;
	[hbm4b:s31+s2] =	stream.linear.scatter [tilespmem:s30], [sflag:$0x6], $0x80, $0x38;
	[tilespmem:$0x12800] =	vst v63  }
.LBB2_21:
0x331: {  	[hbm4b:s15+s2] =	stream.linear.scatter [tilespmem:s11], [sflag:$0x6], $0x80, $0x38;
	[tilespmem:$0x12800] =	vst v63  }
0x332: {  	s11 =	smov.u32 s0;
	s0 =	smov.u32 s10  }
0x333: {  	s16 =	sadd.s32 $0x1100, s10;
	s0 =	sshra.s32 s0, $0x2;
	s15 =	sadd.s32 $0x10600, s11  }
0x334: {  	[hbm4b:s1+s2] =	stream.linear.scatter [tilespmem:s15], [sflag:$0x6], $0x80, $0x38;
	[tilespmem:$0x12800] =	vst v63  }
0x335: {  	p0 =	sne.s32 s10, $0x7700;
	s10 =	sadd.s32 $0x10688, s11;
	s15 =	sadd.s32 $0x10, s1  }
0x336: {  	[hbm4b:s15+s2] =	stream.linear.scatter [tilespmem:s10], [sflag:$0x6], $0x80, $0x38;
	[tilespmem:$0x12800] =	vst v63  }
0x337: {  	s10 =	sadd.s32 $0x10710, s11;
	s15 =	sadd.s32 $0x20, s1  }
0x338: {  	[hbm4b:s15+s2] =	stream.linear.scatter [tilespmem:s10], [sflag:$0x6], $0x80, $0x38;
	[tilespmem:$0x12800] =	vst v63  }
0x339: {  	s10 =	sadd.s32 $0x10798, s11;
	s15 =	sadd.s32 $0x30, s1  }
0x33a: {  	[hbm4b:s15+s2] =	stream.linear.scatter [tilespmem:s10], [sflag:$0x6], $0x80, $0x38;
	[tilespmem:$0x12800] =	vst v63  }
0x33b: {  	s10 =	sadd.s32 $0x10820, s11;
	s15 =	sadd.s32 $0x40, s1  }
0x33c: {  	[hbm4b:s15+s2] =	stream.linear.scatter [tilespmem:s10], [sflag:$0x6], $0x80, $0x38;
	[tilespmem:$0x12800] =	vst v63  }
.Ltmp10:
0x33d: {  	s10 =	sadd.s32 $0x108A8, s11;
	s15 =	sadd.s32 $0x50, s1;
	(pc) =	sbr.rel @p0 .LBB2_21-.Ltmp10, $4  }
0x33e: {  	[hbm4b:s15+s2] =	stream.linear.scatter [tilespmem:s10], [sflag:$0x6], $0x80, $0x38;
	[tilespmem:$0x12800] =	vst v63  }
0x33f: {  	s10 =	sadd.s32 $0x10930, s11;
	s15 =	sadd.s32 $0x60, s1;
	s11 =	sadd.s32 $0x109B8, s11  }
0x340: {  	[hbm4b:s15+s2] =	stream.linear.scatter [tilespmem:s10], [sflag:$0x6], $0x80, $0x38;
	[tilespmem:$0x12800] =	vst v63  }
0x341: {  	s15 =	sadd.s32 $0x70, s1;
	s1 =	sadd.s32 $0x4000, s1;
	s10 =	smov.u32 s16  }
0x342: {  	[hbm4b:s15+s2] =	stream.linear.scatter [tilespmem:s11], [sflag:$0x6], $0x80, $0x38;
	[tilespmem:$0x12800] =	vst v63  }
0x343: {  	s10 =	sadd.s32 $0x10600, s0  }
0x344: {  	[hbm4b:s1+s2] =	stream.linear.scatter [tilespmem:s10], [sflag:$0x6], $0x80, $0x38;
	[tilespmem:$0x12800] =	vst v63  }
0x345: {  	s30 =	sadd.s32 $0x10688, s0;
	s31 =	sadd.s32 $0x10, s1  }
0x346: {  	v8 =	vld [tilespmem:$0x1FEB0];
	[hbm4b:s31+s2] =	stream.linear.scatter [tilespmem:s30], [sflag:$0x6], $0x80, $0x38  }
0x347: {  	s15 =	sadd.s32 $0x10710, s0;
	s16 =	sadd.s32 $0x20, s1;
	v12 =	vld [tilespmem:$0x1FEF0]  }
0x348: {  	v13 =	vld [tilespmem:$0x1FF10];
	[hbm4b:s16+s2] =	stream.linear.scatter [tilespmem:s15], [sflag:$0x6], $0x80, $0x38  }
0x349: {  	v16 =	vld [tilespmem:$0x1FF20];
	s30 =	sadd.s32 $0x10798, s0;
	s31 =	sadd.s32 $0x30, s1  }
0x34a: {  	v20 =	vld [tilespmem:$0x1FF40];
	[hbm4b:s31+s2] =	stream.linear.scatter [tilespmem:s30], [sflag:$0x6], $0x80, $0x38  }
0x34b: {  	s29 =	sadd.s32 $0x1, s29;
	v24 =	vld [tilespmem:$0x1FF50];
	s15 =	sadd.s32 $0x10820, s0;
	s16 =	sadd.s32 $0x40, s1  }
0x34c: {  	v9 =	vld [tilespmem:$0x1FE70];
	[hbm4b:s16+s2] =	stream.linear.scatter [tilespmem:s15], [sflag:$0x6], $0x80, $0x38  }
0x34d: {  	v28 =	vld [tilespmem:$0x1FF70];
	p0 =	sne.s32 s29, $0x32;
	s30 =	sadd.s32 $0x108A8, s0;
	s31 =	sadd.s32 $0x50, s1  }
0x34e: {  	v23 =	vld [tilespmem:$0x1FE80];
	[hbm4b:s31+s2] =	stream.linear.scatter [tilespmem:s30], [sflag:$0x6], $0x80, $0x38  }
.Ltmp11:
0x34f: {  	v17 =	vld [tilespmem:$0x1FF90];
	(pc) =	sbr.rel @p0 .LBB2_2-.Ltmp11, $4  }
0x350: {  	v27 =	vld [tilespmem:$0x1FE90];
	s15 =	sadd.s32 $0x10930, s0;
	s16 =	sadd.s32 $0x60, s1  }
0x351: {  	v32 =	vld [tilespmem:$0x1FFB0];
	[hbm4b:s16+s2] =	stream.linear.scatter [tilespmem:s15], [sflag:$0x6], $0x80, $0x38  }
0x352: {  	v31 =	vld [tilespmem:$0x1FEA0];
	s30 =	sadd.s32 $0x109B8, s0;
	s31 =	sadd.s32 $0x70, s1  }
0x353: {  	v19 =	vld [tilespmem:$0x1FFD0];
	[hbm4b:s31+s2] =	stream.linear.scatter [tilespmem:s30], [sflag:$0x6], $0x80, $0x38  }
0x354: {  	s28 =	sadd.s32 $0x1, s28  }
0x355: {  	_ =	swait.ge [sflag:s25], $0x2000;
	p0 =	sne.s32 s28, s9  }
.Ltmp12:
0x356: {  	[sflag:s25] =	ssyncset.done $0x0;
	(pc) =	sbr.rel @p0 .LBB2_1-.Ltmp12, $4  }
0x357: {  	[sflag:s25] =	ssyncadd.s32 $0xFFFFE000  }
0x358: {  	_ =	swait.ge [sflag:s22], $0x2000  }
0x359: {  	[sflag:s22] =	ssyncset.done $0x0  }
0x35a: {  	[sflag:s22] =	ssyncadd.s32 $0xFFFFE000  }
0x35b: {  	_ =	sfence.sel $0x180000  }
0x35c: {  	[bflag:$0x0] =	sbarrier.arrive $0xFFFF  }
0x35d: {  	_ =	strace $0x9000004A  }
0x35e: {  	s0 =	stileid.u32;
	[bflag:$0x2] =	sbarrier.arrive $0xFFFF  }
0x35f: {  	p0 =	sne.s32 s0, $0x0;
	s0 =	rddreg [dreg:$0x2]  }
0x360: {  	s0 =	sadd.s32 @!p0 $0x100000, s0  }
0x361: {  	[sflag:s0] =	ssyncadd.tile.s32 @!p0 $0x1;
	_ =	shalt  }
.Lfunc_end2:
_tile_overlayer_lowered:
.L_overlay_start_2:
0x362: {  	(tag) =	ssettag $0x2  }
0x363: {  	s0 =	rddreg [dreg:$0x0];
	s2 =	stileid.u32  }
0x364: {  	s1 =	rddreg [dreg:$0x1];
	p0 =	sne.s32 s2, $0x0  }
0x365: {  	s3 =	rddreg [dreg:$0x2];
	[bflag:$0x3] =	sbarrier.arrive $0xFFFF;
	s2 =	simm.s32 @!p0 $0x1C07  }
0x366: {  	[timem:s3], [sflag:s2] =	dma.local @!p0 [hbm:s0], s1  }
0x367: {  	s0 =	simm.s32 @!p0 $0x7  }
0x368: {  	_ =	swait.ge @!p0 [sflag:s0], s1  }
0x369: {  	s1 =	ssub.s32 @!p0 $0x0, s1;
	[sflag:s0] =	ssyncset.done @!p0 $0x0  }
0x36a: {  	[sflag:s0] =	ssyncadd.s32 @!p0 s1  }
0x36b: {  	[bflag:$0x3] =	sbarrier.arrive $0xFFFF  }
0x36c: {  	_ =	shalt  }

</sc_bundles>
